<compile_context>
chip_gen: v7x
topology: tpu7x:2x2x1
jax: 0.10.2.dev20260603
libtpu: 0.0.44.dev20260713+nightly
codegen_flags: <defaults>
</compile_context>

<pallas_src>
import functools

import jax
import jax.numpy as jnp
from jax import lax
from jax.experimental import pallas as pl
from jax.experimental.pallas import tpu as pltpu
from jax.experimental.pallas import tpu_sc as plsc

N_VOCAB = 364
D_MODEL = 256
B = 1024
L = 200

NC = 2
NS = 16
NW = NC * NS
ROWS = B * L
ROWS_PER_W = ROWS // NW

A_CHUNK = 32
S_CHUNK = 16
N_A_CHUNKS = 133
A_ROWS = A_CHUNK * N_A_CHUNKS
N_S_CHUNKS = (ROWS_PER_W - A_ROWS) // S_CHUNK
N_ITERS = N_S_CHUNKS
NJ = D_MODEL // 16

_TABLE_WORDS = N_VOCAB * D_MODEL
_A_WORDS = A_CHUNK * D_MODEL
_S_WORDS = S_CHUNK * D_MODEL


def _make_emb_lookup():
  mesh = plsc.VectorSubcoreMesh(core_axis_name="c", subcore_axis_name="s")

  @functools.partial(
      pl.kernel,
      out_type=jax.ShapeDtypeStruct((ROWS, D_MODEL), jnp.float32),
      mesh=mesh,
      scratch_types=[
          pltpu.VMEM((_TABLE_WORDS,), jnp.float32),
          pltpu.VMEM((ROWS_PER_W,), jnp.int32),
          pltpu.VMEM((A_CHUNK, D_MODEL), jnp.float32),
          pltpu.VMEM((A_CHUNK, D_MODEL), jnp.float32),
          pltpu.VMEM((S_CHUNK, D_MODEL), jnp.float32),
          pltpu.VMEM((S_CHUNK, D_MODEL), jnp.float32),
          pltpu.SemaphoreType.DMA,
          pltpu.SemaphoreType.DMA,
          pltpu.SemaphoreType.DMA,
          pltpu.SemaphoreType.DMA,
          pltpu.SemaphoreType.DMA,
          pltpu.SemaphoreType.DMA,
      ],
      compiler_params=pltpu.CompilerParams(needs_layout_passes=False),
  )
  def emb_lookup(src_hbm, emb2d_hbm, emb_hbm, out_hbm, table_v, idx_v,
                 buf_a, buf_b, buf_c, buf_d,
                 sem_gc, sem_gd, sem_sa, sem_sb, sem_sc, sem_sd):
    wid = lax.axis_index("s") * NC + lax.axis_index("c")
    row0 = wid * ROWS_PER_W
    pltpu.sync_copy(emb_hbm, table_v)
    pltpu.sync_copy(src_hbm.at[pl.ds(row0, ROWS_PER_W)], idx_v)

    def assemble(k, buf):
      @pl.loop(0, A_CHUNK // 16)
      def _group(g):
        bases = idx_v[pl.ds(k * A_CHUNK + g * 16, 16)] * D_MODEL
        sbases = [bases[r] for r in range(16)]
        prev_vals = prev_row0 = None
        for r in range(16):
          base = sbases[r]
          rw0 = g * 16 + r
          vals = []
          for j in range(NJ):
            vals.append(table_v[pl.ds(base + j * 16, 16)])
            if prev_vals is not None:
              buf[prev_row0, pl.ds(j * 16, 16)] = prev_vals[j]
          prev_vals, prev_row0 = vals, rw0
        for j in range(NJ):
          buf[prev_row0, pl.ds(j * 16, 16)] = prev_vals[j]

    def gather(k, buf, sem):
      srow = A_ROWS + k * S_CHUNK
      pltpu.async_copy(
          emb2d_hbm.at[idx_v.at[pl.ds(srow, S_CHUNK)]], buf, sem)

    def wait_gather(buf, sem):
      pltpu.make_async_copy(
          emb2d_hbm.at[idx_v.at[pl.ds(0, S_CHUNK)]], buf, sem).wait()

    def scatter(first_row, buf, nrows, sem):
      pltpu.async_copy(
          buf, out_hbm.at[pl.ds(row0 + first_row, nrows)], sem)

    def wait_scatter(buf, nrows, sem):
      pltpu.make_async_copy(
          buf, out_hbm.at[pl.ds(row0, nrows)], sem).wait()

    def phase(k, buf_x, buf_y, sem_gy, sem_sx, sem_sy):
      @pl.when(k > 1)
      def _():
        wait_scatter(buf_y, S_CHUNK, sem_sy)
      gather(k, buf_y, sem_gy)
      @pl.when((k > 1) & (k < N_A_CHUNKS))
      def _():
        wait_scatter(buf_x, A_CHUNK, sem_sx)
      @pl.when(k < N_A_CHUNKS)
      def _():
        assemble(k, buf_x)
        scatter(k * A_CHUNK, buf_x, A_CHUNK, sem_sx)
      wait_gather(buf_y, sem_gy)
      scatter(A_ROWS + k * S_CHUNK, buf_y, S_CHUNK, sem_sy)

    @pl.loop(0, N_ITERS, step=2)
    def _pair(k):
      phase(k, buf_a, buf_c, sem_gc, sem_sa, sem_sc)
      phase(k + 1, buf_b, buf_d, sem_gd, sem_sb, sem_sd)

    wait_scatter(buf_a, A_CHUNK, sem_sa)
    wait_scatter(buf_b, A_CHUNK, sem_sb)
    wait_scatter(buf_c, S_CHUNK, sem_sc)
    wait_scatter(buf_d, S_CHUNK, sem_sd)

  return emb_lookup


_emb_lookup = None


def kernel(src_seq, x_lengths, emb):
  del x_lengths
  global _emb_lookup
  if _emb_lookup is None:
    _emb_lookup = _make_emb_lookup()
  src_flat = src_seq.reshape(-1).astype(jnp.int32)
  emb_flat = emb.reshape(-1)
  rows = _emb_lookup(src_flat, emb, emb_flat)
  return rows.reshape(B, L, D_MODEL).transpose(0, 2, 1)

# --- scband reference (transcript-rebuilt; emitter-appended) ---
"""Pipeline reference for scband-phnembedding-50414326120819 (READ-ONLY COPY).

The authoritative reference and input builder live on the scoring server;
editing this copy changes nothing except your own understanding.
"""

import jax, jax.numpy as jnp
import numpy as np

N_VOCAB = 364
D_MODEL = 256
B = 1024
L = 200
PAD = 0

def setup_inputs(seed: int = 0) -> dict:
    key = jax.random.key(seed)
    k1, k2, k3 = jax.random.split(key, 3)
    src_seq = jax.random.randint(k1, (B, L), 0, N_VOCAB)
    x_lengths = jax.random.randint(k2, (B,), 1, L + 1)
    emb = jax.random.normal(k3, (N_VOCAB, D_MODEL), dtype=jnp.float32)
    emb = emb.at[PAD].set(0.0)  # padding_idx row is zero, matching nn.Embedding(padding_idx=PAD)
    return {"src_seq": src_seq, "x_lengths": x_lengths, "emb": emb}

def get_mask_from_lengths(lengths, max_len):
    batch_size = lengths.shape[0]
    ids = jnp.broadcast_to(jnp.arange(0, max_len)[None, :], (batch_size, max_len))
    mask = ids >= lengths[:, None]
    return mask

def reference(src_seq, x_lengths, emb):
    # mask is computed in the original forward but not applied to the output
    max_len = src_seq.shape[1]
    mask = get_mask_from_lengths(x_lengths, max_len)
    src_embedded = jnp.take(emb, src_seq, axis=0)  # [B, L, D]
    output = src_embedded
    return jnp.transpose(output, (0, 2, 1))  # [B, D, L]

if __name__ == "__main__":
    import jax
    _d = setup_inputs()
    print(jax.jit(kernel)(*tuple(_d.values())))

</pallas_src>

<mosaic_0001>
#map = affine_map<(d0, d1) -> (0)>
#map1 = affine_map<(d0, d1) -> (0, 0)>
module attributes {stable_mosaic.version = 14 : i64} {
  func.func @emb_lookup(%arg0: i32, %arg1: i32, %arg2: memref<204800xi32, #tpu.memory_space<hbm>>, %arg3: memref<364x256xf32, #tpu.memory_space<hbm>>, %arg4: memref<93184xf32, #tpu.memory_space<hbm>>, %arg5: memref<204800x256xf32, #tpu.memory_space<hbm>>, %arg6: memref<93184xf32, #tpu.memory_space<vmem>>, %arg7: memref<6400xi32, #tpu.memory_space<vmem>>, %arg8: memref<32x256xf32, #tpu.memory_space<vmem>>, %arg9: memref<32x256xf32, #tpu.memory_space<vmem>>, %arg10: memref<16x256xf32, #tpu.memory_space<vmem>>, %arg11: memref<16x256xf32, #tpu.memory_space<vmem>>, %arg12: memref<!tpu.dma_semaphore, #tpu.memory_space<semaphore_mem>>, %arg13: memref<!tpu.dma_semaphore, #tpu.memory_space<semaphore_mem>>, %arg14: memref<!tpu.dma_semaphore, #tpu.memory_space<semaphore_mem>>, %arg15: memref<!tpu.dma_semaphore, #tpu.memory_space<semaphore_mem>>, %arg16: memref<!tpu.dma_semaphore, #tpu.memory_space<semaphore_mem>>, %arg17: memref<!tpu.dma_semaphore, #tpu.memory_space<semaphore_mem>>) attributes {dimension_semantics = [#tpu.dimension_semantics<core_parallel>, #tpu.dimension_semantics<subcore_parallel>], iteration_bounds = array<i64: 2, 16>, scalar_prefetch = 0 : i64, scratch_operands = 12 : i64, tpu.core_type = #tpu.core_type<sc_vector_subcore>, window_params = [{transform_indices = #map}, {transform_indices = #map1}, {transform_indices = #map}, {transform_indices = #map1}]} {
    %mul3A = arith.constant 2 : i32
    %mul3A_0 = arith.muli %arg1, %mul3A : i32
    %add3A = arith.addi %mul3A_0, %arg0 : i32
    %mul3A_1 = arith.constant 6400 : i32
    %mul3A_2 = arith.muli %add3A, %mul3A_1 : i32
    "tpu.region"() ({
      %run_scoped3A = tpu.sem_alloc : memref<!tpu.dma_semaphore, #tpu.memory_space<semaphore_mem>>
      tpu.enqueue_dma source(%arg4 : memref<93184xf32, #tpu.memory_space<hbm>>) target(%arg6 : memref<93184xf32, #tpu.memory_space<vmem>>) target_semaphore(%run_scoped3A : memref<!tpu.dma_semaphore, #tpu.memory_space<semaphore_mem>>)
      tpu.wait_dma2 semaphore(%run_scoped3A : memref<!tpu.dma_semaphore, #tpu.memory_space<semaphore_mem>>) src(%arg4 : memref<93184xf32, #tpu.memory_space<hbm>>) dst(%arg6 : memref<93184xf32, #tpu.memory_space<vmem>>)
      tpu.yield
    }) : () -> ()
    "tpu.region"() ({
      %run_scoped3A = tpu.sem_alloc : memref<!tpu.dma_semaphore, #tpu.memory_space<semaphore_mem>>
      %dma_start3A = tpu.memref_slice %arg2[%mul3A_2] : memref<204800xi32, #tpu.memory_space<hbm>> -> memref<6400xi32, #tpu.memory_space<hbm>>
      %dma_start3A_22 = tpu.memref_slice %arg2[%mul3A_2] : memref<204800xi32, #tpu.memory_space<hbm>> -> memref<6400xi32, #tpu.memory_space<hbm>>
      tpu.enqueue_dma source(%dma_start3A_22 : memref<6400xi32, #tpu.memory_space<hbm>>) target(%arg7 : memref<6400xi32, #tpu.memory_space<vmem>>) target_semaphore(%run_scoped3A : memref<!tpu.dma_semaphore, #tpu.memory_space<semaphore_mem>>)
      %dma_wait3A_23 = tpu.memref_slice %arg2[%mul3A_2] : memref<204800xi32, #tpu.memory_space<hbm>> -> memref<6400xi32, #tpu.memory_space<hbm>>
      %dma_wait3A_24 = tpu.memref_slice %arg2[%mul3A_2] : memref<204800xi32, #tpu.memory_space<hbm>> -> memref<6400xi32, #tpu.memory_space<hbm>>
      tpu.wait_dma2 semaphore(%run_scoped3A : memref<!tpu.dma_semaphore, #tpu.memory_space<semaphore_mem>>) src(%dma_wait3A_24 : memref<6400xi32, #tpu.memory_space<hbm>>) dst(%arg7 : memref<6400xi32, #tpu.memory_space<vmem>>)
      tpu.yield
    }) : () -> ()
    %scan3A = arith.constant 0 : i32
    %scan3A_3 = arith.constant 67 : i32
    %scan3A_4 = arith.addi %scan3A, %scan3A_3 : i32
    %scan3A_5 = arith.constant 1 : i32
    scf.for %scan3A_22 = %scan3A to %scan3A_4 step %scan3A_5  : i32 {
      %mul3A_23 = arith.constant 2 : i32
      %mul3A_24 = arith.muli %scan3A_22, %mul3A_23 : i32
      %add3A_25 = arith.constant 0 : i32
      %add3A_26 = arith.addi %add3A_25, %mul3A_24 : i32
      %gt3A = arith.constant 1 : i32
      %gt3A_27 = arith.cmpi sgt, %add3A_26, %gt3A : i32
      %convert_element_type3A = arith.extui %gt3A_27 : i1 to i32
      %cond3A = arith.constant 0 : i32
      %cond3A_28 = arith.cmpi ne, %convert_element_type3A, %cond3A : i32
      scf.if %cond3A_28 {
        %dma_wait3A_103 = arith.constant 0 : i32
        %dma_wait3A_104 = tpu.memref_slice %arg5[%mul3A_2, %dma_wait3A_103] : memref<204800x256xf32, #tpu.memory_space<hbm>> -> memref<16x256xf32, #tpu.memory_space<hbm>>
        %dma_wait3A_105 = arith.constant 0 : i32
        %dma_wait3A_106 = tpu.memref_slice %arg5[%mul3A_2, %dma_wait3A_105] : memref<204800x256xf32, #tpu.memory_space<hbm>> -> memref<16x256xf32, #tpu.memory_space<hbm>>
        tpu.wait_dma2 semaphore(%arg16 : memref<!tpu.dma_semaphore, #tpu.memory_space<semaphore_mem>>) src(%arg10 : memref<16x256xf32, #tpu.memory_space<vmem>>) dst(%dma_wait3A_106 : memref<16x256xf32, #tpu.memory_space<hbm>>)
      } else {
      }
      %mul3A_29 = arith.constant 16 : i32
      %mul3A_30 = arith.muli %add3A_26, %mul3A_29 : i32
      %add3A_31 = arith.constant 4256 : i32
      %add3A_32 = arith.addi %add3A_31, %mul3A_30 : i32
      %dma_start3A = tpu.memref_slice %arg7[%add3A_32] : memref<6400xi32, #tpu.memory_space<vmem>> -> memref<16xi32, #tpu.memory_space<vmem>>
      %dma_start3A_33 = arith.constant 0 : i32
      %dma_start3A_34 = arith.constant 0 : i32
      %dma_start3A_35 = tpu.memref_slice %arg3[%dma_start3A_33, %dma_start3A_34] : memref<364x256xf32, #tpu.memory_space<hbm>> -> memref<364x256xf32, #tpu.memory_space<hbm>>
      tpu.enqueue_indirect_dma source(%dma_start3A_35 : memref<364x256xf32, #tpu.memory_space<hbm>>) target(%arg10 : memref<16x256xf32, #tpu.memory_space<vmem>>) offsets(%dma_start3A : memref<16xi32, #tpu.memory_space<vmem>>) semaphore(%arg12 : memref<!tpu.dma_semaphore, #tpu.memory_space<semaphore_mem>>)
      %gt3A_36 = arith.constant 1 : i32
      %gt3A_37 = arith.cmpi sgt, %add3A_26, %gt3A_36 : i32
      %lt3A = arith.constant 133 : i32
      %lt3A_38 = arith.cmpi slt, %add3A_26, %lt3A : i32
      %and3A = arith.andi %gt3A_37, %lt3A_38 : i1
      %convert_element_type3A_39 = arith.extui %and3A : i1 to i32
      %cond3A_40 = arith.constant 0 : i32
      %cond3A_41 = arith.cmpi ne, %convert_element_type3A_39, %cond3A_40 : i32
      scf.if %cond3A_41 {
        %dma_wait3A_103 = arith.constant 0 : i32
        %dma_wait3A_104 = tpu.memref_slice %arg5[%mul3A_2, %dma_wait3A_103] : memref<204800x256xf32, #tpu.memory_space<hbm>> -> memref<32x256xf32, #tpu.memory_space<hbm>>
        %dma_wait3A_105 = arith.constant 0 : i32
        %dma_wait3A_106 = tpu.memref_slice %arg5[%mul3A_2, %dma_wait3A_105] : memref<204800x256xf32, #tpu.memory_space<hbm>> -> memref<32x256xf32, #tpu.memory_space<hbm>>
        tpu.wait_dma2 semaphore(%arg14 : memref<!tpu.dma_semaphore, #tpu.memory_space<semaphore_mem>>) src(%arg8 : memref<32x256xf32, #tpu.memory_space<vmem>>) dst(%dma_wait3A_106 : memref<32x256xf32, #tpu.memory_space<hbm>>)
      } else {
      }
      %lt3A_42 = arith.constant 133 : i32
      %lt3A_43 = arith.cmpi slt, %add3A_26, %lt3A_42 : i32
      %convert_element_type3A_44 = arith.extui %lt3A_43 : i1 to i32
      %cond3A_45 = arith.constant 0 : i32
      %cond3A_46 = arith.cmpi ne, %convert_element_type3A_44, %cond3A_45 : i32
      scf.if %cond3A_46 {
        %scan3A_103 = arith.constant 0 : i32
        %scan3A_104 = arith.constant 2 : i32
        %scan3A_105 = arith.addi %scan3A_103, %scan3A_104 : i32
        %scan3A_106 = arith.constant 1 : i32
        scf.for %scan3A_115 = %scan3A_103 to %scan3A_105 step %scan3A_106  : i32 {
          %mul3A_116 = arith.constant 1 : i32
          %mul3A_117 = arith.muli %scan3A_115, %mul3A_116 : i32
          %add3A_118 = arith.constant 0 : i32
          %add3A_119 = arith.addi %add3A_118, %mul3A_117 : i32
          %mul3A_120 = arith.constant 32 : i32
          %mul3A_121 = arith.muli %add3A_26, %mul3A_120 : i32
          %mul3A_122 = arith.constant 16 : i32
          %mul3A_123 = arith.muli %add3A_119, %mul3A_122 : i32
          %add3A_124 = arith.addi %mul3A_121, %mul3A_123 : i32
          %get3A = arith.index_cast %add3A_124 : i32 to index
          %get3A_125 = tpu.vector_load %arg7[%get3A] {strides = array<i32>} : memref<6400xi32, #tpu.memory_space<vmem>>, vector<16xi32>,
          %mul3A_126 = arith.constant 256 : i32
          %mul3A_127 = vector.broadcast %mul3A_126 : i32 to vector<16xi32>
          %mul3A_128 = arith.muli %get3A_125, %mul3A_127 : vector<16xi32>
          %slice3A = vector.extract_strided_slice %mul3A_128 {offsets = [0], sizes = [1], strides = [1]} : vector<16xi32> to vector<1xi32>
          %squeeze3A = vector.extract %slice3A[0] : i32 from vector<1xi32>
          %slice3A_129 = vector.extract_strided_slice %mul3A_128 {offsets = [1], sizes = [1], strides = [1]} : vector<16xi32> to vector<1xi32>
          %squeeze3A_130 = vector.extract %slice3A_129[0] : i32 from vector<1xi32>
          %slice3A_131 = vector.extract_strided_slice %mul3A_128 {offsets = [2], sizes = [1], strides = [1]} : vector<16xi32> to vector<1xi32>
          %squeeze3A_132 = vector.extract %slice3A_131[0] : i32 from vector<1xi32>
          %slice3A_133 = vector.extract_strided_slice %mul3A_128 {offsets = [3], sizes = [1], strides = [1]} : vector<16xi32> to vector<1xi32>
          %squeeze3A_134 = vector.extract %slice3A_133[0] : i32 from vector<1xi32>
          %slice3A_135 = vector.extract_strided_slice %mul3A_128 {offsets = [4], sizes = [1], strides = [1]} : vector<16xi32> to vector<1xi32>
          %squeeze3A_136 = vector.extract %slice3A_135[0] : i32 from vector<1xi32>
          %slice3A_137 = vector.extract_strided_slice %mul3A_128 {offsets = [5], sizes = [1], strides = [1]} : vector<16xi32> to vector<1xi32>
          %squeeze3A_138 = vector.extract %slice3A_137[0] : i32 from vector<1xi32>
          %slice3A_139 = vector.extract_strided_slice %mul3A_128 {offsets = [6], sizes = [1], strides = [1]} : vector<16xi32> to vector<1xi32>
          %squeeze3A_140 = vector.extract %slice3A_139[0] : i32 from vector<1xi32>
          %slice3A_141 = vector.extract_strided_slice %mul3A_128 {offsets = [7], sizes = [1], strides = [1]} : vector<16xi32> to vector<1xi32>
          %squeeze3A_142 = vector.extract %slice3A_141[0] : i32 from vector<1xi32>
          %slice3A_143 = vector.extract_strided_slice %mul3A_128 {offsets = [8], sizes = [1], strides = [1]} : vector<16xi32> to vector<1xi32>
          %squeeze3A_144 = vector.extract %slice3A_143[0] : i32 from vector<1xi32>
          %slice3A_145 = vector.extract_strided_slice %mul3A_128 {offsets = [9], sizes = [1], strides = [1]} : vector<16xi32> to vector<1xi32>
          %squeeze3A_146 = vector.extract %slice3A_145[0] : i32 from vector<1xi32>
          %slice3A_147 = vector.extract_strided_slice %mul3A_128 {offsets = [10], sizes = [1], strides = [1]} : vector<16xi32> to vector<1xi32>
          %squeeze3A_148 = vector.extract %slice3A_147[0] : i32 from vector<1xi32>
          %slice3A_149 = vector.extract_strided_slice %mul3A_128 {offsets = [11], sizes = [1], strides = [1]} : vector<16xi32> to vector<1xi32>
          %squeeze3A_150 = vector.extract %slice3A_149[0] : i32 from vector<1xi32>
          %slice3A_151 = vector.extract_strided_slice %mul3A_128 {offsets = [12], sizes = [1], strides = [1]} : vector<16xi32> to vector<1xi32>
          %squeeze3A_152 = vector.extract %slice3A_151[0] : i32 from vector<1xi32>
          %slice3A_153 = vector.extract_strided_slice %mul3A_128 {offsets = [13], sizes = [1], strides = [1]} : vector<16xi32> to vector<1xi32>
          %squeeze3A_154 = vector.extract %slice3A_153[0] : i32 from vector<1xi32>
          %slice3A_155 = vector.extract_strided_slice %mul3A_128 {offsets = [14], sizes = [1], strides = [1]} : vector<16xi32> to vector<1xi32>
          %squeeze3A_156 = vector.extract %slice3A_155[0] : i32 from vector<1xi32>
          %slice3A_157 = vector.extract_strided_slice %mul3A_128 {offsets = [15], sizes = [1], strides = [1]} : vector<16xi32> to vector<1xi32>
          %squeeze3A_158 = vector.extract %slice3A_157[0] : i32 from vector<1xi32>
          %mul3A_159 = arith.constant 16 : i32
          %mul3A_160 = arith.muli %add3A_119, %mul3A_159 : i32
          %add3A_161 = arith.constant 0 : i32
          %add3A_162 = arith.addi %mul3A_160, %add3A_161 : i32
          %add3A_163 = arith.constant 0 : i32
          %add3A_164 = arith.addi %squeeze3A, %add3A_163 : i32
          %get3A_165 = arith.index_cast %add3A_164 : i32 to index
          %get3A_166 = tpu.vector_load %arg6[%get3A_165] {strides = array<i32>} : memref<93184xf32, #tpu.memory_space<vmem>>, vector<16xf32>,
          %add3A_167 = arith.constant 16 : i32
          %add3A_168 = arith.addi %squeeze3A, %add3A_167 : i32
          %get3A_169 = arith.index_cast %add3A_168 : i32 to index
          %get3A_170 = tpu.vector_load %arg6[%get3A_169] {strides = array<i32>} : memref<93184xf32, #tpu.memory_space<vmem>>, vector<16xf32>,
          %add3A_171 = arith.constant 32 : i32
          %add3A_172 = arith.addi %squeeze3A, %add3A_171 : i32
          %get3A_173 = arith.index_cast %add3A_172 : i32 to index
          %get3A_174 = tpu.vector_load %arg6[%get3A_173] {strides = array<i32>} : memref<93184xf32, #tpu.memory_space<vmem>>, vector<16xf32>,
          %add3A_175 = arith.constant 48 : i32
          %add3A_176 = arith.addi %squeeze3A, %add3A_175 : i32
          %get3A_177 = arith.index_cast %add3A_176 : i32 to index
          %get3A_178 = tpu.vector_load %arg6[%get3A_177] {strides = array<i32>} : memref<93184xf32, #tpu.memory_space<vmem>>, vector<16xf32>,
          %add3A_179 = arith.constant 64 : i32
          %add3A_180 = arith.addi %squeeze3A, %add3A_179 : i32
          %get3A_181 = arith.index_cast %add3A_180 : i32 to index
          %get3A_182 = tpu.vector_load %arg6[%get3A_181] {strides = array<i32>} : memref<93184xf32, #tpu.memory_space<vmem>>, vector<16xf32>,
          %add3A_183 = arith.constant 80 : i32
          %add3A_184 = arith.addi %squeeze3A, %add3A_183 : i32
          %get3A_185 = arith.index_cast %add3A_184 : i32 to index
          %get3A_186 = tpu.vector_load %arg6[%get3A_185] {strides = array<i32>} : memref<93184xf32, #tpu.memory_space<vmem>>, vector<16xf32>,
          %add3A_187 = arith.constant 96 : i32
          %add3A_188 = arith.addi %squeeze3A, %add3A_187 : i32
          %get3A_189 = arith.index_cast %add3A_188 : i32 to index
          %get3A_190 = tpu.vector_load %arg6[%get3A_189] {strides = array<i32>} : memref<93184xf32, #tpu.memory_space<vmem>>, vector<16xf32>,
          %add3A_191 = arith.constant 112 : i32
          %add3A_192 = arith.addi %squeeze3A, %add3A_191 : i32
          %get3A_193 = arith.index_cast %add3A_192 : i32 to index
          %get3A_194 = tpu.vector_load %arg6[%get3A_193] {strides = array<i32>} : memref<93184xf32, #tpu.memory_space<vmem>>, vector<16xf32>,
          %add3A_195 = arith.constant 128 : i32
          %add3A_196 = arith.addi %squeeze3A, %add3A_195 : i32
          %get3A_197 = arith.index_cast %add3A_196 : i32 to index
          %get3A_198 = tpu.vector_load %arg6[%get3A_197] {strides = array<i32>} : memref<93184xf32, #tpu.memory_space<vmem>>, vector<16xf32>,
          %add3A_199 = arith.constant 144 : i32
          %add3A_200 = arith.addi %squeeze3A, %add3A_199 : i32
          %get3A_201 = arith.index_cast %add3A_200 : i32 to index
          %get3A_202 = tpu.vector_load %arg6[%get3A_201] {strides = array<i32>} : memref<93184xf32, #tpu.memory_space<vmem>>, vector<16xf32>,
          %add3A_203 = arith.constant 160 : i32
          %add3A_204 = arith.addi %squeeze3A, %add3A_203 : i32
          %get3A_205 = arith.index_cast %add3A_204 : i32 to index
          %get3A_206 = tpu.vector_load %arg6[%get3A_205] {strides = array<i32>} : memref<93184xf32, #tpu.memory_space<vmem>>, vector<16xf32>,
          %add3A_207 = arith.constant 176 : i32
          %add3A_208 = arith.addi %squeeze3A, %add3A_207 : i32
          %get3A_209 = arith.index_cast %add3A_208 : i32 to index
          %get3A_210 = tpu.vector_load %arg6[%get3A_209] {strides = array<i32>} : memref<93184xf32, #tpu.memory_space<vmem>>, vector<16xf32>,
          %add3A_211 = arith.constant 192 : i32
          %add3A_212 = arith.addi %squeeze3A, %add3A_211 : i32
          %get3A_213 = arith.index_cast %add3A_212 : i32 to index
          %get3A_214 = tpu.vector_load %arg6[%get3A_213] {strides = array<i32>} : memref<93184xf32, #tpu.memory_space<vmem>>, vector<16xf32>,
          %add3A_215 = arith.constant 208 : i32
          %add3A_216 = arith.addi %squeeze3A, %add3A_215 : i32
          %get3A_217 = arith.index_cast %add3A_216 : i32 to index
          %get3A_218 = tpu.vector_load %arg6[%get3A_217] {strides = array<i32>} : memref<93184xf32, #tpu.memory_space<vmem>>, vector<16xf32>,
          %add3A_219 = arith.constant 224 : i32
          %add3A_220 = arith.addi %squeeze3A, %add3A_219 : i32
          %get3A_221 = arith.index_cast %add3A_220 : i32 to index
          %get3A_222 = tpu.vector_load %arg6[%get3A_221] {strides = array<i32>} : memref<93184xf32, #tpu.memory_space<vmem>>, vector<16xf32>,
          %add3A_223 = arith.constant 240 : i32
          %add3A_224 = arith.addi %squeeze3A, %add3A_223 : i32
          %get3A_225 = arith.index_cast %add3A_224 : i32 to index
          %get3A_226 = tpu.vector_load %arg6[%get3A_225] {strides = array<i32>} : memref<93184xf32, #tpu.memory_space<vmem>>, vector<16xf32>,
          %mul3A_227 = arith.constant 16 : i32
          %mul3A_228 = arith.muli %add3A_119, %mul3A_227 : i32
          %add3A_229 = arith.constant 1 : i32
          %add3A_230 = arith.addi %mul3A_228, %add3A_229 : i32
          %add3A_231 = arith.constant 0 : i32
          %add3A_232 = arith.addi %squeeze3A_130, %add3A_231 : i32
          %get3A_233 = arith.index_cast %add3A_232 : i32 to index
          %get3A_234 = tpu.vector_load %arg6[%get3A_233] {strides = array<i32>} : memref<93184xf32, #tpu.memory_space<vmem>>, vector<16xf32>,
          %swap3A = arith.index_cast %add3A_162 : i32 to index
          %swap3A_235 = arith.constant 0 : index
          %swap3A_236 = tpu.vector_load %arg8[%swap3A, %swap3A_235] {strides = array<i32>} : memref<32x256xf32, #tpu.memory_space<vmem>>, vector<16xf32>,
          tpu.vector_store %arg8[%swap3A, %swap3A_235], %get3A_166 {strides = array<i32>} : memref<32x256xf32, #tpu.memory_space<vmem>>, vector<16xf32>,
          %add3A_237 = arith.constant 16 : i32
          %add3A_238 = arith.addi %squeeze3A_130, %add3A_237 : i32
          %get3A_239 = arith.index_cast %add3A_238 : i32 to index
          %get3A_240 = tpu.vector_load %arg6[%get3A_239] {strides = array<i32>} : memref<93184xf32, #tpu.memory_space<vmem>>, vector<16xf32>,
          %swap3A_241 = arith.index_cast %add3A_162 : i32 to index
          %swap3A_242 = arith.constant 16 : index
          %swap3A_243 = tpu.vector_load %arg8[%swap3A_241, %swap3A_242] {strides = array<i32>} : memref<32x256xf32, #tpu.memory_space<vmem>>, vector<16xf32>,
          tpu.vector_store %arg8[%swap3A_241, %swap3A_242], %get3A_170 {strides = array<i32>} : memref<32x256xf32, #tpu.memory_space<vmem>>, vector<16xf32>,
          %add3A_244 = arith.constant 32 : i32
          %add3A_245 = arith.addi %squeeze3A_130, %add3A_244 : i32
          %get3A_246 = arith.index_cast %add3A_245 : i32 to index
          %get3A_247 = tpu.vector_load %arg6[%get3A_246] {strides = array<i32>} : memref<93184xf32, #tpu.memory_space<vmem>>, vector<16xf32>,
          %swap3A_248 = arith.index_cast %add3A_162 : i32 to index
          %swap3A_249 = arith.constant 32 : index
          %swap3A_250 = tpu.vector_load %arg8[%swap3A_248, %swap3A_249] {strides = array<i32>} : memref<32x256xf32, #tpu.memory_space<vmem>>, vector<16xf32>,
          tpu.vector_store %arg8[%swap3A_248, %swap3A_249], %get3A_174 {strides = array<i32>} : memref<32x256xf32, #tpu.memory_space<vmem>>, vector<16xf32>,
          %add3A_251 = arith.constant 48 : i32
          %add3A_252 = arith.addi %squeeze3A_130, %add3A_251 : i32
          %get3A_253 = arith.index_cast %add3A_252 : i32 to index
          %get3A_254 = tpu.vector_load %arg6[%get3A_253] {strides = array<i32>} : memref<93184xf32, #tpu.memory_space<vmem>>, vector<16xf32>,
          %swap3A_255 = arith.index_cast %add3A_162 : i32 to index
          %swap3A_256 = arith.constant 48 : index
          %swap3A_257 = tpu.vector_load %arg8[%swap3A_255, %swap3A_256] {strides = array<i32>} : memref<32x256xf32, #tpu.memory_space<vmem>>, vector<16xf32>,
          tpu.vector_store %arg8[%swap3A_255, %swap3A_256], %get3A_178 {strides = array<i32>} : memref<32x256xf32, #tpu.memory_space<vmem>>, vector<16xf32>,
          %add3A_258 = arith.constant 64 : i32
          %add3A_259 = arith.addi %squeeze3A_130, %add3A_258 : i32
          %get3A_260 = arith.index_cast %add3A_259 : i32 to index
          %get3A_261 = tpu.vector_load %arg6[%get3A_260] {strides = array<i32>} : memref<93184xf32, #tpu.memory_space<vmem>>, vector<16xf32>,
          %swap3A_262 = arith.index_cast %add3A_162 : i32 to index
          %swap3A_263 = arith.constant 64 : index
          %swap3A_264 = tpu.vector_load %arg8[%swap3A_262, %swap3A_263] {strides = array<i32>} : memref<32x256xf32, #tpu.memory_space<vmem>>, vector<16xf32>,
          tpu.vector_store %arg8[%swap3A_262, %swap3A_263], %get3A_182 {strides = array<i32>} : memref<32x256xf32, #tpu.memory_space<vmem>>, vector<16xf32>,
          %add3A_265 = arith.constant 80 : i32
          %add3A_266 = arith.addi %squeeze3A_130, %add3A_265 : i32
          %get3A_267 = arith.index_cast %add3A_266 : i32 to index
          %get3A_268 = tpu.vector_load %arg6[%get3A_267] {strides = array<i32>} : memref<93184xf32, #tpu.memory_space<vmem>>, vector<16xf32>,
          %swap3A_269 = arith.index_cast %add3A_162 : i32 to index
          %swap3A_270 = arith.constant 80 : index
          %swap3A_271 = tpu.vector_load %arg8[%swap3A_269, %swap3A_270] {strides = array<i32>} : memref<32x256xf32, #tpu.memory_space<vmem>>, vector<16xf32>,
          tpu.vector_store %arg8[%swap3A_269, %swap3A_270], %get3A_186 {strides = array<i32>} : memref<32x256xf32, #tpu.memory_space<vmem>>, vector<16xf32>,
          %add3A_272 = arith.constant 96 : i32
          %add3A_273 = arith.addi %squeeze3A_130, %add3A_272 : i32
          %get3A_274 = arith.index_cast %add3A_273 : i32 to index
          %get3A_275 = tpu.vector_load %arg6[%get3A_274] {strides = array<i32>} : memref<93184xf32, #tpu.memory_space<vmem>>, vector<16xf32>,
          %swap3A_276 = arith.index_cast %add3A_162 : i32 to index
          %swap3A_277 = arith.constant 96 : index
          %swap3A_278 = tpu.vector_load %arg8[%swap3A_276, %swap3A_277] {strides = array<i32>} : memref<32x256xf32, #tpu.memory_space<vmem>>, vector<16xf32>,
          tpu.vector_store %arg8[%swap3A_276, %swap3A_277], %get3A_190 {strides = array<i32>} : memref<32x256xf32, #tpu.memory_space<vmem>>, vector<16xf32>,
          %add3A_279 = arith.constant 112 : i32
          %add3A_280 = arith.addi %squeeze3A_130, %add3A_279 : i32
          %get3A_281 = arith.index_cast %add3A_280 : i32 to index
          %get3A_282 = tpu.vector_load %arg6[%get3A_281] {strides = array<i32>} : memref<93184xf32, #tpu.memory_space<vmem>>, vector<16xf32>,
          %swap3A_283 = arith.index_cast %add3A_162 : i32 to index
          %swap3A_284 = arith.constant 112 : index
          %swap3A_285 = tpu.vector_load %arg8[%swap3A_283, %swap3A_284] {strides = array<i32>} : memref<32x256xf32, #tpu.memory_space<vmem>>, vector<16xf32>,
          tpu.vector_store %arg8[%swap3A_283, %swap3A_284], %get3A_194 {strides = array<i32>} : memref<32x256xf32, #tpu.memory_space<vmem>>, vector<16xf32>,
          %add3A_286 = arith.constant 128 : i32
          %add3A_287 = arith.addi %squeeze3A_130, %add3A_286 : i32
          %get3A_288 = arith.index_cast %add3A_287 : i32 to index
          %get3A_289 = tpu.vector_load %arg6[%get3A_288] {strides = array<i32>} : memref<93184xf32, #tpu.memory_space<vmem>>, vector<16xf32>,
          %swap3A_290 = arith.index_cast %add3A_162 : i32 to index
          %swap3A_291 = arith.constant 128 : index
          %swap3A_292 = tpu.vector_load %arg8[%swap3A_290, %swap3A_291] {strides = array<i32>} : memref<32x256xf32, #tpu.memory_space<vmem>>, vector<16xf32>,
          tpu.vector_store %arg8[%swap3A_290, %swap3A_291], %get3A_198 {strides = array<i32>} : memref<32x256xf32, #tpu.memory_space<vmem>>, vector<16xf32>,
          %add3A_293 = arith.constant 144 : i32
          %add3A_294 = arith.addi %squeeze3A_130, %add3A_293 : i32
          %get3A_295 = arith.index_cast %add3A_294 : i32 to index
          %get3A_296 = tpu.vector_load %arg6[%get3A_295] {strides = array<i32>} : memref<93184xf32, #tpu.memory_space<vmem>>, vector<16xf32>,
          %swap3A_297 = arith.index_cast %add3A_162 : i32 to index
          %swap3A_298 = arith.constant 144 : index
          %swap3A_299 = tpu.vector_load %arg8[%swap3A_297, %swap3A_298] {strides = array<i32>} : memref<32x256xf32, #tpu.memory_space<vmem>>, vector<16xf32>,
          tpu.vector_store %arg8[%swap3A_297, %swap3A_298], %get3A_202 {strides = array<i32>} : memref<32x256xf32, #tpu.memory_space<vmem>>, vector<16xf32>,
          %add3A_300 = arith.constant 160 : i32
          %add3A_301 = arith.addi %squeeze3A_130, %add3A_300 : i32
          %get3A_302 = arith.index_cast %add3A_301 : i32 to index
          %get3A_303 = tpu.vector_load %arg6[%get3A_302] {strides = array<i32>} : memref<93184xf32, #tpu.memory_space<vmem>>, vector<16xf32>,
          %swap3A_304 = arith.index_cast %add3A_162 : i32 to index
          %swap3A_305 = arith.constant 160 : index
          %swap3A_306 = tpu.vector_load %arg8[%swap3A_304, %swap3A_305] {strides = array<i32>} : memref<32x256xf32, #tpu.memory_space<vmem>>, vector<16xf32>,
          tpu.vector_store %arg8[%swap3A_304, %swap3A_305], %get3A_206 {strides = array<i32>} : memref<32x256xf32, #tpu.memory_space<vmem>>, vector<16xf32>,
          %add3A_307 = arith.constant 176 : i32
          %add3A_308 = arith.addi %squeeze3A_130, %add3A_307 : i32
          %get3A_309 = arith.index_cast %add3A_308 : i32 to index
          %get3A_310 = tpu.vector_load %arg6[%get3A_309] {strides = array<i32>} : memref<93184xf32, #tpu.memory_space<vmem>>, vector<16xf32>,
          %swap3A_311 = arith.index_cast %add3A_162 : i32 to index
          %swap3A_312 = arith.constant 176 : index
          %swap3A_313 = tpu.vector_load %arg8[%swap3A_311, %swap3A_312] {strides = array<i32>} : memref<32x256xf32, #tpu.memory_space<vmem>>, vector<16xf32>,
          tpu.vector_store %arg8[%swap3A_311, %swap3A_312], %get3A_210 {strides = array<i32>} : memref<32x256xf32, #tpu.memory_space<vmem>>, vector<16xf32>,
          %add3A_314 = arith.constant 192 : i32
          %add3A_315 = arith.addi %squeeze3A_130, %add3A_314 : i32
          %get3A_316 = arith.index_cast %add3A_315 : i32 to index
          %get3A_317 = tpu.vector_load %arg6[%get3A_316] {strides = array<i32>} : memref<93184xf32, #tpu.memory_space<vmem>>, vector<16xf32>,
          %swap3A_318 = arith.index_cast %add3A_162 : i32 to index
          %swap3A_319 = arith.constant 192 : index
          %swap3A_320 = tpu.vector_load %arg8[%swap3A_318, %swap3A_319] {strides = array<i32>} : memref<32x256xf32, #tpu.memory_space<vmem>>, vector<16xf32>,
          tpu.vector_store %arg8[%swap3A_318, %swap3A_319], %get3A_214 {strides = array<i32>} : memref<32x256xf32, #tpu.memory_space<vmem>>, vector<16xf32>,
          %add3A_321 = arith.constant 208 : i32
          %add3A_322 = arith.addi %squeeze3A_130, %add3A_321 : i32
          %get3A_323 = arith.index_cast %add3A_322 : i32 to index
          %get3A_324 = tpu.vector_load %arg6[%get3A_323] {strides = array<i32>} : memref<93184xf32, #tpu.memory_space<vmem>>, vector<16xf32>,
          %swap3A_325 = arith.index_cast %add3A_162 : i32 to index
          %swap3A_326 = arith.constant 208 : index
          %swap3A_327 = tpu.vector_load %arg8[%swap3A_325, %swap3A_326] {strides = array<i32>} : memref<32x256xf32, #tpu.memory_space<vmem>>, vector<16xf32>,
          tpu.vector_store %arg8[%swap3A_325, %swap3A_326], %get3A_218 {strides = array<i32>} : memref<32x256xf32, #tpu.memory_space<vmem>>, vector<16xf32>,
          %add3A_328 = arith.constant 224 : i32
          %add3A_329 = arith.addi %squeeze3A_130, %add3A_328 : i32
          %get3A_330 = arith.index_cast %add3A_329 : i32 to index
          %get3A_331 = tpu.vector_load %arg6[%get3A_330] {strides = array<i32>} : memref<93184xf32, #tpu.memory_space<vmem>>, vector<16xf32>,
          %swap3A_332 = arith.index_cast %add3A_162 : i32 to index
          %swap3A_333 = arith.constant 224 : index
          %swap3A_334 = tpu.vector_load %arg8[%swap3A_332, %swap3A_333] {strides = array<i32>} : memref<32x256xf32, #tpu.memory_space<vmem>>, vector<16xf32>,
          tpu.vector_store %arg8[%swap3A_332, %swap3A_333], %get3A_222 {strides = array<i32>} : memref<32x256xf32, #tpu.memory_space<vmem>>, vector<16xf32>,
          %add3A_335 = arith.constant 240 : i32
          %add3A_336 = arith.addi %squeeze3A_130, %add3A_335 : i32
          %get3A_337 = arith.index_cast %add3A_336 : i32 to index
          %get3A_338 = tpu.vector_load %arg6[%get3A_337] {strides = array<i32>} : memref<93184xf32, #tpu.memory_space<vmem>>, vector<16xf32>,
          %swap3A_339 = arith.index_cast %add3A_162 : i32 to index
          %swap3A_340 = arith.constant 240 : index
          %swap3A_341 = tpu.vector_load %arg8[%swap3A_339, %swap3A_340] {strides = array<i32>} : memref<32x256xf32, #tpu.memory_space<vmem>>, vector<16xf32>,
          tpu.vector_store %arg8[%swap3A_339, %swap3A_340], %get3A_226 {strides = array<i32>} : memref<32x256xf32, #tpu.memory_space<vmem>>, vector<16xf32>,
          %mul3A_342 = arith.constant 16 : i32
          %mul3A_343 = arith.muli %add3A_119, %mul3A_342 : i32
          %add3A_344 = arith.constant 2 : i32
          %add3A_345 = arith.addi %mul3A_343, %add3A_344 : i32
          %add3A_346 = arith.constant 0 : i32
          %add3A_347 = arith.addi %squeeze3A_132, %add3A_346 : i32
          %get3A_348 = arith.index_cast %add3A_347 : i32 to index
          %get3A_349 = tpu.vector_load %arg6[%get3A_348] {strides = array<i32>} : memref<93184xf32, #tpu.memory_space<vmem>>, vector<16xf32>,
          %swap3A_350 = arith.index_cast %add3A_230 : i32 to index
          %swap3A_351 = arith.constant 0 : index
          %swap3A_352 = tpu.vector_load %arg8[%swap3A_350, %swap3A_351] {strides = array<i32>} : memref<32x256xf32, #tpu.memory_space<vmem>>, vector<16xf32>,
          tpu.vector_store %arg8[%swap3A_350, %swap3A_351], %get3A_234 {strides = array<i32>} : memref<32x256xf32, #tpu.memory_space<vmem>>, vector<16xf32>,
          %add3A_353 = arith.constant 16 : i32
          %add3A_354 = arith.addi %squeeze3A_132, %add3A_353 : i32
          %get3A_355 = arith.index_cast %add3A_354 : i32 to index
          %get3A_356 = tpu.vector_load %arg6[%get3A_355] {strides = array<i32>} : memref<93184xf32, #tpu.memory_space<vmem>>, vector<16xf32>,
          %swap3A_357 = arith.index_cast %add3A_230 : i32 to index
          %swap3A_358 = arith.constant 16 : index
          %swap3A_359 = tpu.vector_load %arg8[%swap3A_357, %swap3A_358] {strides = array<i32>} : memref<32x256xf32, #tpu.memory_space<vmem>>, vector<16xf32>,
          tpu.vector_store %arg8[%swap3A_357, %swap3A_358], %get3A_240 {strides = array<i32>} : memref<32x256xf32, #tpu.memory_space<vmem>>, vector<16xf32>,
          %add3A_360 = arith.constant 32 : i32
          %add3A_361 = arith.addi %squeeze3A_132, %add3A_360 : i32
          %get3A_362 = arith.index_cast %add3A_361 : i32 to index
          %get3A_363 = tpu.vector_load %arg6[%get3A_362] {strides = array<i32>} : memref<93184xf32, #tpu.memory_space<vmem>>, vector<16xf32>,
          %swap3A_364 = arith.index_cast %add3A_230 : i32 to index
          %swap3A_365 = arith.constant 32 : index
          %swap3A_366 = tpu.vector_load %arg8[%swap3A_364, %swap3A_365] {strides = array<i32>} : memref<32x256xf32, #tpu.memory_space<vmem>>, vector<16xf32>,
          tpu.vector_store %arg8[%swap3A_364, %swap3A_365], %get3A_247 {strides = array<i32>} : memref<32x256xf32, #tpu.memory_space<vmem>>, vector<16xf32>,
          %add3A_367 = arith.constant 48 : i32
          %add3A_368 = arith.addi %squeeze3A_132, %add3A_367 : i32
          %get3A_369 = arith.index_cast %add3A_368 : i32 to index
          %get3A_370 = tpu.vector_load %arg6[%get3A_369] {strides = array<i32>} : memref<93184xf32, #tpu.memory_space<vmem>>, vector<16xf32>,
          %swap3A_371 = arith.index_cast %add3A_230 : i32 to index
          %swap3A_372 = arith.constant 48 : index
          %swap3A_373 = tpu.vector_load %arg8[%swap3A_371, %swap3A_372] {strides = array<i32>} : memref<32x256xf32, #tpu.memory_space<vmem>>, vector<16xf32>,
          tpu.vector_store %arg8[%swap3A_371, %swap3A_372], %get3A_254 {strides = array<i32>} : memref<32x256xf32, #tpu.memory_space<vmem>>, vector<16xf32>,
          %add3A_374 = arith.constant 64 : i32
          %add3A_375 = arith.addi %squeeze3A_132, %add3A_374 : i32
          %get3A_376 = arith.index_cast %add3A_375 : i32 to index
          %get3A_377 = tpu.vector_load %arg6[%get3A_376] {strides = array<i32>} : memref<93184xf32, #tpu.memory_space<vmem>>, vector<16xf32>,
          %swap3A_378 = arith.index_cast %add3A_230 : i32 to index
          %swap3A_379 = arith.constant 64 : index
          %swap3A_380 = tpu.vector_load %arg8[%swap3A_378, %swap3A_379] {strides = array<i32>} : memref<32x256xf32, #tpu.memory_space<vmem>>, vector<16xf32>,
          tpu.vector_store %arg8[%swap3A_378, %swap3A_379], %get3A_261 {strides = array<i32>} : memref<32x256xf32, #tpu.memory_space<vmem>>, vector<16xf32>,
          %add3A_381 = arith.constant 80 : i32
          %add3A_382 = arith.addi %squeeze3A_132, %add3A_381 : i32
          %get3A_383 = arith.index_cast %add3A_382 : i32 to index
          %get3A_384 = tpu.vector_load %arg6[%get3A_383] {strides = array<i32>} : memref<93184xf32, #tpu.memory_space<vmem>>, vector<16xf32>,
          %swap3A_385 = arith.index_cast %add3A_230 : i32 to index
          %swap3A_386 = arith.constant 80 : index
          %swap3A_387 = tpu.vector_load %arg8[%swap3A_385, %swap3A_386] {strides = array<i32>} : memref<32x256xf32, #tpu.memory_space<vmem>>, vector<16xf32>,
          tpu.vector_store %arg8[%swap3A_385, %swap3A_386], %get3A_268 {strides = array<i32>} : memref<32x256xf32, #tpu.memory_space<vmem>>, vector<16xf32>,
          %add3A_388 = arith.constant 96 : i32
          %add3A_389 = arith.addi %squeeze3A_132, %add3A_388 : i32
          %get3A_390 = arith.index_cast %add3A_389 : i32 to index
          %get3A_391 = tpu.vector_load %arg6[%get3A_390] {strides = array<i32>} : memref<93184xf32, #tpu.memory_space<vmem>>, vector<16xf32>,
          %swap3A_392 = arith.index_cast %add3A_230 : i32 to index
          %swap3A_393 = arith.constant 96 : index
          %swap3A_394 = tpu.vector_load %arg8[%swap3A_392, %swap3A_393] {strides = array<i32>} : memref<32x256xf32, #tpu.memory_space<vmem>>, vector<16xf32>,
          tpu.vector_store %arg8[%swap3A_392, %swap3A_393], %get3A_275 {strides = array<i32>} : memref<32x256xf32, #tpu.memory_space<vmem>>, vector<16xf32>,
          %add3A_395 = arith.constant 112 : i32
          %add3A_396 = arith.addi %squeeze3A_132, %add3A_395 : i32
          %get3A_397 = arith.index_cast %add3A_396 : i32 to index
          %get3A_398 = tpu.vector_load %arg6[%get3A_397] {strides = array<i32>} : memref<93184xf32, #tpu.memory_space<vmem>>, vector<16xf32>,
          %swap3A_399 = arith.index_cast %add3A_230 : i32 to index
          %swap3A_400 = arith.constant 112 : index
          %swap3A_401 = tpu.vector_load %arg8[%swap3A_399, %swap3A_400] {strides = array<i32>} : memref<32x256xf32, #tpu.memory_space<vmem>>, vector<16xf32>,
          tpu.vector_store %arg8[%swap3A_399, %swap3A_400], %get3A_282 {strides = array<i32>} : memref<32x256xf32, #tpu.memory_space<vmem>>, vector<16xf32>,
          %add3A_402 = arith.constant 128 : i32
          %add3A_403 = arith.addi %squeeze3A_132, %add3A_402 : i32
          %get3A_404 = arith.index_cast %add3A_403 : i32 to index
          %get3A_405 = tpu.vector_load %arg6[%get3A_404] {strides = array<i32>} : memref<93184xf32, #tpu.memory_space<vmem>>, vector<16xf32>,
          %swap3A_406 = arith.index_cast %add3A_230 : i32 to index
          %swap3A_407 = arith.constant 128 : index
          %swap3A_408 = tpu.vector_load %arg8[%swap3A_406, %swap3A_407] {strides = array<i32>} : memref<32x256xf32, #tpu.memory_space<vmem>>, vector<16xf32>,
          tpu.vector_store %arg8[%swap3A_406, %swap3A_407], %get3A_289 {strides = array<i32>} : memref<32x256xf32, #tpu.memory_space<vmem>>, vector<16xf32>,
          %add3A_409 = arith.constant 144 : i32
          %add3A_410 = arith.addi %squeeze3A_132, %add3A_409 : i32
          %get3A_411 = arith.index_cast %add3A_410 : i32 to index
          %get3A_412 = tpu.vector_load %arg6[%get3A_411] {strides = array<i32>} : memref<93184xf32, #tpu.memory_space<vmem>>, vector<16xf32>,
          %swap3A_413 = arith.index_cast %add3A_230 : i32 to index
          %swap3A_414 = arith.constant 144 : index
          %swap3A_415 = tpu.vector_load %arg8[%swap3A_413, %swap3A_414] {strides = array<i32>} : memref<32x256xf32, #tpu.memory_space<vmem>>, vector<16xf32>,
          tpu.vector_store %arg8[%swap3A_413, %swap3A_414], %get3A_296 {strides = array<i32>} : memref<32x256xf32, #tpu.memory_space<vmem>>, vector<16xf32>,
          %add3A_416 = arith.constant 160 : i32
          %add3A_417 = arith.addi %squeeze3A_132, %add3A_416 : i32
          %get3A_418 = arith.index_cast %add3A_417 : i32 to index
          %get3A_419 = tpu.vector_load %arg6[%get3A_418] {strides = array<i32>} : memref<93184xf32, #tpu.memory_space<vmem>>, vector<16xf32>,
          %swap3A_420 = arith.index_cast %add3A_230 : i32 to index
          %swap3A_421 = arith.constant 160 : index
          %swap3A_422 = tpu.vector_load %arg8[%swap3A_420, %swap3A_421] {strides = array<i32>} : memref<32x256xf32, #tpu.memory_space<vmem>>, vector<16xf32>,
          tpu.vector_store %arg8[%swap3A_420, %swap3A_421], %get3A_303 {strides = array<i32>} : memref<32x256xf32, #tpu.memory_space<vmem>>, vector<16xf32>,
          %add3A_423 = arith.constant 176 : i32
          %add3A_424 = arith.addi %squeeze3A_132, %add3A_423 : i32
          %get3A_425 = arith.index_cast %add3A_424 : i32 to index
          %get3A_426 = tpu.vector_load %arg6[%get3A_425] {strides = array<i32>} : memref<93184xf32, #tpu.memory_space<vmem>>, vector<16xf32>,
          %swap3A_427 = arith.index_cast %add3A_230 : i32 to index
          %swap3A_428 = arith.constant 176 : index
          %swap3A_429 = tpu.vector_load %arg8[%swap3A_427, %swap3A_428] {strides = array<i32>} : memref<32x256xf32, #tpu.memory_space<vmem>>, vector<16xf32>,
          tpu.vector_store %arg8[%swap3A_427, %swap3A_428], %get3A_310 {strides = array<i32>} : memref<32x256xf32, #tpu.memory_space<vmem>>, vector<16xf32>,
          %add3A_430 = arith.constant 192 : i32
          %add3A_431 = arith.addi %squeeze3A_132, %add3A_430 : i32
          %get3A_432 = arith.index_cast %add3A_431 : i32 to index
          %get3A_433 = tpu.vector_load %arg6[%get3A_432] {strides = array<i32>} : memref<93184xf32, #tpu.memory_space<vmem>>, vector<16xf32>,
          %swap3A_434 = arith.index_cast %add3A_230 : i32 to index
          %swap3A_435 = arith.constant 192 : index
          %swap3A_436 = tpu.vector_load %arg8[%swap3A_434, %swap3A_435] {strides = array<i32>} : memref<32x256xf32, #tpu.memory_space<vmem>>, vector<16xf32>,
          tpu.vector_store %arg8[%swap3A_434, %swap3A_435], %get3A_317 {strides = array<i32>} : memref<32x256xf32, #tpu.memory_space<vmem>>, vector<16xf32>,
          %add3A_437 = arith.constant 208 : i32
          %add3A_438 = arith.addi %squeeze3A_132, %add3A_437 : i32
          %get3A_439 = arith.index_cast %add3A_438 : i32 to index
          %get3A_440 = tpu.vector_load %arg6[%get3A_439] {strides = array<i32>} : memref<93184xf32, #tpu.memory_space<vmem>>, vector<16xf32>,
          %swap3A_441 = arith.index_cast %add3A_230 : i32 to index
          %swap3A_442 = arith.constant 208 : index
          %swap3A_443 = tpu.vector_load %arg8[%swap3A_441, %swap3A_442] {strides = array<i32>} : memref<32x256xf32, #tpu.memory_space<vmem>>, vector<16xf32>,
          tpu.vector_store %arg8[%swap3A_441, %swap3A_442], %get3A_324 {strides = array<i32>} : memref<32x256xf32, #tpu.memory_space<vmem>>, vector<16xf32>,
          %add3A_444 = arith.constant 224 : i32
          %add3A_445 = arith.addi %squeeze3A_132, %add3A_444 : i32
          %get3A_446 = arith.index_cast %add3A_445 : i32 to index
          %get3A_447 = tpu.vector_load %arg6[%get3A_446] {strides = array<i32>} : memref<93184xf32, #tpu.memory_space<vmem>>, vector<16xf32>,
          %swap3A_448 = arith.index_cast %add3A_230 : i32 to index
          %swap3A_449 = arith.constant 224 : index
          %swap3A_450 = tpu.vector_load %arg8[%swap3A_448, %swap3A_449] {strides = array<i32>} : memref<32x256xf32, #tpu.memory_space<vmem>>, vector<16xf32>,
          tpu.vector_store %arg8[%swap3A_448, %swap3A_449], %get3A_331 {strides = array<i32>} : memref<32x256xf32, #tpu.memory_space<vmem>>, vector<16xf32>,
          %add3A_451 = arith.constant 240 : i32
          %add3A_452 = arith.addi %squeeze3A_132, %add3A_451 : i32
          %get3A_453 = arith.index_cast %add3A_452 : i32 to index
          %get3A_454 = tpu.vector_load %arg6[%get3A_453] {strides = array<i32>} : memref<93184xf32, #tpu.memory_space<vmem>>, vector<16xf32>,
          %swap3A_455 = arith.index_cast %add3A_230 : i32 to index
          %swap3A_456 = arith.constant 240 : index
          %swap3A_457 = tpu.vector_load %arg8[%swap3A_455, %swap3A_456] {strides = array<i32>} : memref<32x256xf32, #tpu.memory_space<vmem>>, vector<16xf32>,
          tpu.vector_store %arg8[%swap3A_455, %swap3A_456], %get3A_338 {strides = array<i32>} : memref<32x256xf32, #tpu.memory_space<vmem>>, vector<16xf32>,
          %mul3A_458 = arith.constant 16 : i32
          %mul3A_459 = arith.muli %add3A_119, %mul3A_458 : i32
          %add3A_460 = arith.constant 3 : i32
          %add3A_461 = arith.addi %mul3A_459, %add3A_460 : i32
          %add3A_462 = arith.constant 0 : i32
          %add3A_463 = arith.addi %squeeze3A_134, %add3A_462 : i32
          %get3A_464 = arith.index_cast %add3A_463 : i32 to index
          %get3A_465 = tpu.vector_load %arg6[%get3A_464] {strides = array<i32>} : memref<93184xf32, #tpu.memory_space<vmem>>, vector<16xf32>,
          %swap3A_466 = arith.index_cast %add3A_345 : i32 to index
          %swap3A_467 = arith.constant 0 : index
          %swap3A_468 = tpu.vector_load %arg8[%swap3A_466, %swap3A_467] {strides = array<i32>} : memref<32x256xf32, #tpu.memory_space<vmem>>, vector<16xf32>,
          tpu.vector_store %arg8[%swap3A_466, %swap3A_467], %get3A_349 {strides = array<i32>} : memref<32x256xf32, #tpu.memory_space<vmem>>, vector<16xf32>,
          %add3A_469 = arith.constant 16 : i32
          %add3A_470 = arith.addi %squeeze3A_134, %add3A_469 : i32
          %get3A_471 = arith.index_cast %add3A_470 : i32 to index
          %get3A_472 = tpu.vector_load %arg6[%get3A_471] {strides = array<i32>} : memref<93184xf32, #tpu.memory_space<vmem>>, vector<16xf32>,
          %swap3A_473 = arith.index_cast %add3A_345 : i32 to index
          %swap3A_474 = arith.constant 16 : index
          %swap3A_475 = tpu.vector_load %arg8[%swap3A_473, %swap3A_474] {strides = array<i32>} : memref<32x256xf32, #tpu.memory_space<vmem>>, vector<16xf32>,
          tpu.vector_store %arg8[%swap3A_473, %swap3A_474], %get3A_356 {strides = array<i32>} : memref<32x256xf32, #tpu.memory_space<vmem>>, vector<16xf32>,
          %add3A_476 = arith.constant 32 : i32
          %add3A_477 = arith.addi %squeeze3A_134, %add3A_476 : i32
          %get3A_478 = arith.index_cast %add3A_477 : i32 to index
          %get3A_479 = tpu.vector_load %arg6[%get3A_478] {strides = array<i32>} : memref<93184xf32, #tpu.memory_space<vmem>>, vector<16xf32>,
          %swap3A_480 = arith.index_cast %add3A_345 : i32 to index
          %swap3A_481 = arith.constant 32 : index
          %swap3A_482 = tpu.vector_load %arg8[%swap3A_480, %swap3A_481] {strides = array<i32>} : memref<32x256xf32, #tpu.memory_space<vmem>>, vector<16xf32>,
          tpu.vector_store %arg8[%swap3A_480, %swap3A_481], %get3A_363 {strides = array<i32>} : memref<32x256xf32, #tpu.memory_space<vmem>>, vector<16xf32>,
          %add3A_483 = arith.constant 48 : i32
          %add3A_484 = arith.addi %squeeze3A_134, %add3A_483 : i32
          %get3A_485 = arith.index_cast %add3A_484 : i32 to index
          %get3A_486 = tpu.vector_load %arg6[%get3A_485] {strides = array<i32>} : memref<93184xf32, #tpu.memory_space<vmem>>, vector<16xf32>,
          %swap3A_487 = arith.index_cast %add3A_345 : i32 to index
          %swap3A_488 = arith.constant 48 : index
          %swap3A_489 = tpu.vector_load %arg8[%swap3A_487, %swap3A_488] {strides = array<i32>} : memref<32x256xf32, #tpu.memory_space<vmem>>, vector<16xf32>,
          tpu.vector_store %arg8[%swap3A_487, %swap3A_488], %get3A_370 {strides = array<i32>} : memref<32x256xf32, #tpu.memory_space<vmem>>, vector<16xf32>,
          %add3A_490 = arith.constant 64 : i32
          %add3A_491 = arith.addi %squeeze3A_134, %add3A_490 : i32
          %get3A_492 = arith.index_cast %add3A_491 : i32 to index
          %get3A_493 = tpu.vector_load %arg6[%get3A_492] {strides = array<i32>} : memref<93184xf32, #tpu.memory_space<vmem>>, vector<16xf32>,
          %swap3A_494 = arith.index_cast %add3A_345 : i32 to index
          %swap3A_495 = arith.constant 64 : index
          %swap3A_496 = tpu.vector_load %arg8[%swap3A_494, %swap3A_495] {strides = array<i32>} : memref<32x256xf32, #tpu.memory_space<vmem>>, vector<16xf32>,
          tpu.vector_store %arg8[%swap3A_494, %swap3A_495], %get3A_377 {strides = array<i32>} : memref<32x256xf32, #tpu.memory_space<vmem>>, vector<16xf32>,
          %add3A_497 = arith.constant 80 : i32
          %add3A_498 = arith.addi %squeeze3A_134, %add3A_497 : i32
          %get3A_499 = arith.index_cast %add3A_498 : i32 to index
          %get3A_500 = tpu.vector_load %arg6[%get3A_499] {strides = array<i32>} : memref<93184xf32, #tpu.memory_space<vmem>>, vector<16xf32>,
          %swap3A_501 = arith.index_cast %add3A_345 : i32 to index
          %swap3A_502 = arith.constant 80 : index
          %swap3A_503 = tpu.vector_load %arg8[%swap3A_501, %swap3A_502] {strides = array<i32>} : memref<32x256xf32, #tpu.memory_space<vmem>>, vector<16xf32>,
          tpu.vector_store %arg8[%swap3A_501, %swap3A_502], %get3A_384 {strides = array<i32>} : memref<32x256xf32, #tpu.memory_space<vmem>>, vector<16xf32>,
          %add3A_504 = arith.constant 96 : i32
          %add3A_505 = arith.addi %squeeze3A_134, %add3A_504 : i32
          %get3A_506 = arith.index_cast %add3A_505 : i32 to index
          %get3A_507 = tpu.vector_load %arg6[%get3A_506] {strides = array<i32>} : memref<93184xf32, #tpu.memory_space<vmem>>, vector<16xf32>,
          %swap3A_508 = arith.index_cast %add3A_345 : i32 to index
          %swap3A_509 = arith.constant 96 : index
          %swap3A_510 = tpu.vector_load %arg8[%swap3A_508, %swap3A_509] {strides = array<i32>} : memref<32x256xf32, #tpu.memory_space<vmem>>, vector<16xf32>,
          tpu.vector_store %arg8[%swap3A_508, %swap3A_509], %get3A_391 {strides = array<i32>} : memref<32x256xf32, #tpu.memory_space<vmem>>, vector<16xf32>,
          %add3A_511 = arith.constant 112 : i32
          %add3A_512 = arith.addi %squeeze3A_134, %add3A_511 : i32
          %get3A_513 = arith.index_cast %add3A_512 : i32 to index
          %get3A_514 = tpu.vector_load %arg6[%get3A_513] {strides = array<i32>} : memref<93184xf32, #tpu.memory_space<vmem>>, vector<16xf32>,
          %swap3A_515 = arith.index_cast %add3A_345 : i32 to index
          %swap3A_516 = arith.constant 112 : index
          %swap3A_517 = tpu.vector_load %arg8[%swap3A_515, %swap3A_516] {strides = array<i32>} : memref<32x256xf32, #tpu.memory_space<vmem>>, vector<16xf32>,
          tpu.vector_store %arg8[%swap3A_515, %swap3A_516], %get3A_398 {strides = array<i32>} : memref<32x256xf32, #tpu.memory_space<vmem>>, vector<16xf32>,
          %add3A_518 = arith.constant 128 : i32
          %add3A_519 = arith.addi %squeeze3A_134, %add3A_518 : i32
          %get3A_520 = arith.index_cast %add3A_519 : i32 to index
          %get3A_521 = tpu.vector_load %arg6[%get3A_520] {strides = array<i32>} : memref<93184xf32, #tpu.memory_space<vmem>>, vector<16xf32>,
          %swap3A_522 = arith.index_cast %add3A_345 : i32 to index
          %swap3A_523 = arith.constant 128 : index
          %swap3A_524 = tpu.vector_load %arg8[%swap3A_522, %swap3A_523] {strides = array<i32>} : memref<32x256xf32, #tpu.memory_space<vmem>>, vector<16xf32>,
          tpu.vector_store %arg8[%swap3A_522, %swap3A_523], %get3A_405 {strides = array<i32>} : memref<32x256xf32, #tpu.memory_space<vmem>>, vector<16xf32>,
          %add3A_525 = arith.constant 144 : i32
          %add3A_526 = arith.addi %squeeze3A_134, %add3A_525 : i32
          %get3A_527 = arith.index_cast %add3A_526 : i32 to index
          %get3A_528 = tpu.vector_load %arg6[%get3A_527] {strides = array<i32>} : memref<93184xf32, #tpu.memory_space<vmem>>, vector<16xf32>,
          %swap3A_529 = arith.index_cast %add3A_345 : i32 to index
          %swap3A_530 = arith.constant 144 : index
          %swap3A_531 = tpu.vector_load %arg8[%swap3A_529, %swap3A_530] {strides = array<i32>} : memref<32x256xf32, #tpu.memory_space<vmem>>, vector<16xf32>,
          tpu.vector_store %arg8[%swap3A_529, %swap3A_530], %get3A_412 {strides = array<i32>} : memref<32x256xf32, #tpu.memory_space<vmem>>, vector<16xf32>,
          %add3A_532 = arith.constant 160 : i32
          %add3A_533 = arith.addi %squeeze3A_134, %add3A_532 : i32
          %get3A_534 = arith.index_cast %add3A_533 : i32 to index
          %get3A_535 = tpu.vector_load %arg6[%get3A_534] {strides = array<i32>} : memref<93184xf32, #tpu.memory_space<vmem>>, vector<16xf32>,
          %swap3A_536 = arith.index_cast %add3A_345 : i32 to index
          %swap3A_537 = arith.constant 160 : index
          %swap3A_538 = tpu.vector_load %arg8[%swap3A_536, %swap3A_537] {strides = array<i32>} : memref<32x256xf32, #tpu.memory_space<vmem>>, vector<16xf32>,
          tpu.vector_store %arg8[%swap3A_536, %swap3A_537], %get3A_419 {strides = array<i32>} : memref<32x256xf32, #tpu.memory_space<vmem>>, vector<16xf32>,
          %add3A_539 = arith.constant 176 : i32
          %add3A_540 = arith.addi %squeeze3A_134, %add3A_539 : i32
          %get3A_541 = arith.index_cast %add3A_540 : i32 to index
          %get3A_542 = tpu.vector_load %arg6[%get3A_541] {strides = array<i32>} : memref<93184xf32, #tpu.memory_space<vmem>>, vector<16xf32>,
          %swap3A_543 = arith.index_cast %add3A_345 : i32 to index
          %swap3A_544 = arith.constant 176 : index
          %swap3A_545 = tpu.vector_load %arg8[%swap3A_543, %swap3A_544] {strides = array<i32>} : memref<32x256xf32, #tpu.memory_space<vmem>>, vector<16xf32>,
          tpu.vector_store %arg8[%swap3A_543, %swap3A_544], %get3A_426 {strides = array<i32>} : memref<32x256xf32, #tpu.memory_space<vmem>>, vector<16xf32>,
          %add3A_546 = arith.constant 192 : i32
          %add3A_547 = arith.addi %squeeze3A_134, %add3A_546 : i32
          %get3A_548 = arith.index_cast %add3A_547 : i32 to index
          %get3A_549 = tpu.vector_load %arg6[%get3A_548] {strides = array<i32>} : memref<93184xf32, #tpu.memory_space<vmem>>, vector<16xf32>,
          %swap3A_550 = arith.index_cast %add3A_345 : i32 to index
          %swap3A_551 = arith.constant 192 : index
          %swap3A_552 = tpu.vector_load %arg8[%swap3A_550, %swap3A_551] {strides = array<i32>} : memref<32x256xf32, #tpu.memory_space<vmem>>, vector<16xf32>,
          tpu.vector_store %arg8[%swap3A_550, %swap3A_551], %get3A_433 {strides = array<i32>} : memref<32x256xf32, #tpu.memory_space<vmem>>, vector<16xf32>,
          %add3A_553 = arith.constant 208 : i32
          %add3A_554 = arith.addi %squeeze3A_134, %add3A_553 : i32
          %get3A_555 = arith.index_cast %add3A_554 : i32 to index
          %get3A_556 = tpu.vector_load %arg6[%get3A_555] {strides = array<i32>} : memref<93184xf32, #tpu.memory_space<vmem>>, vector<16xf32>,
          %swap3A_557 = arith.index_cast %add3A_345 : i32 to index
          %swap3A_558 = arith.constant 208 : index
          %swap3A_559 = tpu.vector_load %arg8[%swap3A_557, %swap3A_558] {strides = array<i32>} : memref<32x256xf32, #tpu.memory_space<vmem>>, vector<16xf32>,
          tpu.vector_store %arg8[%swap3A_557, %swap3A_558], %get3A_440 {strides = array<i32>} : memref<32x256xf32, #tpu.memory_space<vmem>>, vector<16xf32>,
          %add3A_560 = arith.constant 224 : i32
          %add3A_561 = arith.addi %squeeze3A_134, %add3A_560 : i32
          %get3A_562 = arith.index_cast %add3A_561 : i32 to index
          %get3A_563 = tpu.vector_load %arg6[%get3A_562] {strides = array<i32>} : memref<93184xf32, #tpu.memory_space<vmem>>, vector<16xf32>,
          %swap3A_564 = arith.index_cast %add3A_345 : i32 to index
          %swap3A_565 = arith.constant 224 : index
          %swap3A_566 = tpu.vector_load %arg8[%swap3A_564, %swap3A_565] {strides = array<i32>} : memref<32x256xf32, #tpu.memory_space<vmem>>, vector<16xf32>,
          tpu.vector_store %arg8[%swap3A_564, %swap3A_565], %get3A_447 {strides = array<i32>} : memref<32x256xf32, #tpu.memory_space<vmem>>, vector<16xf32>,
          %add3A_567 = arith.constant 240 : i32
          %add3A_568 = arith.addi %squeeze3A_134, %add3A_567 : i32
          %get3A_569 = arith.index_cast %add3A_568 : i32 to index
          %get3A_570 = tpu.vector_load %arg6[%get3A_569] {strides = array<i32>} : memref<93184xf32, #tpu.memory_space<vmem>>, vector<16xf32>,
          %swap3A_571 = arith.index_cast %add3A_345 : i32 to index
          %swap3A_572 = arith.constant 240 : index
          %swap3A_573 = tpu.vector_load %arg8[%swap3A_571, %swap3A_572] {strides = array<i32>} : memref<32x256xf32, #tpu.memory_space<vmem>>, vector<16xf32>,
          tpu.vector_store %arg8[%swap3A_571, %swap3A_572], %get3A_454 {strides = array<i32>} : memref<32x256xf32, #tpu.memory_space<vmem>>, vector<16xf32>,
          %mul3A_574 = arith.constant 16 : i32
          %mul3A_575 = arith.muli %add3A_119, %mul3A_574 : i32
          %add3A_576 = arith.constant 4 : i32
          %add3A_577 = arith.addi %mul3A_575, %add3A_576 : i32
          %add3A_578 = arith.constant 0 : i32
          %add3A_579 = arith.addi %squeeze3A_136, %add3A_578 : i32
          %get3A_580 = arith.index_cast %add3A_579 : i32 to index
          %get3A_581 = tpu.vector_load %arg6[%get3A_580] {strides = array<i32>} : memref<93184xf32, #tpu.memory_space<vmem>>, vector<16xf32>,
          %swap3A_582 = arith.index_cast %add3A_461 : i32 to index
          %swap3A_583 = arith.constant 0 : index
          %swap3A_584 = tpu.vector_load %arg8[%swap3A_582, %swap3A_583] {strides = array<i32>} : memref<32x256xf32, #tpu.memory_space<vmem>>, vector<16xf32>,
          tpu.vector_store %arg8[%swap3A_582, %swap3A_583], %get3A_465 {strides = array<i32>} : memref<32x256xf32, #tpu.memory_space<vmem>>, vector<16xf32>,
          %add3A_585 = arith.constant 16 : i32
          %add3A_586 = arith.addi %squeeze3A_136, %add3A_585 : i32
          %get3A_587 = arith.index_cast %add3A_586 : i32 to index
          %get3A_588 = tpu.vector_load %arg6[%get3A_587] {strides = array<i32>} : memref<93184xf32, #tpu.memory_space<vmem>>, vector<16xf32>,
          %swap3A_589 = arith.index_cast %add3A_461 : i32 to index
          %swap3A_590 = arith.constant 16 : index
          %swap3A_591 = tpu.vector_load %arg8[%swap3A_589, %swap3A_590] {strides = array<i32>} : memref<32x256xf32, #tpu.memory_space<vmem>>, vector<16xf32>,
          tpu.vector_store %arg8[%swap3A_589, %swap3A_590], %get3A_472 {strides = array<i32>} : memref<32x256xf32, #tpu.memory_space<vmem>>, vector<16xf32>,
          %add3A_592 = arith.constant 32 : i32
          %add3A_593 = arith.addi %squeeze3A_136, %add3A_592 : i32
          %get3A_594 = arith.index_cast %add3A_593 : i32 to index
          %get3A_595 = tpu.vector_load %arg6[%get3A_594] {strides = array<i32>} : memref<93184xf32, #tpu.memory_space<vmem>>, vector<16xf32>,
          %swap3A_596 = arith.index_cast %add3A_461 : i32 to index
          %swap3A_597 = arith.constant 32 : index
          %swap3A_598 = tpu.vector_load %arg8[%swap3A_596, %swap3A_597] {strides = array<i32>} : memref<32x256xf32, #tpu.memory_space<vmem>>, vector<16xf32>,
          tpu.vector_store %arg8[%swap3A_596, %swap3A_597], %get3A_479 {strides = array<i32>} : memref<32x256xf32, #tpu.memory_space<vmem>>, vector<16xf32>,
          %add3A_599 = arith.constant 48 : i32
          %add3A_600 = arith.addi %squeeze3A_136, %add3A_599 : i32
          %get3A_601 = arith.index_cast %add3A_600 : i32 to index
          %get3A_602 = tpu.vector_load %arg6[%get3A_601] {strides = array<i32>} : memref<93184xf32, #tpu.memory_space<vmem>>, vector<16xf32>,
          %swap3A_603 = arith.index_cast %add3A_461 : i32 to index
          %swap3A_604 = arith.constant 48 : index
          %swap3A_605 = tpu.vector_load %arg8[%swap3A_603, %swap3A_604] {strides = array<i32>} : memref<32x256xf32, #tpu.memory_space<vmem>>, vector<16xf32>,
          tpu.vector_store %arg8[%swap3A_603, %swap3A_604], %get3A_486 {strides = array<i32>} : memref<32x256xf32, #tpu.memory_space<vmem>>, vector<16xf32>,
          %add3A_606 = arith.constant 64 : i32
          %add3A_607 = arith.addi %squeeze3A_136, %add3A_606 : i32
          %get3A_608 = arith.index_cast %add3A_607 : i32 to index
          %get3A_609 = tpu.vector_load %arg6[%get3A_608] {strides = array<i32>} : memref<93184xf32, #tpu.memory_space<vmem>>, vector<16xf32>,
          %swap3A_610 = arith.index_cast %add3A_461 : i32 to index
          %swap3A_611 = arith.constant 64 : index
          %swap3A_612 = tpu.vector_load %arg8[%swap3A_610, %swap3A_611] {strides = array<i32>} : memref<32x256xf32, #tpu.memory_space<vmem>>, vector<16xf32>,
          tpu.vector_store %arg8[%swap3A_610, %swap3A_611], %get3A_493 {strides = array<i32>} : memref<32x256xf32, #tpu.memory_space<vmem>>, vector<16xf32>,
          %add3A_613 = arith.constant 80 : i32
          %add3A_614 = arith.addi %squeeze3A_136, %add3A_613 : i32
          %get3A_615 = arith.index_cast %add3A_614 : i32 to index
          %get3A_616 = tpu.vector_load %arg6[%get3A_615] {strides = array<i32>} : memref<93184xf32, #tpu.memory_space<vmem>>, vector<16xf32>,
          %swap3A_617 = arith.index_cast %add3A_461 : i32 to index
          %swap3A_618 = arith.constant 80 : index
          %swap3A_619 = tpu.vector_load %arg8[%swap3A_617, %swap3A_618] {strides = array<i32>} : memref<32x256xf32, #tpu.memory_space<vmem>>, vector<16xf32>,
          tpu.vector_store %arg8[%swap3A_617, %swap3A_618], %get3A_500 {strides = array<i32>} : memref<32x256xf32, #tpu.memory_space<vmem>>, vector<16xf32>,
          %add3A_620 = arith.constant 96 : i32
          %add3A_621 = arith.addi %squeeze3A_136, %add3A_620 : i32
          %get3A_622 = arith.index_cast %add3A_621 : i32 to index
          %get3A_623 = tpu.vector_load %arg6[%get3A_622] {strides = array<i32>} : memref<93184xf32, #tpu.memory_space<vmem>>, vector<16xf32>,
          %swap3A_624 = arith.index_cast %add3A_461 : i32 to index
          %swap3A_625 = arith.constant 96 : index
          %swap3A_626 = tpu.vector_load %arg8[%swap3A_624, %swap3A_625] {strides = array<i32>} : memref<32x256xf32, #tpu.memory_space<vmem>>, vector<16xf32>,
          tpu.vector_store %arg8[%swap3A_624, %swap3A_625], %get3A_507 {strides = array<i32>} : memref<32x256xf32, #tpu.memory_space<vmem>>, vector<16xf32>,
          %add3A_627 = arith.constant 112 : i32
          %add3A_628 = arith.addi %squeeze3A_136, %add3A_627 : i32
          %get3A_629 = arith.index_cast %add3A_628 : i32 to index
          %get3A_630 = tpu.vector_load %arg6[%get3A_629] {strides = array<i32>} : memref<93184xf32, #tpu.memory_space<vmem>>, vector<16xf32>,
          %swap3A_631 = arith.index_cast %add3A_461 : i32 to index
          %swap3A_632 = arith.constant 112 : index
          %swap3A_633 = tpu.vector_load %arg8[%swap3A_631, %swap3A_632] {strides = array<i32>} : memref<32x256xf32, #tpu.memory_space<vmem>>, vector<16xf32>,
          tpu.vector_store %arg8[%swap3A_631, %swap3A_632], %get3A_514 {strides = array<i32>} : memref<32x256xf32, #tpu.memory_space<vmem>>, vector<16xf32>,
          %add3A_634 = arith.constant 128 : i32
          %add3A_635 = arith.addi %squeeze3A_136, %add3A_634 : i32
          %get3A_636 = arith.index_cast %add3A_635 : i32 to index
          %get3A_637 = tpu.vector_load %arg6[%get3A_636] {strides = array<i32>} : memref<93184xf32, #tpu.memory_space<vmem>>, vector<16xf32>,
          %swap3A_638 = arith.index_cast %add3A_461 : i32 to index
          %swap3A_639 = arith.constant 128 : index
          %swap3A_640 = tpu.vector_load %arg8[%swap3A_638, %swap3A_639] {strides = array<i32>} : memref<32x256xf32, #tpu.memory_space<vmem>>, vector<16xf32>,
          tpu.vector_store %arg8[%swap3A_638, %swap3A_639], %get3A_521 {strides = array<i32>} : memref<32x256xf32, #tpu.memory_space<vmem>>, vector<16xf32>,
          %add3A_641 = arith.constant 144 : i32
          %add3A_642 = arith.addi %squeeze3A_136, %add3A_641 : i32
          %get3A_643 = arith.index_cast %add3A_642 : i32 to index
          %get3A_644 = tpu.vector_load %arg6[%get3A_643] {strides = array<i32>} : memref<93184xf32, #tpu.memory_space<vmem>>, vector<16xf32>,
          %swap3A_645 = arith.index_cast %add3A_461 : i32 to index
          %swap3A_646 = arith.constant 144 : index
          %swap3A_647 = tpu.vector_load %arg8[%swap3A_645, %swap3A_646] {strides = array<i32>} : memref<32x256xf32, #tpu.memory_space<vmem>>, vector<16xf32>,
          tpu.vector_store %arg8[%swap3A_645, %swap3A_646], %get3A_528 {strides = array<i32>} : memref<32x256xf32, #tpu.memory_space<vmem>>, vector<16xf32>,
          %add3A_648 = arith.constant 160 : i32
          %add3A_649 = arith.addi %squeeze3A_136, %add3A_648 : i32
          %get3A_650 = arith.index_cast %add3A_649 : i32 to index
          %get3A_651 = tpu.vector_load %arg6[%get3A_650] {strides = array<i32>} : memref<93184xf32, #tpu.memory_space<vmem>>, vector<16xf32>,
          %swap3A_652 = arith.index_cast %add3A_461 : i32 to index
          %swap3A_653 = arith.constant 160 : index
          %swap3A_654 = tpu.vector_load %arg8[%swap3A_652, %swap3A_653] {strides = array<i32>} : memref<32x256xf32, #tpu.memory_space<vmem>>, vector<16xf32>,
          tpu.vector_store %arg8[%swap3A_652, %swap3A_653], %get3A_535 {strides = array<i32>} : memref<32x256xf32, #tpu.memory_space<vmem>>, vector<16xf32>,
          %add3A_655 = arith.constant 176 : i32
          %add3A_656 = arith.addi %squeeze3A_136, %add3A_655 : i32
          %get3A_657 = arith.index_cast %add3A_656 : i32 to index
          %get3A_658 = tpu.vector_load %arg6[%get3A_657] {strides = array<i32>} : memref<93184xf32, #tpu.memory_space<vmem>>, vector<16xf32>,
          %swap3A_659 = arith.index_cast %add3A_461 : i32 to index
          %swap3A_660 = arith.constant 176 : index
          %swap3A_661 = tpu.vector_load %arg8[%swap3A_659, %swap3A_660] {strides = array<i32>} : memref<32x256xf32, #tpu.memory_space<vmem>>, vector<16xf32>,
          tpu.vector_store %arg8[%swap3A_659, %swap3A_660], %get3A_542 {strides = array<i32>} : memref<32x256xf32, #tpu.memory_space<vmem>>, vector<16xf32>,
          %add3A_662 = arith.constant 192 : i32
          %add3A_663 = arith.addi %squeeze3A_136, %add3A_662 : i32
          %get3A_664 = arith.index_cast %add3A_663 : i32 to index
          %get3A_665 = tpu.vector_load %arg6[%get3A_664] {strides = array<i32>} : memref<93184xf32, #tpu.memory_space<vmem>>, vector<16xf32>,
          %swap3A_666 = arith.index_cast %add3A_461 : i32 to index
          %swap3A_667 = arith.constant 192 : index
          %swap3A_668 = tpu.vector_load %arg8[%swap3A_666, %swap3A_667] {strides = array<i32>} : memref<32x256xf32, #tpu.memory_space<vmem>>, vector<16xf32>,
          tpu.vector_store %arg8[%swap3A_666, %swap3A_667], %get3A_549 {strides = array<i32>} : memref<32x256xf32, #tpu.memory_space<vmem>>, vector<16xf32>,
          %add3A_669 = arith.constant 208 : i32
          %add3A_670 = arith.addi %squeeze3A_136, %add3A_669 : i32
          %get3A_671 = arith.index_cast %add3A_670 : i32 to index
          %get3A_672 = tpu.vector_load %arg6[%get3A_671] {strides = array<i32>} : memref<93184xf32, #tpu.memory_space<vmem>>, vector<16xf32>,
          %swap3A_673 = arith.index_cast %add3A_461 : i32 to index
          %swap3A_674 = arith.constant 208 : index
          %swap3A_675 = tpu.vector_load %arg8[%swap3A_673, %swap3A_674] {strides = array<i32>} : memref<32x256xf32, #tpu.memory_space<vmem>>, vector<16xf32>,
          tpu.vector_store %arg8[%swap3A_673, %swap3A_674], %get3A_556 {strides = array<i32>} : memref<32x256xf32, #tpu.memory_space<vmem>>, vector<16xf32>,
          %add3A_676 = arith.constant 224 : i32
          %add3A_677 = arith.addi %squeeze3A_136, %add3A_676 : i32
          %get3A_678 = arith.index_cast %add3A_677 : i32 to index
          %get3A_679 = tpu.vector_load %arg6[%get3A_678] {strides = array<i32>} : memref<93184xf32, #tpu.memory_space<vmem>>, vector<16xf32>,
          %swap3A_680 = arith.index_cast %add3A_461 : i32 to index
          %swap3A_681 = arith.constant 224 : index
          %swap3A_682 = tpu.vector_load %arg8[%swap3A_680, %swap3A_681] {strides = array<i32>} : memref<32x256xf32, #tpu.memory_space<vmem>>, vector<16xf32>,
          tpu.vector_store %arg8[%swap3A_680, %swap3A_681], %get3A_563 {strides = array<i32>} : memref<32x256xf32, #tpu.memory_space<vmem>>, vector<16xf32>,
          %add3A_683 = arith.constant 240 : i32
          %add3A_684 = arith.addi %squeeze3A_136, %add3A_683 : i32
          %get3A_685 = arith.index_cast %add3A_684 : i32 to index
          %get3A_686 = tpu.vector_load %arg6[%get3A_685] {strides = array<i32>} : memref<93184xf32, #tpu.memory_space<vmem>>, vector<16xf32>,
          %swap3A_687 = arith.index_cast %add3A_461 : i32 to index
          %swap3A_688 = arith.constant 240 : index
          %swap3A_689 = tpu.vector_load %arg8[%swap3A_687, %swap3A_688] {strides = array<i32>} : memref<32x256xf32, #tpu.memory_space<vmem>>, vector<16xf32>,
          tpu.vector_store %arg8[%swap3A_687, %swap3A_688], %get3A_570 {strides = array<i32>} : memref<32x256xf32, #tpu.memory_space<vmem>>, vector<16xf32>,
          %mul3A_690 = arith.constant 16 : i32
          %mul3A_691 = arith.muli %add3A_119, %mul3A_690 : i32
          %add3A_692 = arith.constant 5 : i32
          %add3A_693 = arith.addi %mul3A_691, %add3A_692 : i32
          %add3A_694 = arith.constant 0 : i32
          %add3A_695 = arith.addi %squeeze3A_138, %add3A_694 : i32
          %get3A_696 = arith.index_cast %add3A_695 : i32 to index
          %get3A_697 = tpu.vector_load %arg6[%get3A_696] {strides = array<i32>} : memref<93184xf32, #tpu.memory_space<vmem>>, vector<16xf32>,
          %swap3A_698 = arith.index_cast %add3A_577 : i32 to index
          %swap3A_699 = arith.constant 0 : index
          %swap3A_700 = tpu.vector_load %arg8[%swap3A_698, %swap3A_699] {strides = array<i32>} : memref<32x256xf32, #tpu.memory_space<vmem>>, vector<16xf32>,
          tpu.vector_store %arg8[%swap3A_698, %swap3A_699], %get3A_581 {strides = array<i32>} : memref<32x256xf32, #tpu.memory_space<vmem>>, vector<16xf32>,
          %add3A_701 = arith.constant 16 : i32
          %add3A_702 = arith.addi %squeeze3A_138, %add3A_701 : i32
          %get3A_703 = arith.index_cast %add3A_702 : i32 to index
          %get3A_704 = tpu.vector_load %arg6[%get3A_703] {strides = array<i32>} : memref<93184xf32, #tpu.memory_space<vmem>>, vector<16xf32>,
          %swap3A_705 = arith.index_cast %add3A_577 : i32 to index
          %swap3A_706 = arith.constant 16 : index
          %swap3A_707 = tpu.vector_load %arg8[%swap3A_705, %swap3A_706] {strides = array<i32>} : memref<32x256xf32, #tpu.memory_space<vmem>>, vector<16xf32>,
          tpu.vector_store %arg8[%swap3A_705, %swap3A_706], %get3A_588 {strides = array<i32>} : memref<32x256xf32, #tpu.memory_space<vmem>>, vector<16xf32>,
          %add3A_708 = arith.constant 32 : i32
          %add3A_709 = arith.addi %squeeze3A_138, %add3A_708 : i32
          %get3A_710 = arith.index_cast %add3A_709 : i32 to index
          %get3A_711 = tpu.vector_load %arg6[%get3A_710] {strides = array<i32>} : memref<93184xf32, #tpu.memory_space<vmem>>, vector<16xf32>,
          %swap3A_712 = arith.index_cast %add3A_577 : i32 to index
          %swap3A_713 = arith.constant 32 : index
          %swap3A_714 = tpu.vector_load %arg8[%swap3A_712, %swap3A_713] {strides = array<i32>} : memref<32x256xf32, #tpu.memory_space<vmem>>, vector<16xf32>,
          tpu.vector_store %arg8[%swap3A_712, %swap3A_713], %get3A_595 {strides = array<i32>} : memref<32x256xf32, #tpu.memory_space<vmem>>, vector<16xf32>,
          %add3A_715 = arith.constant 48 : i32
          %add3A_716 = arith.addi %squeeze3A_138, %add3A_715 : i32
          %get3A_717 = arith.index_cast %add3A_716 : i32 to index
          %get3A_718 = tpu.vector_load %arg6[%get3A_717] {strides = array<i32>} : memref<93184xf32, #tpu.memory_space<vmem>>, vector<16xf32>,
          %swap3A_719 = arith.index_cast %add3A_577 : i32 to index
          %swap3A_720 = arith.constant 48 : index
          %swap3A_721 = tpu.vector_load %arg8[%swap3A_719, %swap3A_720] {strides = array<i32>} : memref<32x256xf32, #tpu.memory_space<vmem>>, vector<16xf32>,
          tpu.vector_store %arg8[%swap3A_719, %swap3A_720], %get3A_602 {strides = array<i32>} : memref<32x256xf32, #tpu.memory_space<vmem>>, vector<16xf32>,
          %add3A_722 = arith.constant 64 : i32
          %add3A_723 = arith.addi %squeeze3A_138, %add3A_722 : i32
          %get3A_724 = arith.index_cast %add3A_723 : i32 to index
          %get3A_725 = tpu.vector_load %arg6[%get3A_724] {strides = array<i32>} : memref<93184xf32, #tpu.memory_space<vmem>>, vector<16xf32>,
          %swap3A_726 = arith.index_cast %add3A_577 : i32 to index
          %swap3A_727 = arith.constant 64 : index
          %swap3A_728 = tpu.vector_load %arg8[%swap3A_726, %swap3A_727] {strides = array<i32>} : memref<32x256xf32, #tpu.memory_space<vmem>>, vector<16xf32>,
          tpu.vector_store %arg8[%swap3A_726, %swap3A_727], %get3A_609 {strides = array<i32>} : memref<32x256xf32, #tpu.memory_space<vmem>>, vector<16xf32>,
          %add3A_729 = arith.constant 80 : i32
          %add3A_730 = arith.addi %squeeze3A_138, %add3A_729 : i32
          %get3A_731 = arith.index_cast %add3A_730 : i32 to index
          %get3A_732 = tpu.vector_load %arg6[%get3A_731] {strides = array<i32>} : memref<93184xf32, #tpu.memory_space<vmem>>, vector<16xf32>,
          %swap3A_733 = arith.index_cast %add3A_577 : i32 to index
          %swap3A_734 = arith.constant 80 : index
          %swap3A_735 = tpu.vector_load %arg8[%swap3A_733, %swap3A_734] {strides = array<i32>} : memref<32x256xf32, #tpu.memory_space<vmem>>, vector<16xf32>,
          tpu.vector_store %arg8[%swap3A_733, %swap3A_734], %get3A_616 {strides = array<i32>} : memref<32x256xf32, #tpu.memory_space<vmem>>, vector<16xf32>,
          %add3A_736 = arith.constant 96 : i32
          %add3A_737 = arith.addi %squeeze3A_138, %add3A_736 : i32
          %get3A_738 = arith.index_cast %add3A_737 : i32 to index
          %get3A_739 = tpu.vector_load %arg6[%get3A_738] {strides = array<i32>} : memref<93184xf32, #tpu.memory_space<vmem>>, vector<16xf32>,
          %swap3A_740 = arith.index_cast %add3A_577 : i32 to index
          %swap3A_741 = arith.constant 96 : index
          %swap3A_742 = tpu.vector_load %arg8[%swap3A_740, %swap3A_741] {strides = array<i32>} : memref<32x256xf32, #tpu.memory_space<vmem>>, vector<16xf32>,
          tpu.vector_store %arg8[%swap3A_740, %swap3A_741], %get3A_623 {strides = array<i32>} : memref<32x256xf32, #tpu.memory_space<vmem>>, vector<16xf32>,
          %add3A_743 = arith.constant 112 : i32
          %add3A_744 = arith.addi %squeeze3A_138, %add3A_743 : i32
          %get3A_745 = arith.index_cast %add3A_744 : i32 to index
          %get3A_746 = tpu.vector_load %arg6[%get3A_745] {strides = array<i32>} : memref<93184xf32, #tpu.memory_space<vmem>>, vector<16xf32>,
          %swap3A_747 = arith.index_cast %add3A_577 : i32 to index
          %swap3A_748 = arith.constant 112 : index
          %swap3A_749 = tpu.vector_load %arg8[%swap3A_747, %swap3A_748] {strides = array<i32>} : memref<32x256xf32, #tpu.memory_space<vmem>>, vector<16xf32>,
          tpu.vector_store %arg8[%swap3A_747, %swap3A_748], %get3A_630 {strides = array<i32>} : memref<32x256xf32, #tpu.memory_space<vmem>>, vector<16xf32>,
          %add3A_750 = arith.constant 128 : i32
          %add3A_751 = arith.addi %squeeze3A_138, %add3A_750 : i32
          %get3A_752 = arith.index_cast %add3A_751 : i32 to index
          %get3A_753 = tpu.vector_load %arg6[%get3A_752] {strides = array<i32>} : memref<93184xf32, #tpu.memory_space<vmem>>, vector<16xf32>,
          %swap3A_754 = arith.index_cast %add3A_577 : i32 to index
          %swap3A_755 = arith.constant 128 : index
          %swap3A_756 = tpu.vector_load %arg8[%swap3A_754, %swap3A_755] {strides = array<i32>} : memref<32x256xf32, #tpu.memory_space<vmem>>, vector<16xf32>,
          tpu.vector_store %arg8[%swap3A_754, %swap3A_755], %get3A_637 {strides = array<i32>} : memref<32x256xf32, #tpu.memory_space<vmem>>, vector<16xf32>,
          %add3A_757 = arith.constant 144 : i32
          %add3A_758 = arith.addi %squeeze3A_138, %add3A_757 : i32
          %get3A_759 = arith.index_cast %add3A_758 : i32 to index
          %get3A_760 = tpu.vector_load %arg6[%get3A_759] {strides = array<i32>} : memref<93184xf32, #tpu.memory_space<vmem>>, vector<16xf32>,
          %swap3A_761 = arith.index_cast %add3A_577 : i32 to index
          %swap3A_762 = arith.constant 144 : index
          %swap3A_763 = tpu.vector_load %arg8[%swap3A_761, %swap3A_762] {strides = array<i32>} : memref<32x256xf32, #tpu.memory_space<vmem>>, vector<16xf32>,
          tpu.vector_store %arg8[%swap3A_761, %swap3A_762], %get3A_644 {strides = array<i32>} : memref<32x256xf32, #tpu.memory_space<vmem>>, vector<16xf32>,
          %add3A_764 = arith.constant 160 : i32
          %add3A_765 = arith.addi %squeeze3A_138, %add3A_764 : i32
          %get3A_766 = arith.index_cast %add3A_765 : i32 to index
          %get3A_767 = tpu.vector_load %arg6[%get3A_766] {strides = array<i32>} : memref<93184xf32, #tpu.memory_space<vmem>>, vector<16xf32>,
          %swap3A_768 = arith.index_cast %add3A_577 : i32 to index
          %swap3A_769 = arith.constant 160 : index
          %swap3A_770 = tpu.vector_load %arg8[%swap3A_768, %swap3A_769] {strides = array<i32>} : memref<32x256xf32, #tpu.memory_space<vmem>>, vector<16xf32>,
          tpu.vector_store %arg8[%swap3A_768, %swap3A_769], %get3A_651 {strides = array<i32>} : memref<32x256xf32, #tpu.memory_space<vmem>>, vector<16xf32>,
          %add3A_771 = arith.constant 176 : i32
          %add3A_772 = arith.addi %squeeze3A_138, %add3A_771 : i32
          %get3A_773 = arith.index_cast %add3A_772 : i32 to index
          %get3A_774 = tpu.vector_load %arg6[%get3A_773] {strides = array<i32>} : memref<93184xf32, #tpu.memory_space<vmem>>, vector<16xf32>,
          %swap3A_775 = arith.index_cast %add3A_577 : i32 to index
          %swap3A_776 = arith.constant 176 : index
          %swap3A_777 = tpu.vector_load %arg8[%swap3A_775, %swap3A_776] {strides = array<i32>} : memref<32x256xf32, #tpu.memory_space<vmem>>, vector<16xf32>,
          tpu.vector_store %arg8[%swap3A_775, %swap3A_776], %get3A_658 {strides = array<i32>} : memref<32x256xf32, #tpu.memory_space<vmem>>, vector<16xf32>,
          %add3A_778 = arith.constant 192 : i32
          %add3A_779 = arith.addi %squeeze3A_138, %add3A_778 : i32
          %get3A_780 = arith.index_cast %add3A_779 : i32 to index
          %get3A_781 = tpu.vector_load %arg6[%get3A_780] {strides = array<i32>} : memref<93184xf32, #tpu.memory_space<vmem>>, vector<16xf32>,
          %swap3A_782 = arith.index_cast %add3A_577 : i32 to index
          %swap3A_783 = arith.constant 192 : index
          %swap3A_784 = tpu.vector_load %arg8[%swap3A_782, %swap3A_783] {strides = array<i32>} : memref<32x256xf32, #tpu.memory_space<vmem>>, vector<16xf32>,
          tpu.vector_store %arg8[%swap3A_782, %swap3A_783], %get3A_665 {strides = array<i32>} : memref<32x256xf32, #tpu.memory_space<vmem>>, vector<16xf32>,
          %add3A_785 = arith.constant 208 : i32
          %add3A_786 = arith.addi %squeeze3A_138, %add3A_785 : i32
          %get3A_787 = arith.index_cast %add3A_786 : i32 to index
          %get3A_788 = tpu.vector_load %arg6[%get3A_787] {strides = array<i32>} : memref<93184xf32, #tpu.memory_space<vmem>>, vector<16xf32>,
          %swap3A_789 = arith.index_cast %add3A_577 : i32 to index
          %swap3A_790 = arith.constant 208 : index
          %swap3A_791 = tpu.vector_load %arg8[%swap3A_789, %swap3A_790] {strides = array<i32>} : memref<32x256xf32, #tpu.memory_space<vmem>>, vector<16xf32>,
          tpu.vector_store %arg8[%swap3A_789, %swap3A_790], %get3A_672 {strides = array<i32>} : memref<32x256xf32, #tpu.memory_space<vmem>>, vector<16xf32>,
          %add3A_792 = arith.constant 224 : i32
          %add3A_793 = arith.addi %squeeze3A_138, %add3A_792 : i32
          %get3A_794 = arith.index_cast %add3A_793 : i32 to index
          %get3A_795 = tpu.vector_load %arg6[%get3A_794] {strides = array<i32>} : memref<93184xf32, #tpu.memory_space<vmem>>, vector<16xf32>,
          %swap3A_796 = arith.index_cast %add3A_577 : i32 to index
          %swap3A_797 = arith.constant 224 : index
          %swap3A_798 = tpu.vector_load %arg8[%swap3A_796, %swap3A_797] {strides = array<i32>} : memref<32x256xf32, #tpu.memory_space<vmem>>, vector<16xf32>,
          tpu.vector_store %arg8[%swap3A_796, %swap3A_797], %get3A_679 {strides = array<i32>} : memref<32x256xf32, #tpu.memory_space<vmem>>, vector<16xf32>,
          %add3A_799 = arith.constant 240 : i32
          %add3A_800 = arith.addi %squeeze3A_138, %add3A_799 : i32
          %get3A_801 = arith.index_cast %add3A_800 : i32 to index
          %get3A_802 = tpu.vector_load %arg6[%get3A_801] {strides = array<i32>} : memref<93184xf32, #tpu.memory_space<vmem>>, vector<16xf32>,
          %swap3A_803 = arith.index_cast %add3A_577 : i32 to index
          %swap3A_804 = arith.constant 240 : index
          %swap3A_805 = tpu.vector_load %arg8[%swap3A_803, %swap3A_804] {strides = array<i32>} : memref<32x256xf32, #tpu.memory_space<vmem>>, vector<16xf32>,
          tpu.vector_store %arg8[%swap3A_803, %swap3A_804], %get3A_686 {strides = array<i32>} : memref<32x256xf32, #tpu.memory_space<vmem>>, vector<16xf32>,
          %mul3A_806 = arith.constant 16 : i32
          %mul3A_807 = arith.muli %add3A_119, %mul3A_806 : i32
          %add3A_808 = arith.constant 6 : i32
          %add3A_809 = arith.addi %mul3A_807, %add3A_808 : i32
          %add3A_810 = arith.constant 0 : i32
          %add3A_811 = arith.addi %squeeze3A_140, %add3A_810 : i32
          %get3A_812 = arith.index_cast %add3A_811 : i32 to index
          %get3A_813 = tpu.vector_load %arg6[%get3A_812] {strides = array<i32>} : memref<93184xf32, #tpu.memory_space<vmem>>, vector<16xf32>,
          %swap3A_814 = arith.index_cast %add3A_693 : i32 to index
          %swap3A_815 = arith.constant 0 : index
          %swap3A_816 = tpu.vector_load %arg8[%swap3A_814, %swap3A_815] {strides = array<i32>} : memref<32x256xf32, #tpu.memory_space<vmem>>, vector<16xf32>,
          tpu.vector_store %arg8[%swap3A_814, %swap3A_815], %get3A_697 {strides = array<i32>} : memref<32x256xf32, #tpu.memory_space<vmem>>, vector<16xf32>,
          %add3A_817 = arith.constant 16 : i32
          %add3A_818 = arith.addi %squeeze3A_140, %add3A_817 : i32
          %get3A_819 = arith.index_cast %add3A_818 : i32 to index
          %get3A_820 = tpu.vector_load %arg6[%get3A_819] {strides = array<i32>} : memref<93184xf32, #tpu.memory_space<vmem>>, vector<16xf32>,
          %swap3A_821 = arith.index_cast %add3A_693 : i32 to index
          %swap3A_822 = arith.constant 16 : index
          %swap3A_823 = tpu.vector_load %arg8[%swap3A_821, %swap3A_822] {strides = array<i32>} : memref<32x256xf32, #tpu.memory_space<vmem>>, vector<16xf32>,
          tpu.vector_store %arg8[%swap3A_821, %swap3A_822], %get3A_704 {strides = array<i32>} : memref<32x256xf32, #tpu.memory_space<vmem>>, vector<16xf32>,
          %add3A_824 = arith.constant 32 : i32
          %add3A_825 = arith.addi %squeeze3A_140, %add3A_824 : i32
          %get3A_826 = arith.index_cast %add3A_825 : i32 to index
          %get3A_827 = tpu.vector_load %arg6[%get3A_826] {strides = array<i32>} : memref<93184xf32, #tpu.memory_space<vmem>>, vector<16xf32>,
          %swap3A_828 = arith.index_cast %add3A_693 : i32 to index
          %swap3A_829 = arith.constant 32 : index
          %swap3A_830 = tpu.vector_load %arg8[%swap3A_828, %swap3A_829] {strides = array<i32>} : memref<32x256xf32, #tpu.memory_space<vmem>>, vector<16xf32>,
          tpu.vector_store %arg8[%swap3A_828, %swap3A_829], %get3A_711 {strides = array<i32>} : memref<32x256xf32, #tpu.memory_space<vmem>>, vector<16xf32>,
          %add3A_831 = arith.constant 48 : i32
          %add3A_832 = arith.addi %squeeze3A_140, %add3A_831 : i32
          %get3A_833 = arith.index_cast %add3A_832 : i32 to index
          %get3A_834 = tpu.vector_load %arg6[%get3A_833] {strides = array<i32>} : memref<93184xf32, #tpu.memory_space<vmem>>, vector<16xf32>,
          %swap3A_835 = arith.index_cast %add3A_693 : i32 to index
          %swap3A_836 = arith.constant 48 : index
          %swap3A_837 = tpu.vector_load %arg8[%swap3A_835, %swap3A_836] {strides = array<i32>} : memref<32x256xf32, #tpu.memory_space<vmem>>, vector<16xf32>,
          tpu.vector_store %arg8[%swap3A_835, %swap3A_836], %get3A_718 {strides = array<i32>} : memref<32x256xf32, #tpu.memory_space<vmem>>, vector<16xf32>,
          %add3A_838 = arith.constant 64 : i32
          %add3A_839 = arith.addi %squeeze3A_140, %add3A_838 : i32
          %get3A_840 = arith.index_cast %add3A_839 : i32 to index
          %get3A_841 = tpu.vector_load %arg6[%get3A_840] {strides = array<i32>} : memref<93184xf32, #tpu.memory_space<vmem>>, vector<16xf32>,
          %swap3A_842 = arith.index_cast %add3A_693 : i32 to index
          %swap3A_843 = arith.constant 64 : index
          %swap3A_844 = tpu.vector_load %arg8[%swap3A_842, %swap3A_843] {strides = array<i32>} : memref<32x256xf32, #tpu.memory_space<vmem>>, vector<16xf32>,
          tpu.vector_store %arg8[%swap3A_842, %swap3A_843], %get3A_725 {strides = array<i32>} : memref<32x256xf32, #tpu.memory_space<vmem>>, vector<16xf32>,
          %add3A_845 = arith.constant 80 : i32
          %add3A_846 = arith.addi %squeeze3A_140, %add3A_845 : i32
          %get3A_847 = arith.index_cast %add3A_846 : i32 to index
          %get3A_848 = tpu.vector_load %arg6[%get3A_847] {strides = array<i32>} : memref<93184xf32, #tpu.memory_space<vmem>>, vector<16xf32>,
          %swap3A_849 = arith.index_cast %add3A_693 : i32 to index
          %swap3A_850 = arith.constant 80 : index
          %swap3A_851 = tpu.vector_load %arg8[%swap3A_849, %swap3A_850] {strides = array<i32>} : memref<32x256xf32, #tpu.memory_space<vmem>>, vector<16xf32>,
          tpu.vector_store %arg8[%swap3A_849, %swap3A_850], %get3A_732 {strides = array<i32>} : memref<32x256xf32, #tpu.memory_space<vmem>>, vector<16xf32>,
          %add3A_852 = arith.constant 96 : i32
          %add3A_853 = arith.addi %squeeze3A_140, %add3A_852 : i32
          %get3A_854 = arith.index_cast %add3A_853 : i32 to index
          %get3A_855 = tpu.vector_load %arg6[%get3A_854] {strides = array<i32>} : memref<93184xf32, #tpu.memory_space<vmem>>, vector<16xf32>,
          %swap3A_856 = arith.index_cast %add3A_693 : i32 to index
          %swap3A_857 = arith.constant 96 : index
          %swap3A_858 = tpu.vector_load %arg8[%swap3A_856, %swap3A_857] {strides = array<i32>} : memref<32x256xf32, #tpu.memory_space<vmem>>, vector<16xf32>,
          tpu.vector_store %arg8[%swap3A_856, %swap3A_857], %get3A_739 {strides = array<i32>} : memref<32x256xf32, #tpu.memory_space<vmem>>, vector<16xf32>,
          %add3A_859 = arith.constant 112 : i32
          %add3A_860 = arith.addi %squeeze3A_140, %add3A_859 : i32
          %get3A_861 = arith.index_cast %add3A_860 : i32 to index
          %get3A_862 = tpu.vector_load %arg6[%get3A_861] {strides = array<i32>} : memref<93184xf32, #tpu.memory_space<vmem>>, vector<16xf32>,
          %swap3A_863 = arith.index_cast %add3A_693 : i32 to index
          %swap3A_864 = arith.constant 112 : index
          %swap3A_865 = tpu.vector_load %arg8[%swap3A_863, %swap3A_864] {strides = array<i32>} : memref<32x256xf32, #tpu.memory_space<vmem>>, vector<16xf32>,
          tpu.vector_store %arg8[%swap3A_863, %swap3A_864], %get3A_746 {strides = array<i32>} : memref<32x256xf32, #tpu.memory_space<vmem>>, vector<16xf32>,
          %add3A_866 = arith.constant 128 : i32
          %add3A_867 = arith.addi %squeeze3A_140, %add3A_866 : i32
          %get3A_868 = arith.index_cast %add3A_867 : i32 to index
          %get3A_869 = tpu.vector_load %arg6[%get3A_868] {strides = array<i32>} : memref<93184xf32, #tpu.memory_space<vmem>>, vector<16xf32>,
          %swap3A_870 = arith.index_cast %add3A_693 : i32 to index
          %swap3A_871 = arith.constant 128 : index
          %swap3A_872 = tpu.vector_load %arg8[%swap3A_870, %swap3A_871] {strides = array<i32>} : memref<32x256xf32, #tpu.memory_space<vmem>>, vector<16xf32>,
          tpu.vector_store %arg8[%swap3A_870, %swap3A_871], %get3A_753 {strides = array<i32>} : memref<32x256xf32, #tpu.memory_space<vmem>>, vector<16xf32>,
          %add3A_873 = arith.constant 144 : i32
          %add3A_874 = arith.addi %squeeze3A_140, %add3A_873 : i32
          %get3A_875 = arith.index_cast %add3A_874 : i32 to index
          %get3A_876 = tpu.vector_load %arg6[%get3A_875] {strides = array<i32>} : memref<93184xf32, #tpu.memory_space<vmem>>, vector<16xf32>,
          %swap3A_877 = arith.index_cast %add3A_693 : i32 to index
          %swap3A_878 = arith.constant 144 : index
          %swap3A_879 = tpu.vector_load %arg8[%swap3A_877, %swap3A_878] {strides = array<i32>} : memref<32x256xf32, #tpu.memory_space<vmem>>, vector<16xf32>,
          tpu.vector_store %arg8[%swap3A_877, %swap3A_878], %get3A_760 {strides = array<i32>} : memref<32x256xf32, #tpu.memory_space<vmem>>, vector<16xf32>,
          %add3A_880 = arith.constant 160 : i32
          %add3A_881 = arith.addi %squeeze3A_140, %add3A_880 : i32
          %get3A_882 = arith.index_cast %add3A_881 : i32 to index
          %get3A_883 = tpu.vector_load %arg6[%get3A_882] {strides = array<i32>} : memref<93184xf32, #tpu.memory_space<vmem>>, vector<16xf32>,
          %swap3A_884 = arith.index_cast %add3A_693 : i32 to index
          %swap3A_885 = arith.constant 160 : index
          %swap3A_886 = tpu.vector_load %arg8[%swap3A_884, %swap3A_885] {strides = array<i32>} : memref<32x256xf32, #tpu.memory_space<vmem>>, vector<16xf32>,
          tpu.vector_store %arg8[%swap3A_884, %swap3A_885], %get3A_767 {strides = array<i32>} : memref<32x256xf32, #tpu.memory_space<vmem>>, vector<16xf32>,
          %add3A_887 = arith.constant 176 : i32
          %add3A_888 = arith.addi %squeeze3A_140, %add3A_887 : i32
          %get3A_889 = arith.index_cast %add3A_888 : i32 to index
          %get3A_890 = tpu.vector_load %arg6[%get3A_889] {strides = array<i32>} : memref<93184xf32, #tpu.memory_space<vmem>>, vector<16xf32>,
          %swap3A_891 = arith.index_cast %add3A_693 : i32 to index
          %swap3A_892 = arith.constant 176 : index
          %swap3A_893 = tpu.vector_load %arg8[%swap3A_891, %swap3A_892] {strides = array<i32>} : memref<32x256xf32, #tpu.memory_space<vmem>>, vector<16xf32>,
          tpu.vector_store %arg8[%swap3A_891, %swap3A_892], %get3A_774 {strides = array<i32>} : memref<32x256xf32, #tpu.memory_space<vmem>>, vector<16xf32>,
          %add3A_894 = arith.constant 192 : i32
          %add3A_895 = arith.addi %squeeze3A_140, %add3A_894 : i32
          %get3A_896 = arith.index_cast %add3A_895 : i32 to index
          %get3A_897 = tpu.vector_load %arg6[%get3A_896] {strides = array<i32>} : memref<93184xf32, #tpu.memory_space<vmem>>, vector<16xf32>,
          %swap3A_898 = arith.index_cast %add3A_693 : i32 to index
          %swap3A_899 = arith.constant 192 : index
          %swap3A_900 = tpu.vector_load %arg8[%swap3A_898, %swap3A_899] {strides = array<i32>} : memref<32x256xf32, #tpu.memory_space<vmem>>, vector<16xf32>,
          tpu.vector_store %arg8[%swap3A_898, %swap3A_899], %get3A_781 {strides = array<i32>} : memref<32x256xf32, #tpu.memory_space<vmem>>, vector<16xf32>,
          %add3A_901 = arith.constant 208 : i32
          %add3A_902 = arith.addi %squeeze3A_140, %add3A_901 : i32
          %get3A_903 = arith.index_cast %add3A_902 : i32 to index
          %get3A_904 = tpu.vector_load %arg6[%get3A_903] {strides = array<i32>} : memref<93184xf32, #tpu.memory_space<vmem>>, vector<16xf32>,
          %swap3A_905 = arith.index_cast %add3A_693 : i32 to index
          %swap3A_906 = arith.constant 208 : index
          %swap3A_907 = tpu.vector_load %arg8[%swap3A_905, %swap3A_906] {strides = array<i32>} : memref<32x256xf32, #tpu.memory_space<vmem>>, vector<16xf32>,
          tpu.vector_store %arg8[%swap3A_905, %swap3A_906], %get3A_788 {strides = array<i32>} : memref<32x256xf32, #tpu.memory_space<vmem>>, vector<16xf32>,
          %add3A_908 = arith.constant 224 : i32
          %add3A_909 = arith.addi %squeeze3A_140, %add3A_908 : i32
          %get3A_910 = arith.index_cast %add3A_909 : i32 to index
          %get3A_911 = tpu.vector_load %arg6[%get3A_910] {strides = array<i32>} : memref<93184xf32, #tpu.memory_space<vmem>>, vector<16xf32>,
          %swap3A_912 = arith.index_cast %add3A_693 : i32 to index
          %swap3A_913 = arith.constant 224 : index
          %swap3A_914 = tpu.vector_load %arg8[%swap3A_912, %swap3A_913] {strides = array<i32>} : memref<32x256xf32, #tpu.memory_space<vmem>>, vector<16xf32>,
          tpu.vector_store %arg8[%swap3A_912, %swap3A_913], %get3A_795 {strides = array<i32>} : memref<32x256xf32, #tpu.memory_space<vmem>>, vector<16xf32>,
          %add3A_915 = arith.constant 240 : i32
          %add3A_916 = arith.addi %squeeze3A_140, %add3A_915 : i32
          %get3A_917 = arith.index_cast %add3A_916 : i32 to index
          %get3A_918 = tpu.vector_load %arg6[%get3A_917] {strides = array<i32>} : memref<93184xf32, #tpu.memory_space<vmem>>, vector<16xf32>,
          %swap3A_919 = arith.index_cast %add3A_693 : i32 to index
          %swap3A_920 = arith.constant 240 : index
          %swap3A_921 = tpu.vector_load %arg8[%swap3A_919, %swap3A_920] {strides = array<i32>} : memref<32x256xf32, #tpu.memory_space<vmem>>, vector<16xf32>,
          tpu.vector_store %arg8[%swap3A_919, %swap3A_920], %get3A_802 {strides = array<i32>} : memref<32x256xf32, #tpu.memory_space<vmem>>, vector<16xf32>,
          %mul3A_922 = arith.constant 16 : i32
          %mul3A_923 = arith.muli %add3A_119, %mul3A_922 : i32
          %add3A_924 = arith.constant 7 : i32
          %add3A_925 = arith.addi %mul3A_923, %add3A_924 : i32
          %add3A_926 = arith.constant 0 : i32
          %add3A_927 = arith.addi %squeeze3A_142, %add3A_926 : i32
          %get3A_928 = arith.index_cast %add3A_927 : i32 to index
          %get3A_929 = tpu.vector_load %arg6[%get3A_928] {strides = array<i32>} : memref<93184xf32, #tpu.memory_space<vmem>>, vector<16xf32>,
          %swap3A_930 = arith.index_cast %add3A_809 : i32 to index
          %swap3A_931 = arith.constant 0 : index
          %swap3A_932 = tpu.vector_load %arg8[%swap3A_930, %swap3A_931] {strides = array<i32>} : memref<32x256xf32, #tpu.memory_space<vmem>>, vector<16xf32>,
          tpu.vector_store %arg8[%swap3A_930, %swap3A_931], %get3A_813 {strides = array<i32>} : memref<32x256xf32, #tpu.memory_space<vmem>>, vector<16xf32>,
          %add3A_933 = arith.constant 16 : i32
          %add3A_934 = arith.addi %squeeze3A_142, %add3A_933 : i32
          %get3A_935 = arith.index_cast %add3A_934 : i32 to index
          %get3A_936 = tpu.vector_load %arg6[%get3A_935] {strides = array<i32>} : memref<93184xf32, #tpu.memory_space<vmem>>, vector<16xf32>,
          %swap3A_937 = arith.index_cast %add3A_809 : i32 to index
          %swap3A_938 = arith.constant 16 : index
          %swap3A_939 = tpu.vector_load %arg8[%swap3A_937, %swap3A_938] {strides = array<i32>} : memref<32x256xf32, #tpu.memory_space<vmem>>, vector<16xf32>,
          tpu.vector_store %arg8[%swap3A_937, %swap3A_938], %get3A_820 {strides = array<i32>} : memref<32x256xf32, #tpu.memory_space<vmem>>, vector<16xf32>,
          %add3A_940 = arith.constant 32 : i32
          %add3A_941 = arith.addi %squeeze3A_142, %add3A_940 : i32
          %get3A_942 = arith.index_cast %add3A_941 : i32 to index
          %get3A_943 = tpu.vector_load %arg6[%get3A_942] {strides = array<i32>} : memref<93184xf32, #tpu.memory_space<vmem>>, vector<16xf32>,
          %swap3A_944 = arith.index_cast %add3A_809 : i32 to index
          %swap3A_945 = arith.constant 32 : index
          %swap3A_946 = tpu.vector_load %arg8[%swap3A_944, %swap3A_945] {strides = array<i32>} : memref<32x256xf32, #tpu.memory_space<vmem>>, vector<16xf32>,
          tpu.vector_store %arg8[%swap3A_944, %swap3A_945], %get3A_827 {strides = array<i32>} : memref<32x256xf32, #tpu.memory_space<vmem>>, vector<16xf32>,
          %add3A_947 = arith.constant 48 : i32
          %add3A_948 = arith.addi %squeeze3A_142, %add3A_947 : i32
          %get3A_949 = arith.index_cast %add3A_948 : i32 to index
          %get3A_950 = tpu.vector_load %arg6[%get3A_949] {strides = array<i32>} : memref<93184xf32, #tpu.memory_space<vmem>>, vector<16xf32>,
          %swap3A_951 = arith.index_cast %add3A_809 : i32 to index
          %swap3A_952 = arith.constant 48 : index
          %swap3A_953 = tpu.vector_load %arg8[%swap3A_951, %swap3A_952] {strides = array<i32>} : memref<32x256xf32, #tpu.memory_space<vmem>>, vector<16xf32>,
          tpu.vector_store %arg8[%swap3A_951, %swap3A_952], %get3A_834 {strides = array<i32>} : memref<32x256xf32, #tpu.memory_space<vmem>>, vector<16xf32>,
          %add3A_954 = arith.constant 64 : i32
          %add3A_955 = arith.addi %squeeze3A_142, %add3A_954 : i32
          %get3A_956 = arith.index_cast %add3A_955 : i32 to index
          %get3A_957 = tpu.vector_load %arg6[%get3A_956] {strides = array<i32>} : memref<93184xf32, #tpu.memory_space<vmem>>, vector<16xf32>,
          %swap3A_958 = arith.index_cast %add3A_809 : i32 to index
          %swap3A_959 = arith.constant 64 : index
          %swap3A_960 = tpu.vector_load %arg8[%swap3A_958, %swap3A_959] {strides = array<i32>} : memref<32x256xf32, #tpu.memory_space<vmem>>, vector<16xf32>,
          tpu.vector_store %arg8[%swap3A_958, %swap3A_959], %get3A_841 {strides = array<i32>} : memref<32x256xf32, #tpu.memory_space<vmem>>, vector<16xf32>,
          %add3A_961 = arith.constant 80 : i32
          %add3A_962 = arith.addi %squeeze3A_142, %add3A_961 : i32
          %get3A_963 = arith.index_cast %add3A_962 : i32 to index
          %get3A_964 = tpu.vector_load %arg6[%get3A_963] {strides = array<i32>} : memref<93184xf32, #tpu.memory_space<vmem>>, vector<16xf32>,
          %swap3A_965 = arith.index_cast %add3A_809 : i32 to index
          %swap3A_966 = arith.constant 80 : index
          %swap3A_967 = tpu.vector_load %arg8[%swap3A_965, %swap3A_966] {strides = array<i32>} : memref<32x256xf32, #tpu.memory_space<vmem>>, vector<16xf32>,
          tpu.vector_store %arg8[%swap3A_965, %swap3A_966], %get3A_848 {strides = array<i32>} : memref<32x256xf32, #tpu.memory_space<vmem>>, vector<16xf32>,
          %add3A_968 = arith.constant 96 : i32
          %add3A_969 = arith.addi %squeeze3A_142, %add3A_968 : i32
          %get3A_970 = arith.index_cast %add3A_969 : i32 to index
          %get3A_971 = tpu.vector_load %arg6[%get3A_970] {strides = array<i32>} : memref<93184xf32, #tpu.memory_space<vmem>>, vector<16xf32>,
          %swap3A_972 = arith.index_cast %add3A_809 : i32 to index
          %swap3A_973 = arith.constant 96 : index
          %swap3A_974 = tpu.vector_load %arg8[%swap3A_972, %swap3A_973] {strides = array<i32>} : memref<32x256xf32, #tpu.memory_space<vmem>>, vector<16xf32>,
          tpu.vector_store %arg8[%swap3A_972, %swap3A_973], %get3A_855 {strides = array<i32>} : memref<32x256xf32, #tpu.memory_space<vmem>>, vector<16xf32>,
          %add3A_975 = arith.constant 112 : i32
          %add3A_976 = arith.addi %squeeze3A_142, %add3A_975 : i32
          %get3A_977 = arith.index_cast %add3A_976 : i32 to index
          %get3A_978 = tpu.vector_load %arg6[%get3A_977] {strides = array<i32>} : memref<93184xf32, #tpu.memory_space<vmem>>, vector<16xf32>,
          %swap3A_979 = arith.index_cast %add3A_809 : i32 to index
          %swap3A_980 = arith.constant 112 : index
          %swap3A_981 = tpu.vector_load %arg8[%swap3A_979, %swap3A_980] {strides = array<i32>} : memref<32x256xf32, #tpu.memory_space<vmem>>, vector<16xf32>,
          tpu.vector_store %arg8[%swap3A_979, %swap3A_980], %get3A_862 {strides = array<i32>} : memref<32x256xf32, #tpu.memory_space<vmem>>, vector<16xf32>,
          %add3A_982 = arith.constant 128 : i32
          %add3A_983 = arith.addi %squeeze3A_142, %add3A_982 : i32
          %get3A_984 = arith.index_cast %add3A_983 : i32 to index
          %get3A_985 = tpu.vector_load %arg6[%get3A_984] {strides = array<i32>} : memref<93184xf32, #tpu.memory_space<vmem>>, vector<16xf32>,
          %swap3A_986 = arith.index_cast %add3A_809 : i32 to index
          %swap3A_987 = arith.constant 128 : index
          %swap3A_988 = tpu.vector_load %arg8[%swap3A_986, %swap3A_987] {strides = array<i32>} : memref<32x256xf32, #tpu.memory_space<vmem>>, vector<16xf32>,
          tpu.vector_store %arg8[%swap3A_986, %swap3A_987], %get3A_869 {strides = array<i32>} : memref<32x256xf32, #tpu.memory_space<vmem>>, vector<16xf32>,
          %add3A_989 = arith.constant 144 : i32
          %add3A_990 = arith.addi %squeeze3A_142, %add3A_989 : i32
          %get3A_991 = arith.index_cast %add3A_990 : i32 to index
          %get3A_992 = tpu.vector_load %arg6[%get3A_991] {strides = array<i32>} : memref<93184xf32, #tpu.memory_space<vmem>>, vector<16xf32>,
          %swap3A_993 = arith.index_cast %add3A_809 : i32 to index
          %swap3A_994 = arith.constant 144 : index
          %swap3A_995 = tpu.vector_load %arg8[%swap3A_993, %swap3A_994] {strides = array<i32>} : memref<32x256xf32, #tpu.memory_space<vmem>>, vector<16xf32>,
          tpu.vector_store %arg8[%swap3A_993, %swap3A_994], %get3A_876 {strides = array<i32>} : memref<32x256xf32, #tpu.memory_space<vmem>>, vector<16xf32>,
          %add3A_996 = arith.constant 160 : i32
          %add3A_997 = arith.addi %squeeze3A_142, %add3A_996 : i32
          %get3A_998 = arith.index_cast %add3A_997 : i32 to index
          %get3A_999 = tpu.vector_load %arg6[%get3A_998] {strides = array<i32>} : memref<93184xf32, #tpu.memory_space<vmem>>, vector<16xf32>,
          %swap3A_1000 = arith.index_cast %add3A_809 : i32 to index
          %swap3A_1001 = arith.constant 160 : index
          %swap3A_1002 = tpu.vector_load %arg8[%swap3A_1000, %swap3A_1001] {strides = array<i32>} : memref<32x256xf32, #tpu.memory_space<vmem>>, vector<16xf32>,
          tpu.vector_store %arg8[%swap3A_1000, %swap3A_1001], %get3A_883 {strides = array<i32>} : memref<32x256xf32, #tpu.memory_space<vmem>>, vector<16xf32>,
          %add3A_1003 = arith.constant 176 : i32
          %add3A_1004 = arith.addi %squeeze3A_142, %add3A_1003 : i32
          %get3A_1005 = arith.index_cast %add3A_1004 : i32 to index
          %get3A_1006 = tpu.vector_load %arg6[%get3A_1005] {strides = array<i32>} : memref<93184xf32, #tpu.memory_space<vmem>>, vector<16xf32>,
          %swap3A_1007 = arith.index_cast %add3A_809 : i32 to index
          %swap3A_1008 = arith.constant 176 : index
          %swap3A_1009 = tpu.vector_load %arg8[%swap3A_1007, %swap3A_1008] {strides = array<i32>} : memref<32x256xf32, #tpu.memory_space<vmem>>, vector<16xf32>,
          tpu.vector_store %arg8[%swap3A_1007, %swap3A_1008], %get3A_890 {strides = array<i32>} : memref<32x256xf32, #tpu.memory_space<vmem>>, vector<16xf32>,
          %add3A_1010 = arith.constant 192 : i32
          %add3A_1011 = arith.addi %squeeze3A_142, %add3A_1010 : i32
          %get3A_1012 = arith.index_cast %add3A_1011 : i32 to index
          %get3A_1013 = tpu.vector_load %arg6[%get3A_1012] {strides = array<i32>} : memref<93184xf32, #tpu.memory_space<vmem>>, vector<16xf32>,
          %swap3A_1014 = arith.index_cast %add3A_809 : i32 to index
          %swap3A_1015 = arith.constant 192 : index
          %swap3A_1016 = tpu.vector_load %arg8[%swap3A_1014, %swap3A_1015] {strides = array<i32>} : memref<32x256xf32, #tpu.memory_space<vmem>>, vector<16xf32>,
          tpu.vector_store %arg8[%swap3A_1014, %swap3A_1015], %get3A_897 {strides = array<i32>} : memref<32x256xf32, #tpu.memory_space<vmem>>, vector<16xf32>,
          %add3A_1017 = arith.constant 208 : i32
          %add3A_1018 = arith.addi %squeeze3A_142, %add3A_1017 : i32
          %get3A_1019 = arith.index_cast %add3A_1018 : i32 to index
          %get3A_1020 = tpu.vector_load %arg6[%get3A_1019] {strides = array<i32>} : memref<93184xf32, #tpu.memory_space<vmem>>, vector<16xf32>,
          %swap3A_1021 = arith.index_cast %add3A_809 : i32 to index
          %swap3A_1022 = arith.constant 208 : index
          %swap3A_1023 = tpu.vector_load %arg8[%swap3A_1021, %swap3A_1022] {strides = array<i32>} : memref<32x256xf32, #tpu.memory_space<vmem>>, vector<16xf32>,
          tpu.vector_store %arg8[%swap3A_1021, %swap3A_1022], %get3A_904 {strides = array<i32>} : memref<32x256xf32, #tpu.memory_space<vmem>>, vector<16xf32>,
          %add3A_1024 = arith.constant 224 : i32
          %add3A_1025 = arith.addi %squeeze3A_142, %add3A_1024 : i32
          %get3A_1026 = arith.index_cast %add3A_1025 : i32 to index
          %get3A_1027 = tpu.vector_load %arg6[%get3A_1026] {strides = array<i32>} : memref<93184xf32, #tpu.memory_space<vmem>>, vector<16xf32>,
          %swap3A_1028 = arith.index_cast %add3A_809 : i32 to index
          %swap3A_1029 = arith.constant 224 : index
          %swap3A_1030 = tpu.vector_load %arg8[%swap3A_1028, %swap3A_1029] {strides = array<i32>} : memref<32x256xf32, #tpu.memory_space<vmem>>, vector<16xf32>,
          tpu.vector_store %arg8[%swap3A_1028, %swap3A_1029], %get3A_911 {strides = array<i32>} : memref<32x256xf32, #tpu.memory_space<vmem>>, vector<16xf32>,
          %add3A_1031 = arith.constant 240 : i32
          %add3A_1032 = arith.addi %squeeze3A_142, %add3A_1031 : i32
          %get3A_1033 = arith.index_cast %add3A_1032 : i32 to index
          %get3A_1034 = tpu.vector_load %arg6[%get3A_1033] {strides = array<i32>} : memref<93184xf32, #tpu.memory_space<vmem>>, vector<16xf32>,
          %swap3A_1035 = arith.index_cast %add3A_809 : i32 to index
          %swap3A_1036 = arith.constant 240 : index
          %swap3A_1037 = tpu.vector_load %arg8[%swap3A_1035, %swap3A_1036] {strides = array<i32>} : memref<32x256xf32, #tpu.memory_space<vmem>>, vector<16xf32>,
          tpu.vector_store %arg8[%swap3A_1035, %swap3A_1036], %get3A_918 {strides = array<i32>} : memref<32x256xf32, #tpu.memory_space<vmem>>, vector<16xf32>,
          %mul3A_1038 = arith.constant 16 : i32
          %mul3A_1039 = arith.muli %add3A_119, %mul3A_1038 : i32
          %add3A_1040 = arith.constant 8 : i32
          %add3A_1041 = arith.addi %mul3A_1039, %add3A_1040 : i32
          %add3A_1042 = arith.constant 0 : i32
          %add3A_1043 = arith.addi %squeeze3A_144, %add3A_1042 : i32
          %get3A_1044 = arith.index_cast %add3A_1043 : i32 to index
          %get3A_1045 = tpu.vector_load %arg6[%get3A_1044] {strides = array<i32>} : memref<93184xf32, #tpu.memory_space<vmem>>, vector<16xf32>,
          %swap3A_1046 = arith.index_cast %add3A_925 : i32 to index
          %swap3A_1047 = arith.constant 0 : index
          %swap3A_1048 = tpu.vector_load %arg8[%swap3A_1046, %swap3A_1047] {strides = array<i32>} : memref<32x256xf32, #tpu.memory_space<vmem>>, vector<16xf32>,
          tpu.vector_store %arg8[%swap3A_1046, %swap3A_1047], %get3A_929 {strides = array<i32>} : memref<32x256xf32, #tpu.memory_space<vmem>>, vector<16xf32>,
          %add3A_1049 = arith.constant 16 : i32
          %add3A_1050 = arith.addi %squeeze3A_144, %add3A_1049 : i32
          %get3A_1051 = arith.index_cast %add3A_1050 : i32 to index
          %get3A_1052 = tpu.vector_load %arg6[%get3A_1051] {strides = array<i32>} : memref<93184xf32, #tpu.memory_space<vmem>>, vector<16xf32>,
          %swap3A_1053 = arith.index_cast %add3A_925 : i32 to index
          %swap3A_1054 = arith.constant 16 : index
          %swap3A_1055 = tpu.vector_load %arg8[%swap3A_1053, %swap3A_1054] {strides = array<i32>} : memref<32x256xf32, #tpu.memory_space<vmem>>, vector<16xf32>,
          tpu.vector_store %arg8[%swap3A_1053, %swap3A_1054], %get3A_936 {strides = array<i32>} : memref<32x256xf32, #tpu.memory_space<vmem>>, vector<16xf32>,
          %add3A_1056 = arith.constant 32 : i32
          %add3A_1057 = arith.addi %squeeze3A_144, %add3A_1056 : i32
          %get3A_1058 = arith.index_cast %add3A_1057 : i32 to index
          %get3A_1059 = tpu.vector_load %arg6[%get3A_1058] {strides = array<i32>} : memref<93184xf32, #tpu.memory_space<vmem>>, vector<16xf32>,
          %swap3A_1060 = arith.index_cast %add3A_925 : i32 to index
          %swap3A_1061 = arith.constant 32 : index
          %swap3A_1062 = tpu.vector_load %arg8[%swap3A_1060, %swap3A_1061] {strides = array<i32>} : memref<32x256xf32, #tpu.memory_space<vmem>>, vector<16xf32>,
          tpu.vector_store %arg8[%swap3A_1060, %swap3A_1061], %get3A_943 {strides = array<i32>} : memref<32x256xf32, #tpu.memory_space<vmem>>, vector<16xf32>,
          %add3A_1063 = arith.constant 48 : i32
          %add3A_1064 = arith.addi %squeeze3A_144, %add3A_1063 : i32
          %get3A_1065 = arith.index_cast %add3A_1064 : i32 to index
          %get3A_1066 = tpu.vector_load %arg6[%get3A_1065] {strides = array<i32>} : memref<93184xf32, #tpu.memory_space<vmem>>, vector<16xf32>,
          %swap3A_1067 = arith.index_cast %add3A_925 : i32 to index
          %swap3A_1068 = arith.constant 48 : index
          %swap3A_1069 = tpu.vector_load %arg8[%swap3A_1067, %swap3A_1068] {strides = array<i32>} : memref<32x256xf32, #tpu.memory_space<vmem>>, vector<16xf32>,
          tpu.vector_store %arg8[%swap3A_1067, %swap3A_1068], %get3A_950 {strides = array<i32>} : memref<32x256xf32, #tpu.memory_space<vmem>>, vector<16xf32>,
          %add3A_1070 = arith.constant 64 : i32
          %add3A_1071 = arith.addi %squeeze3A_144, %add3A_1070 : i32
          %get3A_1072 = arith.index_cast %add3A_1071 : i32 to index
          %get3A_1073 = tpu.vector_load %arg6[%get3A_1072] {strides = array<i32>} : memref<93184xf32, #tpu.memory_space<vmem>>, vector<16xf32>,
          %swap3A_1074 = arith.index_cast %add3A_925 : i32 to index
          %swap3A_1075 = arith.constant 64 : index
          %swap3A_1076 = tpu.vector_load %arg8[%swap3A_1074, %swap3A_1075] {strides = array<i32>} : memref<32x256xf32, #tpu.memory_space<vmem>>, vector<16xf32>,
          tpu.vector_store %arg8[%swap3A_1074, %swap3A_1075], %get3A_957 {strides = array<i32>} : memref<32x256xf32, #tpu.memory_space<vmem>>, vector<16xf32>,
          %add3A_1077 = arith.constant 80 : i32
          %add3A_1078 = arith.addi %squeeze3A_144, %add3A_1077 : i32
          %get3A_1079 = arith.index_cast %add3A_1078 : i32 to index
          %get3A_1080 = tpu.vector_load %arg6[%get3A_1079] {strides = array<i32>} : memref<93184xf32, #tpu.memory_space<vmem>>, vector<16xf32>,
          %swap3A_1081 = arith.index_cast %add3A_925 : i32 to index
          %swap3A_1082 = arith.constant 80 : index
          %swap3A_1083 = tpu.vector_load %arg8[%swap3A_1081, %swap3A_1082] {strides = array<i32>} : memref<32x256xf32, #tpu.memory_space<vmem>>, vector<16xf32>,
          tpu.vector_store %arg8[%swap3A_1081, %swap3A_1082], %get3A_964 {strides = array<i32>} : memref<32x256xf32, #tpu.memory_space<vmem>>, vector<16xf32>,
          %add3A_1084 = arith.constant 96 : i32
          %add3A_1085 = arith.addi %squeeze3A_144, %add3A_1084 : i32
          %get3A_1086 = arith.index_cast %add3A_1085 : i32 to index
          %get3A_1087 = tpu.vector_load %arg6[%get3A_1086] {strides = array<i32>} : memref<93184xf32, #tpu.memory_space<vmem>>, vector<16xf32>,
          %swap3A_1088 = arith.index_cast %add3A_925 : i32 to index
          %swap3A_1089 = arith.constant 96 : index
          %swap3A_1090 = tpu.vector_load %arg8[%swap3A_1088, %swap3A_1089] {strides = array<i32>} : memref<32x256xf32, #tpu.memory_space<vmem>>, vector<16xf32>,
          tpu.vector_store %arg8[%swap3A_1088, %swap3A_1089], %get3A_971 {strides = array<i32>} : memref<32x256xf32, #tpu.memory_space<vmem>>, vector<16xf32>,
          %add3A_1091 = arith.constant 112 : i32
          %add3A_1092 = arith.addi %squeeze3A_144, %add3A_1091 : i32
          %get3A_1093 = arith.index_cast %add3A_1092 : i32 to index
          %get3A_1094 = tpu.vector_load %arg6[%get3A_1093] {strides = array<i32>} : memref<93184xf32, #tpu.memory_space<vmem>>, vector<16xf32>,
          %swap3A_1095 = arith.index_cast %add3A_925 : i32 to index
          %swap3A_1096 = arith.constant 112 : index
          %swap3A_1097 = tpu.vector_load %arg8[%swap3A_1095, %swap3A_1096] {strides = array<i32>} : memref<32x256xf32, #tpu.memory_space<vmem>>, vector<16xf32>,
          tpu.vector_store %arg8[%swap3A_1095, %swap3A_1096], %get3A_978 {strides = array<i32>} : memref<32x256xf32, #tpu.memory_space<vmem>>, vector<16xf32>,
          %add3A_1098 = arith.constant 128 : i32
          %add3A_1099 = arith.addi %squeeze3A_144, %add3A_1098 : i32
          %get3A_1100 = arith.index_cast %add3A_1099 : i32 to index
          %get3A_1101 = tpu.vector_load %arg6[%get3A_1100] {strides = array<i32>} : memref<93184xf32, #tpu.memory_space<vmem>>, vector<16xf32>,
          %swap3A_1102 = arith.index_cast %add3A_925 : i32 to index
          %swap3A_1103 = arith.constant 128 : index
          %swap3A_1104 = tpu.vector_load %arg8[%swap3A_1102, %swap3A_1103] {strides = array<i32>} : memref<32x256xf32, #tpu.memory_space<vmem>>, vector<16xf32>,
          tpu.vector_store %arg8[%swap3A_1102, %swap3A_1103], %get3A_985 {strides = array<i32>} : memref<32x256xf32, #tpu.memory_space<vmem>>, vector<16xf32>,
          %add3A_1105 = arith.constant 144 : i32
          %add3A_1106 = arith.addi %squeeze3A_144, %add3A_1105 : i32
          %get3A_1107 = arith.index_cast %add3A_1106 : i32 to index
          %get3A_1108 = tpu.vector_load %arg6[%get3A_1107] {strides = array<i32>} : memref<93184xf32, #tpu.memory_space<vmem>>, vector<16xf32>,
          %swap3A_1109 = arith.index_cast %add3A_925 : i32 to index
          %swap3A_1110 = arith.constant 144 : index
          %swap3A_1111 = tpu.vector_load %arg8[%swap3A_1109, %swap3A_1110] {strides = array<i32>} : memref<32x256xf32, #tpu.memory_space<vmem>>, vector<16xf32>,
          tpu.vector_store %arg8[%swap3A_1109, %swap3A_1110], %get3A_992 {strides = array<i32>} : memref<32x256xf32, #tpu.memory_space<vmem>>, vector<16xf32>,
          %add3A_1112 = arith.constant 160 : i32
          %add3A_1113 = arith.addi %squeeze3A_144, %add3A_1112 : i32
          %get3A_1114 = arith.index_cast %add3A_1113 : i32 to index
          %get3A_1115 = tpu.vector_load %arg6[%get3A_1114] {strides = array<i32>} : memref<93184xf32, #tpu.memory_space<vmem>>, vector<16xf32>,
          %swap3A_1116 = arith.index_cast %add3A_925 : i32 to index
          %swap3A_1117 = arith.constant 160 : index
          %swap3A_1118 = tpu.vector_load %arg8[%swap3A_1116, %swap3A_1117] {strides = array<i32>} : memref<32x256xf32, #tpu.memory_space<vmem>>, vector<16xf32>,
          tpu.vector_store %arg8[%swap3A_1116, %swap3A_1117], %get3A_999 {strides = array<i32>} : memref<32x256xf32, #tpu.memory_space<vmem>>, vector<16xf32>,
          %add3A_1119 = arith.constant 176 : i32
          %add3A_1120 = arith.addi %squeeze3A_144, %add3A_1119 : i32
          %get3A_1121 = arith.index_cast %add3A_1120 : i32 to index
          %get3A_1122 = tpu.vector_load %arg6[%get3A_1121] {strides = array<i32>} : memref<93184xf32, #tpu.memory_space<vmem>>, vector<16xf32>,
          %swap3A_1123 = arith.index_cast %add3A_925 : i32 to index
          %swap3A_1124 = arith.constant 176 : index
          %swap3A_1125 = tpu.vector_load %arg8[%swap3A_1123, %swap3A_1124] {strides = array<i32>} : memref<32x256xf32, #tpu.memory_space<vmem>>, vector<16xf32>,
          tpu.vector_store %arg8[%swap3A_1123, %swap3A_1124], %get3A_1006 {strides = array<i32>} : memref<32x256xf32, #tpu.memory_space<vmem>>, vector<16xf32>,
          %add3A_1126 = arith.constant 192 : i32
          %add3A_1127 = arith.addi %squeeze3A_144, %add3A_1126 : i32
          %get3A_1128 = arith.index_cast %add3A_1127 : i32 to index
          %get3A_1129 = tpu.vector_load %arg6[%get3A_1128] {strides = array<i32>} : memref<93184xf32, #tpu.memory_space<vmem>>, vector<16xf32>,
          %swap3A_1130 = arith.index_cast %add3A_925 : i32 to index
          %swap3A_1131 = arith.constant 192 : index
          %swap3A_1132 = tpu.vector_load %arg8[%swap3A_1130, %swap3A_1131] {strides = array<i32>} : memref<32x256xf32, #tpu.memory_space<vmem>>, vector<16xf32>,
          tpu.vector_store %arg8[%swap3A_1130, %swap3A_1131], %get3A_1013 {strides = array<i32>} : memref<32x256xf32, #tpu.memory_space<vmem>>, vector<16xf32>,
          %add3A_1133 = arith.constant 208 : i32
          %add3A_1134 = arith.addi %squeeze3A_144, %add3A_1133 : i32
          %get3A_1135 = arith.index_cast %add3A_1134 : i32 to index
          %get3A_1136 = tpu.vector_load %arg6[%get3A_1135] {strides = array<i32>} : memref<93184xf32, #tpu.memory_space<vmem>>, vector<16xf32>,
          %swap3A_1137 = arith.index_cast %add3A_925 : i32 to index
          %swap3A_1138 = arith.constant 208 : index
          %swap3A_1139 = tpu.vector_load %arg8[%swap3A_1137, %swap3A_1138] {strides = array<i32>} : memref<32x256xf32, #tpu.memory_space<vmem>>, vector<16xf32>,
          tpu.vector_store %arg8[%swap3A_1137, %swap3A_1138], %get3A_1020 {strides = array<i32>} : memref<32x256xf32, #tpu.memory_space<vmem>>, vector<16xf32>,
          %add3A_1140 = arith.constant 224 : i32
          %add3A_1141 = arith.addi %squeeze3A_144, %add3A_1140 : i32
          %get3A_1142 = arith.index_cast %add3A_1141 : i32 to index
          %get3A_1143 = tpu.vector_load %arg6[%get3A_1142] {strides = array<i32>} : memref<93184xf32, #tpu.memory_space<vmem>>, vector<16xf32>,
          %swap3A_1144 = arith.index_cast %add3A_925 : i32 to index
          %swap3A_1145 = arith.constant 224 : index
          %swap3A_1146 = tpu.vector_load %arg8[%swap3A_1144, %swap3A_1145] {strides = array<i32>} : memref<32x256xf32, #tpu.memory_space<vmem>>, vector<16xf32>,
          tpu.vector_store %arg8[%swap3A_1144, %swap3A_1145], %get3A_1027 {strides = array<i32>} : memref<32x256xf32, #tpu.memory_space<vmem>>, vector<16xf32>,
          %add3A_1147 = arith.constant 240 : i32
          %add3A_1148 = arith.addi %squeeze3A_144, %add3A_1147 : i32
          %get3A_1149 = arith.index_cast %add3A_1148 : i32 to index
          %get3A_1150 = tpu.vector_load %arg6[%get3A_1149] {strides = array<i32>} : memref<93184xf32, #tpu.memory_space<vmem>>, vector<16xf32>,
          %swap3A_1151 = arith.index_cast %add3A_925 : i32 to index
          %swap3A_1152 = arith.constant 240 : index
          %swap3A_1153 = tpu.vector_load %arg8[%swap3A_1151, %swap3A_1152] {strides = array<i32>} : memref<32x256xf32, #tpu.memory_space<vmem>>, vector<16xf32>,
          tpu.vector_store %arg8[%swap3A_1151, %swap3A_1152], %get3A_1034 {strides = array<i32>} : memref<32x256xf32, #tpu.memory_space<vmem>>, vector<16xf32>,
          %mul3A_1154 = arith.constant 16 : i32
          %mul3A_1155 = arith.muli %add3A_119, %mul3A_1154 : i32
          %add3A_1156 = arith.constant 9 : i32
          %add3A_1157 = arith.addi %mul3A_1155, %add3A_1156 : i32
          %add3A_1158 = arith.constant 0 : i32
          %add3A_1159 = arith.addi %squeeze3A_146, %add3A_1158 : i32
          %get3A_1160 = arith.index_cast %add3A_1159 : i32 to index
          %get3A_1161 = tpu.vector_load %arg6[%get3A_1160] {strides = array<i32>} : memref<93184xf32, #tpu.memory_space<vmem>>, vector<16xf32>,
          %swap3A_1162 = arith.index_cast %add3A_1041 : i32 to index
          %swap3A_1163 = arith.constant 0 : index
          %swap3A_1164 = tpu.vector_load %arg8[%swap3A_1162, %swap3A_1163] {strides = array<i32>} : memref<32x256xf32, #tpu.memory_space<vmem>>, vector<16xf32>,
          tpu.vector_store %arg8[%swap3A_1162, %swap3A_1163], %get3A_1045 {strides = array<i32>} : memref<32x256xf32, #tpu.memory_space<vmem>>, vector<16xf32>,
          %add3A_1165 = arith.constant 16 : i32
          %add3A_1166 = arith.addi %squeeze3A_146, %add3A_1165 : i32
          %get3A_1167 = arith.index_cast %add3A_1166 : i32 to index
          %get3A_1168 = tpu.vector_load %arg6[%get3A_1167] {strides = array<i32>} : memref<93184xf32, #tpu.memory_space<vmem>>, vector<16xf32>,
          %swap3A_1169 = arith.index_cast %add3A_1041 : i32 to index
          %swap3A_1170 = arith.constant 16 : index
          %swap3A_1171 = tpu.vector_load %arg8[%swap3A_1169, %swap3A_1170] {strides = array<i32>} : memref<32x256xf32, #tpu.memory_space<vmem>>, vector<16xf32>,
          tpu.vector_store %arg8[%swap3A_1169, %swap3A_1170], %get3A_1052 {strides = array<i32>} : memref<32x256xf32, #tpu.memory_space<vmem>>, vector<16xf32>,
          %add3A_1172 = arith.constant 32 : i32
          %add3A_1173 = arith.addi %squeeze3A_146, %add3A_1172 : i32
          %get3A_1174 = arith.index_cast %add3A_1173 : i32 to index
          %get3A_1175 = tpu.vector_load %arg6[%get3A_1174] {strides = array<i32>} : memref<93184xf32, #tpu.memory_space<vmem>>, vector<16xf32>,
          %swap3A_1176 = arith.index_cast %add3A_1041 : i32 to index
          %swap3A_1177 = arith.constant 32 : index
          %swap3A_1178 = tpu.vector_load %arg8[%swap3A_1176, %swap3A_1177] {strides = array<i32>} : memref<32x256xf32, #tpu.memory_space<vmem>>, vector<16xf32>,
          tpu.vector_store %arg8[%swap3A_1176, %swap3A_1177], %get3A_1059 {strides = array<i32>} : memref<32x256xf32, #tpu.memory_space<vmem>>, vector<16xf32>,
          %add3A_1179 = arith.constant 48 : i32
          %add3A_1180 = arith.addi %squeeze3A_146, %add3A_1179 : i32
          %get3A_1181 = arith.index_cast %add3A_1180 : i32 to index
          %get3A_1182 = tpu.vector_load %arg6[%get3A_1181] {strides = array<i32>} : memref<93184xf32, #tpu.memory_space<vmem>>, vector<16xf32>,
          %swap3A_1183 = arith.index_cast %add3A_1041 : i32 to index
          %swap3A_1184 = arith.constant 48 : index
          %swap3A_1185 = tpu.vector_load %arg8[%swap3A_1183, %swap3A_1184] {strides = array<i32>} : memref<32x256xf32, #tpu.memory_space<vmem>>, vector<16xf32>,
          tpu.vector_store %arg8[%swap3A_1183, %swap3A_1184], %get3A_1066 {strides = array<i32>} : memref<32x256xf32, #tpu.memory_space<vmem>>, vector<16xf32>,
          %add3A_1186 = arith.constant 64 : i32
          %add3A_1187 = arith.addi %squeeze3A_146, %add3A_1186 : i32
          %get3A_1188 = arith.index_cast %add3A_1187 : i32 to index
          %get3A_1189 = tpu.vector_load %arg6[%get3A_1188] {strides = array<i32>} : memref<93184xf32, #tpu.memory_space<vmem>>, vector<16xf32>,
          %swap3A_1190 = arith.index_cast %add3A_1041 : i32 to index
          %swap3A_1191 = arith.constant 64 : index
          %swap3A_1192 = tpu.vector_load %arg8[%swap3A_1190, %swap3A_1191] {strides = array<i32>} : memref<32x256xf32, #tpu.memory_space<vmem>>, vector<16xf32>,
          tpu.vector_store %arg8[%swap3A_1190, %swap3A_1191], %get3A_1073 {strides = array<i32>} : memref<32x256xf32, #tpu.memory_space<vmem>>, vector<16xf32>,
          %add3A_1193 = arith.constant 80 : i32
          %add3A_1194 = arith.addi %squeeze3A_146, %add3A_1193 : i32
          %get3A_1195 = arith.index_cast %add3A_1194 : i32 to index
          %get3A_1196 = tpu.vector_load %arg6[%get3A_1195] {strides = array<i32>} : memref<93184xf32, #tpu.memory_space<vmem>>, vector<16xf32>,
          %swap3A_1197 = arith.index_cast %add3A_1041 : i32 to index
          %swap3A_1198 = arith.constant 80 : index
          %swap3A_1199 = tpu.vector_load %arg8[%swap3A_1197, %swap3A_1198] {strides = array<i32>} : memref<32x256xf32, #tpu.memory_space<vmem>>, vector<16xf32>,
          tpu.vector_store %arg8[%swap3A_1197, %swap3A_1198], %get3A_1080 {strides = array<i32>} : memref<32x256xf32, #tpu.memory_space<vmem>>, vector<16xf32>,
          %add3A_1200 = arith.constant 96 : i32
          %add3A_1201 = arith.addi %squeeze3A_146, %add3A_1200 : i32
          %get3A_1202 = arith.index_cast %add3A_1201 : i32 to index
          %get3A_1203 = tpu.vector_load %arg6[%get3A_1202] {strides = array<i32>} : memref<93184xf32, #tpu.memory_space<vmem>>, vector<16xf32>,
          %swap3A_1204 = arith.index_cast %add3A_1041 : i32 to index
          %swap3A_1205 = arith.constant 96 : index
          %swap3A_1206 = tpu.vector_load %arg8[%swap3A_1204, %swap3A_1205] {strides = array<i32>} : memref<32x256xf32, #tpu.memory_space<vmem>>, vector<16xf32>,
          tpu.vector_store %arg8[%swap3A_1204, %swap3A_1205], %get3A_1087 {strides = array<i32>} : memref<32x256xf32, #tpu.memory_space<vmem>>, vector<16xf32>,
          %add3A_1207 = arith.constant 112 : i32
          %add3A_1208 = arith.addi %squeeze3A_146, %add3A_1207 : i32
          %get3A_1209 = arith.index_cast %add3A_1208 : i32 to index
          %get3A_1210 = tpu.vector_load %arg6[%get3A_1209] {strides = array<i32>} : memref<93184xf32, #tpu.memory_space<vmem>>, vector<16xf32>,
          %swap3A_1211 = arith.index_cast %add3A_1041 : i32 to index
          %swap3A_1212 = arith.constant 112 : index
          %swap3A_1213 = tpu.vector_load %arg8[%swap3A_1211, %swap3A_1212] {strides = array<i32>} : memref<32x256xf32, #tpu.memory_space<vmem>>, vector<16xf32>,
          tpu.vector_store %arg8[%swap3A_1211, %swap3A_1212], %get3A_1094 {strides = array<i32>} : memref<32x256xf32, #tpu.memory_space<vmem>>, vector<16xf32>,
          %add3A_1214 = arith.constant 128 : i32
          %add3A_1215 = arith.addi %squeeze3A_146, %add3A_1214 : i32
          %get3A_1216 = arith.index_cast %add3A_1215 : i32 to index
          %get3A_1217 = tpu.vector_load %arg6[%get3A_1216] {strides = array<i32>} : memref<93184xf32, #tpu.memory_space<vmem>>, vector<16xf32>,
          %swap3A_1218 = arith.index_cast %add3A_1041 : i32 to index
          %swap3A_1219 = arith.constant 128 : index
          %swap3A_1220 = tpu.vector_load %arg8[%swap3A_1218, %swap3A_1219] {strides = array<i32>} : memref<32x256xf32, #tpu.memory_space<vmem>>, vector<16xf32>,
          tpu.vector_store %arg8[%swap3A_1218, %swap3A_1219], %get3A_1101 {strides = array<i32>} : memref<32x256xf32, #tpu.memory_space<vmem>>, vector<16xf32>,
          %add3A_1221 = arith.constant 144 : i32
          %add3A_1222 = arith.addi %squeeze3A_146, %add3A_1221 : i32
          %get3A_1223 = arith.index_cast %add3A_1222 : i32 to index
          %get3A_1224 = tpu.vector_load %arg6[%get3A_1223] {strides = array<i32>} : memref<93184xf32, #tpu.memory_space<vmem>>, vector<16xf32>,
          %swap3A_1225 = arith.index_cast %add3A_1041 : i32 to index
          %swap3A_1226 = arith.constant 144 : index
          %swap3A_1227 = tpu.vector_load %arg8[%swap3A_1225, %swap3A_1226] {strides = array<i32>} : memref<32x256xf32, #tpu.memory_space<vmem>>, vector<16xf32>,
          tpu.vector_store %arg8[%swap3A_1225, %swap3A_1226], %get3A_1108 {strides = array<i32>} : memref<32x256xf32, #tpu.memory_space<vmem>>, vector<16xf32>,
          %add3A_1228 = arith.constant 160 : i32
          %add3A_1229 = arith.addi %squeeze3A_146, %add3A_1228 : i32
          %get3A_1230 = arith.index_cast %add3A_1229 : i32 to index
          %get3A_1231 = tpu.vector_load %arg6[%get3A_1230] {strides = array<i32>} : memref<93184xf32, #tpu.memory_space<vmem>>, vector<16xf32>,
          %swap3A_1232 = arith.index_cast %add3A_1041 : i32 to index
          %swap3A_1233 = arith.constant 160 : index
          %swap3A_1234 = tpu.vector_load %arg8[%swap3A_1232, %swap3A_1233] {strides = array<i32>} : memref<32x256xf32, #tpu.memory_space<vmem>>, vector<16xf32>,
          tpu.vector_store %arg8[%swap3A_1232, %swap3A_1233], %get3A_1115 {strides = array<i32>} : memref<32x256xf32, #tpu.memory_space<vmem>>, vector<16xf32>,
          %add3A_1235 = arith.constant 176 : i32
          %add3A_1236 = arith.addi %squeeze3A_146, %add3A_1235 : i32
          %get3A_1237 = arith.index_cast %add3A_1236 : i32 to index
          %get3A_1238 = tpu.vector_load %arg6[%get3A_1237] {strides = array<i32>} : memref<93184xf32, #tpu.memory_space<vmem>>, vector<16xf32>,
          %swap3A_1239 = arith.index_cast %add3A_1041 : i32 to index
          %swap3A_1240 = arith.constant 176 : index
          %swap3A_1241 = tpu.vector_load %arg8[%swap3A_1239, %swap3A_1240] {strides = array<i32>} : memref<32x256xf32, #tpu.memory_space<vmem>>, vector<16xf32>,
          tpu.vector_store %arg8[%swap3A_1239, %swap3A_1240], %get3A_1122 {strides = array<i32>} : memref<32x256xf32, #tpu.memory_space<vmem>>, vector<16xf32>,
          %add3A_1242 = arith.constant 192 : i32
          %add3A_1243 = arith.addi %squeeze3A_146, %add3A_1242 : i32
          %get3A_1244 = arith.index_cast %add3A_1243 : i32 to index
          %get3A_1245 = tpu.vector_load %arg6[%get3A_1244] {strides = array<i32>} : memref<93184xf32, #tpu.memory_space<vmem>>, vector<16xf32>,
          %swap3A_1246 = arith.index_cast %add3A_1041 : i32 to index
          %swap3A_1247 = arith.constant 192 : index
          %swap3A_1248 = tpu.vector_load %arg8[%swap3A_1246, %swap3A_1247] {strides = array<i32>} : memref<32x256xf32, #tpu.memory_space<vmem>>, vector<16xf32>,
          tpu.vector_store %arg8[%swap3A_1246, %swap3A_1247], %get3A_1129 {strides = array<i32>} : memref<32x256xf32, #tpu.memory_space<vmem>>, vector<16xf32>,
          %add3A_1249 = arith.constant 208 : i32
          %add3A_1250 = arith.addi %squeeze3A_146, %add3A_1249 : i32
          %get3A_1251 = arith.index_cast %add3A_1250 : i32 to index
          %get3A_1252 = tpu.vector_load %arg6[%get3A_1251] {strides = array<i32>} : memref<93184xf32, #tpu.memory_space<vmem>>, vector<16xf32>,
          %swap3A_1253 = arith.index_cast %add3A_1041 : i32 to index
          %swap3A_1254 = arith.constant 208 : index
          %swap3A_1255 = tpu.vector_load %arg8[%swap3A_1253, %swap3A_1254] {strides = array<i32>} : memref<32x256xf32, #tpu.memory_space<vmem>>, vector<16xf32>,
          tpu.vector_store %arg8[%swap3A_1253, %swap3A_1254], %get3A_1136 {strides = array<i32>} : memref<32x256xf32, #tpu.memory_space<vmem>>, vector<16xf32>,
          %add3A_1256 = arith.constant 224 : i32
          %add3A_1257 = arith.addi %squeeze3A_146, %add3A_1256 : i32
          %get3A_1258 = arith.index_cast %add3A_1257 : i32 to index
          %get3A_1259 = tpu.vector_load %arg6[%get3A_1258] {strides = array<i32>} : memref<93184xf32, #tpu.memory_space<vmem>>, vector<16xf32>,
          %swap3A_1260 = arith.index_cast %add3A_1041 : i32 to index
          %swap3A_1261 = arith.constant 224 : index
          %swap3A_1262 = tpu.vector_load %arg8[%swap3A_1260, %swap3A_1261] {strides = array<i32>} : memref<32x256xf32, #tpu.memory_space<vmem>>, vector<16xf32>,
          tpu.vector_store %arg8[%swap3A_1260, %swap3A_1261], %get3A_1143 {strides = array<i32>} : memref<32x256xf32, #tpu.memory_space<vmem>>, vector<16xf32>,
          %add3A_1263 = arith.constant 240 : i32
          %add3A_1264 = arith.addi %squeeze3A_146, %add3A_1263 : i32
          %get3A_1265 = arith.index_cast %add3A_1264 : i32 to index
          %get3A_1266 = tpu.vector_load %arg6[%get3A_1265] {strides = array<i32>} : memref<93184xf32, #tpu.memory_space<vmem>>, vector<16xf32>,
          %swap3A_1267 = arith.index_cast %add3A_1041 : i32 to index
          %swap3A_1268 = arith.constant 240 : index
          %swap3A_1269 = tpu.vector_load %arg8[%swap3A_1267, %swap3A_1268] {strides = array<i32>} : memref<32x256xf32, #tpu.memory_space<vmem>>, vector<16xf32>,
          tpu.vector_store %arg8[%swap3A_1267, %swap3A_1268], %get3A_1150 {strides = array<i32>} : memref<32x256xf32, #tpu.memory_space<vmem>>, vector<16xf32>,
          %mul3A_1270 = arith.constant 16 : i32
          %mul3A_1271 = arith.muli %add3A_119, %mul3A_1270 : i32
          %add3A_1272 = arith.constant 10 : i32
          %add3A_1273 = arith.addi %mul3A_1271, %add3A_1272 : i32
          %add3A_1274 = arith.constant 0 : i32
          %add3A_1275 = arith.addi %squeeze3A_148, %add3A_1274 : i32
          %get3A_1276 = arith.index_cast %add3A_1275 : i32 to index
          %get3A_1277 = tpu.vector_load %arg6[%get3A_1276] {strides = array<i32>} : memref<93184xf32, #tpu.memory_space<vmem>>, vector<16xf32>,
          %swap3A_1278 = arith.index_cast %add3A_1157 : i32 to index
          %swap3A_1279 = arith.constant 0 : index
          %swap3A_1280 = tpu.vector_load %arg8[%swap3A_1278, %swap3A_1279] {strides = array<i32>} : memref<32x256xf32, #tpu.memory_space<vmem>>, vector<16xf32>,
          tpu.vector_store %arg8[%swap3A_1278, %swap3A_1279], %get3A_1161 {strides = array<i32>} : memref<32x256xf32, #tpu.memory_space<vmem>>, vector<16xf32>,
          %add3A_1281 = arith.constant 16 : i32
          %add3A_1282 = arith.addi %squeeze3A_148, %add3A_1281 : i32
          %get3A_1283 = arith.index_cast %add3A_1282 : i32 to index
          %get3A_1284 = tpu.vector_load %arg6[%get3A_1283] {strides = array<i32>} : memref<93184xf32, #tpu.memory_space<vmem>>, vector<16xf32>,
          %swap3A_1285 = arith.index_cast %add3A_1157 : i32 to index
          %swap3A_1286 = arith.constant 16 : index
          %swap3A_1287 = tpu.vector_load %arg8[%swap3A_1285, %swap3A_1286] {strides = array<i32>} : memref<32x256xf32, #tpu.memory_space<vmem>>, vector<16xf32>,
          tpu.vector_store %arg8[%swap3A_1285, %swap3A_1286], %get3A_1168 {strides = array<i32>} : memref<32x256xf32, #tpu.memory_space<vmem>>, vector<16xf32>,
          %add3A_1288 = arith.constant 32 : i32
          %add3A_1289 = arith.addi %squeeze3A_148, %add3A_1288 : i32
          %get3A_1290 = arith.index_cast %add3A_1289 : i32 to index
          %get3A_1291 = tpu.vector_load %arg6[%get3A_1290] {strides = array<i32>} : memref<93184xf32, #tpu.memory_space<vmem>>, vector<16xf32>,
          %swap3A_1292 = arith.index_cast %add3A_1157 : i32 to index
          %swap3A_1293 = arith.constant 32 : index
          %swap3A_1294 = tpu.vector_load %arg8[%swap3A_1292, %swap3A_1293] {strides = array<i32>} : memref<32x256xf32, #tpu.memory_space<vmem>>, vector<16xf32>,
          tpu.vector_store %arg8[%swap3A_1292, %swap3A_1293], %get3A_1175 {strides = array<i32>} : memref<32x256xf32, #tpu.memory_space<vmem>>, vector<16xf32>,
          %add3A_1295 = arith.constant 48 : i32
          %add3A_1296 = arith.addi %squeeze3A_148, %add3A_1295 : i32
          %get3A_1297 = arith.index_cast %add3A_1296 : i32 to index
          %get3A_1298 = tpu.vector_load %arg6[%get3A_1297] {strides = array<i32>} : memref<93184xf32, #tpu.memory_space<vmem>>, vector<16xf32>,
          %swap3A_1299 = arith.index_cast %add3A_1157 : i32 to index
          %swap3A_1300 = arith.constant 48 : index
          %swap3A_1301 = tpu.vector_load %arg8[%swap3A_1299, %swap3A_1300] {strides = array<i32>} : memref<32x256xf32, #tpu.memory_space<vmem>>, vector<16xf32>,
          tpu.vector_store %arg8[%swap3A_1299, %swap3A_1300], %get3A_1182 {strides = array<i32>} : memref<32x256xf32, #tpu.memory_space<vmem>>, vector<16xf32>,
          %add3A_1302 = arith.constant 64 : i32
          %add3A_1303 = arith.addi %squeeze3A_148, %add3A_1302 : i32
          %get3A_1304 = arith.index_cast %add3A_1303 : i32 to index
          %get3A_1305 = tpu.vector_load %arg6[%get3A_1304] {strides = array<i32>} : memref<93184xf32, #tpu.memory_space<vmem>>, vector<16xf32>,
          %swap3A_1306 = arith.index_cast %add3A_1157 : i32 to index
          %swap3A_1307 = arith.constant 64 : index
          %swap3A_1308 = tpu.vector_load %arg8[%swap3A_1306, %swap3A_1307] {strides = array<i32>} : memref<32x256xf32, #tpu.memory_space<vmem>>, vector<16xf32>,
          tpu.vector_store %arg8[%swap3A_1306, %swap3A_1307], %get3A_1189 {strides = array<i32>} : memref<32x256xf32, #tpu.memory_space<vmem>>, vector<16xf32>,
          %add3A_1309 = arith.constant 80 : i32
          %add3A_1310 = arith.addi %squeeze3A_148, %add3A_1309 : i32
          %get3A_1311 = arith.index_cast %add3A_1310 : i32 to index
          %get3A_1312 = tpu.vector_load %arg6[%get3A_1311] {strides = array<i32>} : memref<93184xf32, #tpu.memory_space<vmem>>, vector<16xf32>,
          %swap3A_1313 = arith.index_cast %add3A_1157 : i32 to index
          %swap3A_1314 = arith.constant 80 : index
          %swap3A_1315 = tpu.vector_load %arg8[%swap3A_1313, %swap3A_1314] {strides = array<i32>} : memref<32x256xf32, #tpu.memory_space<vmem>>, vector<16xf32>,
          tpu.vector_store %arg8[%swap3A_1313, %swap3A_1314], %get3A_1196 {strides = array<i32>} : memref<32x256xf32, #tpu.memory_space<vmem>>, vector<16xf32>,
          %add3A_1316 = arith.constant 96 : i32
          %add3A_1317 = arith.addi %squeeze3A_148, %add3A_1316 : i32
          %get3A_1318 = arith.index_cast %add3A_1317 : i32 to index
          %get3A_1319 = tpu.vector_load %arg6[%get3A_1318] {strides = array<i32>} : memref<93184xf32, #tpu.memory_space<vmem>>, vector<16xf32>,
          %swap3A_1320 = arith.index_cast %add3A_1157 : i32 to index
          %swap3A_1321 = arith.constant 96 : index
          %swap3A_1322 = tpu.vector_load %arg8[%swap3A_1320, %swap3A_1321] {strides = array<i32>} : memref<32x256xf32, #tpu.memory_space<vmem>>, vector<16xf32>,
          tpu.vector_store %arg8[%swap3A_1320, %swap3A_1321], %get3A_1203 {strides = array<i32>} : memref<32x256xf32, #tpu.memory_space<vmem>>, vector<16xf32>,
          %add3A_1323 = arith.constant 112 : i32
          %add3A_1324 = arith.addi %squeeze3A_148, %add3A_1323 : i32
          %get3A_1325 = arith.index_cast %add3A_1324 : i32 to index
          %get3A_1326 = tpu.vector_load %arg6[%get3A_1325] {strides = array<i32>} : memref<93184xf32, #tpu.memory_space<vmem>>, vector<16xf32>,
          %swap3A_1327 = arith.index_cast %add3A_1157 : i32 to index
          %swap3A_1328 = arith.constant 112 : index
          %swap3A_1329 = tpu.vector_load %arg8[%swap3A_1327, %swap3A_1328] {strides = array<i32>} : memref<32x256xf32, #tpu.memory_space<vmem>>, vector<16xf32>,
          tpu.vector_store %arg8[%swap3A_1327, %swap3A_1328], %get3A_1210 {strides = array<i32>} : memref<32x256xf32, #tpu.memory_space<vmem>>, vector<16xf32>,
          %add3A_1330 = arith.constant 128 : i32
          %add3A_1331 = arith.addi %squeeze3A_148, %add3A_1330 : i32
          %get3A_1332 = arith.index_cast %add3A_1331 : i32 to index
          %get3A_1333 = tpu.vector_load %arg6[%get3A_1332] {strides = array<i32>} : memref<93184xf32, #tpu.memory_space<vmem>>, vector<16xf32>,
          %swap3A_1334 = arith.index_cast %add3A_1157 : i32 to index
          %swap3A_1335 = arith.constant 128 : index
          %swap3A_1336 = tpu.vector_load %arg8[%swap3A_1334, %swap3A_1335] {strides = array<i32>} : memref<32x256xf32, #tpu.memory_space<vmem>>, vector<16xf32>,
          tpu.vector_store %arg8[%swap3A_1334, %swap3A_1335], %get3A_1217 {strides = array<i32>} : memref<32x256xf32, #tpu.memory_space<vmem>>, vector<16xf32>,
          %add3A_1337 = arith.constant 144 : i32
          %add3A_1338 = arith.addi %squeeze3A_148, %add3A_1337 : i32
          %get3A_1339 = arith.index_cast %add3A_1338 : i32 to index
          %get3A_1340 = tpu.vector_load %arg6[%get3A_1339] {strides = array<i32>} : memref<93184xf32, #tpu.memory_space<vmem>>, vector<16xf32>,
          %swap3A_1341 = arith.index_cast %add3A_1157 : i32 to index
          %swap3A_1342 = arith.constant 144 : index
          %swap3A_1343 = tpu.vector_load %arg8[%swap3A_1341, %swap3A_1342] {strides = array<i32>} : memref<32x256xf32, #tpu.memory_space<vmem>>, vector<16xf32>,
          tpu.vector_store %arg8[%swap3A_1341, %swap3A_1342], %get3A_1224 {strides = array<i32>} : memref<32x256xf32, #tpu.memory_space<vmem>>, vector<16xf32>,
          %add3A_1344 = arith.constant 160 : i32
          %add3A_1345 = arith.addi %squeeze3A_148, %add3A_1344 : i32
          %get3A_1346 = arith.index_cast %add3A_1345 : i32 to index
          %get3A_1347 = tpu.vector_load %arg6[%get3A_1346] {strides = array<i32>} : memref<93184xf32, #tpu.memory_space<vmem>>, vector<16xf32>,
          %swap3A_1348 = arith.index_cast %add3A_1157 : i32 to index
          %swap3A_1349 = arith.constant 160 : index
          %swap3A_1350 = tpu.vector_load %arg8[%swap3A_1348, %swap3A_1349] {strides = array<i32>} : memref<32x256xf32, #tpu.memory_space<vmem>>, vector<16xf32>,
          tpu.vector_store %arg8[%swap3A_1348, %swap3A_1349], %get3A_1231 {strides = array<i32>} : memref<32x256xf32, #tpu.memory_space<vmem>>, vector<16xf32>,
          %add3A_1351 = arith.constant 176 : i32
          %add3A_1352 = arith.addi %squeeze3A_148, %add3A_1351 : i32
          %get3A_1353 = arith.index_cast %add3A_1352 : i32 to index
          %get3A_1354 = tpu.vector_load %arg6[%get3A_1353] {strides = array<i32>} : memref<93184xf32, #tpu.memory_space<vmem>>, vector<16xf32>,
          %swap3A_1355 = arith.index_cast %add3A_1157 : i32 to index
          %swap3A_1356 = arith.constant 176 : index
          %swap3A_1357 = tpu.vector_load %arg8[%swap3A_1355, %swap3A_1356] {strides = array<i32>} : memref<32x256xf32, #tpu.memory_space<vmem>>, vector<16xf32>,
          tpu.vector_store %arg8[%swap3A_1355, %swap3A_1356], %get3A_1238 {strides = array<i32>} : memref<32x256xf32, #tpu.memory_space<vmem>>, vector<16xf32>,
          %add3A_1358 = arith.constant 192 : i32
          %add3A_1359 = arith.addi %squeeze3A_148, %add3A_1358 : i32
          %get3A_1360 = arith.index_cast %add3A_1359 : i32 to index
          %get3A_1361 = tpu.vector_load %arg6[%get3A_1360] {strides = array<i32>} : memref<93184xf32, #tpu.memory_space<vmem>>, vector<16xf32>,
          %swap3A_1362 = arith.index_cast %add3A_1157 : i32 to index
          %swap3A_1363 = arith.constant 192 : index
          %swap3A_1364 = tpu.vector_load %arg8[%swap3A_1362, %swap3A_1363] {strides = array<i32>} : memref<32x256xf32, #tpu.memory_space<vmem>>, vector<16xf32>,
          tpu.vector_store %arg8[%swap3A_1362, %swap3A_1363], %get3A_1245 {strides = array<i32>} : memref<32x256xf32, #tpu.memory_space<vmem>>, vector<16xf32>,
          %add3A_1365 = arith.constant 208 : i32
          %add3A_1366 = arith.addi %squeeze3A_148, %add3A_1365 : i32
          %get3A_1367 = arith.index_cast %add3A_1366 : i32 to index
          %get3A_1368 = tpu.vector_load %arg6[%get3A_1367] {strides = array<i32>} : memref<93184xf32, #tpu.memory_space<vmem>>, vector<16xf32>,
          %swap3A_1369 = arith.index_cast %add3A_1157 : i32 to index
          %swap3A_1370 = arith.constant 208 : index
          %swap3A_1371 = tpu.vector_load %arg8[%swap3A_1369, %swap3A_1370] {strides = array<i32>} : memref<32x256xf32, #tpu.memory_space<vmem>>, vector<16xf32>,
          tpu.vector_store %arg8[%swap3A_1369, %swap3A_1370], %get3A_1252 {strides = array<i32>} : memref<32x256xf32, #tpu.memory_space<vmem>>, vector<16xf32>,
          %add3A_1372 = arith.constant 224 : i32
          %add3A_1373 = arith.addi %squeeze3A_148, %add3A_1372 : i32
          %get3A_1374 = arith.index_cast %add3A_1373 : i32 to index
          %get3A_1375 = tpu.vector_load %arg6[%get3A_1374] {strides = array<i32>} : memref<93184xf32, #tpu.memory_space<vmem>>, vector<16xf32>,
          %swap3A_1376 = arith.index_cast %add3A_1157 : i32 to index
          %swap3A_1377 = arith.constant 224 : index
          %swap3A_1378 = tpu.vector_load %arg8[%swap3A_1376, %swap3A_1377] {strides = array<i32>} : memref<32x256xf32, #tpu.memory_space<vmem>>, vector<16xf32>,
          tpu.vector_store %arg8[%swap3A_1376, %swap3A_1377], %get3A_1259 {strides = array<i32>} : memref<32x256xf32, #tpu.memory_space<vmem>>, vector<16xf32>,
          %add3A_1379 = arith.constant 240 : i32
          %add3A_1380 = arith.addi %squeeze3A_148, %add3A_1379 : i32
          %get3A_1381 = arith.index_cast %add3A_1380 : i32 to index
          %get3A_1382 = tpu.vector_load %arg6[%get3A_1381] {strides = array<i32>} : memref<93184xf32, #tpu.memory_space<vmem>>, vector<16xf32>,
          %swap3A_1383 = arith.index_cast %add3A_1157 : i32 to index
          %swap3A_1384 = arith.constant 240 : index
          %swap3A_1385 = tpu.vector_load %arg8[%swap3A_1383, %swap3A_1384] {strides = array<i32>} : memref<32x256xf32, #tpu.memory_space<vmem>>, vector<16xf32>,
          tpu.vector_store %arg8[%swap3A_1383, %swap3A_1384], %get3A_1266 {strides = array<i32>} : memref<32x256xf32, #tpu.memory_space<vmem>>, vector<16xf32>,
          %mul3A_1386 = arith.constant 16 : i32
          %mul3A_1387 = arith.muli %add3A_119, %mul3A_1386 : i32
          %add3A_1388 = arith.constant 11 : i32
          %add3A_1389 = arith.addi %mul3A_1387, %add3A_1388 : i32
          %add3A_1390 = arith.constant 0 : i32
          %add3A_1391 = arith.addi %squeeze3A_150, %add3A_1390 : i32
          %get3A_1392 = arith.index_cast %add3A_1391 : i32 to index
          %get3A_1393 = tpu.vector_load %arg6[%get3A_1392] {strides = array<i32>} : memref<93184xf32, #tpu.memory_space<vmem>>, vector<16xf32>,
          %swap3A_1394 = arith.index_cast %add3A_1273 : i32 to index
          %swap3A_1395 = arith.constant 0 : index
          %swap3A_1396 = tpu.vector_load %arg8[%swap3A_1394, %swap3A_1395] {strides = array<i32>} : memref<32x256xf32, #tpu.memory_space<vmem>>, vector<16xf32>,
          tpu.vector_store %arg8[%swap3A_1394, %swap3A_1395], %get3A_1277 {strides = array<i32>} : memref<32x256xf32, #tpu.memory_space<vmem>>, vector<16xf32>,
          %add3A_1397 = arith.constant 16 : i32
          %add3A_1398 = arith.addi %squeeze3A_150, %add3A_1397 : i32
          %get3A_1399 = arith.index_cast %add3A_1398 : i32 to index
          %get3A_1400 = tpu.vector_load %arg6[%get3A_1399] {strides = array<i32>} : memref<93184xf32, #tpu.memory_space<vmem>>, vector<16xf32>,
          %swap3A_1401 = arith.index_cast %add3A_1273 : i32 to index
          %swap3A_1402 = arith.constant 16 : index
          %swap3A_1403 = tpu.vector_load %arg8[%swap3A_1401, %swap3A_1402] {strides = array<i32>} : memref<32x256xf32, #tpu.memory_space<vmem>>, vector<16xf32>,
          tpu.vector_store %arg8[%swap3A_1401, %swap3A_1402], %get3A_1284 {strides = array<i32>} : memref<32x256xf32, #tpu.memory_space<vmem>>, vector<16xf32>,
          %add3A_1404 = arith.constant 32 : i32
          %add3A_1405 = arith.addi %squeeze3A_150, %add3A_1404 : i32
          %get3A_1406 = arith.index_cast %add3A_1405 : i32 to index
          %get3A_1407 = tpu.vector_load %arg6[%get3A_1406] {strides = array<i32>} : memref<93184xf32, #tpu.memory_space<vmem>>, vector<16xf32>,
          %swap3A_1408 = arith.index_cast %add3A_1273 : i32 to index
          %swap3A_1409 = arith.constant 32 : index
          %swap3A_1410 = tpu.vector_load %arg8[%swap3A_1408, %swap3A_1409] {strides = array<i32>} : memref<32x256xf32, #tpu.memory_space<vmem>>, vector<16xf32>,
          tpu.vector_store %arg8[%swap3A_1408, %swap3A_1409], %get3A_1291 {strides = array<i32>} : memref<32x256xf32, #tpu.memory_space<vmem>>, vector<16xf32>,
          %add3A_1411 = arith.constant 48 : i32
          %add3A_1412 = arith.addi %squeeze3A_150, %add3A_1411 : i32
          %get3A_1413 = arith.index_cast %add3A_1412 : i32 to index
          %get3A_1414 = tpu.vector_load %arg6[%get3A_1413] {strides = array<i32>} : memref<93184xf32, #tpu.memory_space<vmem>>, vector<16xf32>,
          %swap3A_1415 = arith.index_cast %add3A_1273 : i32 to index
          %swap3A_1416 = arith.constant 48 : index
          %swap3A_1417 = tpu.vector_load %arg8[%swap3A_1415, %swap3A_1416] {strides = array<i32>} : memref<32x256xf32, #tpu.memory_space<vmem>>, vector<16xf32>,
          tpu.vector_store %arg8[%swap3A_1415, %swap3A_1416], %get3A_1298 {strides = array<i32>} : memref<32x256xf32, #tpu.memory_space<vmem>>, vector<16xf32>,
          %add3A_1418 = arith.constant 64 : i32
          %add3A_1419 = arith.addi %squeeze3A_150, %add3A_1418 : i32
          %get3A_1420 = arith.index_cast %add3A_1419 : i32 to index
          %get3A_1421 = tpu.vector_load %arg6[%get3A_1420] {strides = array<i32>} : memref<93184xf32, #tpu.memory_space<vmem>>, vector<16xf32>,
          %swap3A_1422 = arith.index_cast %add3A_1273 : i32 to index
          %swap3A_1423 = arith.constant 64 : index
          %swap3A_1424 = tpu.vector_load %arg8[%swap3A_1422, %swap3A_1423] {strides = array<i32>} : memref<32x256xf32, #tpu.memory_space<vmem>>, vector<16xf32>,
          tpu.vector_store %arg8[%swap3A_1422, %swap3A_1423], %get3A_1305 {strides = array<i32>} : memref<32x256xf32, #tpu.memory_space<vmem>>, vector<16xf32>,
          %add3A_1425 = arith.constant 80 : i32
          %add3A_1426 = arith.addi %squeeze3A_150, %add3A_1425 : i32
          %get3A_1427 = arith.index_cast %add3A_1426 : i32 to index
          %get3A_1428 = tpu.vector_load %arg6[%get3A_1427] {strides = array<i32>} : memref<93184xf32, #tpu.memory_space<vmem>>, vector<16xf32>,
          %swap3A_1429 = arith.index_cast %add3A_1273 : i32 to index
          %swap3A_1430 = arith.constant 80 : index
          %swap3A_1431 = tpu.vector_load %arg8[%swap3A_1429, %swap3A_1430] {strides = array<i32>} : memref<32x256xf32, #tpu.memory_space<vmem>>, vector<16xf32>,
          tpu.vector_store %arg8[%swap3A_1429, %swap3A_1430], %get3A_1312 {strides = array<i32>} : memref<32x256xf32, #tpu.memory_space<vmem>>, vector<16xf32>,
          %add3A_1432 = arith.constant 96 : i32
          %add3A_1433 = arith.addi %squeeze3A_150, %add3A_1432 : i32
          %get3A_1434 = arith.index_cast %add3A_1433 : i32 to index
          %get3A_1435 = tpu.vector_load %arg6[%get3A_1434] {strides = array<i32>} : memref<93184xf32, #tpu.memory_space<vmem>>, vector<16xf32>,
          %swap3A_1436 = arith.index_cast %add3A_1273 : i32 to index
          %swap3A_1437 = arith.constant 96 : index
          %swap3A_1438 = tpu.vector_load %arg8[%swap3A_1436, %swap3A_1437] {strides = array<i32>} : memref<32x256xf32, #tpu.memory_space<vmem>>, vector<16xf32>,
          tpu.vector_store %arg8[%swap3A_1436, %swap3A_1437], %get3A_1319 {strides = array<i32>} : memref<32x256xf32, #tpu.memory_space<vmem>>, vector<16xf32>,
          %add3A_1439 = arith.constant 112 : i32
          %add3A_1440 = arith.addi %squeeze3A_150, %add3A_1439 : i32
          %get3A_1441 = arith.index_cast %add3A_1440 : i32 to index
          %get3A_1442 = tpu.vector_load %arg6[%get3A_1441] {strides = array<i32>} : memref<93184xf32, #tpu.memory_space<vmem>>, vector<16xf32>,
          %swap3A_1443 = arith.index_cast %add3A_1273 : i32 to index
          %swap3A_1444 = arith.constant 112 : index
          %swap3A_1445 = tpu.vector_load %arg8[%swap3A_1443, %swap3A_1444] {strides = array<i32>} : memref<32x256xf32, #tpu.memory_space<vmem>>, vector<16xf32>,
          tpu.vector_store %arg8[%swap3A_1443, %swap3A_1444], %get3A_1326 {strides = array<i32>} : memref<32x256xf32, #tpu.memory_space<vmem>>, vector<16xf32>,
          %add3A_1446 = arith.constant 128 : i32
          %add3A_1447 = arith.addi %squeeze3A_150, %add3A_1446 : i32
          %get3A_1448 = arith.index_cast %add3A_1447 : i32 to index
          %get3A_1449 = tpu.vector_load %arg6[%get3A_1448] {strides = array<i32>} : memref<93184xf32, #tpu.memory_space<vmem>>, vector<16xf32>,
          %swap3A_1450 = arith.index_cast %add3A_1273 : i32 to index
          %swap3A_1451 = arith.constant 128 : index
          %swap3A_1452 = tpu.vector_load %arg8[%swap3A_1450, %swap3A_1451] {strides = array<i32>} : memref<32x256xf32, #tpu.memory_space<vmem>>, vector<16xf32>,
          tpu.vector_store %arg8[%swap3A_1450, %swap3A_1451], %get3A_1333 {strides = array<i32>} : memref<32x256xf32, #tpu.memory_space<vmem>>, vector<16xf32>,
          %add3A_1453 = arith.constant 144 : i32
          %add3A_1454 = arith.addi %squeeze3A_150, %add3A_1453 : i32
          %get3A_1455 = arith.index_cast %add3A_1454 : i32 to index
          %get3A_1456 = tpu.vector_load %arg6[%get3A_1455] {strides = array<i32>} : memref<93184xf32, #tpu.memory_space<vmem>>, vector<16xf32>,
          %swap3A_1457 = arith.index_cast %add3A_1273 : i32 to index
          %swap3A_1458 = arith.constant 144 : index
          %swap3A_1459 = tpu.vector_load %arg8[%swap3A_1457, %swap3A_1458] {strides = array<i32>} : memref<32x256xf32, #tpu.memory_space<vmem>>, vector<16xf32>,
          tpu.vector_store %arg8[%swap3A_1457, %swap3A_1458], %get3A_1340 {strides = array<i32>} : memref<32x256xf32, #tpu.memory_space<vmem>>, vector<16xf32>,
          %add3A_1460 = arith.constant 160 : i32
          %add3A_1461 = arith.addi %squeeze3A_150, %add3A_1460 : i32
          %get3A_1462 = arith.index_cast %add3A_1461 : i32 to index
          %get3A_1463 = tpu.vector_load %arg6[%get3A_1462] {strides = array<i32>} : memref<93184xf32, #tpu.memory_space<vmem>>, vector<16xf32>,
          %swap3A_1464 = arith.index_cast %add3A_1273 : i32 to index
          %swap3A_1465 = arith.constant 160 : index
          %swap3A_1466 = tpu.vector_load %arg8[%swap3A_1464, %swap3A_1465] {strides = array<i32>} : memref<32x256xf32, #tpu.memory_space<vmem>>, vector<16xf32>,
          tpu.vector_store %arg8[%swap3A_1464, %swap3A_1465], %get3A_1347 {strides = array<i32>} : memref<32x256xf32, #tpu.memory_space<vmem>>, vector<16xf32>,
          %add3A_1467 = arith.constant 176 : i32
          %add3A_1468 = arith.addi %squeeze3A_150, %add3A_1467 : i32
          %get3A_1469 = arith.index_cast %add3A_1468 : i32 to index
          %get3A_1470 = tpu.vector_load %arg6[%get3A_1469] {strides = array<i32>} : memref<93184xf32, #tpu.memory_space<vmem>>, vector<16xf32>,
          %swap3A_1471 = arith.index_cast %add3A_1273 : i32 to index
          %swap3A_1472 = arith.constant 176 : index
          %swap3A_1473 = tpu.vector_load %arg8[%swap3A_1471, %swap3A_1472] {strides = array<i32>} : memref<32x256xf32, #tpu.memory_space<vmem>>, vector<16xf32>,
          tpu.vector_store %arg8[%swap3A_1471, %swap3A_1472], %get3A_1354 {strides = array<i32>} : memref<32x256xf32, #tpu.memory_space<vmem>>, vector<16xf32>,
          %add3A_1474 = arith.constant 192 : i32
          %add3A_1475 = arith.addi %squeeze3A_150, %add3A_1474 : i32
          %get3A_1476 = arith.index_cast %add3A_1475 : i32 to index
          %get3A_1477 = tpu.vector_load %arg6[%get3A_1476] {strides = array<i32>} : memref<93184xf32, #tpu.memory_space<vmem>>, vector<16xf32>,
          %swap3A_1478 = arith.index_cast %add3A_1273 : i32 to index
          %swap3A_1479 = arith.constant 192 : index
          %swap3A_1480 = tpu.vector_load %arg8[%swap3A_1478, %swap3A_1479] {strides = array<i32>} : memref<32x256xf32, #tpu.memory_space<vmem>>, vector<16xf32>,
          tpu.vector_store %arg8[%swap3A_1478, %swap3A_1479], %get3A_1361 {strides = array<i32>} : memref<32x256xf32, #tpu.memory_space<vmem>>, vector<16xf32>,
          %add3A_1481 = arith.constant 208 : i32
          %add3A_1482 = arith.addi %squeeze3A_150, %add3A_1481 : i32
          %get3A_1483 = arith.index_cast %add3A_1482 : i32 to index
          %get3A_1484 = tpu.vector_load %arg6[%get3A_1483] {strides = array<i32>} : memref<93184xf32, #tpu.memory_space<vmem>>, vector<16xf32>,
          %swap3A_1485 = arith.index_cast %add3A_1273 : i32 to index
          %swap3A_1486 = arith.constant 208 : index
          %swap3A_1487 = tpu.vector_load %arg8[%swap3A_1485, %swap3A_1486] {strides = array<i32>} : memref<32x256xf32, #tpu.memory_space<vmem>>, vector<16xf32>,
          tpu.vector_store %arg8[%swap3A_1485, %swap3A_1486], %get3A_1368 {strides = array<i32>} : memref<32x256xf32, #tpu.memory_space<vmem>>, vector<16xf32>,
          %add3A_1488 = arith.constant 224 : i32
          %add3A_1489 = arith.addi %squeeze3A_150, %add3A_1488 : i32
          %get3A_1490 = arith.index_cast %add3A_1489 : i32 to index
          %get3A_1491 = tpu.vector_load %arg6[%get3A_1490] {strides = array<i32>} : memref<93184xf32, #tpu.memory_space<vmem>>, vector<16xf32>,
          %swap3A_1492 = arith.index_cast %add3A_1273 : i32 to index
          %swap3A_1493 = arith.constant 224 : index
          %swap3A_1494 = tpu.vector_load %arg8[%swap3A_1492, %swap3A_1493] {strides = array<i32>} : memref<32x256xf32, #tpu.memory_space<vmem>>, vector<16xf32>,
          tpu.vector_store %arg8[%swap3A_1492, %swap3A_1493], %get3A_1375 {strides = array<i32>} : memref<32x256xf32, #tpu.memory_space<vmem>>, vector<16xf32>,
          %add3A_1495 = arith.constant 240 : i32
          %add3A_1496 = arith.addi %squeeze3A_150, %add3A_1495 : i32
          %get3A_1497 = arith.index_cast %add3A_1496 : i32 to index
          %get3A_1498 = tpu.vector_load %arg6[%get3A_1497] {strides = array<i32>} : memref<93184xf32, #tpu.memory_space<vmem>>, vector<16xf32>,
          %swap3A_1499 = arith.index_cast %add3A_1273 : i32 to index
          %swap3A_1500 = arith.constant 240 : index
          %swap3A_1501 = tpu.vector_load %arg8[%swap3A_1499, %swap3A_1500] {strides = array<i32>} : memref<32x256xf32, #tpu.memory_space<vmem>>, vector<16xf32>,
          tpu.vector_store %arg8[%swap3A_1499, %swap3A_1500], %get3A_1382 {strides = array<i32>} : memref<32x256xf32, #tpu.memory_space<vmem>>, vector<16xf32>,
          %mul3A_1502 = arith.constant 16 : i32
          %mul3A_1503 = arith.muli %add3A_119, %mul3A_1502 : i32
          %add3A_1504 = arith.constant 12 : i32
          %add3A_1505 = arith.addi %mul3A_1503, %add3A_1504 : i32
          %add3A_1506 = arith.constant 0 : i32
          %add3A_1507 = arith.addi %squeeze3A_152, %add3A_1506 : i32
          %get3A_1508 = arith.index_cast %add3A_1507 : i32 to index
          %get3A_1509 = tpu.vector_load %arg6[%get3A_1508] {strides = array<i32>} : memref<93184xf32, #tpu.memory_space<vmem>>, vector<16xf32>,
          %swap3A_1510 = arith.index_cast %add3A_1389 : i32 to index
          %swap3A_1511 = arith.constant 0 : index
          %swap3A_1512 = tpu.vector_load %arg8[%swap3A_1510, %swap3A_1511] {strides = array<i32>} : memref<32x256xf32, #tpu.memory_space<vmem>>, vector<16xf32>,
          tpu.vector_store %arg8[%swap3A_1510, %swap3A_1511], %get3A_1393 {strides = array<i32>} : memref<32x256xf32, #tpu.memory_space<vmem>>, vector<16xf32>,
          %add3A_1513 = arith.constant 16 : i32
          %add3A_1514 = arith.addi %squeeze3A_152, %add3A_1513 : i32
          %get3A_1515 = arith.index_cast %add3A_1514 : i32 to index
          %get3A_1516 = tpu.vector_load %arg6[%get3A_1515] {strides = array<i32>} : memref<93184xf32, #tpu.memory_space<vmem>>, vector<16xf32>,
          %swap3A_1517 = arith.index_cast %add3A_1389 : i32 to index
          %swap3A_1518 = arith.constant 16 : index
          %swap3A_1519 = tpu.vector_load %arg8[%swap3A_1517, %swap3A_1518] {strides = array<i32>} : memref<32x256xf32, #tpu.memory_space<vmem>>, vector<16xf32>,
          tpu.vector_store %arg8[%swap3A_1517, %swap3A_1518], %get3A_1400 {strides = array<i32>} : memref<32x256xf32, #tpu.memory_space<vmem>>, vector<16xf32>,
          %add3A_1520 = arith.constant 32 : i32
          %add3A_1521 = arith.addi %squeeze3A_152, %add3A_1520 : i32
          %get3A_1522 = arith.index_cast %add3A_1521 : i32 to index
          %get3A_1523 = tpu.vector_load %arg6[%get3A_1522] {strides = array<i32>} : memref<93184xf32, #tpu.memory_space<vmem>>, vector<16xf32>,
          %swap3A_1524 = arith.index_cast %add3A_1389 : i32 to index
          %swap3A_1525 = arith.constant 32 : index
          %swap3A_1526 = tpu.vector_load %arg8[%swap3A_1524, %swap3A_1525] {strides = array<i32>} : memref<32x256xf32, #tpu.memory_space<vmem>>, vector<16xf32>,
          tpu.vector_store %arg8[%swap3A_1524, %swap3A_1525], %get3A_1407 {strides = array<i32>} : memref<32x256xf32, #tpu.memory_space<vmem>>, vector<16xf32>,
          %add3A_1527 = arith.constant 48 : i32
          %add3A_1528 = arith.addi %squeeze3A_152, %add3A_1527 : i32
          %get3A_1529 = arith.index_cast %add3A_1528 : i32 to index
          %get3A_1530 = tpu.vector_load %arg6[%get3A_1529] {strides = array<i32>} : memref<93184xf32, #tpu.memory_space<vmem>>, vector<16xf32>,
          %swap3A_1531 = arith.index_cast %add3A_1389 : i32 to index
          %swap3A_1532 = arith.constant 48 : index
          %swap3A_1533 = tpu.vector_load %arg8[%swap3A_1531, %swap3A_1532] {strides = array<i32>} : memref<32x256xf32, #tpu.memory_space<vmem>>, vector<16xf32>,
          tpu.vector_store %arg8[%swap3A_1531, %swap3A_1532], %get3A_1414 {strides = array<i32>} : memref<32x256xf32, #tpu.memory_space<vmem>>, vector<16xf32>,
          %add3A_1534 = arith.constant 64 : i32
          %add3A_1535 = arith.addi %squeeze3A_152, %add3A_1534 : i32
          %get3A_1536 = arith.index_cast %add3A_1535 : i32 to index
          %get3A_1537 = tpu.vector_load %arg6[%get3A_1536] {strides = array<i32>} : memref<93184xf32, #tpu.memory_space<vmem>>, vector<16xf32>,
          %swap3A_1538 = arith.index_cast %add3A_1389 : i32 to index
          %swap3A_1539 = arith.constant 64 : index
          %swap3A_1540 = tpu.vector_load %arg8[%swap3A_1538, %swap3A_1539] {strides = array<i32>} : memref<32x256xf32, #tpu.memory_space<vmem>>, vector<16xf32>,
          tpu.vector_store %arg8[%swap3A_1538, %swap3A_1539], %get3A_1421 {strides = array<i32>} : memref<32x256xf32, #tpu.memory_space<vmem>>, vector<16xf32>,
          %add3A_1541 = arith.constant 80 : i32
          %add3A_1542 = arith.addi %squeeze3A_152, %add3A_1541 : i32
          %get3A_1543 = arith.index_cast %add3A_1542 : i32 to index
          %get3A_1544 = tpu.vector_load %arg6[%get3A_1543] {strides = array<i32>} : memref<93184xf32, #tpu.memory_space<vmem>>, vector<16xf32>,
          %swap3A_1545 = arith.index_cast %add3A_1389 : i32 to index
          %swap3A_1546 = arith.constant 80 : index
          %swap3A_1547 = tpu.vector_load %arg8[%swap3A_1545, %swap3A_1546] {strides = array<i32>} : memref<32x256xf32, #tpu.memory_space<vmem>>, vector<16xf32>,
          tpu.vector_store %arg8[%swap3A_1545, %swap3A_1546], %get3A_1428 {strides = array<i32>} : memref<32x256xf32, #tpu.memory_space<vmem>>, vector<16xf32>,
          %add3A_1548 = arith.constant 96 : i32
          %add3A_1549 = arith.addi %squeeze3A_152, %add3A_1548 : i32
          %get3A_1550 = arith.index_cast %add3A_1549 : i32 to index
          %get3A_1551 = tpu.vector_load %arg6[%get3A_1550] {strides = array<i32>} : memref<93184xf32, #tpu.memory_space<vmem>>, vector<16xf32>,
          %swap3A_1552 = arith.index_cast %add3A_1389 : i32 to index
          %swap3A_1553 = arith.constant 96 : index
          %swap3A_1554 = tpu.vector_load %arg8[%swap3A_1552, %swap3A_1553] {strides = array<i32>} : memref<32x256xf32, #tpu.memory_space<vmem>>, vector<16xf32>,
          tpu.vector_store %arg8[%swap3A_1552, %swap3A_1553], %get3A_1435 {strides = array<i32>} : memref<32x256xf32, #tpu.memory_space<vmem>>, vector<16xf32>,
          %add3A_1555 = arith.constant 112 : i32
          %add3A_1556 = arith.addi %squeeze3A_152, %add3A_1555 : i32
          %get3A_1557 = arith.index_cast %add3A_1556 : i32 to index
          %get3A_1558 = tpu.vector_load %arg6[%get3A_1557] {strides = array<i32>} : memref<93184xf32, #tpu.memory_space<vmem>>, vector<16xf32>,
          %swap3A_1559 = arith.index_cast %add3A_1389 : i32 to index
          %swap3A_1560 = arith.constant 112 : index
          %swap3A_1561 = tpu.vector_load %arg8[%swap3A_1559, %swap3A_1560] {strides = array<i32>} : memref<32x256xf32, #tpu.memory_space<vmem>>, vector<16xf32>,
          tpu.vector_store %arg8[%swap3A_1559, %swap3A_1560], %get3A_1442 {strides = array<i32>} : memref<32x256xf32, #tpu.memory_space<vmem>>, vector<16xf32>,
          %add3A_1562 = arith.constant 128 : i32
          %add3A_1563 = arith.addi %squeeze3A_152, %add3A_1562 : i32
          %get3A_1564 = arith.index_cast %add3A_1563 : i32 to index
          %get3A_1565 = tpu.vector_load %arg6[%get3A_1564] {strides = array<i32>} : memref<93184xf32, #tpu.memory_space<vmem>>, vector<16xf32>,
          %swap3A_1566 = arith.index_cast %add3A_1389 : i32 to index
          %swap3A_1567 = arith.constant 128 : index
          %swap3A_1568 = tpu.vector_load %arg8[%swap3A_1566, %swap3A_1567] {strides = array<i32>} : memref<32x256xf32, #tpu.memory_space<vmem>>, vector<16xf32>,
          tpu.vector_store %arg8[%swap3A_1566, %swap3A_1567], %get3A_1449 {strides = array<i32>} : memref<32x256xf32, #tpu.memory_space<vmem>>, vector<16xf32>,
          %add3A_1569 = arith.constant 144 : i32
          %add3A_1570 = arith.addi %squeeze3A_152, %add3A_1569 : i32
          %get3A_1571 = arith.index_cast %add3A_1570 : i32 to index
          %get3A_1572 = tpu.vector_load %arg6[%get3A_1571] {strides = array<i32>} : memref<93184xf32, #tpu.memory_space<vmem>>, vector<16xf32>,
          %swap3A_1573 = arith.index_cast %add3A_1389 : i32 to index
          %swap3A_1574 = arith.constant 144 : index
          %swap3A_1575 = tpu.vector_load %arg8[%swap3A_1573, %swap3A_1574] {strides = array<i32>} : memref<32x256xf32, #tpu.memory_space<vmem>>, vector<16xf32>,
          tpu.vector_store %arg8[%swap3A_1573, %swap3A_1574], %get3A_1456 {strides = array<i32>} : memref<32x256xf32, #tpu.memory_space<vmem>>, vector<16xf32>,
          %add3A_1576 = arith.constant 160 : i32
          %add3A_1577 = arith.addi %squeeze3A_152, %add3A_1576 : i32
          %get3A_1578 = arith.index_cast %add3A_1577 : i32 to index
          %get3A_1579 = tpu.vector_load %arg6[%get3A_1578] {strides = array<i32>} : memref<93184xf32, #tpu.memory_space<vmem>>, vector<16xf32>,
          %swap3A_1580 = arith.index_cast %add3A_1389 : i32 to index
          %swap3A_1581 = arith.constant 160 : index
          %swap3A_1582 = tpu.vector_load %arg8[%swap3A_1580, %swap3A_1581] {strides = array<i32>} : memref<32x256xf32, #tpu.memory_space<vmem>>, vector<16xf32>,
          tpu.vector_store %arg8[%swap3A_1580, %swap3A_1581], %get3A_1463 {strides = array<i32>} : memref<32x256xf32, #tpu.memory_space<vmem>>, vector<16xf32>,
          %add3A_1583 = arith.constant 176 : i32
          %add3A_1584 = arith.addi %squeeze3A_152, %add3A_1583 : i32
          %get3A_1585 = arith.index_cast %add3A_1584 : i32 to index
          %get3A_1586 = tpu.vector_load %arg6[%get3A_1585] {strides = array<i32>} : memref<93184xf32, #tpu.memory_space<vmem>>, vector<16xf32>,
          %swap3A_1587 = arith.index_cast %add3A_1389 : i32 to index
          %swap3A_1588 = arith.constant 176 : index
          %swap3A_1589 = tpu.vector_load %arg8[%swap3A_1587, %swap3A_1588] {strides = array<i32>} : memref<32x256xf32, #tpu.memory_space<vmem>>, vector<16xf32>,
          tpu.vector_store %arg8[%swap3A_1587, %swap3A_1588], %get3A_1470 {strides = array<i32>} : memref<32x256xf32, #tpu.memory_space<vmem>>, vector<16xf32>,
          %add3A_1590 = arith.constant 192 : i32
          %add3A_1591 = arith.addi %squeeze3A_152, %add3A_1590 : i32
          %get3A_1592 = arith.index_cast %add3A_1591 : i32 to index
          %get3A_1593 = tpu.vector_load %arg6[%get3A_1592] {strides = array<i32>} : memref<93184xf32, #tpu.memory_space<vmem>>, vector<16xf32>,
          %swap3A_1594 = arith.index_cast %add3A_1389 : i32 to index
          %swap3A_1595 = arith.constant 192 : index
          %swap3A_1596 = tpu.vector_load %arg8[%swap3A_1594, %swap3A_1595] {strides = array<i32>} : memref<32x256xf32, #tpu.memory_space<vmem>>, vector<16xf32>,
          tpu.vector_store %arg8[%swap3A_1594, %swap3A_1595], %get3A_1477 {strides = array<i32>} : memref<32x256xf32, #tpu.memory_space<vmem>>, vector<16xf32>,
          %add3A_1597 = arith.constant 208 : i32
          %add3A_1598 = arith.addi %squeeze3A_152, %add3A_1597 : i32
          %get3A_1599 = arith.index_cast %add3A_1598 : i32 to index
          %get3A_1600 = tpu.vector_load %arg6[%get3A_1599] {strides = array<i32>} : memref<93184xf32, #tpu.memory_space<vmem>>, vector<16xf32>,
          %swap3A_1601 = arith.index_cast %add3A_1389 : i32 to index
          %swap3A_1602 = arith.constant 208 : index
          %swap3A_1603 = tpu.vector_load %arg8[%swap3A_1601, %swap3A_1602] {strides = array<i32>} : memref<32x256xf32, #tpu.memory_space<vmem>>, vector<16xf32>,
          tpu.vector_store %arg8[%swap3A_1601, %swap3A_1602], %get3A_1484 {strides = array<i32>} : memref<32x256xf32, #tpu.memory_space<vmem>>, vector<16xf32>,
          %add3A_1604 = arith.constant 224 : i32
          %add3A_1605 = arith.addi %squeeze3A_152, %add3A_1604 : i32
          %get3A_1606 = arith.index_cast %add3A_1605 : i32 to index
          %get3A_1607 = tpu.vector_load %arg6[%get3A_1606] {strides = array<i32>} : memref<93184xf32, #tpu.memory_space<vmem>>, vector<16xf32>,
          %swap3A_1608 = arith.index_cast %add3A_1389 : i32 to index
          %swap3A_1609 = arith.constant 224 : index
          %swap3A_1610 = tpu.vector_load %arg8[%swap3A_1608, %swap3A_1609] {strides = array<i32>} : memref<32x256xf32, #tpu.memory_space<vmem>>, vector<16xf32>,
          tpu.vector_store %arg8[%swap3A_1608, %swap3A_1609], %get3A_1491 {strides = array<i32>} : memref<32x256xf32, #tpu.memory_space<vmem>>, vector<16xf32>,
          %add3A_1611 = arith.constant 240 : i32
          %add3A_1612 = arith.addi %squeeze3A_152, %add3A_1611 : i32
          %get3A_1613 = arith.index_cast %add3A_1612 : i32 to index
          %get3A_1614 = tpu.vector_load %arg6[%get3A_1613] {strides = array<i32>} : memref<93184xf32, #tpu.memory_space<vmem>>, vector<16xf32>,
          %swap3A_1615 = arith.index_cast %add3A_1389 : i32 to index
          %swap3A_1616 = arith.constant 240 : index
          %swap3A_1617 = tpu.vector_load %arg8[%swap3A_1615, %swap3A_1616] {strides = array<i32>} : memref<32x256xf32, #tpu.memory_space<vmem>>, vector<16xf32>,
          tpu.vector_store %arg8[%swap3A_1615, %swap3A_1616], %get3A_1498 {strides = array<i32>} : memref<32x256xf32, #tpu.memory_space<vmem>>, vector<16xf32>,
          %mul3A_1618 = arith.constant 16 : i32
          %mul3A_1619 = arith.muli %add3A_119, %mul3A_1618 : i32
          %add3A_1620 = arith.constant 13 : i32
          %add3A_1621 = arith.addi %mul3A_1619, %add3A_1620 : i32
          %add3A_1622 = arith.constant 0 : i32
          %add3A_1623 = arith.addi %squeeze3A_154, %add3A_1622 : i32
          %get3A_1624 = arith.index_cast %add3A_1623 : i32 to index
          %get3A_1625 = tpu.vector_load %arg6[%get3A_1624] {strides = array<i32>} : memref<93184xf32, #tpu.memory_space<vmem>>, vector<16xf32>,
          %swap3A_1626 = arith.index_cast %add3A_1505 : i32 to index
          %swap3A_1627 = arith.constant 0 : index
          %swap3A_1628 = tpu.vector_load %arg8[%swap3A_1626, %swap3A_1627] {strides = array<i32>} : memref<32x256xf32, #tpu.memory_space<vmem>>, vector<16xf32>,
          tpu.vector_store %arg8[%swap3A_1626, %swap3A_1627], %get3A_1509 {strides = array<i32>} : memref<32x256xf32, #tpu.memory_space<vmem>>, vector<16xf32>,
          %add3A_1629 = arith.constant 16 : i32
          %add3A_1630 = arith.addi %squeeze3A_154, %add3A_1629 : i32
          %get3A_1631 = arith.index_cast %add3A_1630 : i32 to index
          %get3A_1632 = tpu.vector_load %arg6[%get3A_1631] {strides = array<i32>} : memref<93184xf32, #tpu.memory_space<vmem>>, vector<16xf32>,
          %swap3A_1633 = arith.index_cast %add3A_1505 : i32 to index
          %swap3A_1634 = arith.constant 16 : index
          %swap3A_1635 = tpu.vector_load %arg8[%swap3A_1633, %swap3A_1634] {strides = array<i32>} : memref<32x256xf32, #tpu.memory_space<vmem>>, vector<16xf32>,
          tpu.vector_store %arg8[%swap3A_1633, %swap3A_1634], %get3A_1516 {strides = array<i32>} : memref<32x256xf32, #tpu.memory_space<vmem>>, vector<16xf32>,
          %add3A_1636 = arith.constant 32 : i32
          %add3A_1637 = arith.addi %squeeze3A_154, %add3A_1636 : i32
          %get3A_1638 = arith.index_cast %add3A_1637 : i32 to index
          %get3A_1639 = tpu.vector_load %arg6[%get3A_1638] {strides = array<i32>} : memref<93184xf32, #tpu.memory_space<vmem>>, vector<16xf32>,
          %swap3A_1640 = arith.index_cast %add3A_1505 : i32 to index
          %swap3A_1641 = arith.constant 32 : index
          %swap3A_1642 = tpu.vector_load %arg8[%swap3A_1640, %swap3A_1641] {strides = array<i32>} : memref<32x256xf32, #tpu.memory_space<vmem>>, vector<16xf32>,
          tpu.vector_store %arg8[%swap3A_1640, %swap3A_1641], %get3A_1523 {strides = array<i32>} : memref<32x256xf32, #tpu.memory_space<vmem>>, vector<16xf32>,
          %add3A_1643 = arith.constant 48 : i32
          %add3A_1644 = arith.addi %squeeze3A_154, %add3A_1643 : i32
          %get3A_1645 = arith.index_cast %add3A_1644 : i32 to index
          %get3A_1646 = tpu.vector_load %arg6[%get3A_1645] {strides = array<i32>} : memref<93184xf32, #tpu.memory_space<vmem>>, vector<16xf32>,
          %swap3A_1647 = arith.index_cast %add3A_1505 : i32 to index
          %swap3A_1648 = arith.constant 48 : index
          %swap3A_1649 = tpu.vector_load %arg8[%swap3A_1647, %swap3A_1648] {strides = array<i32>} : memref<32x256xf32, #tpu.memory_space<vmem>>, vector<16xf32>,
          tpu.vector_store %arg8[%swap3A_1647, %swap3A_1648], %get3A_1530 {strides = array<i32>} : memref<32x256xf32, #tpu.memory_space<vmem>>, vector<16xf32>,
          %add3A_1650 = arith.constant 64 : i32
          %add3A_1651 = arith.addi %squeeze3A_154, %add3A_1650 : i32
          %get3A_1652 = arith.index_cast %add3A_1651 : i32 to index
          %get3A_1653 = tpu.vector_load %arg6[%get3A_1652] {strides = array<i32>} : memref<93184xf32, #tpu.memory_space<vmem>>, vector<16xf32>,
          %swap3A_1654 = arith.index_cast %add3A_1505 : i32 to index
          %swap3A_1655 = arith.constant 64 : index
          %swap3A_1656 = tpu.vector_load %arg8[%swap3A_1654, %swap3A_1655] {strides = array<i32>} : memref<32x256xf32, #tpu.memory_space<vmem>>, vector<16xf32>,
          tpu.vector_store %arg8[%swap3A_1654, %swap3A_1655], %get3A_1537 {strides = array<i32>} : memref<32x256xf32, #tpu.memory_space<vmem>>, vector<16xf32>,
          %add3A_1657 = arith.constant 80 : i32
          %add3A_1658 = arith.addi %squeeze3A_154, %add3A_1657 : i32
          %get3A_1659 = arith.index_cast %add3A_1658 : i32 to index
          %get3A_1660 = tpu.vector_load %arg6[%get3A_1659] {strides = array<i32>} : memref<93184xf32, #tpu.memory_space<vmem>>, vector<16xf32>,
          %swap3A_1661 = arith.index_cast %add3A_1505 : i32 to index
          %swap3A_1662 = arith.constant 80 : index
          %swap3A_1663 = tpu.vector_load %arg8[%swap3A_1661, %swap3A_1662] {strides = array<i32>} : memref<32x256xf32, #tpu.memory_space<vmem>>, vector<16xf32>,
          tpu.vector_store %arg8[%swap3A_1661, %swap3A_1662], %get3A_1544 {strides = array<i32>} : memref<32x256xf32, #tpu.memory_space<vmem>>, vector<16xf32>,
          %add3A_1664 = arith.constant 96 : i32
          %add3A_1665 = arith.addi %squeeze3A_154, %add3A_1664 : i32
          %get3A_1666 = arith.index_cast %add3A_1665 : i32 to index
          %get3A_1667 = tpu.vector_load %arg6[%get3A_1666] {strides = array<i32>} : memref<93184xf32, #tpu.memory_space<vmem>>, vector<16xf32>,
          %swap3A_1668 = arith.index_cast %add3A_1505 : i32 to index
          %swap3A_1669 = arith.constant 96 : index
          %swap3A_1670 = tpu.vector_load %arg8[%swap3A_1668, %swap3A_1669] {strides = array<i32>} : memref<32x256xf32, #tpu.memory_space<vmem>>, vector<16xf32>,
          tpu.vector_store %arg8[%swap3A_1668, %swap3A_1669], %get3A_1551 {strides = array<i32>} : memref<32x256xf32, #tpu.memory_space<vmem>>, vector<16xf32>,
          %add3A_1671 = arith.constant 112 : i32
          %add3A_1672 = arith.addi %squeeze3A_154, %add3A_1671 : i32
          %get3A_1673 = arith.index_cast %add3A_1672 : i32 to index
          %get3A_1674 = tpu.vector_load %arg6[%get3A_1673] {strides = array<i32>} : memref<93184xf32, #tpu.memory_space<vmem>>, vector<16xf32>,
          %swap3A_1675 = arith.index_cast %add3A_1505 : i32 to index
          %swap3A_1676 = arith.constant 112 : index
          %swap3A_1677 = tpu.vector_load %arg8[%swap3A_1675, %swap3A_1676] {strides = array<i32>} : memref<32x256xf32, #tpu.memory_space<vmem>>, vector<16xf32>,
          tpu.vector_store %arg8[%swap3A_1675, %swap3A_1676], %get3A_1558 {strides = array<i32>} : memref<32x256xf32, #tpu.memory_space<vmem>>, vector<16xf32>,
          %add3A_1678 = arith.constant 128 : i32
          %add3A_1679 = arith.addi %squeeze3A_154, %add3A_1678 : i32
          %get3A_1680 = arith.index_cast %add3A_1679 : i32 to index
          %get3A_1681 = tpu.vector_load %arg6[%get3A_1680] {strides = array<i32>} : memref<93184xf32, #tpu.memory_space<vmem>>, vector<16xf32>,
          %swap3A_1682 = arith.index_cast %add3A_1505 : i32 to index
          %swap3A_1683 = arith.constant 128 : index
          %swap3A_1684 = tpu.vector_load %arg8[%swap3A_1682, %swap3A_1683] {strides = array<i32>} : memref<32x256xf32, #tpu.memory_space<vmem>>, vector<16xf32>,
          tpu.vector_store %arg8[%swap3A_1682, %swap3A_1683], %get3A_1565 {strides = array<i32>} : memref<32x256xf32, #tpu.memory_space<vmem>>, vector<16xf32>,
          %add3A_1685 = arith.constant 144 : i32
          %add3A_1686 = arith.addi %squeeze3A_154, %add3A_1685 : i32
          %get3A_1687 = arith.index_cast %add3A_1686 : i32 to index
          %get3A_1688 = tpu.vector_load %arg6[%get3A_1687] {strides = array<i32>} : memref<93184xf32, #tpu.memory_space<vmem>>, vector<16xf32>,
          %swap3A_1689 = arith.index_cast %add3A_1505 : i32 to index
          %swap3A_1690 = arith.constant 144 : index
          %swap3A_1691 = tpu.vector_load %arg8[%swap3A_1689, %swap3A_1690] {strides = array<i32>} : memref<32x256xf32, #tpu.memory_space<vmem>>, vector<16xf32>,
          tpu.vector_store %arg8[%swap3A_1689, %swap3A_1690], %get3A_1572 {strides = array<i32>} : memref<32x256xf32, #tpu.memory_space<vmem>>, vector<16xf32>,
          %add3A_1692 = arith.constant 160 : i32
          %add3A_1693 = arith.addi %squeeze3A_154, %add3A_1692 : i32
          %get3A_1694 = arith.index_cast %add3A_1693 : i32 to index
          %get3A_1695 = tpu.vector_load %arg6[%get3A_1694] {strides = array<i32>} : memref<93184xf32, #tpu.memory_space<vmem>>, vector<16xf32>,
          %swap3A_1696 = arith.index_cast %add3A_1505 : i32 to index
          %swap3A_1697 = arith.constant 160 : index
          %swap3A_1698 = tpu.vector_load %arg8[%swap3A_1696, %swap3A_1697] {strides = array<i32>} : memref<32x256xf32, #tpu.memory_space<vmem>>, vector<16xf32>,
          tpu.vector_store %arg8[%swap3A_1696, %swap3A_1697], %get3A_1579 {strides = array<i32>} : memref<32x256xf32, #tpu.memory_space<vmem>>, vector<16xf32>,
          %add3A_1699 = arith.constant 176 : i32
          %add3A_1700 = arith.addi %squeeze3A_154, %add3A_1699 : i32
          %get3A_1701 = arith.index_cast %add3A_1700 : i32 to index
          %get3A_1702 = tpu.vector_load %arg6[%get3A_1701] {strides = array<i32>} : memref<93184xf32, #tpu.memory_space<vmem>>, vector<16xf32>,
          %swap3A_1703 = arith.index_cast %add3A_1505 : i32 to index
          %swap3A_1704 = arith.constant 176 : index
          %swap3A_1705 = tpu.vector_load %arg8[%swap3A_1703, %swap3A_1704] {strides = array<i32>} : memref<32x256xf32, #tpu.memory_space<vmem>>, vector<16xf32>,
          tpu.vector_store %arg8[%swap3A_1703, %swap3A_1704], %get3A_1586 {strides = array<i32>} : memref<32x256xf32, #tpu.memory_space<vmem>>, vector<16xf32>,
          %add3A_1706 = arith.constant 192 : i32
          %add3A_1707 = arith.addi %squeeze3A_154, %add3A_1706 : i32
          %get3A_1708 = arith.index_cast %add3A_1707 : i32 to index
          %get3A_1709 = tpu.vector_load %arg6[%get3A_1708] {strides = array<i32>} : memref<93184xf32, #tpu.memory_space<vmem>>, vector<16xf32>,
          %swap3A_1710 = arith.index_cast %add3A_1505 : i32 to index
          %swap3A_1711 = arith.constant 192 : index
          %swap3A_1712 = tpu.vector_load %arg8[%swap3A_1710, %swap3A_1711] {strides = array<i32>} : memref<32x256xf32, #tpu.memory_space<vmem>>, vector<16xf32>,
          tpu.vector_store %arg8[%swap3A_1710, %swap3A_1711], %get3A_1593 {strides = array<i32>} : memref<32x256xf32, #tpu.memory_space<vmem>>, vector<16xf32>,
          %add3A_1713 = arith.constant 208 : i32
          %add3A_1714 = arith.addi %squeeze3A_154, %add3A_1713 : i32
          %get3A_1715 = arith.index_cast %add3A_1714 : i32 to index
          %get3A_1716 = tpu.vector_load %arg6[%get3A_1715] {strides = array<i32>} : memref<93184xf32, #tpu.memory_space<vmem>>, vector<16xf32>,
          %swap3A_1717 = arith.index_cast %add3A_1505 : i32 to index
          %swap3A_1718 = arith.constant 208 : index
          %swap3A_1719 = tpu.vector_load %arg8[%swap3A_1717, %swap3A_1718] {strides = array<i32>} : memref<32x256xf32, #tpu.memory_space<vmem>>, vector<16xf32>,
          tpu.vector_store %arg8[%swap3A_1717, %swap3A_1718], %get3A_1600 {strides = array<i32>} : memref<32x256xf32, #tpu.memory_space<vmem>>, vector<16xf32>,
          %add3A_1720 = arith.constant 224 : i32
          %add3A_1721 = arith.addi %squeeze3A_154, %add3A_1720 : i32
          %get3A_1722 = arith.index_cast %add3A_1721 : i32 to index
          %get3A_1723 = tpu.vector_load %arg6[%get3A_1722] {strides = array<i32>} : memref<93184xf32, #tpu.memory_space<vmem>>, vector<16xf32>,
          %swap3A_1724 = arith.index_cast %add3A_1505 : i32 to index
          %swap3A_1725 = arith.constant 224 : index
          %swap3A_1726 = tpu.vector_load %arg8[%swap3A_1724, %swap3A_1725] {strides = array<i32>} : memref<32x256xf32, #tpu.memory_space<vmem>>, vector<16xf32>,
          tpu.vector_store %arg8[%swap3A_1724, %swap3A_1725], %get3A_1607 {strides = array<i32>} : memref<32x256xf32, #tpu.memory_space<vmem>>, vector<16xf32>,
          %add3A_1727 = arith.constant 240 : i32
          %add3A_1728 = arith.addi %squeeze3A_154, %add3A_1727 : i32
          %get3A_1729 = arith.index_cast %add3A_1728 : i32 to index
          %get3A_1730 = tpu.vector_load %arg6[%get3A_1729] {strides = array<i32>} : memref<93184xf32, #tpu.memory_space<vmem>>, vector<16xf32>,
          %swap3A_1731 = arith.index_cast %add3A_1505 : i32 to index
          %swap3A_1732 = arith.constant 240 : index
          %swap3A_1733 = tpu.vector_load %arg8[%swap3A_1731, %swap3A_1732] {strides = array<i32>} : memref<32x256xf32, #tpu.memory_space<vmem>>, vector<16xf32>,
          tpu.vector_store %arg8[%swap3A_1731, %swap3A_1732], %get3A_1614 {strides = array<i32>} : memref<32x256xf32, #tpu.memory_space<vmem>>, vector<16xf32>,
          %mul3A_1734 = arith.constant 16 : i32
          %mul3A_1735 = arith.muli %add3A_119, %mul3A_1734 : i32
          %add3A_1736 = arith.constant 14 : i32
          %add3A_1737 = arith.addi %mul3A_1735, %add3A_1736 : i32
          %add3A_1738 = arith.constant 0 : i32
          %add3A_1739 = arith.addi %squeeze3A_156, %add3A_1738 : i32
          %get3A_1740 = arith.index_cast %add3A_1739 : i32 to index
          %get3A_1741 = tpu.vector_load %arg6[%get3A_1740] {strides = array<i32>} : memref<93184xf32, #tpu.memory_space<vmem>>, vector<16xf32>,
          %swap3A_1742 = arith.index_cast %add3A_1621 : i32 to index
          %swap3A_1743 = arith.constant 0 : index
          %swap3A_1744 = tpu.vector_load %arg8[%swap3A_1742, %swap3A_1743] {strides = array<i32>} : memref<32x256xf32, #tpu.memory_space<vmem>>, vector<16xf32>,
          tpu.vector_store %arg8[%swap3A_1742, %swap3A_1743], %get3A_1625 {strides = array<i32>} : memref<32x256xf32, #tpu.memory_space<vmem>>, vector<16xf32>,
          %add3A_1745 = arith.constant 16 : i32
          %add3A_1746 = arith.addi %squeeze3A_156, %add3A_1745 : i32
          %get3A_1747 = arith.index_cast %add3A_1746 : i32 to index
          %get3A_1748 = tpu.vector_load %arg6[%get3A_1747] {strides = array<i32>} : memref<93184xf32, #tpu.memory_space<vmem>>, vector<16xf32>,
          %swap3A_1749 = arith.index_cast %add3A_1621 : i32 to index
          %swap3A_1750 = arith.constant 16 : index
          %swap3A_1751 = tpu.vector_load %arg8[%swap3A_1749, %swap3A_1750] {strides = array<i32>} : memref<32x256xf32, #tpu.memory_space<vmem>>, vector<16xf32>,
          tpu.vector_store %arg8[%swap3A_1749, %swap3A_1750], %get3A_1632 {strides = array<i32>} : memref<32x256xf32, #tpu.memory_space<vmem>>, vector<16xf32>,
          %add3A_1752 = arith.constant 32 : i32
          %add3A_1753 = arith.addi %squeeze3A_156, %add3A_1752 : i32
          %get3A_1754 = arith.index_cast %add3A_1753 : i32 to index
          %get3A_1755 = tpu.vector_load %arg6[%get3A_1754] {strides = array<i32>} : memref<93184xf32, #tpu.memory_space<vmem>>, vector<16xf32>,
          %swap3A_1756 = arith.index_cast %add3A_1621 : i32 to index
          %swap3A_1757 = arith.constant 32 : index
          %swap3A_1758 = tpu.vector_load %arg8[%swap3A_1756, %swap3A_1757] {strides = array<i32>} : memref<32x256xf32, #tpu.memory_space<vmem>>, vector<16xf32>,
          tpu.vector_store %arg8[%swap3A_1756, %swap3A_1757], %get3A_1639 {strides = array<i32>} : memref<32x256xf32, #tpu.memory_space<vmem>>, vector<16xf32>,
          %add3A_1759 = arith.constant 48 : i32
          %add3A_1760 = arith.addi %squeeze3A_156, %add3A_1759 : i32
          %get3A_1761 = arith.index_cast %add3A_1760 : i32 to index
          %get3A_1762 = tpu.vector_load %arg6[%get3A_1761] {strides = array<i32>} : memref<93184xf32, #tpu.memory_space<vmem>>, vector<16xf32>,
          %swap3A_1763 = arith.index_cast %add3A_1621 : i32 to index
          %swap3A_1764 = arith.constant 48 : index
          %swap3A_1765 = tpu.vector_load %arg8[%swap3A_1763, %swap3A_1764] {strides = array<i32>} : memref<32x256xf32, #tpu.memory_space<vmem>>, vector<16xf32>,
          tpu.vector_store %arg8[%swap3A_1763, %swap3A_1764], %get3A_1646 {strides = array<i32>} : memref<32x256xf32, #tpu.memory_space<vmem>>, vector<16xf32>,
          %add3A_1766 = arith.constant 64 : i32
          %add3A_1767 = arith.addi %squeeze3A_156, %add3A_1766 : i32
          %get3A_1768 = arith.index_cast %add3A_1767 : i32 to index
          %get3A_1769 = tpu.vector_load %arg6[%get3A_1768] {strides = array<i32>} : memref<93184xf32, #tpu.memory_space<vmem>>, vector<16xf32>,
          %swap3A_1770 = arith.index_cast %add3A_1621 : i32 to index
          %swap3A_1771 = arith.constant 64 : index
          %swap3A_1772 = tpu.vector_load %arg8[%swap3A_1770, %swap3A_1771] {strides = array<i32>} : memref<32x256xf32, #tpu.memory_space<vmem>>, vector<16xf32>,
          tpu.vector_store %arg8[%swap3A_1770, %swap3A_1771], %get3A_1653 {strides = array<i32>} : memref<32x256xf32, #tpu.memory_space<vmem>>, vector<16xf32>,
          %add3A_1773 = arith.constant 80 : i32
          %add3A_1774 = arith.addi %squeeze3A_156, %add3A_1773 : i32
          %get3A_1775 = arith.index_cast %add3A_1774 : i32 to index
          %get3A_1776 = tpu.vector_load %arg6[%get3A_1775] {strides = array<i32>} : memref<93184xf32, #tpu.memory_space<vmem>>, vector<16xf32>,
          %swap3A_1777 = arith.index_cast %add3A_1621 : i32 to index
          %swap3A_1778 = arith.constant 80 : index
          %swap3A_1779 = tpu.vector_load %arg8[%swap3A_1777, %swap3A_1778] {strides = array<i32>} : memref<32x256xf32, #tpu.memory_space<vmem>>, vector<16xf32>,
          tpu.vector_store %arg8[%swap3A_1777, %swap3A_1778], %get3A_1660 {strides = array<i32>} : memref<32x256xf32, #tpu.memory_space<vmem>>, vector<16xf32>,
          %add3A_1780 = arith.constant 96 : i32
          %add3A_1781 = arith.addi %squeeze3A_156, %add3A_1780 : i32
          %get3A_1782 = arith.index_cast %add3A_1781 : i32 to index
          %get3A_1783 = tpu.vector_load %arg6[%get3A_1782] {strides = array<i32>} : memref<93184xf32, #tpu.memory_space<vmem>>, vector<16xf32>,
          %swap3A_1784 = arith.index_cast %add3A_1621 : i32 to index
          %swap3A_1785 = arith.constant 96 : index
          %swap3A_1786 = tpu.vector_load %arg8[%swap3A_1784, %swap3A_1785] {strides = array<i32>} : memref<32x256xf32, #tpu.memory_space<vmem>>, vector<16xf32>,
          tpu.vector_store %arg8[%swap3A_1784, %swap3A_1785], %get3A_1667 {strides = array<i32>} : memref<32x256xf32, #tpu.memory_space<vmem>>, vector<16xf32>,
          %add3A_1787 = arith.constant 112 : i32
          %add3A_1788 = arith.addi %squeeze3A_156, %add3A_1787 : i32
          %get3A_1789 = arith.index_cast %add3A_1788 : i32 to index
          %get3A_1790 = tpu.vector_load %arg6[%get3A_1789] {strides = array<i32>} : memref<93184xf32, #tpu.memory_space<vmem>>, vector<16xf32>,
          %swap3A_1791 = arith.index_cast %add3A_1621 : i32 to index
          %swap3A_1792 = arith.constant 112 : index
          %swap3A_1793 = tpu.vector_load %arg8[%swap3A_1791, %swap3A_1792] {strides = array<i32>} : memref<32x256xf32, #tpu.memory_space<vmem>>, vector<16xf32>,
          tpu.vector_store %arg8[%swap3A_1791, %swap3A_1792], %get3A_1674 {strides = array<i32>} : memref<32x256xf32, #tpu.memory_space<vmem>>, vector<16xf32>,
          %add3A_1794 = arith.constant 128 : i32
          %add3A_1795 = arith.addi %squeeze3A_156, %add3A_1794 : i32
          %get3A_1796 = arith.index_cast %add3A_1795 : i32 to index
          %get3A_1797 = tpu.vector_load %arg6[%get3A_1796] {strides = array<i32>} : memref<93184xf32, #tpu.memory_space<vmem>>, vector<16xf32>,
          %swap3A_1798 = arith.index_cast %add3A_1621 : i32 to index
          %swap3A_1799 = arith.constant 128 : index
          %swap3A_1800 = tpu.vector_load %arg8[%swap3A_1798, %swap3A_1799] {strides = array<i32>} : memref<32x256xf32, #tpu.memory_space<vmem>>, vector<16xf32>,
          tpu.vector_store %arg8[%swap3A_1798, %swap3A_1799], %get3A_1681 {strides = array<i32>} : memref<32x256xf32, #tpu.memory_space<vmem>>, vector<16xf32>,
          %add3A_1801 = arith.constant 144 : i32
          %add3A_1802 = arith.addi %squeeze3A_156, %add3A_1801 : i32
          %get3A_1803 = arith.index_cast %add3A_1802 : i32 to index
          %get3A_1804 = tpu.vector_load %arg6[%get3A_1803] {strides = array<i32>} : memref<93184xf32, #tpu.memory_space<vmem>>, vector<16xf32>,
          %swap3A_1805 = arith.index_cast %add3A_1621 : i32 to index
          %swap3A_1806 = arith.constant 144 : index
          %swap3A_1807 = tpu.vector_load %arg8[%swap3A_1805, %swap3A_1806] {strides = array<i32>} : memref<32x256xf32, #tpu.memory_space<vmem>>, vector<16xf32>,
          tpu.vector_store %arg8[%swap3A_1805, %swap3A_1806], %get3A_1688 {strides = array<i32>} : memref<32x256xf32, #tpu.memory_space<vmem>>, vector<16xf32>,
          %add3A_1808 = arith.constant 160 : i32
          %add3A_1809 = arith.addi %squeeze3A_156, %add3A_1808 : i32
          %get3A_1810 = arith.index_cast %add3A_1809 : i32 to index
          %get3A_1811 = tpu.vector_load %arg6[%get3A_1810] {strides = array<i32>} : memref<93184xf32, #tpu.memory_space<vmem>>, vector<16xf32>,
          %swap3A_1812 = arith.index_cast %add3A_1621 : i32 to index
          %swap3A_1813 = arith.constant 160 : index
          %swap3A_1814 = tpu.vector_load %arg8[%swap3A_1812, %swap3A_1813] {strides = array<i32>} : memref<32x256xf32, #tpu.memory_space<vmem>>, vector<16xf32>,
          tpu.vector_store %arg8[%swap3A_1812, %swap3A_1813], %get3A_1695 {strides = array<i32>} : memref<32x256xf32, #tpu.memory_space<vmem>>, vector<16xf32>,
          %add3A_1815 = arith.constant 176 : i32
          %add3A_1816 = arith.addi %squeeze3A_156, %add3A_1815 : i32
          %get3A_1817 = arith.index_cast %add3A_1816 : i32 to index
          %get3A_1818 = tpu.vector_load %arg6[%get3A_1817] {strides = array<i32>} : memref<93184xf32, #tpu.memory_space<vmem>>, vector<16xf32>,
          %swap3A_1819 = arith.index_cast %add3A_1621 : i32 to index
          %swap3A_1820 = arith.constant 176 : index
          %swap3A_1821 = tpu.vector_load %arg8[%swap3A_1819, %swap3A_1820] {strides = array<i32>} : memref<32x256xf32, #tpu.memory_space<vmem>>, vector<16xf32>,
          tpu.vector_store %arg8[%swap3A_1819, %swap3A_1820], %get3A_1702 {strides = array<i32>} : memref<32x256xf32, #tpu.memory_space<vmem>>, vector<16xf32>,
          %add3A_1822 = arith.constant 192 : i32
          %add3A_1823 = arith.addi %squeeze3A_156, %add3A_1822 : i32
          %get3A_1824 = arith.index_cast %add3A_1823 : i32 to index
          %get3A_1825 = tpu.vector_load %arg6[%get3A_1824] {strides = array<i32>} : memref<93184xf32, #tpu.memory_space<vmem>>, vector<16xf32>,
          %swap3A_1826 = arith.index_cast %add3A_1621 : i32 to index
          %swap3A_1827 = arith.constant 192 : index
          %swap3A_1828 = tpu.vector_load %arg8[%swap3A_1826, %swap3A_1827] {strides = array<i32>} : memref<32x256xf32, #tpu.memory_space<vmem>>, vector<16xf32>,
          tpu.vector_store %arg8[%swap3A_1826, %swap3A_1827], %get3A_1709 {strides = array<i32>} : memref<32x256xf32, #tpu.memory_space<vmem>>, vector<16xf32>,
          %add3A_1829 = arith.constant 208 : i32
          %add3A_1830 = arith.addi %squeeze3A_156, %add3A_1829 : i32
          %get3A_1831 = arith.index_cast %add3A_1830 : i32 to index
          %get3A_1832 = tpu.vector_load %arg6[%get3A_1831] {strides = array<i32>} : memref<93184xf32, #tpu.memory_space<vmem>>, vector<16xf32>,
          %swap3A_1833 = arith.index_cast %add3A_1621 : i32 to index
          %swap3A_1834 = arith.constant 208 : index
          %swap3A_1835 = tpu.vector_load %arg8[%swap3A_1833, %swap3A_1834] {strides = array<i32>} : memref<32x256xf32, #tpu.memory_space<vmem>>, vector<16xf32>,
          tpu.vector_store %arg8[%swap3A_1833, %swap3A_1834], %get3A_1716 {strides = array<i32>} : memref<32x256xf32, #tpu.memory_space<vmem>>, vector<16xf32>,
          %add3A_1836 = arith.constant 224 : i32
          %add3A_1837 = arith.addi %squeeze3A_156, %add3A_1836 : i32
          %get3A_1838 = arith.index_cast %add3A_1837 : i32 to index
          %get3A_1839 = tpu.vector_load %arg6[%get3A_1838] {strides = array<i32>} : memref<93184xf32, #tpu.memory_space<vmem>>, vector<16xf32>,
          %swap3A_1840 = arith.index_cast %add3A_1621 : i32 to index
          %swap3A_1841 = arith.constant 224 : index
          %swap3A_1842 = tpu.vector_load %arg8[%swap3A_1840, %swap3A_1841] {strides = array<i32>} : memref<32x256xf32, #tpu.memory_space<vmem>>, vector<16xf32>,
          tpu.vector_store %arg8[%swap3A_1840, %swap3A_1841], %get3A_1723 {strides = array<i32>} : memref<32x256xf32, #tpu.memory_space<vmem>>, vector<16xf32>,
          %add3A_1843 = arith.constant 240 : i32
          %add3A_1844 = arith.addi %squeeze3A_156, %add3A_1843 : i32
          %get3A_1845 = arith.index_cast %add3A_1844 : i32 to index
          %get3A_1846 = tpu.vector_load %arg6[%get3A_1845] {strides = array<i32>} : memref<93184xf32, #tpu.memory_space<vmem>>, vector<16xf32>,
          %swap3A_1847 = arith.index_cast %add3A_1621 : i32 to index
          %swap3A_1848 = arith.constant 240 : index
          %swap3A_1849 = tpu.vector_load %arg8[%swap3A_1847, %swap3A_1848] {strides = array<i32>} : memref<32x256xf32, #tpu.memory_space<vmem>>, vector<16xf32>,
          tpu.vector_store %arg8[%swap3A_1847, %swap3A_1848], %get3A_1730 {strides = array<i32>} : memref<32x256xf32, #tpu.memory_space<vmem>>, vector<16xf32>,
          %mul3A_1850 = arith.constant 16 : i32
          %mul3A_1851 = arith.muli %add3A_119, %mul3A_1850 : i32
          %add3A_1852 = arith.constant 15 : i32
          %add3A_1853 = arith.addi %mul3A_1851, %add3A_1852 : i32
          %add3A_1854 = arith.constant 0 : i32
          %add3A_1855 = arith.addi %squeeze3A_158, %add3A_1854 : i32
          %get3A_1856 = arith.index_cast %add3A_1855 : i32 to index
          %get3A_1857 = tpu.vector_load %arg6[%get3A_1856] {strides = array<i32>} : memref<93184xf32, #tpu.memory_space<vmem>>, vector<16xf32>,
          %swap3A_1858 = arith.index_cast %add3A_1737 : i32 to index
          %swap3A_1859 = arith.constant 0 : index
          %swap3A_1860 = tpu.vector_load %arg8[%swap3A_1858, %swap3A_1859] {strides = array<i32>} : memref<32x256xf32, #tpu.memory_space<vmem>>, vector<16xf32>,
          tpu.vector_store %arg8[%swap3A_1858, %swap3A_1859], %get3A_1741 {strides = array<i32>} : memref<32x256xf32, #tpu.memory_space<vmem>>, vector<16xf32>,
          %add3A_1861 = arith.constant 16 : i32
          %add3A_1862 = arith.addi %squeeze3A_158, %add3A_1861 : i32
          %get3A_1863 = arith.index_cast %add3A_1862 : i32 to index
          %get3A_1864 = tpu.vector_load %arg6[%get3A_1863] {strides = array<i32>} : memref<93184xf32, #tpu.memory_space<vmem>>, vector<16xf32>,
          %swap3A_1865 = arith.index_cast %add3A_1737 : i32 to index
          %swap3A_1866 = arith.constant 16 : index
          %swap3A_1867 = tpu.vector_load %arg8[%swap3A_1865, %swap3A_1866] {strides = array<i32>} : memref<32x256xf32, #tpu.memory_space<vmem>>, vector<16xf32>,
          tpu.vector_store %arg8[%swap3A_1865, %swap3A_1866], %get3A_1748 {strides = array<i32>} : memref<32x256xf32, #tpu.memory_space<vmem>>, vector<16xf32>,
          %add3A_1868 = arith.constant 32 : i32
          %add3A_1869 = arith.addi %squeeze3A_158, %add3A_1868 : i32
          %get3A_1870 = arith.index_cast %add3A_1869 : i32 to index
          %get3A_1871 = tpu.vector_load %arg6[%get3A_1870] {strides = array<i32>} : memref<93184xf32, #tpu.memory_space<vmem>>, vector<16xf32>,
          %swap3A_1872 = arith.index_cast %add3A_1737 : i32 to index
          %swap3A_1873 = arith.constant 32 : index
          %swap3A_1874 = tpu.vector_load %arg8[%swap3A_1872, %swap3A_1873] {strides = array<i32>} : memref<32x256xf32, #tpu.memory_space<vmem>>, vector<16xf32>,
          tpu.vector_store %arg8[%swap3A_1872, %swap3A_1873], %get3A_1755 {strides = array<i32>} : memref<32x256xf32, #tpu.memory_space<vmem>>, vector<16xf32>,
          %add3A_1875 = arith.constant 48 : i32
          %add3A_1876 = arith.addi %squeeze3A_158, %add3A_1875 : i32
          %get3A_1877 = arith.index_cast %add3A_1876 : i32 to index
          %get3A_1878 = tpu.vector_load %arg6[%get3A_1877] {strides = array<i32>} : memref<93184xf32, #tpu.memory_space<vmem>>, vector<16xf32>,
          %swap3A_1879 = arith.index_cast %add3A_1737 : i32 to index
          %swap3A_1880 = arith.constant 48 : index
          %swap3A_1881 = tpu.vector_load %arg8[%swap3A_1879, %swap3A_1880] {strides = array<i32>} : memref<32x256xf32, #tpu.memory_space<vmem>>, vector<16xf32>,
          tpu.vector_store %arg8[%swap3A_1879, %swap3A_1880], %get3A_1762 {strides = array<i32>} : memref<32x256xf32, #tpu.memory_space<vmem>>, vector<16xf32>,
          %add3A_1882 = arith.constant 64 : i32
          %add3A_1883 = arith.addi %squeeze3A_158, %add3A_1882 : i32
          %get3A_1884 = arith.index_cast %add3A_1883 : i32 to index
          %get3A_1885 = tpu.vector_load %arg6[%get3A_1884] {strides = array<i32>} : memref<93184xf32, #tpu.memory_space<vmem>>, vector<16xf32>,
          %swap3A_1886 = arith.index_cast %add3A_1737 : i32 to index
          %swap3A_1887 = arith.constant 64 : index
          %swap3A_1888 = tpu.vector_load %arg8[%swap3A_1886, %swap3A_1887] {strides = array<i32>} : memref<32x256xf32, #tpu.memory_space<vmem>>, vector<16xf32>,
          tpu.vector_store %arg8[%swap3A_1886, %swap3A_1887], %get3A_1769 {strides = array<i32>} : memref<32x256xf32, #tpu.memory_space<vmem>>, vector<16xf32>,
          %add3A_1889 = arith.constant 80 : i32
          %add3A_1890 = arith.addi %squeeze3A_158, %add3A_1889 : i32
          %get3A_1891 = arith.index_cast %add3A_1890 : i32 to index
          %get3A_1892 = tpu.vector_load %arg6[%get3A_1891] {strides = array<i32>} : memref<93184xf32, #tpu.memory_space<vmem>>, vector<16xf32>,
          %swap3A_1893 = arith.index_cast %add3A_1737 : i32 to index
          %swap3A_1894 = arith.constant 80 : index
          %swap3A_1895 = tpu.vector_load %arg8[%swap3A_1893, %swap3A_1894] {strides = array<i32>} : memref<32x256xf32, #tpu.memory_space<vmem>>, vector<16xf32>,
          tpu.vector_store %arg8[%swap3A_1893, %swap3A_1894], %get3A_1776 {strides = array<i32>} : memref<32x256xf32, #tpu.memory_space<vmem>>, vector<16xf32>,
          %add3A_1896 = arith.constant 96 : i32
          %add3A_1897 = arith.addi %squeeze3A_158, %add3A_1896 : i32
          %get3A_1898 = arith.index_cast %add3A_1897 : i32 to index
          %get3A_1899 = tpu.vector_load %arg6[%get3A_1898] {strides = array<i32>} : memref<93184xf32, #tpu.memory_space<vmem>>, vector<16xf32>,
          %swap3A_1900 = arith.index_cast %add3A_1737 : i32 to index
          %swap3A_1901 = arith.constant 96 : index
          %swap3A_1902 = tpu.vector_load %arg8[%swap3A_1900, %swap3A_1901] {strides = array<i32>} : memref<32x256xf32, #tpu.memory_space<vmem>>, vector<16xf32>,
          tpu.vector_store %arg8[%swap3A_1900, %swap3A_1901], %get3A_1783 {strides = array<i32>} : memref<32x256xf32, #tpu.memory_space<vmem>>, vector<16xf32>,
          %add3A_1903 = arith.constant 112 : i32
          %add3A_1904 = arith.addi %squeeze3A_158, %add3A_1903 : i32
          %get3A_1905 = arith.index_cast %add3A_1904 : i32 to index
          %get3A_1906 = tpu.vector_load %arg6[%get3A_1905] {strides = array<i32>} : memref<93184xf32, #tpu.memory_space<vmem>>, vector<16xf32>,
          %swap3A_1907 = arith.index_cast %add3A_1737 : i32 to index
          %swap3A_1908 = arith.constant 112 : index
          %swap3A_1909 = tpu.vector_load %arg8[%swap3A_1907, %swap3A_1908] {strides = array<i32>} : memref<32x256xf32, #tpu.memory_space<vmem>>, vector<16xf32>,
          tpu.vector_store %arg8[%swap3A_1907, %swap3A_1908], %get3A_1790 {strides = array<i32>} : memref<32x256xf32, #tpu.memory_space<vmem>>, vector<16xf32>,
          %add3A_1910 = arith.constant 128 : i32
          %add3A_1911 = arith.addi %squeeze3A_158, %add3A_1910 : i32
          %get3A_1912 = arith.index_cast %add3A_1911 : i32 to index
          %get3A_1913 = tpu.vector_load %arg6[%get3A_1912] {strides = array<i32>} : memref<93184xf32, #tpu.memory_space<vmem>>, vector<16xf32>,
          %swap3A_1914 = arith.index_cast %add3A_1737 : i32 to index
          %swap3A_1915 = arith.constant 128 : index
          %swap3A_1916 = tpu.vector_load %arg8[%swap3A_1914, %swap3A_1915] {strides = array<i32>} : memref<32x256xf32, #tpu.memory_space<vmem>>, vector<16xf32>,
          tpu.vector_store %arg8[%swap3A_1914, %swap3A_1915], %get3A_1797 {strides = array<i32>} : memref<32x256xf32, #tpu.memory_space<vmem>>, vector<16xf32>,
          %add3A_1917 = arith.constant 144 : i32
          %add3A_1918 = arith.addi %squeeze3A_158, %add3A_1917 : i32
          %get3A_1919 = arith.index_cast %add3A_1918 : i32 to index
          %get3A_1920 = tpu.vector_load %arg6[%get3A_1919] {strides = array<i32>} : memref<93184xf32, #tpu.memory_space<vmem>>, vector<16xf32>,
          %swap3A_1921 = arith.index_cast %add3A_1737 : i32 to index
          %swap3A_1922 = arith.constant 144 : index
          %swap3A_1923 = tpu.vector_load %arg8[%swap3A_1921, %swap3A_1922] {strides = array<i32>} : memref<32x256xf32, #tpu.memory_space<vmem>>, vector<16xf32>,
          tpu.vector_store %arg8[%swap3A_1921, %swap3A_1922], %get3A_1804 {strides = array<i32>} : memref<32x256xf32, #tpu.memory_space<vmem>>, vector<16xf32>,
          %add3A_1924 = arith.constant 160 : i32
          %add3A_1925 = arith.addi %squeeze3A_158, %add3A_1924 : i32
          %get3A_1926 = arith.index_cast %add3A_1925 : i32 to index
          %get3A_1927 = tpu.vector_load %arg6[%get3A_1926] {strides = array<i32>} : memref<93184xf32, #tpu.memory_space<vmem>>, vector<16xf32>,
          %swap3A_1928 = arith.index_cast %add3A_1737 : i32 to index
          %swap3A_1929 = arith.constant 160 : index
          %swap3A_1930 = tpu.vector_load %arg8[%swap3A_1928, %swap3A_1929] {strides = array<i32>} : memref<32x256xf32, #tpu.memory_space<vmem>>, vector<16xf32>,
          tpu.vector_store %arg8[%swap3A_1928, %swap3A_1929], %get3A_1811 {strides = array<i32>} : memref<32x256xf32, #tpu.memory_space<vmem>>, vector<16xf32>,
          %add3A_1931 = arith.constant 176 : i32
          %add3A_1932 = arith.addi %squeeze3A_158, %add3A_1931 : i32
          %get3A_1933 = arith.index_cast %add3A_1932 : i32 to index
          %get3A_1934 = tpu.vector_load %arg6[%get3A_1933] {strides = array<i32>} : memref<93184xf32, #tpu.memory_space<vmem>>, vector<16xf32>,
          %swap3A_1935 = arith.index_cast %add3A_1737 : i32 to index
          %swap3A_1936 = arith.constant 176 : index
          %swap3A_1937 = tpu.vector_load %arg8[%swap3A_1935, %swap3A_1936] {strides = array<i32>} : memref<32x256xf32, #tpu.memory_space<vmem>>, vector<16xf32>,
          tpu.vector_store %arg8[%swap3A_1935, %swap3A_1936], %get3A_1818 {strides = array<i32>} : memref<32x256xf32, #tpu.memory_space<vmem>>, vector<16xf32>,
          %add3A_1938 = arith.constant 192 : i32
          %add3A_1939 = arith.addi %squeeze3A_158, %add3A_1938 : i32
          %get3A_1940 = arith.index_cast %add3A_1939 : i32 to index
          %get3A_1941 = tpu.vector_load %arg6[%get3A_1940] {strides = array<i32>} : memref<93184xf32, #tpu.memory_space<vmem>>, vector<16xf32>,
          %swap3A_1942 = arith.index_cast %add3A_1737 : i32 to index
          %swap3A_1943 = arith.constant 192 : index
          %swap3A_1944 = tpu.vector_load %arg8[%swap3A_1942, %swap3A_1943] {strides = array<i32>} : memref<32x256xf32, #tpu.memory_space<vmem>>, vector<16xf32>,
          tpu.vector_store %arg8[%swap3A_1942, %swap3A_1943], %get3A_1825 {strides = array<i32>} : memref<32x256xf32, #tpu.memory_space<vmem>>, vector<16xf32>,
          %add3A_1945 = arith.constant 208 : i32
          %add3A_1946 = arith.addi %squeeze3A_158, %add3A_1945 : i32
          %get3A_1947 = arith.index_cast %add3A_1946 : i32 to index
          %get3A_1948 = tpu.vector_load %arg6[%get3A_1947] {strides = array<i32>} : memref<93184xf32, #tpu.memory_space<vmem>>, vector<16xf32>,
          %swap3A_1949 = arith.index_cast %add3A_1737 : i32 to index
          %swap3A_1950 = arith.constant 208 : index
          %swap3A_1951 = tpu.vector_load %arg8[%swap3A_1949, %swap3A_1950] {strides = array<i32>} : memref<32x256xf32, #tpu.memory_space<vmem>>, vector<16xf32>,
          tpu.vector_store %arg8[%swap3A_1949, %swap3A_1950], %get3A_1832 {strides = array<i32>} : memref<32x256xf32, #tpu.memory_space<vmem>>, vector<16xf32>,
          %add3A_1952 = arith.constant 224 : i32
          %add3A_1953 = arith.addi %squeeze3A_158, %add3A_1952 : i32
          %get3A_1954 = arith.index_cast %add3A_1953 : i32 to index
          %get3A_1955 = tpu.vector_load %arg6[%get3A_1954] {strides = array<i32>} : memref<93184xf32, #tpu.memory_space<vmem>>, vector<16xf32>,
          %swap3A_1956 = arith.index_cast %add3A_1737 : i32 to index
          %swap3A_1957 = arith.constant 224 : index
          %swap3A_1958 = tpu.vector_load %arg8[%swap3A_1956, %swap3A_1957] {strides = array<i32>} : memref<32x256xf32, #tpu.memory_space<vmem>>, vector<16xf32>,
          tpu.vector_store %arg8[%swap3A_1956, %swap3A_1957], %get3A_1839 {strides = array<i32>} : memref<32x256xf32, #tpu.memory_space<vmem>>, vector<16xf32>,
          %add3A_1959 = arith.constant 240 : i32
          %add3A_1960 = arith.addi %squeeze3A_158, %add3A_1959 : i32
          %get3A_1961 = arith.index_cast %add3A_1960 : i32 to index
          %get3A_1962 = tpu.vector_load %arg6[%get3A_1961] {strides = array<i32>} : memref<93184xf32, #tpu.memory_space<vmem>>, vector<16xf32>,
          %swap3A_1963 = arith.index_cast %add3A_1737 : i32 to index
          %swap3A_1964 = arith.constant 240 : index
          %swap3A_1965 = tpu.vector_load %arg8[%swap3A_1963, %swap3A_1964] {strides = array<i32>} : memref<32x256xf32, #tpu.memory_space<vmem>>, vector<16xf32>,
          tpu.vector_store %arg8[%swap3A_1963, %swap3A_1964], %get3A_1846 {strides = array<i32>} : memref<32x256xf32, #tpu.memory_space<vmem>>, vector<16xf32>,
          %swap3A_1966 = arith.index_cast %add3A_1853 : i32 to index
          %swap3A_1967 = arith.constant 0 : index
          %swap3A_1968 = tpu.vector_load %arg8[%swap3A_1966, %swap3A_1967] {strides = array<i32>} : memref<32x256xf32, #tpu.memory_space<vmem>>, vector<16xf32>,
          tpu.vector_store %arg8[%swap3A_1966, %swap3A_1967], %get3A_1857 {strides = array<i32>} : memref<32x256xf32, #tpu.memory_space<vmem>>, vector<16xf32>,
          %swap3A_1969 = arith.index_cast %add3A_1853 : i32 to index
          %swap3A_1970 = arith.constant 16 : index
          %swap3A_1971 = tpu.vector_load %arg8[%swap3A_1969, %swap3A_1970] {strides = array<i32>} : memref<32x256xf32, #tpu.memory_space<vmem>>, vector<16xf32>,
          tpu.vector_store %arg8[%swap3A_1969, %swap3A_1970], %get3A_1864 {strides = array<i32>} : memref<32x256xf32, #tpu.memory_space<vmem>>, vector<16xf32>,
          %swap3A_1972 = arith.index_cast %add3A_1853 : i32 to index
          %swap3A_1973 = arith.constant 32 : index
          %swap3A_1974 = tpu.vector_load %arg8[%swap3A_1972, %swap3A_1973] {strides = array<i32>} : memref<32x256xf32, #tpu.memory_space<vmem>>, vector<16xf32>,
          tpu.vector_store %arg8[%swap3A_1972, %swap3A_1973], %get3A_1871 {strides = array<i32>} : memref<32x256xf32, #tpu.memory_space<vmem>>, vector<16xf32>,
          %swap3A_1975 = arith.index_cast %add3A_1853 : i32 to index
          %swap3A_1976 = arith.constant 48 : index
          %swap3A_1977 = tpu.vector_load %arg8[%swap3A_1975, %swap3A_1976] {strides = array<i32>} : memref<32x256xf32, #tpu.memory_space<vmem>>, vector<16xf32>,
          tpu.vector_store %arg8[%swap3A_1975, %swap3A_1976], %get3A_1878 {strides = array<i32>} : memref<32x256xf32, #tpu.memory_space<vmem>>, vector<16xf32>,
          %swap3A_1978 = arith.index_cast %add3A_1853 : i32 to index
          %swap3A_1979 = arith.constant 64 : index
          %swap3A_1980 = tpu.vector_load %arg8[%swap3A_1978, %swap3A_1979] {strides = array<i32>} : memref<32x256xf32, #tpu.memory_space<vmem>>, vector<16xf32>,
          tpu.vector_store %arg8[%swap3A_1978, %swap3A_1979], %get3A_1885 {strides = array<i32>} : memref<32x256xf32, #tpu.memory_space<vmem>>, vector<16xf32>,
          %swap3A_1981 = arith.index_cast %add3A_1853 : i32 to index
          %swap3A_1982 = arith.constant 80 : index
          %swap3A_1983 = tpu.vector_load %arg8[%swap3A_1981, %swap3A_1982] {strides = array<i32>} : memref<32x256xf32, #tpu.memory_space<vmem>>, vector<16xf32>,
          tpu.vector_store %arg8[%swap3A_1981, %swap3A_1982], %get3A_1892 {strides = array<i32>} : memref<32x256xf32, #tpu.memory_space<vmem>>, vector<16xf32>,
          %swap3A_1984 = arith.index_cast %add3A_1853 : i32 to index
          %swap3A_1985 = arith.constant 96 : index
          %swap3A_1986 = tpu.vector_load %arg8[%swap3A_1984, %swap3A_1985] {strides = array<i32>} : memref<32x256xf32, #tpu.memory_space<vmem>>, vector<16xf32>,
          tpu.vector_store %arg8[%swap3A_1984, %swap3A_1985], %get3A_1899 {strides = array<i32>} : memref<32x256xf32, #tpu.memory_space<vmem>>, vector<16xf32>,
          %swap3A_1987 = arith.index_cast %add3A_1853 : i32 to index
          %swap3A_1988 = arith.constant 112 : index
          %swap3A_1989 = tpu.vector_load %arg8[%swap3A_1987, %swap3A_1988] {strides = array<i32>} : memref<32x256xf32, #tpu.memory_space<vmem>>, vector<16xf32>,
          tpu.vector_store %arg8[%swap3A_1987, %swap3A_1988], %get3A_1906 {strides = array<i32>} : memref<32x256xf32, #tpu.memory_space<vmem>>, vector<16xf32>,
          %swap3A_1990 = arith.index_cast %add3A_1853 : i32 to index
          %swap3A_1991 = arith.constant 128 : index
          %swap3A_1992 = tpu.vector_load %arg8[%swap3A_1990, %swap3A_1991] {strides = array<i32>} : memref<32x256xf32, #tpu.memory_space<vmem>>, vector<16xf32>,
          tpu.vector_store %arg8[%swap3A_1990, %swap3A_1991], %get3A_1913 {strides = array<i32>} : memref<32x256xf32, #tpu.memory_space<vmem>>, vector<16xf32>,
          %swap3A_1993 = arith.index_cast %add3A_1853 : i32 to index
          %swap3A_1994 = arith.constant 144 : index
          %swap3A_1995 = tpu.vector_load %arg8[%swap3A_1993, %swap3A_1994] {strides = array<i32>} : memref<32x256xf32, #tpu.memory_space<vmem>>, vector<16xf32>,
          tpu.vector_store %arg8[%swap3A_1993, %swap3A_1994], %get3A_1920 {strides = array<i32>} : memref<32x256xf32, #tpu.memory_space<vmem>>, vector<16xf32>,
          %swap3A_1996 = arith.index_cast %add3A_1853 : i32 to index
          %swap3A_1997 = arith.constant 160 : index
          %swap3A_1998 = tpu.vector_load %arg8[%swap3A_1996, %swap3A_1997] {strides = array<i32>} : memref<32x256xf32, #tpu.memory_space<vmem>>, vector<16xf32>,
          tpu.vector_store %arg8[%swap3A_1996, %swap3A_1997], %get3A_1927 {strides = array<i32>} : memref<32x256xf32, #tpu.memory_space<vmem>>, vector<16xf32>,
          %swap3A_1999 = arith.index_cast %add3A_1853 : i32 to index
          %swap3A_2000 = arith.constant 176 : index
          %swap3A_2001 = tpu.vector_load %arg8[%swap3A_1999, %swap3A_2000] {strides = array<i32>} : memref<32x256xf32, #tpu.memory_space<vmem>>, vector<16xf32>,
          tpu.vector_store %arg8[%swap3A_1999, %swap3A_2000], %get3A_1934 {strides = array<i32>} : memref<32x256xf32, #tpu.memory_space<vmem>>, vector<16xf32>,
          %swap3A_2002 = arith.index_cast %add3A_1853 : i32 to index
          %swap3A_2003 = arith.constant 192 : index
          %swap3A_2004 = tpu.vector_load %arg8[%swap3A_2002, %swap3A_2003] {strides = array<i32>} : memref<32x256xf32, #tpu.memory_space<vmem>>, vector<16xf32>,
          tpu.vector_store %arg8[%swap3A_2002, %swap3A_2003], %get3A_1941 {strides = array<i32>} : memref<32x256xf32, #tpu.memory_space<vmem>>, vector<16xf32>,
          %swap3A_2005 = arith.index_cast %add3A_1853 : i32 to index
          %swap3A_2006 = arith.constant 208 : index
          %swap3A_2007 = tpu.vector_load %arg8[%swap3A_2005, %swap3A_2006] {strides = array<i32>} : memref<32x256xf32, #tpu.memory_space<vmem>>, vector<16xf32>,
          tpu.vector_store %arg8[%swap3A_2005, %swap3A_2006], %get3A_1948 {strides = array<i32>} : memref<32x256xf32, #tpu.memory_space<vmem>>, vector<16xf32>,
          %swap3A_2008 = arith.index_cast %add3A_1853 : i32 to index
          %swap3A_2009 = arith.constant 224 : index
          %swap3A_2010 = tpu.vector_load %arg8[%swap3A_2008, %swap3A_2009] {strides = array<i32>} : memref<32x256xf32, #tpu.memory_space<vmem>>, vector<16xf32>,
          tpu.vector_store %arg8[%swap3A_2008, %swap3A_2009], %get3A_1955 {strides = array<i32>} : memref<32x256xf32, #tpu.memory_space<vmem>>, vector<16xf32>,
          %swap3A_2011 = arith.index_cast %add3A_1853 : i32 to index
          %swap3A_2012 = arith.constant 240 : index
          %swap3A_2013 = tpu.vector_load %arg8[%swap3A_2011, %swap3A_2012] {strides = array<i32>} : memref<32x256xf32, #tpu.memory_space<vmem>>, vector<16xf32>,
          tpu.vector_store %arg8[%swap3A_2011, %swap3A_2012], %get3A_1962 {strides = array<i32>} : memref<32x256xf32, #tpu.memory_space<vmem>>, vector<16xf32>,
        }
        %scan3A_107 = arith.constant 2 : i32
        %mul3A_108 = arith.constant 32 : i32
        %mul3A_109 = arith.muli %add3A_26, %mul3A_108 : i32
        %add3A_110 = arith.addi %mul3A_2, %mul3A_109 : i32
        %dma_start3A_111 = arith.constant 0 : i32
        %dma_start3A_112 = tpu.memref_slice %arg5[%add3A_110, %dma_start3A_111] : memref<204800x256xf32, #tpu.memory_space<hbm>> -> memref<32x256xf32, #tpu.memory_space<hbm>>
        %dma_start3A_113 = arith.constant 0 : i32
        %dma_start3A_114 = tpu.memref_slice %arg5[%add3A_110, %dma_start3A_113] : memref<204800x256xf32, #tpu.memory_space<hbm>> -> memref<32x256xf32, #tpu.memory_space<hbm>>
        tpu.enqueue_dma source(%arg8 : memref<32x256xf32, #tpu.memory_space<vmem>>) target(%dma_start3A_114 : memref<32x256xf32, #tpu.memory_space<hbm>>) target_semaphore(%arg14 : memref<!tpu.dma_semaphore, #tpu.memory_space<semaphore_mem>>)
      } else {
      }
      %dma_wait3A_47 = arith.constant 0 : i32
      %dma_wait3A_48 = tpu.memref_slice %arg7[%dma_wait3A_47] : memref<6400xi32, #tpu.memory_space<vmem>> -> memref<16xi32, #tpu.memory_space<vmem>>
      %dma_wait3A_49 = arith.constant 0 : i32
      %dma_wait3A_50 = arith.constant 0 : i32
      %dma_wait3A_51 = tpu.memref_slice %arg3[%dma_wait3A_49, %dma_wait3A_50] : memref<364x256xf32, #tpu.memory_space<hbm>> -> memref<364x256xf32, #tpu.memory_space<hbm>>
      tpu.wait_indirect_dma semaphore(%arg12 : memref<!tpu.dma_semaphore, #tpu.memory_space<semaphore_mem>>) src(%dma_wait3A_51 : memref<364x256xf32, #tpu.memory_space<hbm>>) dst(%arg10 : memref<16x256xf32, #tpu.memory_space<vmem>>)
      %mul3A_52 = arith.constant 16 : i32
      %mul3A_53 = arith.muli %add3A_26, %mul3A_52 : i32
      %add3A_54 = arith.constant 4256 : i32
      %add3A_55 = arith.addi %add3A_54, %mul3A_53 : i32
      %add3A_56 = arith.addi %mul3A_2, %add3A_55 : i32
      %dma_start3A_57 = arith.constant 0 : i32
      %dma_start3A_58 = tpu.memref_slice %arg5[%add3A_56, %dma_start3A_57] : memref<204800x256xf32, #tpu.memory_space<hbm>> -> memref<16x256xf32, #tpu.memory_space<hbm>>
      %dma_start3A_59 = arith.constant 0 : i32
      %dma_start3A_60 = tpu.memref_slice %arg5[%add3A_56, %dma_start3A_59] : memref<204800x256xf32, #tpu.memory_space<hbm>> -> memref<16x256xf32, #tpu.memory_space<hbm>>
      tpu.enqueue_dma source(%arg10 : memref<16x256xf32, #tpu.memory_space<vmem>>) target(%dma_start3A_60 : memref<16x256xf32, #tpu.memory_space<hbm>>) target_semaphore(%arg16 : memref<!tpu.dma_semaphore, #tpu.memory_space<semaphore_mem>>)
      %add3A_61 = arith.constant 1 : i32
      %add3A_62 = arith.addi %add3A_26, %add3A_61 : i32
      %gt3A_63 = arith.constant 1 : i32
      %gt3A_64 = arith.cmpi sgt, %add3A_62, %gt3A_63 : i32
      %convert_element_type3A_65 = arith.extui %gt3A_64 : i1 to i32
      %cond3A_66 = arith.constant 0 : i32
      %cond3A_67 = arith.cmpi ne, %convert_element_type3A_65, %cond3A_66 : i32
      scf.if %cond3A_67 {
        %dma_wait3A_103 = arith.constant 0 : i32
        %dma_wait3A_104 = tpu.memref_slice %arg5[%mul3A_2, %dma_wait3A_103] : memref<204800x256xf32, #tpu.memory_space<hbm>> -> memref<16x256xf32, #tpu.memory_space<hbm>>
        %dma_wait3A_105 = arith.constant 0 : i32
        %dma_wait3A_106 = tpu.memref_slice %arg5[%mul3A_2, %dma_wait3A_105] : memref<204800x256xf32, #tpu.memory_space<hbm>> -> memref<16x256xf32, #tpu.memory_space<hbm>>
        tpu.wait_dma2 semaphore(%arg17 : memref<!tpu.dma_semaphore, #tpu.memory_space<semaphore_mem>>) src(%arg11 : memref<16x256xf32, #tpu.memory_space<vmem>>) dst(%dma_wait3A_106 : memref<16x256xf32, #tpu.memory_space<hbm>>)
      } else {
      }
      %mul3A_68 = arith.constant 16 : i32
      %mul3A_69 = arith.muli %add3A_62, %mul3A_68 : i32
      %add3A_70 = arith.constant 4256 : i32
      %add3A_71 = arith.addi %add3A_70, %mul3A_69 : i32
      %dma_start3A_72 = tpu.memref_slice %arg7[%add3A_71] : memref<6400xi32, #tpu.memory_space<vmem>> -> memref<16xi32, #tpu.memory_space<vmem>>
      %dma_start3A_73 = arith.constant 0 : i32
      %dma_start3A_74 = arith.constant 0 : i32
      %dma_start3A_75 = tpu.memref_slice %arg3[%dma_start3A_73, %dma_start3A_74] : memref<364x256xf32, #tpu.memory_space<hbm>> -> memref<364x256xf32, #tpu.memory_space<hbm>>
      tpu.enqueue_indirect_dma source(%dma_start3A_75 : memref<364x256xf32, #tpu.memory_space<hbm>>) target(%arg11 : memref<16x256xf32, #tpu.memory_space<vmem>>) offsets(%dma_start3A_72 : memref<16xi32, #tpu.memory_space<vmem>>) semaphore(%arg13 : memref<!tpu.dma_semaphore, #tpu.memory_space<semaphore_mem>>)
      %gt3A_76 = arith.constant 1 : i32
      %gt3A_77 = arith.cmpi sgt, %add3A_62, %gt3A_76 : i32
      %lt3A_78 = arith.constant 133 : i32
      %lt3A_79 = arith.cmpi slt, %add3A_62, %lt3A_78 : i32
      %and3A_80 = arith.andi %gt3A_77, %lt3A_79 : i1
      %convert_element_type3A_81 = arith.extui %and3A_80 : i1 to i32
      %cond3A_82 = arith.constant 0 : i32
      %cond3A_83 = arith.cmpi ne, %convert_element_type3A_81, %cond3A_82 : i32
      scf.if %cond3A_83 {
        %dma_wait3A_103 = arith.constant 0 : i32
        %dma_wait3A_104 = tpu.memref_slice %arg5[%mul3A_2, %dma_wait3A_103] : memref<204800x256xf32, #tpu.memory_space<hbm>> -> memref<32x256xf32, #tpu.memory_space<hbm>>
        %dma_wait3A_105 = arith.constant 0 : i32
        %dma_wait3A_106 = tpu.memref_slice %arg5[%mul3A_2, %dma_wait3A_105] : memref<204800x256xf32, #tpu.memory_space<hbm>> -> memref<32x256xf32, #tpu.memory_space<hbm>>
        tpu.wait_dma2 semaphore(%arg15 : memref<!tpu.dma_semaphore, #tpu.memory_space<semaphore_mem>>) src(%arg9 : memref<32x256xf32, #tpu.memory_space<vmem>>) dst(%dma_wait3A_106 : memref<32x256xf32, #tpu.memory_space<hbm>>)
      } else {
      }
      %lt3A_84 = arith.constant 133 : i32
      %lt3A_85 = arith.cmpi slt, %add3A_62, %lt3A_84 : i32
      %convert_element_type3A_86 = arith.extui %lt3A_85 : i1 to i32
      %cond3A_87 = arith.constant 0 : i32
      %cond3A_88 = arith.cmpi ne, %convert_element_type3A_86, %cond3A_87 : i32
      scf.if %cond3A_88 {
        %scan3A_103 = arith.constant 0 : i32
        %scan3A_104 = arith.constant 2 : i32
        %scan3A_105 = arith.addi %scan3A_103, %scan3A_104 : i32
        %scan3A_106 = arith.constant 1 : i32
        scf.for %scan3A_115 = %scan3A_103 to %scan3A_105 step %scan3A_106  : i32 {
          %mul3A_116 = arith.constant 1 : i32
          %mul3A_117 = arith.muli %scan3A_115, %mul3A_116 : i32
          %add3A_118 = arith.constant 0 : i32
          %add3A_119 = arith.addi %add3A_118, %mul3A_117 : i32
          %mul3A_120 = arith.constant 32 : i32
          %mul3A_121 = arith.muli %add3A_62, %mul3A_120 : i32
          %mul3A_122 = arith.constant 16 : i32
          %mul3A_123 = arith.muli %add3A_119, %mul3A_122 : i32
          %add3A_124 = arith.addi %mul3A_121, %mul3A_123 : i32
          %get3A = arith.index_cast %add3A_124 : i32 to index
          %get3A_125 = tpu.vector_load %arg7[%get3A] {strides = array<i32>} : memref<6400xi32, #tpu.memory_space<vmem>>, vector<16xi32>,
          %mul3A_126 = arith.constant 256 : i32
          %mul3A_127 = vector.broadcast %mul3A_126 : i32 to vector<16xi32>
          %mul3A_128 = arith.muli %get3A_125, %mul3A_127 : vector<16xi32>
          %slice3A = vector.extract_strided_slice %mul3A_128 {offsets = [0], sizes = [1], strides = [1]} : vector<16xi32> to vector<1xi32>
          %squeeze3A = vector.extract %slice3A[0] : i32 from vector<1xi32>
          %slice3A_129 = vector.extract_strided_slice %mul3A_128 {offsets = [1], sizes = [1], strides = [1]} : vector<16xi32> to vector<1xi32>
          %squeeze3A_130 = vector.extract %slice3A_129[0] : i32 from vector<1xi32>
          %slice3A_131 = vector.extract_strided_slice %mul3A_128 {offsets = [2], sizes = [1], strides = [1]} : vector<16xi32> to vector<1xi32>
          %squeeze3A_132 = vector.extract %slice3A_131[0] : i32 from vector<1xi32>
          %slice3A_133 = vector.extract_strided_slice %mul3A_128 {offsets = [3], sizes = [1], strides = [1]} : vector<16xi32> to vector<1xi32>
          %squeeze3A_134 = vector.extract %slice3A_133[0] : i32 from vector<1xi32>
          %slice3A_135 = vector.extract_strided_slice %mul3A_128 {offsets = [4], sizes = [1], strides = [1]} : vector<16xi32> to vector<1xi32>
          %squeeze3A_136 = vector.extract %slice3A_135[0] : i32 from vector<1xi32>
          %slice3A_137 = vector.extract_strided_slice %mul3A_128 {offsets = [5], sizes = [1], strides = [1]} : vector<16xi32> to vector<1xi32>
          %squeeze3A_138 = vector.extract %slice3A_137[0] : i32 from vector<1xi32>
          %slice3A_139 = vector.extract_strided_slice %mul3A_128 {offsets = [6], sizes = [1], strides = [1]} : vector<16xi32> to vector<1xi32>
          %squeeze3A_140 = vector.extract %slice3A_139[0] : i32 from vector<1xi32>
          %slice3A_141 = vector.extract_strided_slice %mul3A_128 {offsets = [7], sizes = [1], strides = [1]} : vector<16xi32> to vector<1xi32>
          %squeeze3A_142 = vector.extract %slice3A_141[0] : i32 from vector<1xi32>
          %slice3A_143 = vector.extract_strided_slice %mul3A_128 {offsets = [8], sizes = [1], strides = [1]} : vector<16xi32> to vector<1xi32>
          %squeeze3A_144 = vector.extract %slice3A_143[0] : i32 from vector<1xi32>
          %slice3A_145 = vector.extract_strided_slice %mul3A_128 {offsets = [9], sizes = [1], strides = [1]} : vector<16xi32> to vector<1xi32>
          %squeeze3A_146 = vector.extract %slice3A_145[0] : i32 from vector<1xi32>
          %slice3A_147 = vector.extract_strided_slice %mul3A_128 {offsets = [10], sizes = [1], strides = [1]} : vector<16xi32> to vector<1xi32>
          %squeeze3A_148 = vector.extract %slice3A_147[0] : i32 from vector<1xi32>
          %slice3A_149 = vector.extract_strided_slice %mul3A_128 {offsets = [11], sizes = [1], strides = [1]} : vector<16xi32> to vector<1xi32>
          %squeeze3A_150 = vector.extract %slice3A_149[0] : i32 from vector<1xi32>
          %slice3A_151 = vector.extract_strided_slice %mul3A_128 {offsets = [12], sizes = [1], strides = [1]} : vector<16xi32> to vector<1xi32>
          %squeeze3A_152 = vector.extract %slice3A_151[0] : i32 from vector<1xi32>
          %slice3A_153 = vector.extract_strided_slice %mul3A_128 {offsets = [13], sizes = [1], strides = [1]} : vector<16xi32> to vector<1xi32>
          %squeeze3A_154 = vector.extract %slice3A_153[0] : i32 from vector<1xi32>
          %slice3A_155 = vector.extract_strided_slice %mul3A_128 {offsets = [14], sizes = [1], strides = [1]} : vector<16xi32> to vector<1xi32>
          %squeeze3A_156 = vector.extract %slice3A_155[0] : i32 from vector<1xi32>
          %slice3A_157 = vector.extract_strided_slice %mul3A_128 {offsets = [15], sizes = [1], strides = [1]} : vector<16xi32> to vector<1xi32>
          %squeeze3A_158 = vector.extract %slice3A_157[0] : i32 from vector<1xi32>
          %mul3A_159 = arith.constant 16 : i32
          %mul3A_160 = arith.muli %add3A_119, %mul3A_159 : i32
          %add3A_161 = arith.constant 0 : i32
          %add3A_162 = arith.addi %mul3A_160, %add3A_161 : i32
          %add3A_163 = arith.constant 0 : i32
          %add3A_164 = arith.addi %squeeze3A, %add3A_163 : i32
          %get3A_165 = arith.index_cast %add3A_164 : i32 to index
          %get3A_166 = tpu.vector_load %arg6[%get3A_165] {strides = array<i32>} : memref<93184xf32, #tpu.memory_space<vmem>>, vector<16xf32>,
          %add3A_167 = arith.constant 16 : i32
          %add3A_168 = arith.addi %squeeze3A, %add3A_167 : i32
          %get3A_169 = arith.index_cast %add3A_168 : i32 to index
          %get3A_170 = tpu.vector_load %arg6[%get3A_169] {strides = array<i32>} : memref<93184xf32, #tpu.memory_space<vmem>>, vector<16xf32>,
          %add3A_171 = arith.constant 32 : i32
          %add3A_172 = arith.addi %squeeze3A, %add3A_171 : i32
          %get3A_173 = arith.index_cast %add3A_172 : i32 to index
          %get3A_174 = tpu.vector_load %arg6[%get3A_173] {strides = array<i32>} : memref<93184xf32, #tpu.memory_space<vmem>>, vector<16xf32>,
          %add3A_175 = arith.constant 48 : i32
          %add3A_176 = arith.addi %squeeze3A, %add3A_175 : i32
          %get3A_177 = arith.index_cast %add3A_176 : i32 to index
          %get3A_178 = tpu.vector_load %arg6[%get3A_177] {strides = array<i32>} : memref<93184xf32, #tpu.memory_space<vmem>>, vector<16xf32>,
          %add3A_179 = arith.constant 64 : i32
          %add3A_180 = arith.addi %squeeze3A, %add3A_179 : i32
          %get3A_181 = arith.index_cast %add3A_180 : i32 to index
          %get3A_182 = tpu.vector_load %arg6[%get3A_181] {strides = array<i32>} : memref<93184xf32, #tpu.memory_space<vmem>>, vector<16xf32>,
          %add3A_183 = arith.constant 80 : i32
          %add3A_184 = arith.addi %squeeze3A, %add3A_183 : i32
          %get3A_185 = arith.index_cast %add3A_184 : i32 to index
          %get3A_186 = tpu.vector_load %arg6[%get3A_185] {strides = array<i32>} : memref<93184xf32, #tpu.memory_space<vmem>>, vector<16xf32>,
          %add3A_187 = arith.constant 96 : i32
          %add3A_188 = arith.addi %squeeze3A, %add3A_187 : i32
          %get3A_189 = arith.index_cast %add3A_188 : i32 to index
          %get3A_190 = tpu.vector_load %arg6[%get3A_189] {strides = array<i32>} : memref<93184xf32, #tpu.memory_space<vmem>>, vector<16xf32>,
          %add3A_191 = arith.constant 112 : i32
          %add3A_192 = arith.addi %squeeze3A, %add3A_191 : i32
          %get3A_193 = arith.index_cast %add3A_192 : i32 to index
          %get3A_194 = tpu.vector_load %arg6[%get3A_193] {strides = array<i32>} : memref<93184xf32, #tpu.memory_space<vmem>>, vector<16xf32>,
          %add3A_195 = arith.constant 128 : i32
          %add3A_196 = arith.addi %squeeze3A, %add3A_195 : i32
          %get3A_197 = arith.index_cast %add3A_196 : i32 to index
          %get3A_198 = tpu.vector_load %arg6[%get3A_197] {strides = array<i32>} : memref<93184xf32, #tpu.memory_space<vmem>>, vector<16xf32>,
          %add3A_199 = arith.constant 144 : i32
          %add3A_200 = arith.addi %squeeze3A, %add3A_199 : i32
          %get3A_201 = arith.index_cast %add3A_200 : i32 to index
          %get3A_202 = tpu.vector_load %arg6[%get3A_201] {strides = array<i32>} : memref<93184xf32, #tpu.memory_space<vmem>>, vector<16xf32>,
          %add3A_203 = arith.constant 160 : i32
          %add3A_204 = arith.addi %squeeze3A, %add3A_203 : i32
          %get3A_205 = arith.index_cast %add3A_204 : i32 to index
          %get3A_206 = tpu.vector_load %arg6[%get3A_205] {strides = array<i32>} : memref<93184xf32, #tpu.memory_space<vmem>>, vector<16xf32>,
          %add3A_207 = arith.constant 176 : i32
          %add3A_208 = arith.addi %squeeze3A, %add3A_207 : i32
          %get3A_209 = arith.index_cast %add3A_208 : i32 to index
          %get3A_210 = tpu.vector_load %arg6[%get3A_209] {strides = array<i32>} : memref<93184xf32, #tpu.memory_space<vmem>>, vector<16xf32>,
          %add3A_211 = arith.constant 192 : i32
          %add3A_212 = arith.addi %squeeze3A, %add3A_211 : i32
          %get3A_213 = arith.index_cast %add3A_212 : i32 to index
          %get3A_214 = tpu.vector_load %arg6[%get3A_213] {strides = array<i32>} : memref<93184xf32, #tpu.memory_space<vmem>>, vector<16xf32>,
          %add3A_215 = arith.constant 208 : i32
          %add3A_216 = arith.addi %squeeze3A, %add3A_215 : i32
          %get3A_217 = arith.index_cast %add3A_216 : i32 to index
          %get3A_218 = tpu.vector_load %arg6[%get3A_217] {strides = array<i32>} : memref<93184xf32, #tpu.memory_space<vmem>>, vector<16xf32>,
          %add3A_219 = arith.constant 224 : i32
          %add3A_220 = arith.addi %squeeze3A, %add3A_219 : i32
          %get3A_221 = arith.index_cast %add3A_220 : i32 to index
          %get3A_222 = tpu.vector_load %arg6[%get3A_221] {strides = array<i32>} : memref<93184xf32, #tpu.memory_space<vmem>>, vector<16xf32>,
          %add3A_223 = arith.constant 240 : i32
          %add3A_224 = arith.addi %squeeze3A, %add3A_223 : i32
          %get3A_225 = arith.index_cast %add3A_224 : i32 to index
          %get3A_226 = tpu.vector_load %arg6[%get3A_225] {strides = array<i32>} : memref<93184xf32, #tpu.memory_space<vmem>>, vector<16xf32>,
          %mul3A_227 = arith.constant 16 : i32
          %mul3A_228 = arith.muli %add3A_119, %mul3A_227 : i32
          %add3A_229 = arith.constant 1 : i32
          %add3A_230 = arith.addi %mul3A_228, %add3A_229 : i32
          %add3A_231 = arith.constant 0 : i32
          %add3A_232 = arith.addi %squeeze3A_130, %add3A_231 : i32
          %get3A_233 = arith.index_cast %add3A_232 : i32 to index
          %get3A_234 = tpu.vector_load %arg6[%get3A_233] {strides = array<i32>} : memref<93184xf32, #tpu.memory_space<vmem>>, vector<16xf32>,
          %swap3A = arith.index_cast %add3A_162 : i32 to index
          %swap3A_235 = arith.constant 0 : index
          %swap3A_236 = tpu.vector_load %arg9[%swap3A, %swap3A_235] {strides = array<i32>} : memref<32x256xf32, #tpu.memory_space<vmem>>, vector<16xf32>,
          tpu.vector_store %arg9[%swap3A, %swap3A_235], %get3A_166 {strides = array<i32>} : memref<32x256xf32, #tpu.memory_space<vmem>>, vector<16xf32>,
          %add3A_237 = arith.constant 16 : i32
          %add3A_238 = arith.addi %squeeze3A_130, %add3A_237 : i32
          %get3A_239 = arith.index_cast %add3A_238 : i32 to index
          %get3A_240 = tpu.vector_load %arg6[%get3A_239] {strides = array<i32>} : memref<93184xf32, #tpu.memory_space<vmem>>, vector<16xf32>,
          %swap3A_241 = arith.index_cast %add3A_162 : i32 to index
          %swap3A_242 = arith.constant 16 : index
          %swap3A_243 = tpu.vector_load %arg9[%swap3A_241, %swap3A_242] {strides = array<i32>} : memref<32x256xf32, #tpu.memory_space<vmem>>, vector<16xf32>,
          tpu.vector_store %arg9[%swap3A_241, %swap3A_242], %get3A_170 {strides = array<i32>} : memref<32x256xf32, #tpu.memory_space<vmem>>, vector<16xf32>,
          %add3A_244 = arith.constant 32 : i32
          %add3A_245 = arith.addi %squeeze3A_130, %add3A_244 : i32
          %get3A_246 = arith.index_cast %add3A_245 : i32 to index
          %get3A_247 = tpu.vector_load %arg6[%get3A_246] {strides = array<i32>} : memref<93184xf32, #tpu.memory_space<vmem>>, vector<16xf32>,
          %swap3A_248 = arith.index_cast %add3A_162 : i32 to index
          %swap3A_249 = arith.constant 32 : index
          %swap3A_250 = tpu.vector_load %arg9[%swap3A_248, %swap3A_249] {strides = array<i32>} : memref<32x256xf32, #tpu.memory_space<vmem>>, vector<16xf32>,
          tpu.vector_store %arg9[%swap3A_248, %swap3A_249], %get3A_174 {strides = array<i32>} : memref<32x256xf32, #tpu.memory_space<vmem>>, vector<16xf32>,
          %add3A_251 = arith.constant 48 : i32
          %add3A_252 = arith.addi %squeeze3A_130, %add3A_251 : i32
          %get3A_253 = arith.index_cast %add3A_252 : i32 to index
          %get3A_254 = tpu.vector_load %arg6[%get3A_253] {strides = array<i32>} : memref<93184xf32, #tpu.memory_space<vmem>>, vector<16xf32>,
          %swap3A_255 = arith.index_cast %add3A_162 : i32 to index
          %swap3A_256 = arith.constant 48 : index
          %swap3A_257 = tpu.vector_load %arg9[%swap3A_255, %swap3A_256] {strides = array<i32>} : memref<32x256xf32, #tpu.memory_space<vmem>>, vector<16xf32>,
          tpu.vector_store %arg9[%swap3A_255, %swap3A_256], %get3A_178 {strides = array<i32>} : memref<32x256xf32, #tpu.memory_space<vmem>>, vector<16xf32>,
          %add3A_258 = arith.constant 64 : i32
          %add3A_259 = arith.addi %squeeze3A_130, %add3A_258 : i32
          %get3A_260 = arith.index_cast %add3A_259 : i32 to index
          %get3A_261 = tpu.vector_load %arg6[%get3A_260] {strides = array<i32>} : memref<93184xf32, #tpu.memory_space<vmem>>, vector<16xf32>,
          %swap3A_262 = arith.index_cast %add3A_162 : i32 to index
          %swap3A_263 = arith.constant 64 : index
          %swap3A_264 = tpu.vector_load %arg9[%swap3A_262, %swap3A_263] {strides = array<i32>} : memref<32x256xf32, #tpu.memory_space<vmem>>, vector<16xf32>,
          tpu.vector_store %arg9[%swap3A_262, %swap3A_263], %get3A_182 {strides = array<i32>} : memref<32x256xf32, #tpu.memory_space<vmem>>, vector<16xf32>,
          %add3A_265 = arith.constant 80 : i32
          %add3A_266 = arith.addi %squeeze3A_130, %add3A_265 : i32
          %get3A_267 = arith.index_cast %add3A_266 : i32 to index
          %get3A_268 = tpu.vector_load %arg6[%get3A_267] {strides = array<i32>} : memref<93184xf32, #tpu.memory_space<vmem>>, vector<16xf32>,
          %swap3A_269 = arith.index_cast %add3A_162 : i32 to index
          %swap3A_270 = arith.constant 80 : index
          %swap3A_271 = tpu.vector_load %arg9[%swap3A_269, %swap3A_270] {strides = array<i32>} : memref<32x256xf32, #tpu.memory_space<vmem>>, vector<16xf32>,
          tpu.vector_store %arg9[%swap3A_269, %swap3A_270], %get3A_186 {strides = array<i32>} : memref<32x256xf32, #tpu.memory_space<vmem>>, vector<16xf32>,
          %add3A_272 = arith.constant 96 : i32
          %add3A_273 = arith.addi %squeeze3A_130, %add3A_272 : i32
          %get3A_274 = arith.index_cast %add3A_273 : i32 to index
          %get3A_275 = tpu.vector_load %arg6[%get3A_274] {strides = array<i32>} : memref<93184xf32, #tpu.memory_space<vmem>>, vector<16xf32>,
          %swap3A_276 = arith.index_cast %add3A_162 : i32 to index
          %swap3A_277 = arith.constant 96 : index
          %swap3A_278 = tpu.vector_load %arg9[%swap3A_276, %swap3A_277] {strides = array<i32>} : memref<32x256xf32, #tpu.memory_space<vmem>>, vector<16xf32>,
          tpu.vector_store %arg9[%swap3A_276, %swap3A_277], %get3A_190 {strides = array<i32>} : memref<32x256xf32, #tpu.memory_space<vmem>>, vector<16xf32>,
          %add3A_279 = arith.constant 112 : i32
          %add3A_280 = arith.addi %squeeze3A_130, %add3A_279 : i32
          %get3A_281 = arith.index_cast %add3A_280 : i32 to index
          %get3A_282 = tpu.vector_load %arg6[%get3A_281] {strides = array<i32>} : memref<93184xf32, #tpu.memory_space<vmem>>, vector<16xf32>,
          %swap3A_283 = arith.index_cast %add3A_162 : i32 to index
          %swap3A_284 = arith.constant 112 : index
          %swap3A_285 = tpu.vector_load %arg9[%swap3A_283, %swap3A_284] {strides = array<i32>} : memref<32x256xf32, #tpu.memory_space<vmem>>, vector<16xf32>,
          tpu.vector_store %arg9[%swap3A_283, %swap3A_284], %get3A_194 {strides = array<i32>} : memref<32x256xf32, #tpu.memory_space<vmem>>, vector<16xf32>,
          %add3A_286 = arith.constant 128 : i32
          %add3A_287 = arith.addi %squeeze3A_130, %add3A_286 : i32
          %get3A_288 = arith.index_cast %add3A_287 : i32 to index
          %get3A_289 = tpu.vector_load %arg6[%get3A_288] {strides = array<i32>} : memref<93184xf32, #tpu.memory_space<vmem>>, vector<16xf32>,
          %swap3A_290 = arith.index_cast %add3A_162 : i32 to index
          %swap3A_291 = arith.constant 128 : index
          %swap3A_292 = tpu.vector_load %arg9[%swap3A_290, %swap3A_291] {strides = array<i32>} : memref<32x256xf32, #tpu.memory_space<vmem>>, vector<16xf32>,
          tpu.vector_store %arg9[%swap3A_290, %swap3A_291], %get3A_198 {strides = array<i32>} : memref<32x256xf32, #tpu.memory_space<vmem>>, vector<16xf32>,
          %add3A_293 = arith.constant 144 : i32
          %add3A_294 = arith.addi %squeeze3A_130, %add3A_293 : i32
          %get3A_295 = arith.index_cast %add3A_294 : i32 to index
          %get3A_296 = tpu.vector_load %arg6[%get3A_295] {strides = array<i32>} : memref<93184xf32, #tpu.memory_space<vmem>>, vector<16xf32>,
          %swap3A_297 = arith.index_cast %add3A_162 : i32 to index
          %swap3A_298 = arith.constant 144 : index
          %swap3A_299 = tpu.vector_load %arg9[%swap3A_297, %swap3A_298] {strides = array<i32>} : memref<32x256xf32, #tpu.memory_space<vmem>>, vector<16xf32>,
          tpu.vector_store %arg9[%swap3A_297, %swap3A_298], %get3A_202 {strides = array<i32>} : memref<32x256xf32, #tpu.memory_space<vmem>>, vector<16xf32>,
          %add3A_300 = arith.constant 160 : i32
          %add3A_301 = arith.addi %squeeze3A_130, %add3A_300 : i32
          %get3A_302 = arith.index_cast %add3A_301 : i32 to index
          %get3A_303 = tpu.vector_load %arg6[%get3A_302] {strides = array<i32>} : memref<93184xf32, #tpu.memory_space<vmem>>, vector<16xf32>,
          %swap3A_304 = arith.index_cast %add3A_162 : i32 to index
          %swap3A_305 = arith.constant 160 : index
          %swap3A_306 = tpu.vector_load %arg9[%swap3A_304, %swap3A_305] {strides = array<i32>} : memref<32x256xf32, #tpu.memory_space<vmem>>, vector<16xf32>,
          tpu.vector_store %arg9[%swap3A_304, %swap3A_305], %get3A_206 {strides = array<i32>} : memref<32x256xf32, #tpu.memory_space<vmem>>, vector<16xf32>,
          %add3A_307 = arith.constant 176 : i32
          %add3A_308 = arith.addi %squeeze3A_130, %add3A_307 : i32
          %get3A_309 = arith.index_cast %add3A_308 : i32 to index
          %get3A_310 = tpu.vector_load %arg6[%get3A_309] {strides = array<i32>} : memref<93184xf32, #tpu.memory_space<vmem>>, vector<16xf32>,
          %swap3A_311 = arith.index_cast %add3A_162 : i32 to index
          %swap3A_312 = arith.constant 176 : index
          %swap3A_313 = tpu.vector_load %arg9[%swap3A_311, %swap3A_312] {strides = array<i32>} : memref<32x256xf32, #tpu.memory_space<vmem>>, vector<16xf32>,
          tpu.vector_store %arg9[%swap3A_311, %swap3A_312], %get3A_210 {strides = array<i32>} : memref<32x256xf32, #tpu.memory_space<vmem>>, vector<16xf32>,
          %add3A_314 = arith.constant 192 : i32
          %add3A_315 = arith.addi %squeeze3A_130, %add3A_314 : i32
          %get3A_316 = arith.index_cast %add3A_315 : i32 to index
          %get3A_317 = tpu.vector_load %arg6[%get3A_316] {strides = array<i32>} : memref<93184xf32, #tpu.memory_space<vmem>>, vector<16xf32>,
          %swap3A_318 = arith.index_cast %add3A_162 : i32 to index
          %swap3A_319 = arith.constant 192 : index
          %swap3A_320 = tpu.vector_load %arg9[%swap3A_318, %swap3A_319] {strides = array<i32>} : memref<32x256xf32, #tpu.memory_space<vmem>>, vector<16xf32>,
          tpu.vector_store %arg9[%swap3A_318, %swap3A_319], %get3A_214 {strides = array<i32>} : memref<32x256xf32, #tpu.memory_space<vmem>>, vector<16xf32>,
          %add3A_321 = arith.constant 208 : i32
          %add3A_322 = arith.addi %squeeze3A_130, %add3A_321 : i32
          %get3A_323 = arith.index_cast %add3A_322 : i32 to index
          %get3A_324 = tpu.vector_load %arg6[%get3A_323] {strides = array<i32>} : memref<93184xf32, #tpu.memory_space<vmem>>, vector<16xf32>,
          %swap3A_325 = arith.index_cast %add3A_162 : i32 to index
          %swap3A_326 = arith.constant 208 : index
          %swap3A_327 = tpu.vector_load %arg9[%swap3A_325, %swap3A_326] {strides = array<i32>} : memref<32x256xf32, #tpu.memory_space<vmem>>, vector<16xf32>,
          tpu.vector_store %arg9[%swap3A_325, %swap3A_326], %get3A_218 {strides = array<i32>} : memref<32x256xf32, #tpu.memory_space<vmem>>, vector<16xf32>,
          %add3A_328 = arith.constant 224 : i32
          %add3A_329 = arith.addi %squeeze3A_130, %add3A_328 : i32
          %get3A_330 = arith.index_cast %add3A_329 : i32 to index
          %get3A_331 = tpu.vector_load %arg6[%get3A_330] {strides = array<i32>} : memref<93184xf32, #tpu.memory_space<vmem>>, vector<16xf32>,
          %swap3A_332 = arith.index_cast %add3A_162 : i32 to index
          %swap3A_333 = arith.constant 224 : index
          %swap3A_334 = tpu.vector_load %arg9[%swap3A_332, %swap3A_333] {strides = array<i32>} : memref<32x256xf32, #tpu.memory_space<vmem>>, vector<16xf32>,
          tpu.vector_store %arg9[%swap3A_332, %swap3A_333], %get3A_222 {strides = array<i32>} : memref<32x256xf32, #tpu.memory_space<vmem>>, vector<16xf32>,
          %add3A_335 = arith.constant 240 : i32
          %add3A_336 = arith.addi %squeeze3A_130, %add3A_335 : i32
          %get3A_337 = arith.index_cast %add3A_336 : i32 to index
          %get3A_338 = tpu.vector_load %arg6[%get3A_337] {strides = array<i32>} : memref<93184xf32, #tpu.memory_space<vmem>>, vector<16xf32>,
          %swap3A_339 = arith.index_cast %add3A_162 : i32 to index
          %swap3A_340 = arith.constant 240 : index
          %swap3A_341 = tpu.vector_load %arg9[%swap3A_339, %swap3A_340] {strides = array<i32>} : memref<32x256xf32, #tpu.memory_space<vmem>>, vector<16xf32>,
          tpu.vector_store %arg9[%swap3A_339, %swap3A_340], %get3A_226 {strides = array<i32>} : memref<32x256xf32, #tpu.memory_space<vmem>>, vector<16xf32>,
          %mul3A_342 = arith.constant 16 : i32
          %mul3A_343 = arith.muli %add3A_119, %mul3A_342 : i32
          %add3A_344 = arith.constant 2 : i32
          %add3A_345 = arith.addi %mul3A_343, %add3A_344 : i32
          %add3A_346 = arith.constant 0 : i32
          %add3A_347 = arith.addi %squeeze3A_132, %add3A_346 : i32
          %get3A_348 = arith.index_cast %add3A_347 : i32 to index
          %get3A_349 = tpu.vector_load %arg6[%get3A_348] {strides = array<i32>} : memref<93184xf32, #tpu.memory_space<vmem>>, vector<16xf32>,
          %swap3A_350 = arith.index_cast %add3A_230 : i32 to index
          %swap3A_351 = arith.constant 0 : index
          %swap3A_352 = tpu.vector_load %arg9[%swap3A_350, %swap3A_351] {strides = array<i32>} : memref<32x256xf32, #tpu.memory_space<vmem>>, vector<16xf32>,
          tpu.vector_store %arg9[%swap3A_350, %swap3A_351], %get3A_234 {strides = array<i32>} : memref<32x256xf32, #tpu.memory_space<vmem>>, vector<16xf32>,
          %add3A_353 = arith.constant 16 : i32
          %add3A_354 = arith.addi %squeeze3A_132, %add3A_353 : i32
          %get3A_355 = arith.index_cast %add3A_354 : i32 to index
          %get3A_356 = tpu.vector_load %arg6[%get3A_355] {strides = array<i32>} : memref<93184xf32, #tpu.memory_space<vmem>>, vector<16xf32>,
          %swap3A_357 = arith.index_cast %add3A_230 : i32 to index
          %swap3A_358 = arith.constant 16 : index
          %swap3A_359 = tpu.vector_load %arg9[%swap3A_357, %swap3A_358] {strides = array<i32>} : memref<32x256xf32, #tpu.memory_space<vmem>>, vector<16xf32>,
          tpu.vector_store %arg9[%swap3A_357, %swap3A_358], %get3A_240 {strides = array<i32>} : memref<32x256xf32, #tpu.memory_space<vmem>>, vector<16xf32>,
          %add3A_360 = arith.constant 32 : i32
          %add3A_361 = arith.addi %squeeze3A_132, %add3A_360 : i32
          %get3A_362 = arith.index_cast %add3A_361 : i32 to index
          %get3A_363 = tpu.vector_load %arg6[%get3A_362] {strides = array<i32>} : memref<93184xf32, #tpu.memory_space<vmem>>, vector<16xf32>,
          %swap3A_364 = arith.index_cast %add3A_230 : i32 to index
          %swap3A_365 = arith.constant 32 : index
          %swap3A_366 = tpu.vector_load %arg9[%swap3A_364, %swap3A_365] {strides = array<i32>} : memref<32x256xf32, #tpu.memory_space<vmem>>, vector<16xf32>,
          tpu.vector_store %arg9[%swap3A_364, %swap3A_365], %get3A_247 {strides = array<i32>} : memref<32x256xf32, #tpu.memory_space<vmem>>, vector<16xf32>,
          %add3A_367 = arith.constant 48 : i32
          %add3A_368 = arith.addi %squeeze3A_132, %add3A_367 : i32
          %get3A_369 = arith.index_cast %add3A_368 : i32 to index
          %get3A_370 = tpu.vector_load %arg6[%get3A_369] {strides = array<i32>} : memref<93184xf32, #tpu.memory_space<vmem>>, vector<16xf32>,
          %swap3A_371 = arith.index_cast %add3A_230 : i32 to index
          %swap3A_372 = arith.constant 48 : index
          %swap3A_373 = tpu.vector_load %arg9[%swap3A_371, %swap3A_372] {strides = array<i32>} : memref<32x256xf32, #tpu.memory_space<vmem>>, vector<16xf32>,
          tpu.vector_store %arg9[%swap3A_371, %swap3A_372], %get3A_254 {strides = array<i32>} : memref<32x256xf32, #tpu.memory_space<vmem>>, vector<16xf32>,
          %add3A_374 = arith.constant 64 : i32
          %add3A_375 = arith.addi %squeeze3A_132, %add3A_374 : i32
          %get3A_376 = arith.index_cast %add3A_375 : i32 to index
          %get3A_377 = tpu.vector_load %arg6[%get3A_376] {strides = array<i32>} : memref<93184xf32, #tpu.memory_space<vmem>>, vector<16xf32>,
          %swap3A_378 = arith.index_cast %add3A_230 : i32 to index
          %swap3A_379 = arith.constant 64 : index
          %swap3A_380 = tpu.vector_load %arg9[%swap3A_378, %swap3A_379] {strides = array<i32>} : memref<32x256xf32, #tpu.memory_space<vmem>>, vector<16xf32>,
          tpu.vector_store %arg9[%swap3A_378, %swap3A_379], %get3A_261 {strides = array<i32>} : memref<32x256xf32, #tpu.memory_space<vmem>>, vector<16xf32>,
          %add3A_381 = arith.constant 80 : i32
          %add3A_382 = arith.addi %squeeze3A_132, %add3A_381 : i32
          %get3A_383 = arith.index_cast %add3A_382 : i32 to index
          %get3A_384 = tpu.vector_load %arg6[%get3A_383] {strides = array<i32>} : memref<93184xf32, #tpu.memory_space<vmem>>, vector<16xf32>,
          %swap3A_385 = arith.index_cast %add3A_230 : i32 to index
          %swap3A_386 = arith.constant 80 : index
          %swap3A_387 = tpu.vector_load %arg9[%swap3A_385, %swap3A_386] {strides = array<i32>} : memref<32x256xf32, #tpu.memory_space<vmem>>, vector<16xf32>,
          tpu.vector_store %arg9[%swap3A_385, %swap3A_386], %get3A_268 {strides = array<i32>} : memref<32x256xf32, #tpu.memory_space<vmem>>, vector<16xf32>,
          %add3A_388 = arith.constant 96 : i32
          %add3A_389 = arith.addi %squeeze3A_132, %add3A_388 : i32
          %get3A_390 = arith.index_cast %add3A_389 : i32 to index
          %get3A_391 = tpu.vector_load %arg6[%get3A_390] {strides = array<i32>} : memref<93184xf32, #tpu.memory_space<vmem>>, vector<16xf32>,
          %swap3A_392 = arith.index_cast %add3A_230 : i32 to index
          %swap3A_393 = arith.constant 96 : index
          %swap3A_394 = tpu.vector_load %arg9[%swap3A_392, %swap3A_393] {strides = array<i32>} : memref<32x256xf32, #tpu.memory_space<vmem>>, vector<16xf32>,
          tpu.vector_store %arg9[%swap3A_392, %swap3A_393], %get3A_275 {strides = array<i32>} : memref<32x256xf32, #tpu.memory_space<vmem>>, vector<16xf32>,
          %add3A_395 = arith.constant 112 : i32
          %add3A_396 = arith.addi %squeeze3A_132, %add3A_395 : i32
          %get3A_397 = arith.index_cast %add3A_396 : i32 to index
          %get3A_398 = tpu.vector_load %arg6[%get3A_397] {strides = array<i32>} : memref<93184xf32, #tpu.memory_space<vmem>>, vector<16xf32>,
          %swap3A_399 = arith.index_cast %add3A_230 : i32 to index
          %swap3A_400 = arith.constant 112 : index
          %swap3A_401 = tpu.vector_load %arg9[%swap3A_399, %swap3A_400] {strides = array<i32>} : memref<32x256xf32, #tpu.memory_space<vmem>>, vector<16xf32>,
          tpu.vector_store %arg9[%swap3A_399, %swap3A_400], %get3A_282 {strides = array<i32>} : memref<32x256xf32, #tpu.memory_space<vmem>>, vector<16xf32>,
          %add3A_402 = arith.constant 128 : i32
          %add3A_403 = arith.addi %squeeze3A_132, %add3A_402 : i32
          %get3A_404 = arith.index_cast %add3A_403 : i32 to index
          %get3A_405 = tpu.vector_load %arg6[%get3A_404] {strides = array<i32>} : memref<93184xf32, #tpu.memory_space<vmem>>, vector<16xf32>,
          %swap3A_406 = arith.index_cast %add3A_230 : i32 to index
          %swap3A_407 = arith.constant 128 : index
          %swap3A_408 = tpu.vector_load %arg9[%swap3A_406, %swap3A_407] {strides = array<i32>} : memref<32x256xf32, #tpu.memory_space<vmem>>, vector<16xf32>,
          tpu.vector_store %arg9[%swap3A_406, %swap3A_407], %get3A_289 {strides = array<i32>} : memref<32x256xf32, #tpu.memory_space<vmem>>, vector<16xf32>,
          %add3A_409 = arith.constant 144 : i32
          %add3A_410 = arith.addi %squeeze3A_132, %add3A_409 : i32
          %get3A_411 = arith.index_cast %add3A_410 : i32 to index
          %get3A_412 = tpu.vector_load %arg6[%get3A_411] {strides = array<i32>} : memref<93184xf32, #tpu.memory_space<vmem>>, vector<16xf32>,
          %swap3A_413 = arith.index_cast %add3A_230 : i32 to index
          %swap3A_414 = arith.constant 144 : index
          %swap3A_415 = tpu.vector_load %arg9[%swap3A_413, %swap3A_414] {strides = array<i32>} : memref<32x256xf32, #tpu.memory_space<vmem>>, vector<16xf32>,
          tpu.vector_store %arg9[%swap3A_413, %swap3A_414], %get3A_296 {strides = array<i32>} : memref<32x256xf32, #tpu.memory_space<vmem>>, vector<16xf32>,
          %add3A_416 = arith.constant 160 : i32
          %add3A_417 = arith.addi %squeeze3A_132, %add3A_416 : i32
          %get3A_418 = arith.index_cast %add3A_417 : i32 to index
          %get3A_419 = tpu.vector_load %arg6[%get3A_418] {strides = array<i32>} : memref<93184xf32, #tpu.memory_space<vmem>>, vector<16xf32>,
          %swap3A_420 = arith.index_cast %add3A_230 : i32 to index
          %swap3A_421 = arith.constant 160 : index
          %swap3A_422 = tpu.vector_load %arg9[%swap3A_420, %swap3A_421] {strides = array<i32>} : memref<32x256xf32, #tpu.memory_space<vmem>>, vector<16xf32>,
          tpu.vector_store %arg9[%swap3A_420, %swap3A_421], %get3A_303 {strides = array<i32>} : memref<32x256xf32, #tpu.memory_space<vmem>>, vector<16xf32>,
          %add3A_423 = arith.constant 176 : i32
          %add3A_424 = arith.addi %squeeze3A_132, %add3A_423 : i32
          %get3A_425 = arith.index_cast %add3A_424 : i32 to index
          %get3A_426 = tpu.vector_load %arg6[%get3A_425] {strides = array<i32>} : memref<93184xf32, #tpu.memory_space<vmem>>, vector<16xf32>,
          %swap3A_427 = arith.index_cast %add3A_230 : i32 to index
          %swap3A_428 = arith.constant 176 : index
          %swap3A_429 = tpu.vector_load %arg9[%swap3A_427, %swap3A_428] {strides = array<i32>} : memref<32x256xf32, #tpu.memory_space<vmem>>, vector<16xf32>,
          tpu.vector_store %arg9[%swap3A_427, %swap3A_428], %get3A_310 {strides = array<i32>} : memref<32x256xf32, #tpu.memory_space<vmem>>, vector<16xf32>,
          %add3A_430 = arith.constant 192 : i32
          %add3A_431 = arith.addi %squeeze3A_132, %add3A_430 : i32
          %get3A_432 = arith.index_cast %add3A_431 : i32 to index
          %get3A_433 = tpu.vector_load %arg6[%get3A_432] {strides = array<i32>} : memref<93184xf32, #tpu.memory_space<vmem>>, vector<16xf32>,
          %swap3A_434 = arith.index_cast %add3A_230 : i32 to index
          %swap3A_435 = arith.constant 192 : index
          %swap3A_436 = tpu.vector_load %arg9[%swap3A_434, %swap3A_435] {strides = array<i32>} : memref<32x256xf32, #tpu.memory_space<vmem>>, vector<16xf32>,
          tpu.vector_store %arg9[%swap3A_434, %swap3A_435], %get3A_317 {strides = array<i32>} : memref<32x256xf32, #tpu.memory_space<vmem>>, vector<16xf32>,
          %add3A_437 = arith.constant 208 : i32
          %add3A_438 = arith.addi %squeeze3A_132, %add3A_437 : i32
          %get3A_439 = arith.index_cast %add3A_438 : i32 to index
          %get3A_440 = tpu.vector_load %arg6[%get3A_439] {strides = array<i32>} : memref<93184xf32, #tpu.memory_space<vmem>>, vector<16xf32>,
          %swap3A_441 = arith.index_cast %add3A_230 : i32 to index
          %swap3A_442 = arith.constant 208 : index
          %swap3A_443 = tpu.vector_load %arg9[%swap3A_441, %swap3A_442] {strides = array<i32>} : memref<32x256xf32, #tpu.memory_space<vmem>>, vector<16xf32>,
          tpu.vector_store %arg9[%swap3A_441, %swap3A_442], %get3A_324 {strides = array<i32>} : memref<32x256xf32, #tpu.memory_space<vmem>>, vector<16xf32>,
          %add3A_444 = arith.constant 224 : i32
          %add3A_445 = arith.addi %squeeze3A_132, %add3A_444 : i32
          %get3A_446 = arith.index_cast %add3A_445 : i32 to index
          %get3A_447 = tpu.vector_load %arg6[%get3A_446] {strides = array<i32>} : memref<93184xf32, #tpu.memory_space<vmem>>, vector<16xf32>,
          %swap3A_448 = arith.index_cast %add3A_230 : i32 to index
          %swap3A_449 = arith.constant 224 : index
          %swap3A_450 = tpu.vector_load %arg9[%swap3A_448, %swap3A_449] {strides = array<i32>} : memref<32x256xf32, #tpu.memory_space<vmem>>, vector<16xf32>,
          tpu.vector_store %arg9[%swap3A_448, %swap3A_449], %get3A_331 {strides = array<i32>} : memref<32x256xf32, #tpu.memory_space<vmem>>, vector<16xf32>,
          %add3A_451 = arith.constant 240 : i32
          %add3A_452 = arith.addi %squeeze3A_132, %add3A_451 : i32
          %get3A_453 = arith.index_cast %add3A_452 : i32 to index
          %get3A_454 = tpu.vector_load %arg6[%get3A_453] {strides = array<i32>} : memref<93184xf32, #tpu.memory_space<vmem>>, vector<16xf32>,
          %swap3A_455 = arith.index_cast %add3A_230 : i32 to index
          %swap3A_456 = arith.constant 240 : index
          %swap3A_457 = tpu.vector_load %arg9[%swap3A_455, %swap3A_456] {strides = array<i32>} : memref<32x256xf32, #tpu.memory_space<vmem>>, vector<16xf32>,
          tpu.vector_store %arg9[%swap3A_455, %swap3A_456], %get3A_338 {strides = array<i32>} : memref<32x256xf32, #tpu.memory_space<vmem>>, vector<16xf32>,
          %mul3A_458 = arith.constant 16 : i32
          %mul3A_459 = arith.muli %add3A_119, %mul3A_458 : i32
          %add3A_460 = arith.constant 3 : i32
          %add3A_461 = arith.addi %mul3A_459, %add3A_460 : i32
          %add3A_462 = arith.constant 0 : i32
          %add3A_463 = arith.addi %squeeze3A_134, %add3A_462 : i32
          %get3A_464 = arith.index_cast %add3A_463 : i32 to index
          %get3A_465 = tpu.vector_load %arg6[%get3A_464] {strides = array<i32>} : memref<93184xf32, #tpu.memory_space<vmem>>, vector<16xf32>,
          %swap3A_466 = arith.index_cast %add3A_345 : i32 to index
          %swap3A_467 = arith.constant 0 : index
          %swap3A_468 = tpu.vector_load %arg9[%swap3A_466, %swap3A_467] {strides = array<i32>} : memref<32x256xf32, #tpu.memory_space<vmem>>, vector<16xf32>,
          tpu.vector_store %arg9[%swap3A_466, %swap3A_467], %get3A_349 {strides = array<i32>} : memref<32x256xf32, #tpu.memory_space<vmem>>, vector<16xf32>,
          %add3A_469 = arith.constant 16 : i32
          %add3A_470 = arith.addi %squeeze3A_134, %add3A_469 : i32
          %get3A_471 = arith.index_cast %add3A_470 : i32 to index
          %get3A_472 = tpu.vector_load %arg6[%get3A_471] {strides = array<i32>} : memref<93184xf32, #tpu.memory_space<vmem>>, vector<16xf32>,
          %swap3A_473 = arith.index_cast %add3A_345 : i32 to index
          %swap3A_474 = arith.constant 16 : index
          %swap3A_475 = tpu.vector_load %arg9[%swap3A_473, %swap3A_474] {strides = array<i32>} : memref<32x256xf32, #tpu.memory_space<vmem>>, vector<16xf32>,
          tpu.vector_store %arg9[%swap3A_473, %swap3A_474], %get3A_356 {strides = array<i32>} : memref<32x256xf32, #tpu.memory_space<vmem>>, vector<16xf32>,
          %add3A_476 = arith.constant 32 : i32
          %add3A_477 = arith.addi %squeeze3A_134, %add3A_476 : i32
          %get3A_478 = arith.index_cast %add3A_477 : i32 to index
          %get3A_479 = tpu.vector_load %arg6[%get3A_478] {strides = array<i32>} : memref<93184xf32, #tpu.memory_space<vmem>>, vector<16xf32>,
          %swap3A_480 = arith.index_cast %add3A_345 : i32 to index
          %swap3A_481 = arith.constant 32 : index
          %swap3A_482 = tpu.vector_load %arg9[%swap3A_480, %swap3A_481] {strides = array<i32>} : memref<32x256xf32, #tpu.memory_space<vmem>>, vector<16xf32>,
          tpu.vector_store %arg9[%swap3A_480, %swap3A_481], %get3A_363 {strides = array<i32>} : memref<32x256xf32, #tpu.memory_space<vmem>>, vector<16xf32>,
          %add3A_483 = arith.constant 48 : i32
          %add3A_484 = arith.addi %squeeze3A_134, %add3A_483 : i32
          %get3A_485 = arith.index_cast %add3A_484 : i32 to index
          %get3A_486 = tpu.vector_load %arg6[%get3A_485] {strides = array<i32>} : memref<93184xf32, #tpu.memory_space<vmem>>, vector<16xf32>,
          %swap3A_487 = arith.index_cast %add3A_345 : i32 to index
          %swap3A_488 = arith.constant 48 : index
          %swap3A_489 = tpu.vector_load %arg9[%swap3A_487, %swap3A_488] {strides = array<i32>} : memref<32x256xf32, #tpu.memory_space<vmem>>, vector<16xf32>,
          tpu.vector_store %arg9[%swap3A_487, %swap3A_488], %get3A_370 {strides = array<i32>} : memref<32x256xf32, #tpu.memory_space<vmem>>, vector<16xf32>,
          %add3A_490 = arith.constant 64 : i32
          %add3A_491 = arith.addi %squeeze3A_134, %add3A_490 : i32
          %get3A_492 = arith.index_cast %add3A_491 : i32 to index
          %get3A_493 = tpu.vector_load %arg6[%get3A_492] {strides = array<i32>} : memref<93184xf32, #tpu.memory_space<vmem>>, vector<16xf32>,
          %swap3A_494 = arith.index_cast %add3A_345 : i32 to index
          %swap3A_495 = arith.constant 64 : index
          %swap3A_496 = tpu.vector_load %arg9[%swap3A_494, %swap3A_495] {strides = array<i32>} : memref<32x256xf32, #tpu.memory_space<vmem>>, vector<16xf32>,
          tpu.vector_store %arg9[%swap3A_494, %swap3A_495], %get3A_377 {strides = array<i32>} : memref<32x256xf32, #tpu.memory_space<vmem>>, vector<16xf32>,
          %add3A_497 = arith.constant 80 : i32
          %add3A_498 = arith.addi %squeeze3A_134, %add3A_497 : i32
          %get3A_499 = arith.index_cast %add3A_498 : i32 to index
          %get3A_500 = tpu.vector_load %arg6[%get3A_499] {strides = array<i32>} : memref<93184xf32, #tpu.memory_space<vmem>>, vector<16xf32>,
          %swap3A_501 = arith.index_cast %add3A_345 : i32 to index
          %swap3A_502 = arith.constant 80 : index
          %swap3A_503 = tpu.vector_load %arg9[%swap3A_501, %swap3A_502] {strides = array<i32>} : memref<32x256xf32, #tpu.memory_space<vmem>>, vector<16xf32>,
          tpu.vector_store %arg9[%swap3A_501, %swap3A_502], %get3A_384 {strides = array<i32>} : memref<32x256xf32, #tpu.memory_space<vmem>>, vector<16xf32>,
          %add3A_504 = arith.constant 96 : i32
          %add3A_505 = arith.addi %squeeze3A_134, %add3A_504 : i32
          %get3A_506 = arith.index_cast %add3A_505 : i32 to index
          %get3A_507 = tpu.vector_load %arg6[%get3A_506] {strides = array<i32>} : memref<93184xf32, #tpu.memory_space<vmem>>, vector<16xf32>,
          %swap3A_508 = arith.index_cast %add3A_345 : i32 to index
          %swap3A_509 = arith.constant 96 : index
          %swap3A_510 = tpu.vector_load %arg9[%swap3A_508, %swap3A_509] {strides = array<i32>} : memref<32x256xf32, #tpu.memory_space<vmem>>, vector<16xf32>,
          tpu.vector_store %arg9[%swap3A_508, %swap3A_509], %get3A_391 {strides = array<i32>} : memref<32x256xf32, #tpu.memory_space<vmem>>, vector<16xf32>,
          %add3A_511 = arith.constant 112 : i32
          %add3A_512 = arith.addi %squeeze3A_134, %add3A_511 : i32
          %get3A_513 = arith.index_cast %add3A_512 : i32 to index
          %get3A_514 = tpu.vector_load %arg6[%get3A_513] {strides = array<i32>} : memref<93184xf32, #tpu.memory_space<vmem>>, vector<16xf32>,
          %swap3A_515 = arith.index_cast %add3A_345 : i32 to index
          %swap3A_516 = arith.constant 112 : index
          %swap3A_517 = tpu.vector_load %arg9[%swap3A_515, %swap3A_516] {strides = array<i32>} : memref<32x256xf32, #tpu.memory_space<vmem>>, vector<16xf32>,
          tpu.vector_store %arg9[%swap3A_515, %swap3A_516], %get3A_398 {strides = array<i32>} : memref<32x256xf32, #tpu.memory_space<vmem>>, vector<16xf32>,
          %add3A_518 = arith.constant 128 : i32
          %add3A_519 = arith.addi %squeeze3A_134, %add3A_518 : i32
          %get3A_520 = arith.index_cast %add3A_519 : i32 to index
          %get3A_521 = tpu.vector_load %arg6[%get3A_520] {strides = array<i32>} : memref<93184xf32, #tpu.memory_space<vmem>>, vector<16xf32>,
          %swap3A_522 = arith.index_cast %add3A_345 : i32 to index
          %swap3A_523 = arith.constant 128 : index
          %swap3A_524 = tpu.vector_load %arg9[%swap3A_522, %swap3A_523] {strides = array<i32>} : memref<32x256xf32, #tpu.memory_space<vmem>>, vector<16xf32>,
          tpu.vector_store %arg9[%swap3A_522, %swap3A_523], %get3A_405 {strides = array<i32>} : memref<32x256xf32, #tpu.memory_space<vmem>>, vector<16xf32>,
          %add3A_525 = arith.constant 144 : i32
          %add3A_526 = arith.addi %squeeze3A_134, %add3A_525 : i32
          %get3A_527 = arith.index_cast %add3A_526 : i32 to index
          %get3A_528 = tpu.vector_load %arg6[%get3A_527] {strides = array<i32>} : memref<93184xf32, #tpu.memory_space<vmem>>, vector<16xf32>,
          %swap3A_529 = arith.index_cast %add3A_345 : i32 to index
          %swap3A_530 = arith.constant 144 : index
          %swap3A_531 = tpu.vector_load %arg9[%swap3A_529, %swap3A_530] {strides = array<i32>} : memref<32x256xf32, #tpu.memory_space<vmem>>, vector<16xf32>,
          tpu.vector_store %arg9[%swap3A_529, %swap3A_530], %get3A_412 {strides = array<i32>} : memref<32x256xf32, #tpu.memory_space<vmem>>, vector<16xf32>,
          %add3A_532 = arith.constant 160 : i32
          %add3A_533 = arith.addi %squeeze3A_134, %add3A_532 : i32
          %get3A_534 = arith.index_cast %add3A_533 : i32 to index
          %get3A_535 = tpu.vector_load %arg6[%get3A_534] {strides = array<i32>} : memref<93184xf32, #tpu.memory_space<vmem>>, vector<16xf32>,
          %swap3A_536 = arith.index_cast %add3A_345 : i32 to index
          %swap3A_537 = arith.constant 160 : index
          %swap3A_538 = tpu.vector_load %arg9[%swap3A_536, %swap3A_537] {strides = array<i32>} : memref<32x256xf32, #tpu.memory_space<vmem>>, vector<16xf32>,
          tpu.vector_store %arg9[%swap3A_536, %swap3A_537], %get3A_419 {strides = array<i32>} : memref<32x256xf32, #tpu.memory_space<vmem>>, vector<16xf32>,
          %add3A_539 = arith.constant 176 : i32
          %add3A_540 = arith.addi %squeeze3A_134, %add3A_539 : i32
          %get3A_541 = arith.index_cast %add3A_540 : i32 to index
          %get3A_542 = tpu.vector_load %arg6[%get3A_541] {strides = array<i32>} : memref<93184xf32, #tpu.memory_space<vmem>>, vector<16xf32>,
          %swap3A_543 = arith.index_cast %add3A_345 : i32 to index
          %swap3A_544 = arith.constant 176 : index
          %swap3A_545 = tpu.vector_load %arg9[%swap3A_543, %swap3A_544] {strides = array<i32>} : memref<32x256xf32, #tpu.memory_space<vmem>>, vector<16xf32>,
          tpu.vector_store %arg9[%swap3A_543, %swap3A_544], %get3A_426 {strides = array<i32>} : memref<32x256xf32, #tpu.memory_space<vmem>>, vector<16xf32>,
          %add3A_546 = arith.constant 192 : i32
          %add3A_547 = arith.addi %squeeze3A_134, %add3A_546 : i32
          %get3A_548 = arith.index_cast %add3A_547 : i32 to index
          %get3A_549 = tpu.vector_load %arg6[%get3A_548] {strides = array<i32>} : memref<93184xf32, #tpu.memory_space<vmem>>, vector<16xf32>,
          %swap3A_550 = arith.index_cast %add3A_345 : i32 to index
          %swap3A_551 = arith.constant 192 : index
          %swap3A_552 = tpu.vector_load %arg9[%swap3A_550, %swap3A_551] {strides = array<i32>} : memref<32x256xf32, #tpu.memory_space<vmem>>, vector<16xf32>,
          tpu.vector_store %arg9[%swap3A_550, %swap3A_551], %get3A_433 {strides = array<i32>} : memref<32x256xf32, #tpu.memory_space<vmem>>, vector<16xf32>,
          %add3A_553 = arith.constant 208 : i32
          %add3A_554 = arith.addi %squeeze3A_134, %add3A_553 : i32
          %get3A_555 = arith.index_cast %add3A_554 : i32 to index
          %get3A_556 = tpu.vector_load %arg6[%get3A_555] {strides = array<i32>} : memref<93184xf32, #tpu.memory_space<vmem>>, vector<16xf32>,
          %swap3A_557 = arith.index_cast %add3A_345 : i32 to index
          %swap3A_558 = arith.constant 208 : index
          %swap3A_559 = tpu.vector_load %arg9[%swap3A_557, %swap3A_558] {strides = array<i32>} : memref<32x256xf32, #tpu.memory_space<vmem>>, vector<16xf32>,
          tpu.vector_store %arg9[%swap3A_557, %swap3A_558], %get3A_440 {strides = array<i32>} : memref<32x256xf32, #tpu.memory_space<vmem>>, vector<16xf32>,
          %add3A_560 = arith.constant 224 : i32
          %add3A_561 = arith.addi %squeeze3A_134, %add3A_560 : i32
          %get3A_562 = arith.index_cast %add3A_561 : i32 to index
          %get3A_563 = tpu.vector_load %arg6[%get3A_562] {strides = array<i32>} : memref<93184xf32, #tpu.memory_space<vmem>>, vector<16xf32>,
          %swap3A_564 = arith.index_cast %add3A_345 : i32 to index
          %swap3A_565 = arith.constant 224 : index
          %swap3A_566 = tpu.vector_load %arg9[%swap3A_564, %swap3A_565] {strides = array<i32>} : memref<32x256xf32, #tpu.memory_space<vmem>>, vector<16xf32>,
          tpu.vector_store %arg9[%swap3A_564, %swap3A_565], %get3A_447 {strides = array<i32>} : memref<32x256xf32, #tpu.memory_space<vmem>>, vector<16xf32>,
          %add3A_567 = arith.constant 240 : i32
          %add3A_568 = arith.addi %squeeze3A_134, %add3A_567 : i32
          %get3A_569 = arith.index_cast %add3A_568 : i32 to index
          %get3A_570 = tpu.vector_load %arg6[%get3A_569] {strides = array<i32>} : memref<93184xf32, #tpu.memory_space<vmem>>, vector<16xf32>,
          %swap3A_571 = arith.index_cast %add3A_345 : i32 to index
          %swap3A_572 = arith.constant 240 : index
          %swap3A_573 = tpu.vector_load %arg9[%swap3A_571, %swap3A_572] {strides = array<i32>} : memref<32x256xf32, #tpu.memory_space<vmem>>, vector<16xf32>,
          tpu.vector_store %arg9[%swap3A_571, %swap3A_572], %get3A_454 {strides = array<i32>} : memref<32x256xf32, #tpu.memory_space<vmem>>, vector<16xf32>,
          %mul3A_574 = arith.constant 16 : i32
          %mul3A_575 = arith.muli %add3A_119, %mul3A_574 : i32
          %add3A_576 = arith.constant 4 : i32
          %add3A_577 = arith.addi %mul3A_575, %add3A_576 : i32
          %add3A_578 = arith.constant 0 : i32
          %add3A_579 = arith.addi %squeeze3A_136, %add3A_578 : i32
          %get3A_580 = arith.index_cast %add3A_579 : i32 to index
          %get3A_581 = tpu.vector_load %arg6[%get3A_580] {strides = array<i32>} : memref<93184xf32, #tpu.memory_space<vmem>>, vector<16xf32>,
          %swap3A_582 = arith.index_cast %add3A_461 : i32 to index
          %swap3A_583 = arith.constant 0 : index
          %swap3A_584 = tpu.vector_load %arg9[%swap3A_582, %swap3A_583] {strides = array<i32>} : memref<32x256xf32, #tpu.memory_space<vmem>>, vector<16xf32>,
          tpu.vector_store %arg9[%swap3A_582, %swap3A_583], %get3A_465 {strides = array<i32>} : memref<32x256xf32, #tpu.memory_space<vmem>>, vector<16xf32>,
          %add3A_585 = arith.constant 16 : i32
          %add3A_586 = arith.addi %squeeze3A_136, %add3A_585 : i32
          %get3A_587 = arith.index_cast %add3A_586 : i32 to index
          %get3A_588 = tpu.vector_load %arg6[%get3A_587] {strides = array<i32>} : memref<93184xf32, #tpu.memory_space<vmem>>, vector<16xf32>,
          %swap3A_589 = arith.index_cast %add3A_461 : i32 to index
          %swap3A_590 = arith.constant 16 : index
          %swap3A_591 = tpu.vector_load %arg9[%swap3A_589, %swap3A_590] {strides = array<i32>} : memref<32x256xf32, #tpu.memory_space<vmem>>, vector<16xf32>,
          tpu.vector_store %arg9[%swap3A_589, %swap3A_590], %get3A_472 {strides = array<i32>} : memref<32x256xf32, #tpu.memory_space<vmem>>, vector<16xf32>,
          %add3A_592 = arith.constant 32 : i32
          %add3A_593 = arith.addi %squeeze3A_136, %add3A_592 : i32
          %get3A_594 = arith.index_cast %add3A_593 : i32 to index
          %get3A_595 = tpu.vector_load %arg6[%get3A_594] {strides = array<i32>} : memref<93184xf32, #tpu.memory_space<vmem>>, vector<16xf32>,
          %swap3A_596 = arith.index_cast %add3A_461 : i32 to index
          %swap3A_597 = arith.constant 32 : index
          %swap3A_598 = tpu.vector_load %arg9[%swap3A_596, %swap3A_597] {strides = array<i32>} : memref<32x256xf32, #tpu.memory_space<vmem>>, vector<16xf32>,
          tpu.vector_store %arg9[%swap3A_596, %swap3A_597], %get3A_479 {strides = array<i32>} : memref<32x256xf32, #tpu.memory_space<vmem>>, vector<16xf32>,
          %add3A_599 = arith.constant 48 : i32
          %add3A_600 = arith.addi %squeeze3A_136, %add3A_599 : i32
          %get3A_601 = arith.index_cast %add3A_600 : i32 to index
          %get3A_602 = tpu.vector_load %arg6[%get3A_601] {strides = array<i32>} : memref<93184xf32, #tpu.memory_space<vmem>>, vector<16xf32>,
          %swap3A_603 = arith.index_cast %add3A_461 : i32 to index
          %swap3A_604 = arith.constant 48 : index
          %swap3A_605 = tpu.vector_load %arg9[%swap3A_603, %swap3A_604] {strides = array<i32>} : memref<32x256xf32, #tpu.memory_space<vmem>>, vector<16xf32>,
          tpu.vector_store %arg9[%swap3A_603, %swap3A_604], %get3A_486 {strides = array<i32>} : memref<32x256xf32, #tpu.memory_space<vmem>>, vector<16xf32>,
          %add3A_606 = arith.constant 64 : i32
          %add3A_607 = arith.addi %squeeze3A_136, %add3A_606 : i32
          %get3A_608 = arith.index_cast %add3A_607 : i32 to index
          %get3A_609 = tpu.vector_load %arg6[%get3A_608] {strides = array<i32>} : memref<93184xf32, #tpu.memory_space<vmem>>, vector<16xf32>,
          %swap3A_610 = arith.index_cast %add3A_461 : i32 to index
          %swap3A_611 = arith.constant 64 : index
          %swap3A_612 = tpu.vector_load %arg9[%swap3A_610, %swap3A_611] {strides = array<i32>} : memref<32x256xf32, #tpu.memory_space<vmem>>, vector<16xf32>,
          tpu.vector_store %arg9[%swap3A_610, %swap3A_611], %get3A_493 {strides = array<i32>} : memref<32x256xf32, #tpu.memory_space<vmem>>, vector<16xf32>,
          %add3A_613 = arith.constant 80 : i32
          %add3A_614 = arith.addi %squeeze3A_136, %add3A_613 : i32
          %get3A_615 = arith.index_cast %add3A_614 : i32 to index
          %get3A_616 = tpu.vector_load %arg6[%get3A_615] {strides = array<i32>} : memref<93184xf32, #tpu.memory_space<vmem>>, vector<16xf32>,
          %swap3A_617 = arith.index_cast %add3A_461 : i32 to index
          %swap3A_618 = arith.constant 80 : index
          %swap3A_619 = tpu.vector_load %arg9[%swap3A_617, %swap3A_618] {strides = array<i32>} : memref<32x256xf32, #tpu.memory_space<vmem>>, vector<16xf32>,
          tpu.vector_store %arg9[%swap3A_617, %swap3A_618], %get3A_500 {strides = array<i32>} : memref<32x256xf32, #tpu.memory_space<vmem>>, vector<16xf32>,
          %add3A_620 = arith.constant 96 : i32
          %add3A_621 = arith.addi %squeeze3A_136, %add3A_620 : i32
          %get3A_622 = arith.index_cast %add3A_621 : i32 to index
          %get3A_623 = tpu.vector_load %arg6[%get3A_622] {strides = array<i32>} : memref<93184xf32, #tpu.memory_space<vmem>>, vector<16xf32>,
          %swap3A_624 = arith.index_cast %add3A_461 : i32 to index
          %swap3A_625 = arith.constant 96 : index
          %swap3A_626 = tpu.vector_load %arg9[%swap3A_624, %swap3A_625] {strides = array<i32>} : memref<32x256xf32, #tpu.memory_space<vmem>>, vector<16xf32>,
          tpu.vector_store %arg9[%swap3A_624, %swap3A_625], %get3A_507 {strides = array<i32>} : memref<32x256xf32, #tpu.memory_space<vmem>>, vector<16xf32>,
          %add3A_627 = arith.constant 112 : i32
          %add3A_628 = arith.addi %squeeze3A_136, %add3A_627 : i32
          %get3A_629 = arith.index_cast %add3A_628 : i32 to index
          %get3A_630 = tpu.vector_load %arg6[%get3A_629] {strides = array<i32>} : memref<93184xf32, #tpu.memory_space<vmem>>, vector<16xf32>,
          %swap3A_631 = arith.index_cast %add3A_461 : i32 to index
          %swap3A_632 = arith.constant 112 : index
          %swap3A_633 = tpu.vector_load %arg9[%swap3A_631, %swap3A_632] {strides = array<i32>} : memref<32x256xf32, #tpu.memory_space<vmem>>, vector<16xf32>,
          tpu.vector_store %arg9[%swap3A_631, %swap3A_632], %get3A_514 {strides = array<i32>} : memref<32x256xf32, #tpu.memory_space<vmem>>, vector<16xf32>,
          %add3A_634 = arith.constant 128 : i32
          %add3A_635 = arith.addi %squeeze3A_136, %add3A_634 : i32
          %get3A_636 = arith.index_cast %add3A_635 : i32 to index
          %get3A_637 = tpu.vector_load %arg6[%get3A_636] {strides = array<i32>} : memref<93184xf32, #tpu.memory_space<vmem>>, vector<16xf32>,
          %swap3A_638 = arith.index_cast %add3A_461 : i32 to index
          %swap3A_639 = arith.constant 128 : index
          %swap3A_640 = tpu.vector_load %arg9[%swap3A_638, %swap3A_639] {strides = array<i32>} : memref<32x256xf32, #tpu.memory_space<vmem>>, vector<16xf32>,
          tpu.vector_store %arg9[%swap3A_638, %swap3A_639], %get3A_521 {strides = array<i32>} : memref<32x256xf32, #tpu.memory_space<vmem>>, vector<16xf32>,
          %add3A_641 = arith.constant 144 : i32
          %add3A_642 = arith.addi %squeeze3A_136, %add3A_641 : i32
          %get3A_643 = arith.index_cast %add3A_642 : i32 to index
          %get3A_644 = tpu.vector_load %arg6[%get3A_643] {strides = array<i32>} : memref<93184xf32, #tpu.memory_space<vmem>>, vector<16xf32>,
          %swap3A_645 = arith.index_cast %add3A_461 : i32 to index
          %swap3A_646 = arith.constant 144 : index
          %swap3A_647 = tpu.vector_load %arg9[%swap3A_645, %swap3A_646] {strides = array<i32>} : memref<32x256xf32, #tpu.memory_space<vmem>>, vector<16xf32>,
          tpu.vector_store %arg9[%swap3A_645, %swap3A_646], %get3A_528 {strides = array<i32>} : memref<32x256xf32, #tpu.memory_space<vmem>>, vector<16xf32>,
          %add3A_648 = arith.constant 160 : i32
          %add3A_649 = arith.addi %squeeze3A_136, %add3A_648 : i32
          %get3A_650 = arith.index_cast %add3A_649 : i32 to index
          %get3A_651 = tpu.vector_load %arg6[%get3A_650] {strides = array<i32>} : memref<93184xf32, #tpu.memory_space<vmem>>, vector<16xf32>,
          %swap3A_652 = arith.index_cast %add3A_461 : i32 to index
          %swap3A_653 = arith.constant 160 : index
          %swap3A_654 = tpu.vector_load %arg9[%swap3A_652, %swap3A_653] {strides = array<i32>} : memref<32x256xf32, #tpu.memory_space<vmem>>, vector<16xf32>,
          tpu.vector_store %arg9[%swap3A_652, %swap3A_653], %get3A_535 {strides = array<i32>} : memref<32x256xf32, #tpu.memory_space<vmem>>, vector<16xf32>,
          %add3A_655 = arith.constant 176 : i32
          %add3A_656 = arith.addi %squeeze3A_136, %add3A_655 : i32
          %get3A_657 = arith.index_cast %add3A_656 : i32 to index
          %get3A_658 = tpu.vector_load %arg6[%get3A_657] {strides = array<i32>} : memref<93184xf32, #tpu.memory_space<vmem>>, vector<16xf32>,
          %swap3A_659 = arith.index_cast %add3A_461 : i32 to index
          %swap3A_660 = arith.constant 176 : index
          %swap3A_661 = tpu.vector_load %arg9[%swap3A_659, %swap3A_660] {strides = array<i32>} : memref<32x256xf32, #tpu.memory_space<vmem>>, vector<16xf32>,
          tpu.vector_store %arg9[%swap3A_659, %swap3A_660], %get3A_542 {strides = array<i32>} : memref<32x256xf32, #tpu.memory_space<vmem>>, vector<16xf32>,
          %add3A_662 = arith.constant 192 : i32
          %add3A_663 = arith.addi %squeeze3A_136, %add3A_662 : i32
          %get3A_664 = arith.index_cast %add3A_663 : i32 to index
          %get3A_665 = tpu.vector_load %arg6[%get3A_664] {strides = array<i32>} : memref<93184xf32, #tpu.memory_space<vmem>>, vector<16xf32>,
          %swap3A_666 = arith.index_cast %add3A_461 : i32 to index
          %swap3A_667 = arith.constant 192 : index
          %swap3A_668 = tpu.vector_load %arg9[%swap3A_666, %swap3A_667] {strides = array<i32>} : memref<32x256xf32, #tpu.memory_space<vmem>>, vector<16xf32>,
          tpu.vector_store %arg9[%swap3A_666, %swap3A_667], %get3A_549 {strides = array<i32>} : memref<32x256xf32, #tpu.memory_space<vmem>>, vector<16xf32>,
          %add3A_669 = arith.constant 208 : i32
          %add3A_670 = arith.addi %squeeze3A_136, %add3A_669 : i32
          %get3A_671 = arith.index_cast %add3A_670 : i32 to index
          %get3A_672 = tpu.vector_load %arg6[%get3A_671] {strides = array<i32>} : memref<93184xf32, #tpu.memory_space<vmem>>, vector<16xf32>,
          %swap3A_673 = arith.index_cast %add3A_461 : i32 to index
          %swap3A_674 = arith.constant 208 : index
          %swap3A_675 = tpu.vector_load %arg9[%swap3A_673, %swap3A_674] {strides = array<i32>} : memref<32x256xf32, #tpu.memory_space<vmem>>, vector<16xf32>,
          tpu.vector_store %arg9[%swap3A_673, %swap3A_674], %get3A_556 {strides = array<i32>} : memref<32x256xf32, #tpu.memory_space<vmem>>, vector<16xf32>,
          %add3A_676 = arith.constant 224 : i32
          %add3A_677 = arith.addi %squeeze3A_136, %add3A_676 : i32
          %get3A_678 = arith.index_cast %add3A_677 : i32 to index
          %get3A_679 = tpu.vector_load %arg6[%get3A_678] {strides = array<i32>} : memref<93184xf32, #tpu.memory_space<vmem>>, vector<16xf32>,
          %swap3A_680 = arith.index_cast %add3A_461 : i32 to index
          %swap3A_681 = arith.constant 224 : index
          %swap3A_682 = tpu.vector_load %arg9[%swap3A_680, %swap3A_681] {strides = array<i32>} : memref<32x256xf32, #tpu.memory_space<vmem>>, vector<16xf32>,
          tpu.vector_store %arg9[%swap3A_680, %swap3A_681], %get3A_563 {strides = array<i32>} : memref<32x256xf32, #tpu.memory_space<vmem>>, vector<16xf32>,
          %add3A_683 = arith.constant 240 : i32
          %add3A_684 = arith.addi %squeeze3A_136, %add3A_683 : i32
          %get3A_685 = arith.index_cast %add3A_684 : i32 to index
          %get3A_686 = tpu.vector_load %arg6[%get3A_685] {strides = array<i32>} : memref<93184xf32, #tpu.memory_space<vmem>>, vector<16xf32>,
          %swap3A_687 = arith.index_cast %add3A_461 : i32 to index
          %swap3A_688 = arith.constant 240 : index
          %swap3A_689 = tpu.vector_load %arg9[%swap3A_687, %swap3A_688] {strides = array<i32>} : memref<32x256xf32, #tpu.memory_space<vmem>>, vector<16xf32>,
          tpu.vector_store %arg9[%swap3A_687, %swap3A_688], %get3A_570 {strides = array<i32>} : memref<32x256xf32, #tpu.memory_space<vmem>>, vector<16xf32>,
          %mul3A_690 = arith.constant 16 : i32
          %mul3A_691 = arith.muli %add3A_119, %mul3A_690 : i32
          %add3A_692 = arith.constant 5 : i32
          %add3A_693 = arith.addi %mul3A_691, %add3A_692 : i32
          %add3A_694 = arith.constant 0 : i32
          %add3A_695 = arith.addi %squeeze3A_138, %add3A_694 : i32
          %get3A_696 = arith.index_cast %add3A_695 : i32 to index
          %get3A_697 = tpu.vector_load %arg6[%get3A_696] {strides = array<i32>} : memref<93184xf32, #tpu.memory_space<vmem>>, vector<16xf32>,
          %swap3A_698 = arith.index_cast %add3A_577 : i32 to index
          %swap3A_699 = arith.constant 0 : index
          %swap3A_700 = tpu.vector_load %arg9[%swap3A_698, %swap3A_699] {strides = array<i32>} : memref<32x256xf32, #tpu.memory_space<vmem>>, vector<16xf32>,
          tpu.vector_store %arg9[%swap3A_698, %swap3A_699], %get3A_581 {strides = array<i32>} : memref<32x256xf32, #tpu.memory_space<vmem>>, vector<16xf32>,
          %add3A_701 = arith.constant 16 : i32
          %add3A_702 = arith.addi %squeeze3A_138, %add3A_701 : i32
          %get3A_703 = arith.index_cast %add3A_702 : i32 to index
          %get3A_704 = tpu.vector_load %arg6[%get3A_703] {strides = array<i32>} : memref<93184xf32, #tpu.memory_space<vmem>>, vector<16xf32>,
          %swap3A_705 = arith.index_cast %add3A_577 : i32 to index
          %swap3A_706 = arith.constant 16 : index
          %swap3A_707 = tpu.vector_load %arg9[%swap3A_705, %swap3A_706] {strides = array<i32>} : memref<32x256xf32, #tpu.memory_space<vmem>>, vector<16xf32>,
          tpu.vector_store %arg9[%swap3A_705, %swap3A_706], %get3A_588 {strides = array<i32>} : memref<32x256xf32, #tpu.memory_space<vmem>>, vector<16xf32>,
          %add3A_708 = arith.constant 32 : i32
          %add3A_709 = arith.addi %squeeze3A_138, %add3A_708 : i32
          %get3A_710 = arith.index_cast %add3A_709 : i32 to index
          %get3A_711 = tpu.vector_load %arg6[%get3A_710] {strides = array<i32>} : memref<93184xf32, #tpu.memory_space<vmem>>, vector<16xf32>,
          %swap3A_712 = arith.index_cast %add3A_577 : i32 to index
          %swap3A_713 = arith.constant 32 : index
          %swap3A_714 = tpu.vector_load %arg9[%swap3A_712, %swap3A_713] {strides = array<i32>} : memref<32x256xf32, #tpu.memory_space<vmem>>, vector<16xf32>,
          tpu.vector_store %arg9[%swap3A_712, %swap3A_713], %get3A_595 {strides = array<i32>} : memref<32x256xf32, #tpu.memory_space<vmem>>, vector<16xf32>,
          %add3A_715 = arith.constant 48 : i32
          %add3A_716 = arith.addi %squeeze3A_138, %add3A_715 : i32
          %get3A_717 = arith.index_cast %add3A_716 : i32 to index
          %get3A_718 = tpu.vector_load %arg6[%get3A_717] {strides = array<i32>} : memref<93184xf32, #tpu.memory_space<vmem>>, vector<16xf32>,
          %swap3A_719 = arith.index_cast %add3A_577 : i32 to index
          %swap3A_720 = arith.constant 48 : index
          %swap3A_721 = tpu.vector_load %arg9[%swap3A_719, %swap3A_720] {strides = array<i32>} : memref<32x256xf32, #tpu.memory_space<vmem>>, vector<16xf32>,
          tpu.vector_store %arg9[%swap3A_719, %swap3A_720], %get3A_602 {strides = array<i32>} : memref<32x256xf32, #tpu.memory_space<vmem>>, vector<16xf32>,
          %add3A_722 = arith.constant 64 : i32
          %add3A_723 = arith.addi %squeeze3A_138, %add3A_722 : i32
          %get3A_724 = arith.index_cast %add3A_723 : i32 to index
          %get3A_725 = tpu.vector_load %arg6[%get3A_724] {strides = array<i32>} : memref<93184xf32, #tpu.memory_space<vmem>>, vector<16xf32>,
          %swap3A_726 = arith.index_cast %add3A_577 : i32 to index
          %swap3A_727 = arith.constant 64 : index
          %swap3A_728 = tpu.vector_load %arg9[%swap3A_726, %swap3A_727] {strides = array<i32>} : memref<32x256xf32, #tpu.memory_space<vmem>>, vector<16xf32>,
          tpu.vector_store %arg9[%swap3A_726, %swap3A_727], %get3A_609 {strides = array<i32>} : memref<32x256xf32, #tpu.memory_space<vmem>>, vector<16xf32>,
          %add3A_729 = arith.constant 80 : i32
          %add3A_730 = arith.addi %squeeze3A_138, %add3A_729 : i32
          %get3A_731 = arith.index_cast %add3A_730 : i32 to index
          %get3A_732 = tpu.vector_load %arg6[%get3A_731] {strides = array<i32>} : memref<93184xf32, #tpu.memory_space<vmem>>, vector<16xf32>,
          %swap3A_733 = arith.index_cast %add3A_577 : i32 to index
          %swap3A_734 = arith.constant 80 : index
          %swap3A_735 = tpu.vector_load %arg9[%swap3A_733, %swap3A_734] {strides = array<i32>} : memref<32x256xf32, #tpu.memory_space<vmem>>, vector<16xf32>,
          tpu.vector_store %arg9[%swap3A_733, %swap3A_734], %get3A_616 {strides = array<i32>} : memref<32x256xf32, #tpu.memory_space<vmem>>, vector<16xf32>,
          %add3A_736 = arith.constant 96 : i32
          %add3A_737 = arith.addi %squeeze3A_138, %add3A_736 : i32
          %get3A_738 = arith.index_cast %add3A_737 : i32 to index
          %get3A_739 = tpu.vector_load %arg6[%get3A_738] {strides = array<i32>} : memref<93184xf32, #tpu.memory_space<vmem>>, vector<16xf32>,
          %swap3A_740 = arith.index_cast %add3A_577 : i32 to index
          %swap3A_741 = arith.constant 96 : index
          %swap3A_742 = tpu.vector_load %arg9[%swap3A_740, %swap3A_741] {strides = array<i32>} : memref<32x256xf32, #tpu.memory_space<vmem>>, vector<16xf32>,
          tpu.vector_store %arg9[%swap3A_740, %swap3A_741], %get3A_623 {strides = array<i32>} : memref<32x256xf32, #tpu.memory_space<vmem>>, vector<16xf32>,
          %add3A_743 = arith.constant 112 : i32
          %add3A_744 = arith.addi %squeeze3A_138, %add3A_743 : i32
          %get3A_745 = arith.index_cast %add3A_744 : i32 to index
          %get3A_746 = tpu.vector_load %arg6[%get3A_745] {strides = array<i32>} : memref<93184xf32, #tpu.memory_space<vmem>>, vector<16xf32>,
          %swap3A_747 = arith.index_cast %add3A_577 : i32 to index
          %swap3A_748 = arith.constant 112 : index
          %swap3A_749 = tpu.vector_load %arg9[%swap3A_747, %swap3A_748] {strides = array<i32>} : memref<32x256xf32, #tpu.memory_space<vmem>>, vector<16xf32>,
          tpu.vector_store %arg9[%swap3A_747, %swap3A_748], %get3A_630 {strides = array<i32>} : memref<32x256xf32, #tpu.memory_space<vmem>>, vector<16xf32>,
          %add3A_750 = arith.constant 128 : i32
          %add3A_751 = arith.addi %squeeze3A_138, %add3A_750 : i32
          %get3A_752 = arith.index_cast %add3A_751 : i32 to index
          %get3A_753 = tpu.vector_load %arg6[%get3A_752] {strides = array<i32>} : memref<93184xf32, #tpu.memory_space<vmem>>, vector<16xf32>,
          %swap3A_754 = arith.index_cast %add3A_577 : i32 to index
          %swap3A_755 = arith.constant 128 : index
          %swap3A_756 = tpu.vector_load %arg9[%swap3A_754, %swap3A_755] {strides = array<i32>} : memref<32x256xf32, #tpu.memory_space<vmem>>, vector<16xf32>,
          tpu.vector_store %arg9[%swap3A_754, %swap3A_755], %get3A_637 {strides = array<i32>} : memref<32x256xf32, #tpu.memory_space<vmem>>, vector<16xf32>,
          %add3A_757 = arith.constant 144 : i32
          %add3A_758 = arith.addi %squeeze3A_138, %add3A_757 : i32
          %get3A_759 = arith.index_cast %add3A_758 : i32 to index
          %get3A_760 = tpu.vector_load %arg6[%get3A_759] {strides = array<i32>} : memref<93184xf32, #tpu.memory_space<vmem>>, vector<16xf32>,
          %swap3A_761 = arith.index_cast %add3A_577 : i32 to index
          %swap3A_762 = arith.constant 144 : index
          %swap3A_763 = tpu.vector_load %arg9[%swap3A_761, %swap3A_762] {strides = array<i32>} : memref<32x256xf32, #tpu.memory_space<vmem>>, vector<16xf32>,
          tpu.vector_store %arg9[%swap3A_761, %swap3A_762], %get3A_644 {strides = array<i32>} : memref<32x256xf32, #tpu.memory_space<vmem>>, vector<16xf32>,
          %add3A_764 = arith.constant 160 : i32
          %add3A_765 = arith.addi %squeeze3A_138, %add3A_764 : i32
          %get3A_766 = arith.index_cast %add3A_765 : i32 to index
          %get3A_767 = tpu.vector_load %arg6[%get3A_766] {strides = array<i32>} : memref<93184xf32, #tpu.memory_space<vmem>>, vector<16xf32>,
          %swap3A_768 = arith.index_cast %add3A_577 : i32 to index
          %swap3A_769 = arith.constant 160 : index
          %swap3A_770 = tpu.vector_load %arg9[%swap3A_768, %swap3A_769] {strides = array<i32>} : memref<32x256xf32, #tpu.memory_space<vmem>>, vector<16xf32>,
          tpu.vector_store %arg9[%swap3A_768, %swap3A_769], %get3A_651 {strides = array<i32>} : memref<32x256xf32, #tpu.memory_space<vmem>>, vector<16xf32>,
          %add3A_771 = arith.constant 176 : i32
          %add3A_772 = arith.addi %squeeze3A_138, %add3A_771 : i32
          %get3A_773 = arith.index_cast %add3A_772 : i32 to index
          %get3A_774 = tpu.vector_load %arg6[%get3A_773] {strides = array<i32>} : memref<93184xf32, #tpu.memory_space<vmem>>, vector<16xf32>,
          %swap3A_775 = arith.index_cast %add3A_577 : i32 to index
          %swap3A_776 = arith.constant 176 : index
          %swap3A_777 = tpu.vector_load %arg9[%swap3A_775, %swap3A_776] {strides = array<i32>} : memref<32x256xf32, #tpu.memory_space<vmem>>, vector<16xf32>,
          tpu.vector_store %arg9[%swap3A_775, %swap3A_776], %get3A_658 {strides = array<i32>} : memref<32x256xf32, #tpu.memory_space<vmem>>, vector<16xf32>,
          %add3A_778 = arith.constant 192 : i32
          %add3A_779 = arith.addi %squeeze3A_138, %add3A_778 : i32
          %get3A_780 = arith.index_cast %add3A_779 : i32 to index
          %get3A_781 = tpu.vector_load %arg6[%get3A_780] {strides = array<i32>} : memref<93184xf32, #tpu.memory_space<vmem>>, vector<16xf32>,
          %swap3A_782 = arith.index_cast %add3A_577 : i32 to index
          %swap3A_783 = arith.constant 192 : index
          %swap3A_784 = tpu.vector_load %arg9[%swap3A_782, %swap3A_783] {strides = array<i32>} : memref<32x256xf32, #tpu.memory_space<vmem>>, vector<16xf32>,
          tpu.vector_store %arg9[%swap3A_782, %swap3A_783], %get3A_665 {strides = array<i32>} : memref<32x256xf32, #tpu.memory_space<vmem>>, vector<16xf32>,
          %add3A_785 = arith.constant 208 : i32
          %add3A_786 = arith.addi %squeeze3A_138, %add3A_785 : i32
          %get3A_787 = arith.index_cast %add3A_786 : i32 to index
          %get3A_788 = tpu.vector_load %arg6[%get3A_787] {strides = array<i32>} : memref<93184xf32, #tpu.memory_space<vmem>>, vector<16xf32>,
          %swap3A_789 = arith.index_cast %add3A_577 : i32 to index
          %swap3A_790 = arith.constant 208 : index
          %swap3A_791 = tpu.vector_load %arg9[%swap3A_789, %swap3A_790] {strides = array<i32>} : memref<32x256xf32, #tpu.memory_space<vmem>>, vector<16xf32>,
          tpu.vector_store %arg9[%swap3A_789, %swap3A_790], %get3A_672 {strides = array<i32>} : memref<32x256xf32, #tpu.memory_space<vmem>>, vector<16xf32>,
          %add3A_792 = arith.constant 224 : i32
          %add3A_793 = arith.addi %squeeze3A_138, %add3A_792 : i32
          %get3A_794 = arith.index_cast %add3A_793 : i32 to index
          %get3A_795 = tpu.vector_load %arg6[%get3A_794] {strides = array<i32>} : memref<93184xf32, #tpu.memory_space<vmem>>, vector<16xf32>,
          %swap3A_796 = arith.index_cast %add3A_577 : i32 to index
          %swap3A_797 = arith.constant 224 : index
          %swap3A_798 = tpu.vector_load %arg9[%swap3A_796, %swap3A_797] {strides = array<i32>} : memref<32x256xf32, #tpu.memory_space<vmem>>, vector<16xf32>,
          tpu.vector_store %arg9[%swap3A_796, %swap3A_797], %get3A_679 {strides = array<i32>} : memref<32x256xf32, #tpu.memory_space<vmem>>, vector<16xf32>,
          %add3A_799 = arith.constant 240 : i32
          %add3A_800 = arith.addi %squeeze3A_138, %add3A_799 : i32
          %get3A_801 = arith.index_cast %add3A_800 : i32 to index
          %get3A_802 = tpu.vector_load %arg6[%get3A_801] {strides = array<i32>} : memref<93184xf32, #tpu.memory_space<vmem>>, vector<16xf32>,
          %swap3A_803 = arith.index_cast %add3A_577 : i32 to index
          %swap3A_804 = arith.constant 240 : index
          %swap3A_805 = tpu.vector_load %arg9[%swap3A_803, %swap3A_804] {strides = array<i32>} : memref<32x256xf32, #tpu.memory_space<vmem>>, vector<16xf32>,
          tpu.vector_store %arg9[%swap3A_803, %swap3A_804], %get3A_686 {strides = array<i32>} : memref<32x256xf32, #tpu.memory_space<vmem>>, vector<16xf32>,
          %mul3A_806 = arith.constant 16 : i32
          %mul3A_807 = arith.muli %add3A_119, %mul3A_806 : i32
          %add3A_808 = arith.constant 6 : i32
          %add3A_809 = arith.addi %mul3A_807, %add3A_808 : i32
          %add3A_810 = arith.constant 0 : i32
          %add3A_811 = arith.addi %squeeze3A_140, %add3A_810 : i32
          %get3A_812 = arith.index_cast %add3A_811 : i32 to index
          %get3A_813 = tpu.vector_load %arg6[%get3A_812] {strides = array<i32>} : memref<93184xf32, #tpu.memory_space<vmem>>, vector<16xf32>,
          %swap3A_814 = arith.index_cast %add3A_693 : i32 to index
          %swap3A_815 = arith.constant 0 : index
          %swap3A_816 = tpu.vector_load %arg9[%swap3A_814, %swap3A_815] {strides = array<i32>} : memref<32x256xf32, #tpu.memory_space<vmem>>, vector<16xf32>,
          tpu.vector_store %arg9[%swap3A_814, %swap3A_815], %get3A_697 {strides = array<i32>} : memref<32x256xf32, #tpu.memory_space<vmem>>, vector<16xf32>,
          %add3A_817 = arith.constant 16 : i32
          %add3A_818 = arith.addi %squeeze3A_140, %add3A_817 : i32
          %get3A_819 = arith.index_cast %add3A_818 : i32 to index
          %get3A_820 = tpu.vector_load %arg6[%get3A_819] {strides = array<i32>} : memref<93184xf32, #tpu.memory_space<vmem>>, vector<16xf32>,
          %swap3A_821 = arith.index_cast %add3A_693 : i32 to index
          %swap3A_822 = arith.constant 16 : index
          %swap3A_823 = tpu.vector_load %arg9[%swap3A_821, %swap3A_822] {strides = array<i32>} : memref<32x256xf32, #tpu.memory_space<vmem>>, vector<16xf32>,
          tpu.vector_store %arg9[%swap3A_821, %swap3A_822], %get3A_704 {strides = array<i32>} : memref<32x256xf32, #tpu.memory_space<vmem>>, vector<16xf32>,
          %add3A_824 = arith.constant 32 : i32
          %add3A_825 = arith.addi %squeeze3A_140, %add3A_824 : i32
          %get3A_826 = arith.index_cast %add3A_825 : i32 to index
          %get3A_827 = tpu.vector_load %arg6[%get3A_826] {strides = array<i32>} : memref<93184xf32, #tpu.memory_space<vmem>>, vector<16xf32>,
          %swap3A_828 = arith.index_cast %add3A_693 : i32 to index
          %swap3A_829 = arith.constant 32 : index
          %swap3A_830 = tpu.vector_load %arg9[%swap3A_828, %swap3A_829] {strides = array<i32>} : memref<32x256xf32, #tpu.memory_space<vmem>>, vector<16xf32>,
          tpu.vector_store %arg9[%swap3A_828, %swap3A_829], %get3A_711 {strides = array<i32>} : memref<32x256xf32, #tpu.memory_space<vmem>>, vector<16xf32>,
          %add3A_831 = arith.constant 48 : i32
          %add3A_832 = arith.addi %squeeze3A_140, %add3A_831 : i32
          %get3A_833 = arith.index_cast %add3A_832 : i32 to index
          %get3A_834 = tpu.vector_load %arg6[%get3A_833] {strides = array<i32>} : memref<93184xf32, #tpu.memory_space<vmem>>, vector<16xf32>,
          %swap3A_835 = arith.index_cast %add3A_693 : i32 to index
          %swap3A_836 = arith.constant 48 : index
          %swap3A_837 = tpu.vector_load %arg9[%swap3A_835, %swap3A_836] {strides = array<i32>} : memref<32x256xf32, #tpu.memory_space<vmem>>, vector<16xf32>,
          tpu.vector_store %arg9[%swap3A_835, %swap3A_836], %get3A_718 {strides = array<i32>} : memref<32x256xf32, #tpu.memory_space<vmem>>, vector<16xf32>,
          %add3A_838 = arith.constant 64 : i32
          %add3A_839 = arith.addi %squeeze3A_140, %add3A_838 : i32
          %get3A_840 = arith.index_cast %add3A_839 : i32 to index
          %get3A_841 = tpu.vector_load %arg6[%get3A_840] {strides = array<i32>} : memref<93184xf32, #tpu.memory_space<vmem>>, vector<16xf32>,
          %swap3A_842 = arith.index_cast %add3A_693 : i32 to index
          %swap3A_843 = arith.constant 64 : index
          %swap3A_844 = tpu.vector_load %arg9[%swap3A_842, %swap3A_843] {strides = array<i32>} : memref<32x256xf32, #tpu.memory_space<vmem>>, vector<16xf32>,
          tpu.vector_store %arg9[%swap3A_842, %swap3A_843], %get3A_725 {strides = array<i32>} : memref<32x256xf32, #tpu.memory_space<vmem>>, vector<16xf32>,
          %add3A_845 = arith.constant 80 : i32
          %add3A_846 = arith.addi %squeeze3A_140, %add3A_845 : i32
          %get3A_847 = arith.index_cast %add3A_846 : i32 to index
          %get3A_848 = tpu.vector_load %arg6[%get3A_847] {strides = array<i32>} : memref<93184xf32, #tpu.memory_space<vmem>>, vector<16xf32>,
          %swap3A_849 = arith.index_cast %add3A_693 : i32 to index
          %swap3A_850 = arith.constant 80 : index
          %swap3A_851 = tpu.vector_load %arg9[%swap3A_849, %swap3A_850] {strides = array<i32>} : memref<32x256xf32, #tpu.memory_space<vmem>>, vector<16xf32>,
          tpu.vector_store %arg9[%swap3A_849, %swap3A_850], %get3A_732 {strides = array<i32>} : memref<32x256xf32, #tpu.memory_space<vmem>>, vector<16xf32>,
          %add3A_852 = arith.constant 96 : i32
          %add3A_853 = arith.addi %squeeze3A_140, %add3A_852 : i32
          %get3A_854 = arith.index_cast %add3A_853 : i32 to index
          %get3A_855 = tpu.vector_load %arg6[%get3A_854] {strides = array<i32>} : memref<93184xf32, #tpu.memory_space<vmem>>, vector<16xf32>,
          %swap3A_856 = arith.index_cast %add3A_693 : i32 to index
          %swap3A_857 = arith.constant 96 : index
          %swap3A_858 = tpu.vector_load %arg9[%swap3A_856, %swap3A_857] {strides = array<i32>} : memref<32x256xf32, #tpu.memory_space<vmem>>, vector<16xf32>,
          tpu.vector_store %arg9[%swap3A_856, %swap3A_857], %get3A_739 {strides = array<i32>} : memref<32x256xf32, #tpu.memory_space<vmem>>, vector<16xf32>,
          %add3A_859 = arith.constant 112 : i32
          %add3A_860 = arith.addi %squeeze3A_140, %add3A_859 : i32
          %get3A_861 = arith.index_cast %add3A_860 : i32 to index
          %get3A_862 = tpu.vector_load %arg6[%get3A_861] {strides = array<i32>} : memref<93184xf32, #tpu.memory_space<vmem>>, vector<16xf32>,
          %swap3A_863 = arith.index_cast %add3A_693 : i32 to index
          %swap3A_864 = arith.constant 112 : index
          %swap3A_865 = tpu.vector_load %arg9[%swap3A_863, %swap3A_864] {strides = array<i32>} : memref<32x256xf32, #tpu.memory_space<vmem>>, vector<16xf32>,
          tpu.vector_store %arg9[%swap3A_863, %swap3A_864], %get3A_746 {strides = array<i32>} : memref<32x256xf32, #tpu.memory_space<vmem>>, vector<16xf32>,
          %add3A_866 = arith.constant 128 : i32
          %add3A_867 = arith.addi %squeeze3A_140, %add3A_866 : i32
          %get3A_868 = arith.index_cast %add3A_867 : i32 to index
          %get3A_869 = tpu.vector_load %arg6[%get3A_868] {strides = array<i32>} : memref<93184xf32, #tpu.memory_space<vmem>>, vector<16xf32>,
          %swap3A_870 = arith.index_cast %add3A_693 : i32 to index
          %swap3A_871 = arith.constant 128 : index
          %swap3A_872 = tpu.vector_load %arg9[%swap3A_870, %swap3A_871] {strides = array<i32>} : memref<32x256xf32, #tpu.memory_space<vmem>>, vector<16xf32>,
          tpu.vector_store %arg9[%swap3A_870, %swap3A_871], %get3A_753 {strides = array<i32>} : memref<32x256xf32, #tpu.memory_space<vmem>>, vector<16xf32>,
          %add3A_873 = arith.constant 144 : i32
          %add3A_874 = arith.addi %squeeze3A_140, %add3A_873 : i32
          %get3A_875 = arith.index_cast %add3A_874 : i32 to index
          %get3A_876 = tpu.vector_load %arg6[%get3A_875] {strides = array<i32>} : memref<93184xf32, #tpu.memory_space<vmem>>, vector<16xf32>,
          %swap3A_877 = arith.index_cast %add3A_693 : i32 to index
          %swap3A_878 = arith.constant 144 : index
          %swap3A_879 = tpu.vector_load %arg9[%swap3A_877, %swap3A_878] {strides = array<i32>} : memref<32x256xf32, #tpu.memory_space<vmem>>, vector<16xf32>,
          tpu.vector_store %arg9[%swap3A_877, %swap3A_878], %get3A_760 {strides = array<i32>} : memref<32x256xf32, #tpu.memory_space<vmem>>, vector<16xf32>,
          %add3A_880 = arith.constant 160 : i32
          %add3A_881 = arith.addi %squeeze3A_140, %add3A_880 : i32
          %get3A_882 = arith.index_cast %add3A_881 : i32 to index
          %get3A_883 = tpu.vector_load %arg6[%get3A_882] {strides = array<i32>} : memref<93184xf32, #tpu.memory_space<vmem>>, vector<16xf32>,
          %swap3A_884 = arith.index_cast %add3A_693 : i32 to index
          %swap3A_885 = arith.constant 160 : index
          %swap3A_886 = tpu.vector_load %arg9[%swap3A_884, %swap3A_885] {strides = array<i32>} : memref<32x256xf32, #tpu.memory_space<vmem>>, vector<16xf32>,
          tpu.vector_store %arg9[%swap3A_884, %swap3A_885], %get3A_767 {strides = array<i32>} : memref<32x256xf32, #tpu.memory_space<vmem>>, vector<16xf32>,
          %add3A_887 = arith.constant 176 : i32
          %add3A_888 = arith.addi %squeeze3A_140, %add3A_887 : i32
          %get3A_889 = arith.index_cast %add3A_888 : i32 to index
          %get3A_890 = tpu.vector_load %arg6[%get3A_889] {strides = array<i32>} : memref<93184xf32, #tpu.memory_space<vmem>>, vector<16xf32>,
          %swap3A_891 = arith.index_cast %add3A_693 : i32 to index
          %swap3A_892 = arith.constant 176 : index
          %swap3A_893 = tpu.vector_load %arg9[%swap3A_891, %swap3A_892] {strides = array<i32>} : memref<32x256xf32, #tpu.memory_space<vmem>>, vector<16xf32>,
          tpu.vector_store %arg9[%swap3A_891, %swap3A_892], %get3A_774 {strides = array<i32>} : memref<32x256xf32, #tpu.memory_space<vmem>>, vector<16xf32>,
          %add3A_894 = arith.constant 192 : i32
          %add3A_895 = arith.addi %squeeze3A_140, %add3A_894 : i32
          %get3A_896 = arith.index_cast %add3A_895 : i32 to index
          %get3A_897 = tpu.vector_load %arg6[%get3A_896] {strides = array<i32>} : memref<93184xf32, #tpu.memory_space<vmem>>, vector<16xf32>,
          %swap3A_898 = arith.index_cast %add3A_693 : i32 to index
          %swap3A_899 = arith.constant 192 : index
          %swap3A_900 = tpu.vector_load %arg9[%swap3A_898, %swap3A_899] {strides = array<i32>} : memref<32x256xf32, #tpu.memory_space<vmem>>, vector<16xf32>,
          tpu.vector_store %arg9[%swap3A_898, %swap3A_899], %get3A_781 {strides = array<i32>} : memref<32x256xf32, #tpu.memory_space<vmem>>, vector<16xf32>,
          %add3A_901 = arith.constant 208 : i32
          %add3A_902 = arith.addi %squeeze3A_140, %add3A_901 : i32
          %get3A_903 = arith.index_cast %add3A_902 : i32 to index
          %get3A_904 = tpu.vector_load %arg6[%get3A_903] {strides = array<i32>} : memref<93184xf32, #tpu.memory_space<vmem>>, vector<16xf32>,
          %swap3A_905 = arith.index_cast %add3A_693 : i32 to index
          %swap3A_906 = arith.constant 208 : index
          %swap3A_907 = tpu.vector_load %arg9[%swap3A_905, %swap3A_906] {strides = array<i32>} : memref<32x256xf32, #tpu.memory_space<vmem>>, vector<16xf32>,
          tpu.vector_store %arg9[%swap3A_905, %swap3A_906], %get3A_788 {strides = array<i32>} : memref<32x256xf32, #tpu.memory_space<vmem>>, vector<16xf32>,
          %add3A_908 = arith.constant 224 : i32
          %add3A_909 = arith.addi %squeeze3A_140, %add3A_908 : i32
          %get3A_910 = arith.index_cast %add3A_909 : i32 to index
          %get3A_911 = tpu.vector_load %arg6[%get3A_910] {strides = array<i32>} : memref<93184xf32, #tpu.memory_space<vmem>>, vector<16xf32>,
          %swap3A_912 = arith.index_cast %add3A_693 : i32 to index
          %swap3A_913 = arith.constant 224 : index
          %swap3A_914 = tpu.vector_load %arg9[%swap3A_912, %swap3A_913] {strides = array<i32>} : memref<32x256xf32, #tpu.memory_space<vmem>>, vector<16xf32>,
          tpu.vector_store %arg9[%swap3A_912, %swap3A_913], %get3A_795 {strides = array<i32>} : memref<32x256xf32, #tpu.memory_space<vmem>>, vector<16xf32>,
          %add3A_915 = arith.constant 240 : i32
          %add3A_916 = arith.addi %squeeze3A_140, %add3A_915 : i32
          %get3A_917 = arith.index_cast %add3A_916 : i32 to index
          %get3A_918 = tpu.vector_load %arg6[%get3A_917] {strides = array<i32>} : memref<93184xf32, #tpu.memory_space<vmem>>, vector<16xf32>,
          %swap3A_919 = arith.index_cast %add3A_693 : i32 to index
          %swap3A_920 = arith.constant 240 : index
          %swap3A_921 = tpu.vector_load %arg9[%swap3A_919, %swap3A_920] {strides = array<i32>} : memref<32x256xf32, #tpu.memory_space<vmem>>, vector<16xf32>,
          tpu.vector_store %arg9[%swap3A_919, %swap3A_920], %get3A_802 {strides = array<i32>} : memref<32x256xf32, #tpu.memory_space<vmem>>, vector<16xf32>,
          %mul3A_922 = arith.constant 16 : i32
          %mul3A_923 = arith.muli %add3A_119, %mul3A_922 : i32
          %add3A_924 = arith.constant 7 : i32
          %add3A_925 = arith.addi %mul3A_923, %add3A_924 : i32
          %add3A_926 = arith.constant 0 : i32
          %add3A_927 = arith.addi %squeeze3A_142, %add3A_926 : i32
          %get3A_928 = arith.index_cast %add3A_927 : i32 to index
          %get3A_929 = tpu.vector_load %arg6[%get3A_928] {strides = array<i32>} : memref<93184xf32, #tpu.memory_space<vmem>>, vector<16xf32>,
          %swap3A_930 = arith.index_cast %add3A_809 : i32 to index
          %swap3A_931 = arith.constant 0 : index
          %swap3A_932 = tpu.vector_load %arg9[%swap3A_930, %swap3A_931] {strides = array<i32>} : memref<32x256xf32, #tpu.memory_space<vmem>>, vector<16xf32>,
          tpu.vector_store %arg9[%swap3A_930, %swap3A_931], %get3A_813 {strides = array<i32>} : memref<32x256xf32, #tpu.memory_space<vmem>>, vector<16xf32>,
          %add3A_933 = arith.constant 16 : i32
          %add3A_934 = arith.addi %squeeze3A_142, %add3A_933 : i32
          %get3A_935 = arith.index_cast %add3A_934 : i32 to index
          %get3A_936 = tpu.vector_load %arg6[%get3A_935] {strides = array<i32>} : memref<93184xf32, #tpu.memory_space<vmem>>, vector<16xf32>,
          %swap3A_937 = arith.index_cast %add3A_809 : i32 to index
          %swap3A_938 = arith.constant 16 : index
          %swap3A_939 = tpu.vector_load %arg9[%swap3A_937, %swap3A_938] {strides = array<i32>} : memref<32x256xf32, #tpu.memory_space<vmem>>, vector<16xf32>,
          tpu.vector_store %arg9[%swap3A_937, %swap3A_938], %get3A_820 {strides = array<i32>} : memref<32x256xf32, #tpu.memory_space<vmem>>, vector<16xf32>,
          %add3A_940 = arith.constant 32 : i32
          %add3A_941 = arith.addi %squeeze3A_142, %add3A_940 : i32
          %get3A_942 = arith.index_cast %add3A_941 : i32 to index
          %get3A_943 = tpu.vector_load %arg6[%get3A_942] {strides = array<i32>} : memref<93184xf32, #tpu.memory_space<vmem>>, vector<16xf32>,
          %swap3A_944 = arith.index_cast %add3A_809 : i32 to index
          %swap3A_945 = arith.constant 32 : index
          %swap3A_946 = tpu.vector_load %arg9[%swap3A_944, %swap3A_945] {strides = array<i32>} : memref<32x256xf32, #tpu.memory_space<vmem>>, vector<16xf32>,
          tpu.vector_store %arg9[%swap3A_944, %swap3A_945], %get3A_827 {strides = array<i32>} : memref<32x256xf32, #tpu.memory_space<vmem>>, vector<16xf32>,
          %add3A_947 = arith.constant 48 : i32
          %add3A_948 = arith.addi %squeeze3A_142, %add3A_947 : i32
          %get3A_949 = arith.index_cast %add3A_948 : i32 to index
          %get3A_950 = tpu.vector_load %arg6[%get3A_949] {strides = array<i32>} : memref<93184xf32, #tpu.memory_space<vmem>>, vector<16xf32>,
          %swap3A_951 = arith.index_cast %add3A_809 : i32 to index
          %swap3A_952 = arith.constant 48 : index
          %swap3A_953 = tpu.vector_load %arg9[%swap3A_951, %swap3A_952] {strides = array<i32>} : memref<32x256xf32, #tpu.memory_space<vmem>>, vector<16xf32>,
          tpu.vector_store %arg9[%swap3A_951, %swap3A_952], %get3A_834 {strides = array<i32>} : memref<32x256xf32, #tpu.memory_space<vmem>>, vector<16xf32>,
          %add3A_954 = arith.constant 64 : i32
          %add3A_955 = arith.addi %squeeze3A_142, %add3A_954 : i32
          %get3A_956 = arith.index_cast %add3A_955 : i32 to index
          %get3A_957 = tpu.vector_load %arg6[%get3A_956] {strides = array<i32>} : memref<93184xf32, #tpu.memory_space<vmem>>, vector<16xf32>,
          %swap3A_958 = arith.index_cast %add3A_809 : i32 to index
          %swap3A_959 = arith.constant 64 : index
          %swap3A_960 = tpu.vector_load %arg9[%swap3A_958, %swap3A_959] {strides = array<i32>} : memref<32x256xf32, #tpu.memory_space<vmem>>, vector<16xf32>,
          tpu.vector_store %arg9[%swap3A_958, %swap3A_959], %get3A_841 {strides = array<i32>} : memref<32x256xf32, #tpu.memory_space<vmem>>, vector<16xf32>,
          %add3A_961 = arith.constant 80 : i32
          %add3A_962 = arith.addi %squeeze3A_142, %add3A_961 : i32
          %get3A_963 = arith.index_cast %add3A_962 : i32 to index
          %get3A_964 = tpu.vector_load %arg6[%get3A_963] {strides = array<i32>} : memref<93184xf32, #tpu.memory_space<vmem>>, vector<16xf32>,
          %swap3A_965 = arith.index_cast %add3A_809 : i32 to index
          %swap3A_966 = arith.constant 80 : index
          %swap3A_967 = tpu.vector_load %arg9[%swap3A_965, %swap3A_966] {strides = array<i32>} : memref<32x256xf32, #tpu.memory_space<vmem>>, vector<16xf32>,
          tpu.vector_store %arg9[%swap3A_965, %swap3A_966], %get3A_848 {strides = array<i32>} : memref<32x256xf32, #tpu.memory_space<vmem>>, vector<16xf32>,
          %add3A_968 = arith.constant 96 : i32
          %add3A_969 = arith.addi %squeeze3A_142, %add3A_968 : i32
          %get3A_970 = arith.index_cast %add3A_969 : i32 to index
          %get3A_971 = tpu.vector_load %arg6[%get3A_970] {strides = array<i32>} : memref<93184xf32, #tpu.memory_space<vmem>>, vector<16xf32>,
          %swap3A_972 = arith.index_cast %add3A_809 : i32 to index
          %swap3A_973 = arith.constant 96 : index
          %swap3A_974 = tpu.vector_load %arg9[%swap3A_972, %swap3A_973] {strides = array<i32>} : memref<32x256xf32, #tpu.memory_space<vmem>>, vector<16xf32>,
          tpu.vector_store %arg9[%swap3A_972, %swap3A_973], %get3A_855 {strides = array<i32>} : memref<32x256xf32, #tpu.memory_space<vmem>>, vector<16xf32>,
          %add3A_975 = arith.constant 112 : i32
          %add3A_976 = arith.addi %squeeze3A_142, %add3A_975 : i32
          %get3A_977 = arith.index_cast %add3A_976 : i32 to index
          %get3A_978 = tpu.vector_load %arg6[%get3A_977] {strides = array<i32>} : memref<93184xf32, #tpu.memory_space<vmem>>, vector<16xf32>,
          %swap3A_979 = arith.index_cast %add3A_809 : i32 to index
          %swap3A_980 = arith.constant 112 : index
          %swap3A_981 = tpu.vector_load %arg9[%swap3A_979, %swap3A_980] {strides = array<i32>} : memref<32x256xf32, #tpu.memory_space<vmem>>, vector<16xf32>,
          tpu.vector_store %arg9[%swap3A_979, %swap3A_980], %get3A_862 {strides = array<i32>} : memref<32x256xf32, #tpu.memory_space<vmem>>, vector<16xf32>,
          %add3A_982 = arith.constant 128 : i32
          %add3A_983 = arith.addi %squeeze3A_142, %add3A_982 : i32
          %get3A_984 = arith.index_cast %add3A_983 : i32 to index
          %get3A_985 = tpu.vector_load %arg6[%get3A_984] {strides = array<i32>} : memref<93184xf32, #tpu.memory_space<vmem>>, vector<16xf32>,
          %swap3A_986 = arith.index_cast %add3A_809 : i32 to index
          %swap3A_987 = arith.constant 128 : index
          %swap3A_988 = tpu.vector_load %arg9[%swap3A_986, %swap3A_987] {strides = array<i32>} : memref<32x256xf32, #tpu.memory_space<vmem>>, vector<16xf32>,
          tpu.vector_store %arg9[%swap3A_986, %swap3A_987], %get3A_869 {strides = array<i32>} : memref<32x256xf32, #tpu.memory_space<vmem>>, vector<16xf32>,
          %add3A_989 = arith.constant 144 : i32
          %add3A_990 = arith.addi %squeeze3A_142, %add3A_989 : i32
          %get3A_991 = arith.index_cast %add3A_990 : i32 to index
          %get3A_992 = tpu.vector_load %arg6[%get3A_991] {strides = array<i32>} : memref<93184xf32, #tpu.memory_space<vmem>>, vector<16xf32>,
          %swap3A_993 = arith.index_cast %add3A_809 : i32 to index
          %swap3A_994 = arith.constant 144 : index
          %swap3A_995 = tpu.vector_load %arg9[%swap3A_993, %swap3A_994] {strides = array<i32>} : memref<32x256xf32, #tpu.memory_space<vmem>>, vector<16xf32>,
          tpu.vector_store %arg9[%swap3A_993, %swap3A_994], %get3A_876 {strides = array<i32>} : memref<32x256xf32, #tpu.memory_space<vmem>>, vector<16xf32>,
          %add3A_996 = arith.constant 160 : i32
          %add3A_997 = arith.addi %squeeze3A_142, %add3A_996 : i32
          %get3A_998 = arith.index_cast %add3A_997 : i32 to index
          %get3A_999 = tpu.vector_load %arg6[%get3A_998] {strides = array<i32>} : memref<93184xf32, #tpu.memory_space<vmem>>, vector<16xf32>,
          %swap3A_1000 = arith.index_cast %add3A_809 : i32 to index
          %swap3A_1001 = arith.constant 160 : index
          %swap3A_1002 = tpu.vector_load %arg9[%swap3A_1000, %swap3A_1001] {strides = array<i32>} : memref<32x256xf32, #tpu.memory_space<vmem>>, vector<16xf32>,
          tpu.vector_store %arg9[%swap3A_1000, %swap3A_1001], %get3A_883 {strides = array<i32>} : memref<32x256xf32, #tpu.memory_space<vmem>>, vector<16xf32>,
          %add3A_1003 = arith.constant 176 : i32
          %add3A_1004 = arith.addi %squeeze3A_142, %add3A_1003 : i32
          %get3A_1005 = arith.index_cast %add3A_1004 : i32 to index
          %get3A_1006 = tpu.vector_load %arg6[%get3A_1005] {strides = array<i32>} : memref<93184xf32, #tpu.memory_space<vmem>>, vector<16xf32>,
          %swap3A_1007 = arith.index_cast %add3A_809 : i32 to index
          %swap3A_1008 = arith.constant 176 : index
          %swap3A_1009 = tpu.vector_load %arg9[%swap3A_1007, %swap3A_1008] {strides = array<i32>} : memref<32x256xf32, #tpu.memory_space<vmem>>, vector<16xf32>,
          tpu.vector_store %arg9[%swap3A_1007, %swap3A_1008], %get3A_890 {strides = array<i32>} : memref<32x256xf32, #tpu.memory_space<vmem>>, vector<16xf32>,
          %add3A_1010 = arith.constant 192 : i32
          %add3A_1011 = arith.addi %squeeze3A_142, %add3A_1010 : i32
          %get3A_1012 = arith.index_cast %add3A_1011 : i32 to index
          %get3A_1013 = tpu.vector_load %arg6[%get3A_1012] {strides = array<i32>} : memref<93184xf32, #tpu.memory_space<vmem>>, vector<16xf32>,
          %swap3A_1014 = arith.index_cast %add3A_809 : i32 to index
          %swap3A_1015 = arith.constant 192 : index
          %swap3A_1016 = tpu.vector_load %arg9[%swap3A_1014, %swap3A_1015] {strides = array<i32>} : memref<32x256xf32, #tpu.memory_space<vmem>>, vector<16xf32>,
          tpu.vector_store %arg9[%swap3A_1014, %swap3A_1015], %get3A_897 {strides = array<i32>} : memref<32x256xf32, #tpu.memory_space<vmem>>, vector<16xf32>,
          %add3A_1017 = arith.constant 208 : i32
          %add3A_1018 = arith.addi %squeeze3A_142, %add3A_1017 : i32
          %get3A_1019 = arith.index_cast %add3A_1018 : i32 to index
          %get3A_1020 = tpu.vector_load %arg6[%get3A_1019] {strides = array<i32>} : memref<93184xf32, #tpu.memory_space<vmem>>, vector<16xf32>,
          %swap3A_1021 = arith.index_cast %add3A_809 : i32 to index
          %swap3A_1022 = arith.constant 208 : index
          %swap3A_1023 = tpu.vector_load %arg9[%swap3A_1021, %swap3A_1022] {strides = array<i32>} : memref<32x256xf32, #tpu.memory_space<vmem>>, vector<16xf32>,
          tpu.vector_store %arg9[%swap3A_1021, %swap3A_1022], %get3A_904 {strides = array<i32>} : memref<32x256xf32, #tpu.memory_space<vmem>>, vector<16xf32>,
          %add3A_1024 = arith.constant 224 : i32
          %add3A_1025 = arith.addi %squeeze3A_142, %add3A_1024 : i32
          %get3A_1026 = arith.index_cast %add3A_1025 : i32 to index
          %get3A_1027 = tpu.vector_load %arg6[%get3A_1026] {strides = array<i32>} : memref<93184xf32, #tpu.memory_space<vmem>>, vector<16xf32>,
          %swap3A_1028 = arith.index_cast %add3A_809 : i32 to index
          %swap3A_1029 = arith.constant 224 : index
          %swap3A_1030 = tpu.vector_load %arg9[%swap3A_1028, %swap3A_1029] {strides = array<i32>} : memref<32x256xf32, #tpu.memory_space<vmem>>, vector<16xf32>,
          tpu.vector_store %arg9[%swap3A_1028, %swap3A_1029], %get3A_911 {strides = array<i32>} : memref<32x256xf32, #tpu.memory_space<vmem>>, vector<16xf32>,
          %add3A_1031 = arith.constant 240 : i32
          %add3A_1032 = arith.addi %squeeze3A_142, %add3A_1031 : i32
          %get3A_1033 = arith.index_cast %add3A_1032 : i32 to index
          %get3A_1034 = tpu.vector_load %arg6[%get3A_1033] {strides = array<i32>} : memref<93184xf32, #tpu.memory_space<vmem>>, vector<16xf32>,
          %swap3A_1035 = arith.index_cast %add3A_809 : i32 to index
          %swap3A_1036 = arith.constant 240 : index
          %swap3A_1037 = tpu.vector_load %arg9[%swap3A_1035, %swap3A_1036] {strides = array<i32>} : memref<32x256xf32, #tpu.memory_space<vmem>>, vector<16xf32>,
          tpu.vector_store %arg9[%swap3A_1035, %swap3A_1036], %get3A_918 {strides = array<i32>} : memref<32x256xf32, #tpu.memory_space<vmem>>, vector<16xf32>,
          %mul3A_1038 = arith.constant 16 : i32
          %mul3A_1039 = arith.muli %add3A_119, %mul3A_1038 : i32
          %add3A_1040 = arith.constant 8 : i32
          %add3A_1041 = arith.addi %mul3A_1039, %add3A_1040 : i32
          %add3A_1042 = arith.constant 0 : i32
          %add3A_1043 = arith.addi %squeeze3A_144, %add3A_1042 : i32
          %get3A_1044 = arith.index_cast %add3A_1043 : i32 to index
          %get3A_1045 = tpu.vector_load %arg6[%get3A_1044] {strides = array<i32>} : memref<93184xf32, #tpu.memory_space<vmem>>, vector<16xf32>,
          %swap3A_1046 = arith.index_cast %add3A_925 : i32 to index
          %swap3A_1047 = arith.constant 0 : index
          %swap3A_1048 = tpu.vector_load %arg9[%swap3A_1046, %swap3A_1047] {strides = array<i32>} : memref<32x256xf32, #tpu.memory_space<vmem>>, vector<16xf32>,
          tpu.vector_store %arg9[%swap3A_1046, %swap3A_1047], %get3A_929 {strides = array<i32>} : memref<32x256xf32, #tpu.memory_space<vmem>>, vector<16xf32>,
          %add3A_1049 = arith.constant 16 : i32
          %add3A_1050 = arith.addi %squeeze3A_144, %add3A_1049 : i32
          %get3A_1051 = arith.index_cast %add3A_1050 : i32 to index
          %get3A_1052 = tpu.vector_load %arg6[%get3A_1051] {strides = array<i32>} : memref<93184xf32, #tpu.memory_space<vmem>>, vector<16xf32>,
          %swap3A_1053 = arith.index_cast %add3A_925 : i32 to index
          %swap3A_1054 = arith.constant 16 : index
          %swap3A_1055 = tpu.vector_load %arg9[%swap3A_1053, %swap3A_1054] {strides = array<i32>} : memref<32x256xf32, #tpu.memory_space<vmem>>, vector<16xf32>,
          tpu.vector_store %arg9[%swap3A_1053, %swap3A_1054], %get3A_936 {strides = array<i32>} : memref<32x256xf32, #tpu.memory_space<vmem>>, vector<16xf32>,
          %add3A_1056 = arith.constant 32 : i32
          %add3A_1057 = arith.addi %squeeze3A_144, %add3A_1056 : i32
          %get3A_1058 = arith.index_cast %add3A_1057 : i32 to index
          %get3A_1059 = tpu.vector_load %arg6[%get3A_1058] {strides = array<i32>} : memref<93184xf32, #tpu.memory_space<vmem>>, vector<16xf32>,
          %swap3A_1060 = arith.index_cast %add3A_925 : i32 to index
          %swap3A_1061 = arith.constant 32 : index
          %swap3A_1062 = tpu.vector_load %arg9[%swap3A_1060, %swap3A_1061] {strides = array<i32>} : memref<32x256xf32, #tpu.memory_space<vmem>>, vector<16xf32>,
          tpu.vector_store %arg9[%swap3A_1060, %swap3A_1061], %get3A_943 {strides = array<i32>} : memref<32x256xf32, #tpu.memory_space<vmem>>, vector<16xf32>,
          %add3A_1063 = arith.constant 48 : i32
          %add3A_1064 = arith.addi %squeeze3A_144, %add3A_1063 : i32
          %get3A_1065 = arith.index_cast %add3A_1064 : i32 to index
          %get3A_1066 = tpu.vector_load %arg6[%get3A_1065] {strides = array<i32>} : memref<93184xf32, #tpu.memory_space<vmem>>, vector<16xf32>,
          %swap3A_1067 = arith.index_cast %add3A_925 : i32 to index
          %swap3A_1068 = arith.constant 48 : index
          %swap3A_1069 = tpu.vector_load %arg9[%swap3A_1067, %swap3A_1068] {strides = array<i32>} : memref<32x256xf32, #tpu.memory_space<vmem>>, vector<16xf32>,
          tpu.vector_store %arg9[%swap3A_1067, %swap3A_1068], %get3A_950 {strides = array<i32>} : memref<32x256xf32, #tpu.memory_space<vmem>>, vector<16xf32>,
          %add3A_1070 = arith.constant 64 : i32
          %add3A_1071 = arith.addi %squeeze3A_144, %add3A_1070 : i32
          %get3A_1072 = arith.index_cast %add3A_1071 : i32 to index
          %get3A_1073 = tpu.vector_load %arg6[%get3A_1072] {strides = array<i32>} : memref<93184xf32, #tpu.memory_space<vmem>>, vector<16xf32>,
          %swap3A_1074 = arith.index_cast %add3A_925 : i32 to index
          %swap3A_1075 = arith.constant 64 : index
          %swap3A_1076 = tpu.vector_load %arg9[%swap3A_1074, %swap3A_1075] {strides = array<i32>} : memref<32x256xf32, #tpu.memory_space<vmem>>, vector<16xf32>,
          tpu.vector_store %arg9[%swap3A_1074, %swap3A_1075], %get3A_957 {strides = array<i32>} : memref<32x256xf32, #tpu.memory_space<vmem>>, vector<16xf32>,
          %add3A_1077 = arith.constant 80 : i32
          %add3A_1078 = arith.addi %squeeze3A_144, %add3A_1077 : i32
          %get3A_1079 = arith.index_cast %add3A_1078 : i32 to index
          %get3A_1080 = tpu.vector_load %arg6[%get3A_1079] {strides = array<i32>} : memref<93184xf32, #tpu.memory_space<vmem>>, vector<16xf32>,
          %swap3A_1081 = arith.index_cast %add3A_925 : i32 to index
          %swap3A_1082 = arith.constant 80 : index
          %swap3A_1083 = tpu.vector_load %arg9[%swap3A_1081, %swap3A_1082] {strides = array<i32>} : memref<32x256xf32, #tpu.memory_space<vmem>>, vector<16xf32>,
          tpu.vector_store %arg9[%swap3A_1081, %swap3A_1082], %get3A_964 {strides = array<i32>} : memref<32x256xf32, #tpu.memory_space<vmem>>, vector<16xf32>,
          %add3A_1084 = arith.constant 96 : i32
          %add3A_1085 = arith.addi %squeeze3A_144, %add3A_1084 : i32
          %get3A_1086 = arith.index_cast %add3A_1085 : i32 to index
          %get3A_1087 = tpu.vector_load %arg6[%get3A_1086] {strides = array<i32>} : memref<93184xf32, #tpu.memory_space<vmem>>, vector<16xf32>,
          %swap3A_1088 = arith.index_cast %add3A_925 : i32 to index
          %swap3A_1089 = arith.constant 96 : index
          %swap3A_1090 = tpu.vector_load %arg9[%swap3A_1088, %swap3A_1089] {strides = array<i32>} : memref<32x256xf32, #tpu.memory_space<vmem>>, vector<16xf32>,
          tpu.vector_store %arg9[%swap3A_1088, %swap3A_1089], %get3A_971 {strides = array<i32>} : memref<32x256xf32, #tpu.memory_space<vmem>>, vector<16xf32>,
          %add3A_1091 = arith.constant 112 : i32
          %add3A_1092 = arith.addi %squeeze3A_144, %add3A_1091 : i32
          %get3A_1093 = arith.index_cast %add3A_1092 : i32 to index
          %get3A_1094 = tpu.vector_load %arg6[%get3A_1093] {strides = array<i32>} : memref<93184xf32, #tpu.memory_space<vmem>>, vector<16xf32>,
          %swap3A_1095 = arith.index_cast %add3A_925 : i32 to index
          %swap3A_1096 = arith.constant 112 : index
          %swap3A_1097 = tpu.vector_load %arg9[%swap3A_1095, %swap3A_1096] {strides = array<i32>} : memref<32x256xf32, #tpu.memory_space<vmem>>, vector<16xf32>,
          tpu.vector_store %arg9[%swap3A_1095, %swap3A_1096], %get3A_978 {strides = array<i32>} : memref<32x256xf32, #tpu.memory_space<vmem>>, vector<16xf32>,
          %add3A_1098 = arith.constant 128 : i32
          %add3A_1099 = arith.addi %squeeze3A_144, %add3A_1098 : i32
          %get3A_1100 = arith.index_cast %add3A_1099 : i32 to index
          %get3A_1101 = tpu.vector_load %arg6[%get3A_1100] {strides = array<i32>} : memref<93184xf32, #tpu.memory_space<vmem>>, vector<16xf32>,
          %swap3A_1102 = arith.index_cast %add3A_925 : i32 to index
          %swap3A_1103 = arith.constant 128 : index
          %swap3A_1104 = tpu.vector_load %arg9[%swap3A_1102, %swap3A_1103] {strides = array<i32>} : memref<32x256xf32, #tpu.memory_space<vmem>>, vector<16xf32>,
          tpu.vector_store %arg9[%swap3A_1102, %swap3A_1103], %get3A_985 {strides = array<i32>} : memref<32x256xf32, #tpu.memory_space<vmem>>, vector<16xf32>,
          %add3A_1105 = arith.constant 144 : i32
          %add3A_1106 = arith.addi %squeeze3A_144, %add3A_1105 : i32
          %get3A_1107 = arith.index_cast %add3A_1106 : i32 to index
          %get3A_1108 = tpu.vector_load %arg6[%get3A_1107] {strides = array<i32>} : memref<93184xf32, #tpu.memory_space<vmem>>, vector<16xf32>,
          %swap3A_1109 = arith.index_cast %add3A_925 : i32 to index
          %swap3A_1110 = arith.constant 144 : index
          %swap3A_1111 = tpu.vector_load %arg9[%swap3A_1109, %swap3A_1110] {strides = array<i32>} : memref<32x256xf32, #tpu.memory_space<vmem>>, vector<16xf32>,
          tpu.vector_store %arg9[%swap3A_1109, %swap3A_1110], %get3A_992 {strides = array<i32>} : memref<32x256xf32, #tpu.memory_space<vmem>>, vector<16xf32>,
          %add3A_1112 = arith.constant 160 : i32
          %add3A_1113 = arith.addi %squeeze3A_144, %add3A_1112 : i32
          %get3A_1114 = arith.index_cast %add3A_1113 : i32 to index
          %get3A_1115 = tpu.vector_load %arg6[%get3A_1114] {strides = array<i32>} : memref<93184xf32, #tpu.memory_space<vmem>>, vector<16xf32>,
          %swap3A_1116 = arith.index_cast %add3A_925 : i32 to index
          %swap3A_1117 = arith.constant 160 : index
          %swap3A_1118 = tpu.vector_load %arg9[%swap3A_1116, %swap3A_1117] {strides = array<i32>} : memref<32x256xf32, #tpu.memory_space<vmem>>, vector<16xf32>,
          tpu.vector_store %arg9[%swap3A_1116, %swap3A_1117], %get3A_999 {strides = array<i32>} : memref<32x256xf32, #tpu.memory_space<vmem>>, vector<16xf32>,
          %add3A_1119 = arith.constant 176 : i32
          %add3A_1120 = arith.addi %squeeze3A_144, %add3A_1119 : i32
          %get3A_1121 = arith.index_cast %add3A_1120 : i32 to index
          %get3A_1122 = tpu.vector_load %arg6[%get3A_1121] {strides = array<i32>} : memref<93184xf32, #tpu.memory_space<vmem>>, vector<16xf32>,
          %swap3A_1123 = arith.index_cast %add3A_925 : i32 to index
          %swap3A_1124 = arith.constant 176 : index
          %swap3A_1125 = tpu.vector_load %arg9[%swap3A_1123, %swap3A_1124] {strides = array<i32>} : memref<32x256xf32, #tpu.memory_space<vmem>>, vector<16xf32>,
          tpu.vector_store %arg9[%swap3A_1123, %swap3A_1124], %get3A_1006 {strides = array<i32>} : memref<32x256xf32, #tpu.memory_space<vmem>>, vector<16xf32>,
          %add3A_1126 = arith.constant 192 : i32
          %add3A_1127 = arith.addi %squeeze3A_144, %add3A_1126 : i32
          %get3A_1128 = arith.index_cast %add3A_1127 : i32 to index
          %get3A_1129 = tpu.vector_load %arg6[%get3A_1128] {strides = array<i32>} : memref<93184xf32, #tpu.memory_space<vmem>>, vector<16xf32>,
          %swap3A_1130 = arith.index_cast %add3A_925 : i32 to index
          %swap3A_1131 = arith.constant 192 : index
          %swap3A_1132 = tpu.vector_load %arg9[%swap3A_1130, %swap3A_1131] {strides = array<i32>} : memref<32x256xf32, #tpu.memory_space<vmem>>, vector<16xf32>,
          tpu.vector_store %arg9[%swap3A_1130, %swap3A_1131], %get3A_1013 {strides = array<i32>} : memref<32x256xf32, #tpu.memory_space<vmem>>, vector<16xf32>,
          %add3A_1133 = arith.constant 208 : i32
          %add3A_1134 = arith.addi %squeeze3A_144, %add3A_1133 : i32
          %get3A_1135 = arith.index_cast %add3A_1134 : i32 to index
          %get3A_1136 = tpu.vector_load %arg6[%get3A_1135] {strides = array<i32>} : memref<93184xf32, #tpu.memory_space<vmem>>, vector<16xf32>,
          %swap3A_1137 = arith.index_cast %add3A_925 : i32 to index
          %swap3A_1138 = arith.constant 208 : index
          %swap3A_1139 = tpu.vector_load %arg9[%swap3A_1137, %swap3A_1138] {strides = array<i32>} : memref<32x256xf32, #tpu.memory_space<vmem>>, vector<16xf32>,
          tpu.vector_store %arg9[%swap3A_1137, %swap3A_1138], %get3A_1020 {strides = array<i32>} : memref<32x256xf32, #tpu.memory_space<vmem>>, vector<16xf32>,
          %add3A_1140 = arith.constant 224 : i32
          %add3A_1141 = arith.addi %squeeze3A_144, %add3A_1140 : i32
          %get3A_1142 = arith.index_cast %add3A_1141 : i32 to index
          %get3A_1143 = tpu.vector_load %arg6[%get3A_1142] {strides = array<i32>} : memref<93184xf32, #tpu.memory_space<vmem>>, vector<16xf32>,
          %swap3A_1144 = arith.index_cast %add3A_925 : i32 to index
          %swap3A_1145 = arith.constant 224 : index
          %swap3A_1146 = tpu.vector_load %arg9[%swap3A_1144, %swap3A_1145] {strides = array<i32>} : memref<32x256xf32, #tpu.memory_space<vmem>>, vector<16xf32>,
          tpu.vector_store %arg9[%swap3A_1144, %swap3A_1145], %get3A_1027 {strides = array<i32>} : memref<32x256xf32, #tpu.memory_space<vmem>>, vector<16xf32>,
          %add3A_1147 = arith.constant 240 : i32
          %add3A_1148 = arith.addi %squeeze3A_144, %add3A_1147 : i32
          %get3A_1149 = arith.index_cast %add3A_1148 : i32 to index
          %get3A_1150 = tpu.vector_load %arg6[%get3A_1149] {strides = array<i32>} : memref<93184xf32, #tpu.memory_space<vmem>>, vector<16xf32>,
          %swap3A_1151 = arith.index_cast %add3A_925 : i32 to index
          %swap3A_1152 = arith.constant 240 : index
          %swap3A_1153 = tpu.vector_load %arg9[%swap3A_1151, %swap3A_1152] {strides = array<i32>} : memref<32x256xf32, #tpu.memory_space<vmem>>, vector<16xf32>,
          tpu.vector_store %arg9[%swap3A_1151, %swap3A_1152], %get3A_1034 {strides = array<i32>} : memref<32x256xf32, #tpu.memory_space<vmem>>, vector<16xf32>,
          %mul3A_1154 = arith.constant 16 : i32
          %mul3A_1155 = arith.muli %add3A_119, %mul3A_1154 : i32
          %add3A_1156 = arith.constant 9 : i32
          %add3A_1157 = arith.addi %mul3A_1155, %add3A_1156 : i32
          %add3A_1158 = arith.constant 0 : i32
          %add3A_1159 = arith.addi %squeeze3A_146, %add3A_1158 : i32
          %get3A_1160 = arith.index_cast %add3A_1159 : i32 to index
          %get3A_1161 = tpu.vector_load %arg6[%get3A_1160] {strides = array<i32>} : memref<93184xf32, #tpu.memory_space<vmem>>, vector<16xf32>,
          %swap3A_1162 = arith.index_cast %add3A_1041 : i32 to index
          %swap3A_1163 = arith.constant 0 : index
          %swap3A_1164 = tpu.vector_load %arg9[%swap3A_1162, %swap3A_1163] {strides = array<i32>} : memref<32x256xf32, #tpu.memory_space<vmem>>, vector<16xf32>,
          tpu.vector_store %arg9[%swap3A_1162, %swap3A_1163], %get3A_1045 {strides = array<i32>} : memref<32x256xf32, #tpu.memory_space<vmem>>, vector<16xf32>,
          %add3A_1165 = arith.constant 16 : i32
          %add3A_1166 = arith.addi %squeeze3A_146, %add3A_1165 : i32
          %get3A_1167 = arith.index_cast %add3A_1166 : i32 to index
          %get3A_1168 = tpu.vector_load %arg6[%get3A_1167] {strides = array<i32>} : memref<93184xf32, #tpu.memory_space<vmem>>, vector<16xf32>,
          %swap3A_1169 = arith.index_cast %add3A_1041 : i32 to index
          %swap3A_1170 = arith.constant 16 : index
          %swap3A_1171 = tpu.vector_load %arg9[%swap3A_1169, %swap3A_1170] {strides = array<i32>} : memref<32x256xf32, #tpu.memory_space<vmem>>, vector<16xf32>,
          tpu.vector_store %arg9[%swap3A_1169, %swap3A_1170], %get3A_1052 {strides = array<i32>} : memref<32x256xf32, #tpu.memory_space<vmem>>, vector<16xf32>,
          %add3A_1172 = arith.constant 32 : i32
          %add3A_1173 = arith.addi %squeeze3A_146, %add3A_1172 : i32
          %get3A_1174 = arith.index_cast %add3A_1173 : i32 to index
          %get3A_1175 = tpu.vector_load %arg6[%get3A_1174] {strides = array<i32>} : memref<93184xf32, #tpu.memory_space<vmem>>, vector<16xf32>,
          %swap3A_1176 = arith.index_cast %add3A_1041 : i32 to index
          %swap3A_1177 = arith.constant 32 : index
          %swap3A_1178 = tpu.vector_load %arg9[%swap3A_1176, %swap3A_1177] {strides = array<i32>} : memref<32x256xf32, #tpu.memory_space<vmem>>, vector<16xf32>,
          tpu.vector_store %arg9[%swap3A_1176, %swap3A_1177], %get3A_1059 {strides = array<i32>} : memref<32x256xf32, #tpu.memory_space<vmem>>, vector<16xf32>,
          %add3A_1179 = arith.constant 48 : i32
          %add3A_1180 = arith.addi %squeeze3A_146, %add3A_1179 : i32
          %get3A_1181 = arith.index_cast %add3A_1180 : i32 to index
          %get3A_1182 = tpu.vector_load %arg6[%get3A_1181] {strides = array<i32>} : memref<93184xf32, #tpu.memory_space<vmem>>, vector<16xf32>,
          %swap3A_1183 = arith.index_cast %add3A_1041 : i32 to index
          %swap3A_1184 = arith.constant 48 : index
          %swap3A_1185 = tpu.vector_load %arg9[%swap3A_1183, %swap3A_1184] {strides = array<i32>} : memref<32x256xf32, #tpu.memory_space<vmem>>, vector<16xf32>,
          tpu.vector_store %arg9[%swap3A_1183, %swap3A_1184], %get3A_1066 {strides = array<i32>} : memref<32x256xf32, #tpu.memory_space<vmem>>, vector<16xf32>,
          %add3A_1186 = arith.constant 64 : i32
          %add3A_1187 = arith.addi %squeeze3A_146, %add3A_1186 : i32
          %get3A_1188 = arith.index_cast %add3A_1187 : i32 to index
          %get3A_1189 = tpu.vector_load %arg6[%get3A_1188] {strides = array<i32>} : memref<93184xf32, #tpu.memory_space<vmem>>, vector<16xf32>,
          %swap3A_1190 = arith.index_cast %add3A_1041 : i32 to index
          %swap3A_1191 = arith.constant 64 : index
          %swap3A_1192 = tpu.vector_load %arg9[%swap3A_1190, %swap3A_1191] {strides = array<i32>} : memref<32x256xf32, #tpu.memory_space<vmem>>, vector<16xf32>,
          tpu.vector_store %arg9[%swap3A_1190, %swap3A_1191], %get3A_1073 {strides = array<i32>} : memref<32x256xf32, #tpu.memory_space<vmem>>, vector<16xf32>,
          %add3A_1193 = arith.constant 80 : i32
          %add3A_1194 = arith.addi %squeeze3A_146, %add3A_1193 : i32
          %get3A_1195 = arith.index_cast %add3A_1194 : i32 to index
          %get3A_1196 = tpu.vector_load %arg6[%get3A_1195] {strides = array<i32>} : memref<93184xf32, #tpu.memory_space<vmem>>, vector<16xf32>,
          %swap3A_1197 = arith.index_cast %add3A_1041 : i32 to index
          %swap3A_1198 = arith.constant 80 : index
          %swap3A_1199 = tpu.vector_load %arg9[%swap3A_1197, %swap3A_1198] {strides = array<i32>} : memref<32x256xf32, #tpu.memory_space<vmem>>, vector<16xf32>,
          tpu.vector_store %arg9[%swap3A_1197, %swap3A_1198], %get3A_1080 {strides = array<i32>} : memref<32x256xf32, #tpu.memory_space<vmem>>, vector<16xf32>,
          %add3A_1200 = arith.constant 96 : i32
          %add3A_1201 = arith.addi %squeeze3A_146, %add3A_1200 : i32
          %get3A_1202 = arith.index_cast %add3A_1201 : i32 to index
          %get3A_1203 = tpu.vector_load %arg6[%get3A_1202] {strides = array<i32>} : memref<93184xf32, #tpu.memory_space<vmem>>, vector<16xf32>,
          %swap3A_1204 = arith.index_cast %add3A_1041 : i32 to index
          %swap3A_1205 = arith.constant 96 : index
          %swap3A_1206 = tpu.vector_load %arg9[%swap3A_1204, %swap3A_1205] {strides = array<i32>} : memref<32x256xf32, #tpu.memory_space<vmem>>, vector<16xf32>,
          tpu.vector_store %arg9[%swap3A_1204, %swap3A_1205], %get3A_1087 {strides = array<i32>} : memref<32x256xf32, #tpu.memory_space<vmem>>, vector<16xf32>,
          %add3A_1207 = arith.constant 112 : i32
          %add3A_1208 = arith.addi %squeeze3A_146, %add3A_1207 : i32
          %get3A_1209 = arith.index_cast %add3A_1208 : i32 to index
          %get3A_1210 = tpu.vector_load %arg6[%get3A_1209] {strides = array<i32>} : memref<93184xf32, #tpu.memory_space<vmem>>, vector<16xf32>,
          %swap3A_1211 = arith.index_cast %add3A_1041 : i32 to index
          %swap3A_1212 = arith.constant 112 : index
          %swap3A_1213 = tpu.vector_load %arg9[%swap3A_1211, %swap3A_1212] {strides = array<i32>} : memref<32x256xf32, #tpu.memory_space<vmem>>, vector<16xf32>,
          tpu.vector_store %arg9[%swap3A_1211, %swap3A_1212], %get3A_1094 {strides = array<i32>} : memref<32x256xf32, #tpu.memory_space<vmem>>, vector<16xf32>,
          %add3A_1214 = arith.constant 128 : i32
          %add3A_1215 = arith.addi %squeeze3A_146, %add3A_1214 : i32
          %get3A_1216 = arith.index_cast %add3A_1215 : i32 to index
          %get3A_1217 = tpu.vector_load %arg6[%get3A_1216] {strides = array<i32>} : memref<93184xf32, #tpu.memory_space<vmem>>, vector<16xf32>,
          %swap3A_1218 = arith.index_cast %add3A_1041 : i32 to index
          %swap3A_1219 = arith.constant 128 : index
          %swap3A_1220 = tpu.vector_load %arg9[%swap3A_1218, %swap3A_1219] {strides = array<i32>} : memref<32x256xf32, #tpu.memory_space<vmem>>, vector<16xf32>,
          tpu.vector_store %arg9[%swap3A_1218, %swap3A_1219], %get3A_1101 {strides = array<i32>} : memref<32x256xf32, #tpu.memory_space<vmem>>, vector<16xf32>,
          %add3A_1221 = arith.constant 144 : i32
          %add3A_1222 = arith.addi %squeeze3A_146, %add3A_1221 : i32
          %get3A_1223 = arith.index_cast %add3A_1222 : i32 to index
          %get3A_1224 = tpu.vector_load %arg6[%get3A_1223] {strides = array<i32>} : memref<93184xf32, #tpu.memory_space<vmem>>, vector<16xf32>,
          %swap3A_1225 = arith.index_cast %add3A_1041 : i32 to index
          %swap3A_1226 = arith.constant 144 : index
          %swap3A_1227 = tpu.vector_load %arg9[%swap3A_1225, %swap3A_1226] {strides = array<i32>} : memref<32x256xf32, #tpu.memory_space<vmem>>, vector<16xf32>,
          tpu.vector_store %arg9[%swap3A_1225, %swap3A_1226], %get3A_1108 {strides = array<i32>} : memref<32x256xf32, #tpu.memory_space<vmem>>, vector<16xf32>,
          %add3A_1228 = arith.constant 160 : i32
          %add3A_1229 = arith.addi %squeeze3A_146, %add3A_1228 : i32
          %get3A_1230 = arith.index_cast %add3A_1229 : i32 to index
          %get3A_1231 = tpu.vector_load %arg6[%get3A_1230] {strides = array<i32>} : memref<93184xf32, #tpu.memory_space<vmem>>, vector<16xf32>,
          %swap3A_1232 = arith.index_cast %add3A_1041 : i32 to index
          %swap3A_1233 = arith.constant 160 : index
          %swap3A_1234 = tpu.vector_load %arg9[%swap3A_1232, %swap3A_1233] {strides = array<i32>} : memref<32x256xf32, #tpu.memory_space<vmem>>, vector<16xf32>,
          tpu.vector_store %arg9[%swap3A_1232, %swap3A_1233], %get3A_1115 {strides = array<i32>} : memref<32x256xf32, #tpu.memory_space<vmem>>, vector<16xf32>,
          %add3A_1235 = arith.constant 176 : i32
          %add3A_1236 = arith.addi %squeeze3A_146, %add3A_1235 : i32
          %get3A_1237 = arith.index_cast %add3A_1236 : i32 to index
          %get3A_1238 = tpu.vector_load %arg6[%get3A_1237] {strides = array<i32>} : memref<93184xf32, #tpu.memory_space<vmem>>, vector<16xf32>,
          %swap3A_1239 = arith.index_cast %add3A_1041 : i32 to index
          %swap3A_1240 = arith.constant 176 : index
          %swap3A_1241 = tpu.vector_load %arg9[%swap3A_1239, %swap3A_1240] {strides = array<i32>} : memref<32x256xf32, #tpu.memory_space<vmem>>, vector<16xf32>,
          tpu.vector_store %arg9[%swap3A_1239, %swap3A_1240], %get3A_1122 {strides = array<i32>} : memref<32x256xf32, #tpu.memory_space<vmem>>, vector<16xf32>,
          %add3A_1242 = arith.constant 192 : i32
          %add3A_1243 = arith.addi %squeeze3A_146, %add3A_1242 : i32
          %get3A_1244 = arith.index_cast %add3A_1243 : i32 to index
          %get3A_1245 = tpu.vector_load %arg6[%get3A_1244] {strides = array<i32>} : memref<93184xf32, #tpu.memory_space<vmem>>, vector<16xf32>,
          %swap3A_1246 = arith.index_cast %add3A_1041 : i32 to index
          %swap3A_1247 = arith.constant 192 : index
          %swap3A_1248 = tpu.vector_load %arg9[%swap3A_1246, %swap3A_1247] {strides = array<i32>} : memref<32x256xf32, #tpu.memory_space<vmem>>, vector<16xf32>,
          tpu.vector_store %arg9[%swap3A_1246, %swap3A_1247], %get3A_1129 {strides = array<i32>} : memref<32x256xf32, #tpu.memory_space<vmem>>, vector<16xf32>,
          %add3A_1249 = arith.constant 208 : i32
          %add3A_1250 = arith.addi %squeeze3A_146, %add3A_1249 : i32
          %get3A_1251 = arith.index_cast %add3A_1250 : i32 to index
          %get3A_1252 = tpu.vector_load %arg6[%get3A_1251] {strides = array<i32>} : memref<93184xf32, #tpu.memory_space<vmem>>, vector<16xf32>,
          %swap3A_1253 = arith.index_cast %add3A_1041 : i32 to index
          %swap3A_1254 = arith.constant 208 : index
          %swap3A_1255 = tpu.vector_load %arg9[%swap3A_1253, %swap3A_1254] {strides = array<i32>} : memref<32x256xf32, #tpu.memory_space<vmem>>, vector<16xf32>,
          tpu.vector_store %arg9[%swap3A_1253, %swap3A_1254], %get3A_1136 {strides = array<i32>} : memref<32x256xf32, #tpu.memory_space<vmem>>, vector<16xf32>,
          %add3A_1256 = arith.constant 224 : i32
          %add3A_1257 = arith.addi %squeeze3A_146, %add3A_1256 : i32
          %get3A_1258 = arith.index_cast %add3A_1257 : i32 to index
          %get3A_1259 = tpu.vector_load %arg6[%get3A_1258] {strides = array<i32>} : memref<93184xf32, #tpu.memory_space<vmem>>, vector<16xf32>,
          %swap3A_1260 = arith.index_cast %add3A_1041 : i32 to index
          %swap3A_1261 = arith.constant 224 : index
          %swap3A_1262 = tpu.vector_load %arg9[%swap3A_1260, %swap3A_1261] {strides = array<i32>} : memref<32x256xf32, #tpu.memory_space<vmem>>, vector<16xf32>,
          tpu.vector_store %arg9[%swap3A_1260, %swap3A_1261], %get3A_1143 {strides = array<i32>} : memref<32x256xf32, #tpu.memory_space<vmem>>, vector<16xf32>,
          %add3A_1263 = arith.constant 240 : i32
          %add3A_1264 = arith.addi %squeeze3A_146, %add3A_1263 : i32
          %get3A_1265 = arith.index_cast %add3A_1264 : i32 to index
          %get3A_1266 = tpu.vector_load %arg6[%get3A_1265] {strides = array<i32>} : memref<93184xf32, #tpu.memory_space<vmem>>, vector<16xf32>,
          %swap3A_1267 = arith.index_cast %add3A_1041 : i32 to index
          %swap3A_1268 = arith.constant 240 : index
          %swap3A_1269 = tpu.vector_load %arg9[%swap3A_1267, %swap3A_1268] {strides = array<i32>} : memref<32x256xf32, #tpu.memory_space<vmem>>, vector<16xf32>,
          tpu.vector_store %arg9[%swap3A_1267, %swap3A_1268], %get3A_1150 {strides = array<i32>} : memref<32x256xf32, #tpu.memory_space<vmem>>, vector<16xf32>,
          %mul3A_1270 = arith.constant 16 : i32
          %mul3A_1271 = arith.muli %add3A_119, %mul3A_1270 : i32
          %add3A_1272 = arith.constant 10 : i32
          %add3A_1273 = arith.addi %mul3A_1271, %add3A_1272 : i32
          %add3A_1274 = arith.constant 0 : i32
          %add3A_1275 = arith.addi %squeeze3A_148, %add3A_1274 : i32
          %get3A_1276 = arith.index_cast %add3A_1275 : i32 to index
          %get3A_1277 = tpu.vector_load %arg6[%get3A_1276] {strides = array<i32>} : memref<93184xf32, #tpu.memory_space<vmem>>, vector<16xf32>,
          %swap3A_1278 = arith.index_cast %add3A_1157 : i32 to index
          %swap3A_1279 = arith.constant 0 : index
          %swap3A_1280 = tpu.vector_load %arg9[%swap3A_1278, %swap3A_1279] {strides = array<i32>} : memref<32x256xf32, #tpu.memory_space<vmem>>, vector<16xf32>,
          tpu.vector_store %arg9[%swap3A_1278, %swap3A_1279], %get3A_1161 {strides = array<i32>} : memref<32x256xf32, #tpu.memory_space<vmem>>, vector<16xf32>,
          %add3A_1281 = arith.constant 16 : i32
          %add3A_1282 = arith.addi %squeeze3A_148, %add3A_1281 : i32
          %get3A_1283 = arith.index_cast %add3A_1282 : i32 to index
          %get3A_1284 = tpu.vector_load %arg6[%get3A_1283] {strides = array<i32>} : memref<93184xf32, #tpu.memory_space<vmem>>, vector<16xf32>,
          %swap3A_1285 = arith.index_cast %add3A_1157 : i32 to index
          %swap3A_1286 = arith.constant 16 : index
          %swap3A_1287 = tpu.vector_load %arg9[%swap3A_1285, %swap3A_1286] {strides = array<i32>} : memref<32x256xf32, #tpu.memory_space<vmem>>, vector<16xf32>,
          tpu.vector_store %arg9[%swap3A_1285, %swap3A_1286], %get3A_1168 {strides = array<i32>} : memref<32x256xf32, #tpu.memory_space<vmem>>, vector<16xf32>,
          %add3A_1288 = arith.constant 32 : i32
          %add3A_1289 = arith.addi %squeeze3A_148, %add3A_1288 : i32
          %get3A_1290 = arith.index_cast %add3A_1289 : i32 to index
          %get3A_1291 = tpu.vector_load %arg6[%get3A_1290] {strides = array<i32>} : memref<93184xf32, #tpu.memory_space<vmem>>, vector<16xf32>,
          %swap3A_1292 = arith.index_cast %add3A_1157 : i32 to index
          %swap3A_1293 = arith.constant 32 : index
          %swap3A_1294 = tpu.vector_load %arg9[%swap3A_1292, %swap3A_1293] {strides = array<i32>} : memref<32x256xf32, #tpu.memory_space<vmem>>, vector<16xf32>,
          tpu.vector_store %arg9[%swap3A_1292, %swap3A_1293], %get3A_1175 {strides = array<i32>} : memref<32x256xf32, #tpu.memory_space<vmem>>, vector<16xf32>,
          %add3A_1295 = arith.constant 48 : i32
          %add3A_1296 = arith.addi %squeeze3A_148, %add3A_1295 : i32
          %get3A_1297 = arith.index_cast %add3A_1296 : i32 to index
          %get3A_1298 = tpu.vector_load %arg6[%get3A_1297] {strides = array<i32>} : memref<93184xf32, #tpu.memory_space<vmem>>, vector<16xf32>,
          %swap3A_1299 = arith.index_cast %add3A_1157 : i32 to index
          %swap3A_1300 = arith.constant 48 : index
          %swap3A_1301 = tpu.vector_load %arg9[%swap3A_1299, %swap3A_1300] {strides = array<i32>} : memref<32x256xf32, #tpu.memory_space<vmem>>, vector<16xf32>,
          tpu.vector_store %arg9[%swap3A_1299, %swap3A_1300], %get3A_1182 {strides = array<i32>} : memref<32x256xf32, #tpu.memory_space<vmem>>, vector<16xf32>,
          %add3A_1302 = arith.constant 64 : i32
          %add3A_1303 = arith.addi %squeeze3A_148, %add3A_1302 : i32
          %get3A_1304 = arith.index_cast %add3A_1303 : i32 to index
          %get3A_1305 = tpu.vector_load %arg6[%get3A_1304] {strides = array<i32>} : memref<93184xf32, #tpu.memory_space<vmem>>, vector<16xf32>,
          %swap3A_1306 = arith.index_cast %add3A_1157 : i32 to index
          %swap3A_1307 = arith.constant 64 : index
          %swap3A_1308 = tpu.vector_load %arg9[%swap3A_1306, %swap3A_1307] {strides = array<i32>} : memref<32x256xf32, #tpu.memory_space<vmem>>, vector<16xf32>,
          tpu.vector_store %arg9[%swap3A_1306, %swap3A_1307], %get3A_1189 {strides = array<i32>} : memref<32x256xf32, #tpu.memory_space<vmem>>, vector<16xf32>,
          %add3A_1309 = arith.constant 80 : i32
          %add3A_1310 = arith.addi %squeeze3A_148, %add3A_1309 : i32
          %get3A_1311 = arith.index_cast %add3A_1310 : i32 to index
          %get3A_1312 = tpu.vector_load %arg6[%get3A_1311] {strides = array<i32>} : memref<93184xf32, #tpu.memory_space<vmem>>, vector<16xf32>,
          %swap3A_1313 = arith.index_cast %add3A_1157 : i32 to index
          %swap3A_1314 = arith.constant 80 : index
          %swap3A_1315 = tpu.vector_load %arg9[%swap3A_1313, %swap3A_1314] {strides = array<i32>} : memref<32x256xf32, #tpu.memory_space<vmem>>, vector<16xf32>,
          tpu.vector_store %arg9[%swap3A_1313, %swap3A_1314], %get3A_1196 {strides = array<i32>} : memref<32x256xf32, #tpu.memory_space<vmem>>, vector<16xf32>,
          %add3A_1316 = arith.constant 96 : i32
          %add3A_1317 = arith.addi %squeeze3A_148, %add3A_1316 : i32
          %get3A_1318 = arith.index_cast %add3A_1317 : i32 to index
          %get3A_1319 = tpu.vector_load %arg6[%get3A_1318] {strides = array<i32>} : memref<93184xf32, #tpu.memory_space<vmem>>, vector<16xf32>,
          %swap3A_1320 = arith.index_cast %add3A_1157 : i32 to index
          %swap3A_1321 = arith.constant 96 : index
          %swap3A_1322 = tpu.vector_load %arg9[%swap3A_1320, %swap3A_1321] {strides = array<i32>} : memref<32x256xf32, #tpu.memory_space<vmem>>, vector<16xf32>,
          tpu.vector_store %arg9[%swap3A_1320, %swap3A_1321], %get3A_1203 {strides = array<i32>} : memref<32x256xf32, #tpu.memory_space<vmem>>, vector<16xf32>,
          %add3A_1323 = arith.constant 112 : i32
          %add3A_1324 = arith.addi %squeeze3A_148, %add3A_1323 : i32
          %get3A_1325 = arith.index_cast %add3A_1324 : i32 to index
          %get3A_1326 = tpu.vector_load %arg6[%get3A_1325] {strides = array<i32>} : memref<93184xf32, #tpu.memory_space<vmem>>, vector<16xf32>,
          %swap3A_1327 = arith.index_cast %add3A_1157 : i32 to index
          %swap3A_1328 = arith.constant 112 : index
          %swap3A_1329 = tpu.vector_load %arg9[%swap3A_1327, %swap3A_1328] {strides = array<i32>} : memref<32x256xf32, #tpu.memory_space<vmem>>, vector<16xf32>,
          tpu.vector_store %arg9[%swap3A_1327, %swap3A_1328], %get3A_1210 {strides = array<i32>} : memref<32x256xf32, #tpu.memory_space<vmem>>, vector<16xf32>,
          %add3A_1330 = arith.constant 128 : i32
          %add3A_1331 = arith.addi %squeeze3A_148, %add3A_1330 : i32
          %get3A_1332 = arith.index_cast %add3A_1331 : i32 to index
          %get3A_1333 = tpu.vector_load %arg6[%get3A_1332] {strides = array<i32>} : memref<93184xf32, #tpu.memory_space<vmem>>, vector<16xf32>,
          %swap3A_1334 = arith.index_cast %add3A_1157 : i32 to index
          %swap3A_1335 = arith.constant 128 : index
          %swap3A_1336 = tpu.vector_load %arg9[%swap3A_1334, %swap3A_1335] {strides = array<i32>} : memref<32x256xf32, #tpu.memory_space<vmem>>, vector<16xf32>,
          tpu.vector_store %arg9[%swap3A_1334, %swap3A_1335], %get3A_1217 {strides = array<i32>} : memref<32x256xf32, #tpu.memory_space<vmem>>, vector<16xf32>,
          %add3A_1337 = arith.constant 144 : i32
          %add3A_1338 = arith.addi %squeeze3A_148, %add3A_1337 : i32
          %get3A_1339 = arith.index_cast %add3A_1338 : i32 to index
          %get3A_1340 = tpu.vector_load %arg6[%get3A_1339] {strides = array<i32>} : memref<93184xf32, #tpu.memory_space<vmem>>, vector<16xf32>,
          %swap3A_1341 = arith.index_cast %add3A_1157 : i32 to index
          %swap3A_1342 = arith.constant 144 : index
          %swap3A_1343 = tpu.vector_load %arg9[%swap3A_1341, %swap3A_1342] {strides = array<i32>} : memref<32x256xf32, #tpu.memory_space<vmem>>, vector<16xf32>,
          tpu.vector_store %arg9[%swap3A_1341, %swap3A_1342], %get3A_1224 {strides = array<i32>} : memref<32x256xf32, #tpu.memory_space<vmem>>, vector<16xf32>,
          %add3A_1344 = arith.constant 160 : i32
          %add3A_1345 = arith.addi %squeeze3A_148, %add3A_1344 : i32
          %get3A_1346 = arith.index_cast %add3A_1345 : i32 to index
          %get3A_1347 = tpu.vector_load %arg6[%get3A_1346] {strides = array<i32>} : memref<93184xf32, #tpu.memory_space<vmem>>, vector<16xf32>,
          %swap3A_1348 = arith.index_cast %add3A_1157 : i32 to index
          %swap3A_1349 = arith.constant 160 : index
          %swap3A_1350 = tpu.vector_load %arg9[%swap3A_1348, %swap3A_1349] {strides = array<i32>} : memref<32x256xf32, #tpu.memory_space<vmem>>, vector<16xf32>,
          tpu.vector_store %arg9[%swap3A_1348, %swap3A_1349], %get3A_1231 {strides = array<i32>} : memref<32x256xf32, #tpu.memory_space<vmem>>, vector<16xf32>,
          %add3A_1351 = arith.constant 176 : i32
          %add3A_1352 = arith.addi %squeeze3A_148, %add3A_1351 : i32
          %get3A_1353 = arith.index_cast %add3A_1352 : i32 to index
          %get3A_1354 = tpu.vector_load %arg6[%get3A_1353] {strides = array<i32>} : memref<93184xf32, #tpu.memory_space<vmem>>, vector<16xf32>,
          %swap3A_1355 = arith.index_cast %add3A_1157 : i32 to index
          %swap3A_1356 = arith.constant 176 : index
          %swap3A_1357 = tpu.vector_load %arg9[%swap3A_1355, %swap3A_1356] {strides = array<i32>} : memref<32x256xf32, #tpu.memory_space<vmem>>, vector<16xf32>,
          tpu.vector_store %arg9[%swap3A_1355, %swap3A_1356], %get3A_1238 {strides = array<i32>} : memref<32x256xf32, #tpu.memory_space<vmem>>, vector<16xf32>,
          %add3A_1358 = arith.constant 192 : i32
          %add3A_1359 = arith.addi %squeeze3A_148, %add3A_1358 : i32
          %get3A_1360 = arith.index_cast %add3A_1359 : i32 to index
          %get3A_1361 = tpu.vector_load %arg6[%get3A_1360] {strides = array<i32>} : memref<93184xf32, #tpu.memory_space<vmem>>, vector<16xf32>,
          %swap3A_1362 = arith.index_cast %add3A_1157 : i32 to index
          %swap3A_1363 = arith.constant 192 : index
          %swap3A_1364 = tpu.vector_load %arg9[%swap3A_1362, %swap3A_1363] {strides = array<i32>} : memref<32x256xf32, #tpu.memory_space<vmem>>, vector<16xf32>,
          tpu.vector_store %arg9[%swap3A_1362, %swap3A_1363], %get3A_1245 {strides = array<i32>} : memref<32x256xf32, #tpu.memory_space<vmem>>, vector<16xf32>,
          %add3A_1365 = arith.constant 208 : i32
          %add3A_1366 = arith.addi %squeeze3A_148, %add3A_1365 : i32
          %get3A_1367 = arith.index_cast %add3A_1366 : i32 to index
          %get3A_1368 = tpu.vector_load %arg6[%get3A_1367] {strides = array<i32>} : memref<93184xf32, #tpu.memory_space<vmem>>, vector<16xf32>,
          %swap3A_1369 = arith.index_cast %add3A_1157 : i32 to index
          %swap3A_1370 = arith.constant 208 : index
          %swap3A_1371 = tpu.vector_load %arg9[%swap3A_1369, %swap3A_1370] {strides = array<i32>} : memref<32x256xf32, #tpu.memory_space<vmem>>, vector<16xf32>,
          tpu.vector_store %arg9[%swap3A_1369, %swap3A_1370], %get3A_1252 {strides = array<i32>} : memref<32x256xf32, #tpu.memory_space<vmem>>, vector<16xf32>,
          %add3A_1372 = arith.constant 224 : i32
          %add3A_1373 = arith.addi %squeeze3A_148, %add3A_1372 : i32
          %get3A_1374 = arith.index_cast %add3A_1373 : i32 to index
          %get3A_1375 = tpu.vector_load %arg6[%get3A_1374] {strides = array<i32>} : memref<93184xf32, #tpu.memory_space<vmem>>, vector<16xf32>,
          %swap3A_1376 = arith.index_cast %add3A_1157 : i32 to index
          %swap3A_1377 = arith.constant 224 : index
          %swap3A_1378 = tpu.vector_load %arg9[%swap3A_1376, %swap3A_1377] {strides = array<i32>} : memref<32x256xf32, #tpu.memory_space<vmem>>, vector<16xf32>,
          tpu.vector_store %arg9[%swap3A_1376, %swap3A_1377], %get3A_1259 {strides = array<i32>} : memref<32x256xf32, #tpu.memory_space<vmem>>, vector<16xf32>,
          %add3A_1379 = arith.constant 240 : i32
          %add3A_1380 = arith.addi %squeeze3A_148, %add3A_1379 : i32
          %get3A_1381 = arith.index_cast %add3A_1380 : i32 to index
          %get3A_1382 = tpu.vector_load %arg6[%get3A_1381] {strides = array<i32>} : memref<93184xf32, #tpu.memory_space<vmem>>, vector<16xf32>,
          %swap3A_1383 = arith.index_cast %add3A_1157 : i32 to index
          %swap3A_1384 = arith.constant 240 : index
          %swap3A_1385 = tpu.vector_load %arg9[%swap3A_1383, %swap3A_1384] {strides = array<i32>} : memref<32x256xf32, #tpu.memory_space<vmem>>, vector<16xf32>,
          tpu.vector_store %arg9[%swap3A_1383, %swap3A_1384], %get3A_1266 {strides = array<i32>} : memref<32x256xf32, #tpu.memory_space<vmem>>, vector<16xf32>,
          %mul3A_1386 = arith.constant 16 : i32
          %mul3A_1387 = arith.muli %add3A_119, %mul3A_1386 : i32
          %add3A_1388 = arith.constant 11 : i32
          %add3A_1389 = arith.addi %mul3A_1387, %add3A_1388 : i32
          %add3A_1390 = arith.constant 0 : i32
          %add3A_1391 = arith.addi %squeeze3A_150, %add3A_1390 : i32
          %get3A_1392 = arith.index_cast %add3A_1391 : i32 to index
          %get3A_1393 = tpu.vector_load %arg6[%get3A_1392] {strides = array<i32>} : memref<93184xf32, #tpu.memory_space<vmem>>, vector<16xf32>,
          %swap3A_1394 = arith.index_cast %add3A_1273 : i32 to index
          %swap3A_1395 = arith.constant 0 : index
          %swap3A_1396 = tpu.vector_load %arg9[%swap3A_1394, %swap3A_1395] {strides = array<i32>} : memref<32x256xf32, #tpu.memory_space<vmem>>, vector<16xf32>,
          tpu.vector_store %arg9[%swap3A_1394, %swap3A_1395], %get3A_1277 {strides = array<i32>} : memref<32x256xf32, #tpu.memory_space<vmem>>, vector<16xf32>,
          %add3A_1397 = arith.constant 16 : i32
          %add3A_1398 = arith.addi %squeeze3A_150, %add3A_1397 : i32
          %get3A_1399 = arith.index_cast %add3A_1398 : i32 to index
          %get3A_1400 = tpu.vector_load %arg6[%get3A_1399] {strides = array<i32>} : memref<93184xf32, #tpu.memory_space<vmem>>, vector<16xf32>,
          %swap3A_1401 = arith.index_cast %add3A_1273 : i32 to index
          %swap3A_1402 = arith.constant 16 : index
          %swap3A_1403 = tpu.vector_load %arg9[%swap3A_1401, %swap3A_1402] {strides = array<i32>} : memref<32x256xf32, #tpu.memory_space<vmem>>, vector<16xf32>,
          tpu.vector_store %arg9[%swap3A_1401, %swap3A_1402], %get3A_1284 {strides = array<i32>} : memref<32x256xf32, #tpu.memory_space<vmem>>, vector<16xf32>,
          %add3A_1404 = arith.constant 32 : i32
          %add3A_1405 = arith.addi %squeeze3A_150, %add3A_1404 : i32
          %get3A_1406 = arith.index_cast %add3A_1405 : i32 to index
          %get3A_1407 = tpu.vector_load %arg6[%get3A_1406] {strides = array<i32>} : memref<93184xf32, #tpu.memory_space<vmem>>, vector<16xf32>,
          %swap3A_1408 = arith.index_cast %add3A_1273 : i32 to index
          %swap3A_1409 = arith.constant 32 : index
          %swap3A_1410 = tpu.vector_load %arg9[%swap3A_1408, %swap3A_1409] {strides = array<i32>} : memref<32x256xf32, #tpu.memory_space<vmem>>, vector<16xf32>,
          tpu.vector_store %arg9[%swap3A_1408, %swap3A_1409], %get3A_1291 {strides = array<i32>} : memref<32x256xf32, #tpu.memory_space<vmem>>, vector<16xf32>,
          %add3A_1411 = arith.constant 48 : i32
          %add3A_1412 = arith.addi %squeeze3A_150, %add3A_1411 : i32
          %get3A_1413 = arith.index_cast %add3A_1412 : i32 to index
          %get3A_1414 = tpu.vector_load %arg6[%get3A_1413] {strides = array<i32>} : memref<93184xf32, #tpu.memory_space<vmem>>, vector<16xf32>,
          %swap3A_1415 = arith.index_cast %add3A_1273 : i32 to index
          %swap3A_1416 = arith.constant 48 : index
          %swap3A_1417 = tpu.vector_load %arg9[%swap3A_1415, %swap3A_1416] {strides = array<i32>} : memref<32x256xf32, #tpu.memory_space<vmem>>, vector<16xf32>,
          tpu.vector_store %arg9[%swap3A_1415, %swap3A_1416], %get3A_1298 {strides = array<i32>} : memref<32x256xf32, #tpu.memory_space<vmem>>, vector<16xf32>,
          %add3A_1418 = arith.constant 64 : i32
          %add3A_1419 = arith.addi %squeeze3A_150, %add3A_1418 : i32
          %get3A_1420 = arith.index_cast %add3A_1419 : i32 to index
          %get3A_1421 = tpu.vector_load %arg6[%get3A_1420] {strides = array<i32>} : memref<93184xf32, #tpu.memory_space<vmem>>, vector<16xf32>,
          %swap3A_1422 = arith.index_cast %add3A_1273 : i32 to index
          %swap3A_1423 = arith.constant 64 : index
          %swap3A_1424 = tpu.vector_load %arg9[%swap3A_1422, %swap3A_1423] {strides = array<i32>} : memref<32x256xf32, #tpu.memory_space<vmem>>, vector<16xf32>,
          tpu.vector_store %arg9[%swap3A_1422, %swap3A_1423], %get3A_1305 {strides = array<i32>} : memref<32x256xf32, #tpu.memory_space<vmem>>, vector<16xf32>,
          %add3A_1425 = arith.constant 80 : i32
          %add3A_1426 = arith.addi %squeeze3A_150, %add3A_1425 : i32
          %get3A_1427 = arith.index_cast %add3A_1426 : i32 to index
          %get3A_1428 = tpu.vector_load %arg6[%get3A_1427] {strides = array<i32>} : memref<93184xf32, #tpu.memory_space<vmem>>, vector<16xf32>,
          %swap3A_1429 = arith.index_cast %add3A_1273 : i32 to index
          %swap3A_1430 = arith.constant 80 : index
          %swap3A_1431 = tpu.vector_load %arg9[%swap3A_1429, %swap3A_1430] {strides = array<i32>} : memref<32x256xf32, #tpu.memory_space<vmem>>, vector<16xf32>,
          tpu.vector_store %arg9[%swap3A_1429, %swap3A_1430], %get3A_1312 {strides = array<i32>} : memref<32x256xf32, #tpu.memory_space<vmem>>, vector<16xf32>,
          %add3A_1432 = arith.constant 96 : i32
          %add3A_1433 = arith.addi %squeeze3A_150, %add3A_1432 : i32
          %get3A_1434 = arith.index_cast %add3A_1433 : i32 to index
          %get3A_1435 = tpu.vector_load %arg6[%get3A_1434] {strides = array<i32>} : memref<93184xf32, #tpu.memory_space<vmem>>, vector<16xf32>,
          %swap3A_1436 = arith.index_cast %add3A_1273 : i32 to index
          %swap3A_1437 = arith.constant 96 : index
          %swap3A_1438 = tpu.vector_load %arg9[%swap3A_1436, %swap3A_1437] {strides = array<i32>} : memref<32x256xf32, #tpu.memory_space<vmem>>, vector<16xf32>,
          tpu.vector_store %arg9[%swap3A_1436, %swap3A_1437], %get3A_1319 {strides = array<i32>} : memref<32x256xf32, #tpu.memory_space<vmem>>, vector<16xf32>,
          %add3A_1439 = arith.constant 112 : i32
          %add3A_1440 = arith.addi %squeeze3A_150, %add3A_1439 : i32
          %get3A_1441 = arith.index_cast %add3A_1440 : i32 to index
          %get3A_1442 = tpu.vector_load %arg6[%get3A_1441] {strides = array<i32>} : memref<93184xf32, #tpu.memory_space<vmem>>, vector<16xf32>,
          %swap3A_1443 = arith.index_cast %add3A_1273 : i32 to index
          %swap3A_1444 = arith.constant 112 : index
          %swap3A_1445 = tpu.vector_load %arg9[%swap3A_1443, %swap3A_1444] {strides = array<i32>} : memref<32x256xf32, #tpu.memory_space<vmem>>, vector<16xf32>,
          tpu.vector_store %arg9[%swap3A_1443, %swap3A_1444], %get3A_1326 {strides = array<i32>} : memref<32x256xf32, #tpu.memory_space<vmem>>, vector<16xf32>,
          %add3A_1446 = arith.constant 128 : i32
          %add3A_1447 = arith.addi %squeeze3A_150, %add3A_1446 : i32
          %get3A_1448 = arith.index_cast %add3A_1447 : i32 to index
          %get3A_1449 = tpu.vector_load %arg6[%get3A_1448] {strides = array<i32>} : memref<93184xf32, #tpu.memory_space<vmem>>, vector<16xf32>,
          %swap3A_1450 = arith.index_cast %add3A_1273 : i32 to index
          %swap3A_1451 = arith.constant 128 : index
          %swap3A_1452 = tpu.vector_load %arg9[%swap3A_1450, %swap3A_1451] {strides = array<i32>} : memref<32x256xf32, #tpu.memory_space<vmem>>, vector<16xf32>,
          tpu.vector_store %arg9[%swap3A_1450, %swap3A_1451], %get3A_1333 {strides = array<i32>} : memref<32x256xf32, #tpu.memory_space<vmem>>, vector<16xf32>,
          %add3A_1453 = arith.constant 144 : i32
          %add3A_1454 = arith.addi %squeeze3A_150, %add3A_1453 : i32
          %get3A_1455 = arith.index_cast %add3A_1454 : i32 to index
          %get3A_1456 = tpu.vector_load %arg6[%get3A_1455] {strides = array<i32>} : memref<93184xf32, #tpu.memory_space<vmem>>, vector<16xf32>,
          %swap3A_1457 = arith.index_cast %add3A_1273 : i32 to index
          %swap3A_1458 = arith.constant 144 : index
          %swap3A_1459 = tpu.vector_load %arg9[%swap3A_1457, %swap3A_1458] {strides = array<i32>} : memref<32x256xf32, #tpu.memory_space<vmem>>, vector<16xf32>,
          tpu.vector_store %arg9[%swap3A_1457, %swap3A_1458], %get3A_1340 {strides = array<i32>} : memref<32x256xf32, #tpu.memory_space<vmem>>, vector<16xf32>,
          %add3A_1460 = arith.constant 160 : i32
          %add3A_1461 = arith.addi %squeeze3A_150, %add3A_1460 : i32
          %get3A_1462 = arith.index_cast %add3A_1461 : i32 to index
          %get3A_1463 = tpu.vector_load %arg6[%get3A_1462] {strides = array<i32>} : memref<93184xf32, #tpu.memory_space<vmem>>, vector<16xf32>,
          %swap3A_1464 = arith.index_cast %add3A_1273 : i32 to index
          %swap3A_1465 = arith.constant 160 : index
          %swap3A_1466 = tpu.vector_load %arg9[%swap3A_1464, %swap3A_1465] {strides = array<i32>} : memref<32x256xf32, #tpu.memory_space<vmem>>, vector<16xf32>,
          tpu.vector_store %arg9[%swap3A_1464, %swap3A_1465], %get3A_1347 {strides = array<i32>} : memref<32x256xf32, #tpu.memory_space<vmem>>, vector<16xf32>,
          %add3A_1467 = arith.constant 176 : i32
          %add3A_1468 = arith.addi %squeeze3A_150, %add3A_1467 : i32
          %get3A_1469 = arith.index_cast %add3A_1468 : i32 to index
          %get3A_1470 = tpu.vector_load %arg6[%get3A_1469] {strides = array<i32>} : memref<93184xf32, #tpu.memory_space<vmem>>, vector<16xf32>,
          %swap3A_1471 = arith.index_cast %add3A_1273 : i32 to index
          %swap3A_1472 = arith.constant 176 : index
          %swap3A_1473 = tpu.vector_load %arg9[%swap3A_1471, %swap3A_1472] {strides = array<i32>} : memref<32x256xf32, #tpu.memory_space<vmem>>, vector<16xf32>,
          tpu.vector_store %arg9[%swap3A_1471, %swap3A_1472], %get3A_1354 {strides = array<i32>} : memref<32x256xf32, #tpu.memory_space<vmem>>, vector<16xf32>,
          %add3A_1474 = arith.constant 192 : i32
          %add3A_1475 = arith.addi %squeeze3A_150, %add3A_1474 : i32
          %get3A_1476 = arith.index_cast %add3A_1475 : i32 to index
          %get3A_1477 = tpu.vector_load %arg6[%get3A_1476] {strides = array<i32>} : memref<93184xf32, #tpu.memory_space<vmem>>, vector<16xf32>,
          %swap3A_1478 = arith.index_cast %add3A_1273 : i32 to index
          %swap3A_1479 = arith.constant 192 : index
          %swap3A_1480 = tpu.vector_load %arg9[%swap3A_1478, %swap3A_1479] {strides = array<i32>} : memref<32x256xf32, #tpu.memory_space<vmem>>, vector<16xf32>,
          tpu.vector_store %arg9[%swap3A_1478, %swap3A_1479], %get3A_1361 {strides = array<i32>} : memref<32x256xf32, #tpu.memory_space<vmem>>, vector<16xf32>,
          %add3A_1481 = arith.constant 208 : i32
          %add3A_1482 = arith.addi %squeeze3A_150, %add3A_1481 : i32
          %get3A_1483 = arith.index_cast %add3A_1482 : i32 to index
          %get3A_1484 = tpu.vector_load %arg6[%get3A_1483] {strides = array<i32>} : memref<93184xf32, #tpu.memory_space<vmem>>, vector<16xf32>,
          %swap3A_1485 = arith.index_cast %add3A_1273 : i32 to index
          %swap3A_1486 = arith.constant 208 : index
          %swap3A_1487 = tpu.vector_load %arg9[%swap3A_1485, %swap3A_1486] {strides = array<i32>} : memref<32x256xf32, #tpu.memory_space<vmem>>, vector<16xf32>,
          tpu.vector_store %arg9[%swap3A_1485, %swap3A_1486], %get3A_1368 {strides = array<i32>} : memref<32x256xf32, #tpu.memory_space<vmem>>, vector<16xf32>,
          %add3A_1488 = arith.constant 224 : i32
          %add3A_1489 = arith.addi %squeeze3A_150, %add3A_1488 : i32
          %get3A_1490 = arith.index_cast %add3A_1489 : i32 to index
          %get3A_1491 = tpu.vector_load %arg6[%get3A_1490] {strides = array<i32>} : memref<93184xf32, #tpu.memory_space<vmem>>, vector<16xf32>,
          %swap3A_1492 = arith.index_cast %add3A_1273 : i32 to index
          %swap3A_1493 = arith.constant 224 : index
          %swap3A_1494 = tpu.vector_load %arg9[%swap3A_1492, %swap3A_1493] {strides = array<i32>} : memref<32x256xf32, #tpu.memory_space<vmem>>, vector<16xf32>,
          tpu.vector_store %arg9[%swap3A_1492, %swap3A_1493], %get3A_1375 {strides = array<i32>} : memref<32x256xf32, #tpu.memory_space<vmem>>, vector<16xf32>,
          %add3A_1495 = arith.constant 240 : i32
          %add3A_1496 = arith.addi %squeeze3A_150, %add3A_1495 : i32
          %get3A_1497 = arith.index_cast %add3A_1496 : i32 to index
          %get3A_1498 = tpu.vector_load %arg6[%get3A_1497] {strides = array<i32>} : memref<93184xf32, #tpu.memory_space<vmem>>, vector<16xf32>,
          %swap3A_1499 = arith.index_cast %add3A_1273 : i32 to index
          %swap3A_1500 = arith.constant 240 : index
          %swap3A_1501 = tpu.vector_load %arg9[%swap3A_1499, %swap3A_1500] {strides = array<i32>} : memref<32x256xf32, #tpu.memory_space<vmem>>, vector<16xf32>,
          tpu.vector_store %arg9[%swap3A_1499, %swap3A_1500], %get3A_1382 {strides = array<i32>} : memref<32x256xf32, #tpu.memory_space<vmem>>, vector<16xf32>,
          %mul3A_1502 = arith.constant 16 : i32
          %mul3A_1503 = arith.muli %add3A_119, %mul3A_1502 : i32
          %add3A_1504 = arith.constant 12 : i32
          %add3A_1505 = arith.addi %mul3A_1503, %add3A_1504 : i32
          %add3A_1506 = arith.constant 0 : i32
          %add3A_1507 = arith.addi %squeeze3A_152, %add3A_1506 : i32
          %get3A_1508 = arith.index_cast %add3A_1507 : i32 to index
          %get3A_1509 = tpu.vector_load %arg6[%get3A_1508] {strides = array<i32>} : memref<93184xf32, #tpu.memory_space<vmem>>, vector<16xf32>,
          %swap3A_1510 = arith.index_cast %add3A_1389 : i32 to index
          %swap3A_1511 = arith.constant 0 : index
          %swap3A_1512 = tpu.vector_load %arg9[%swap3A_1510, %swap3A_1511] {strides = array<i32>} : memref<32x256xf32, #tpu.memory_space<vmem>>, vector<16xf32>,
          tpu.vector_store %arg9[%swap3A_1510, %swap3A_1511], %get3A_1393 {strides = array<i32>} : memref<32x256xf32, #tpu.memory_space<vmem>>, vector<16xf32>,
          %add3A_1513 = arith.constant 16 : i32
          %add3A_1514 = arith.addi %squeeze3A_152, %add3A_1513 : i32
          %get3A_1515 = arith.index_cast %add3A_1514 : i32 to index
          %get3A_1516 = tpu.vector_load %arg6[%get3A_1515] {strides = array<i32>} : memref<93184xf32, #tpu.memory_space<vmem>>, vector<16xf32>,
          %swap3A_1517 = arith.index_cast %add3A_1389 : i32 to index
          %swap3A_1518 = arith.constant 16 : index
          %swap3A_1519 = tpu.vector_load %arg9[%swap3A_1517, %swap3A_1518] {strides = array<i32>} : memref<32x256xf32, #tpu.memory_space<vmem>>, vector<16xf32>,
          tpu.vector_store %arg9[%swap3A_1517, %swap3A_1518], %get3A_1400 {strides = array<i32>} : memref<32x256xf32, #tpu.memory_space<vmem>>, vector<16xf32>,
          %add3A_1520 = arith.constant 32 : i32
          %add3A_1521 = arith.addi %squeeze3A_152, %add3A_1520 : i32
          %get3A_1522 = arith.index_cast %add3A_1521 : i32 to index
          %get3A_1523 = tpu.vector_load %arg6[%get3A_1522] {strides = array<i32>} : memref<93184xf32, #tpu.memory_space<vmem>>, vector<16xf32>,
          %swap3A_1524 = arith.index_cast %add3A_1389 : i32 to index
          %swap3A_1525 = arith.constant 32 : index
          %swap3A_1526 = tpu.vector_load %arg9[%swap3A_1524, %swap3A_1525] {strides = array<i32>} : memref<32x256xf32, #tpu.memory_space<vmem>>, vector<16xf32>,
          tpu.vector_store %arg9[%swap3A_1524, %swap3A_1525], %get3A_1407 {strides = array<i32>} : memref<32x256xf32, #tpu.memory_space<vmem>>, vector<16xf32>,
          %add3A_1527 = arith.constant 48 : i32
          %add3A_1528 = arith.addi %squeeze3A_152, %add3A_1527 : i32
          %get3A_1529 = arith.index_cast %add3A_1528 : i32 to index
          %get3A_1530 = tpu.vector_load %arg6[%get3A_1529] {strides = array<i32>} : memref<93184xf32, #tpu.memory_space<vmem>>, vector<16xf32>,
          %swap3A_1531 = arith.index_cast %add3A_1389 : i32 to index
          %swap3A_1532 = arith.constant 48 : index
          %swap3A_1533 = tpu.vector_load %arg9[%swap3A_1531, %swap3A_1532] {strides = array<i32>} : memref<32x256xf32, #tpu.memory_space<vmem>>, vector<16xf32>,
          tpu.vector_store %arg9[%swap3A_1531, %swap3A_1532], %get3A_1414 {strides = array<i32>} : memref<32x256xf32, #tpu.memory_space<vmem>>, vector<16xf32>,
          %add3A_1534 = arith.constant 64 : i32
          %add3A_1535 = arith.addi %squeeze3A_152, %add3A_1534 : i32
          %get3A_1536 = arith.index_cast %add3A_1535 : i32 to index
          %get3A_1537 = tpu.vector_load %arg6[%get3A_1536] {strides = array<i32>} : memref<93184xf32, #tpu.memory_space<vmem>>, vector<16xf32>,
          %swap3A_1538 = arith.index_cast %add3A_1389 : i32 to index
          %swap3A_1539 = arith.constant 64 : index
          %swap3A_1540 = tpu.vector_load %arg9[%swap3A_1538, %swap3A_1539] {strides = array<i32>} : memref<32x256xf32, #tpu.memory_space<vmem>>, vector<16xf32>,
          tpu.vector_store %arg9[%swap3A_1538, %swap3A_1539], %get3A_1421 {strides = array<i32>} : memref<32x256xf32, #tpu.memory_space<vmem>>, vector<16xf32>,
          %add3A_1541 = arith.constant 80 : i32
          %add3A_1542 = arith.addi %squeeze3A_152, %add3A_1541 : i32
          %get3A_1543 = arith.index_cast %add3A_1542 : i32 to index
          %get3A_1544 = tpu.vector_load %arg6[%get3A_1543] {strides = array<i32>} : memref<93184xf32, #tpu.memory_space<vmem>>, vector<16xf32>,
          %swap3A_1545 = arith.index_cast %add3A_1389 : i32 to index
          %swap3A_1546 = arith.constant 80 : index
          %swap3A_1547 = tpu.vector_load %arg9[%swap3A_1545, %swap3A_1546] {strides = array<i32>} : memref<32x256xf32, #tpu.memory_space<vmem>>, vector<16xf32>,
          tpu.vector_store %arg9[%swap3A_1545, %swap3A_1546], %get3A_1428 {strides = array<i32>} : memref<32x256xf32, #tpu.memory_space<vmem>>, vector<16xf32>,
          %add3A_1548 = arith.constant 96 : i32
          %add3A_1549 = arith.addi %squeeze3A_152, %add3A_1548 : i32
          %get3A_1550 = arith.index_cast %add3A_1549 : i32 to index
          %get3A_1551 = tpu.vector_load %arg6[%get3A_1550] {strides = array<i32>} : memref<93184xf32, #tpu.memory_space<vmem>>, vector<16xf32>,
          %swap3A_1552 = arith.index_cast %add3A_1389 : i32 to index
          %swap3A_1553 = arith.constant 96 : index
          %swap3A_1554 = tpu.vector_load %arg9[%swap3A_1552, %swap3A_1553] {strides = array<i32>} : memref<32x256xf32, #tpu.memory_space<vmem>>, vector<16xf32>,
          tpu.vector_store %arg9[%swap3A_1552, %swap3A_1553], %get3A_1435 {strides = array<i32>} : memref<32x256xf32, #tpu.memory_space<vmem>>, vector<16xf32>,
          %add3A_1555 = arith.constant 112 : i32
          %add3A_1556 = arith.addi %squeeze3A_152, %add3A_1555 : i32
          %get3A_1557 = arith.index_cast %add3A_1556 : i32 to index
          %get3A_1558 = tpu.vector_load %arg6[%get3A_1557] {strides = array<i32>} : memref<93184xf32, #tpu.memory_space<vmem>>, vector<16xf32>,
          %swap3A_1559 = arith.index_cast %add3A_1389 : i32 to index
          %swap3A_1560 = arith.constant 112 : index
          %swap3A_1561 = tpu.vector_load %arg9[%swap3A_1559, %swap3A_1560] {strides = array<i32>} : memref<32x256xf32, #tpu.memory_space<vmem>>, vector<16xf32>,
          tpu.vector_store %arg9[%swap3A_1559, %swap3A_1560], %get3A_1442 {strides = array<i32>} : memref<32x256xf32, #tpu.memory_space<vmem>>, vector<16xf32>,
          %add3A_1562 = arith.constant 128 : i32
          %add3A_1563 = arith.addi %squeeze3A_152, %add3A_1562 : i32
          %get3A_1564 = arith.index_cast %add3A_1563 : i32 to index
          %get3A_1565 = tpu.vector_load %arg6[%get3A_1564] {strides = array<i32>} : memref<93184xf32, #tpu.memory_space<vmem>>, vector<16xf32>,
          %swap3A_1566 = arith.index_cast %add3A_1389 : i32 to index
          %swap3A_1567 = arith.constant 128 : index
          %swap3A_1568 = tpu.vector_load %arg9[%swap3A_1566, %swap3A_1567] {strides = array<i32>} : memref<32x256xf32, #tpu.memory_space<vmem>>, vector<16xf32>,
          tpu.vector_store %arg9[%swap3A_1566, %swap3A_1567], %get3A_1449 {strides = array<i32>} : memref<32x256xf32, #tpu.memory_space<vmem>>, vector<16xf32>,
          %add3A_1569 = arith.constant 144 : i32
          %add3A_1570 = arith.addi %squeeze3A_152, %add3A_1569 : i32
          %get3A_1571 = arith.index_cast %add3A_1570 : i32 to index
          %get3A_1572 = tpu.vector_load %arg6[%get3A_1571] {strides = array<i32>} : memref<93184xf32, #tpu.memory_space<vmem>>, vector<16xf32>,
          %swap3A_1573 = arith.index_cast %add3A_1389 : i32 to index
          %swap3A_1574 = arith.constant 144 : index
          %swap3A_1575 = tpu.vector_load %arg9[%swap3A_1573, %swap3A_1574] {strides = array<i32>} : memref<32x256xf32, #tpu.memory_space<vmem>>, vector<16xf32>,
          tpu.vector_store %arg9[%swap3A_1573, %swap3A_1574], %get3A_1456 {strides = array<i32>} : memref<32x256xf32, #tpu.memory_space<vmem>>, vector<16xf32>,
          %add3A_1576 = arith.constant 160 : i32
          %add3A_1577 = arith.addi %squeeze3A_152, %add3A_1576 : i32
          %get3A_1578 = arith.index_cast %add3A_1577 : i32 to index
          %get3A_1579 = tpu.vector_load %arg6[%get3A_1578] {strides = array<i32>} : memref<93184xf32, #tpu.memory_space<vmem>>, vector<16xf32>,
          %swap3A_1580 = arith.index_cast %add3A_1389 : i32 to index
          %swap3A_1581 = arith.constant 160 : index
          %swap3A_1582 = tpu.vector_load %arg9[%swap3A_1580, %swap3A_1581] {strides = array<i32>} : memref<32x256xf32, #tpu.memory_space<vmem>>, vector<16xf32>,
          tpu.vector_store %arg9[%swap3A_1580, %swap3A_1581], %get3A_1463 {strides = array<i32>} : memref<32x256xf32, #tpu.memory_space<vmem>>, vector<16xf32>,
          %add3A_1583 = arith.constant 176 : i32
          %add3A_1584 = arith.addi %squeeze3A_152, %add3A_1583 : i32
          %get3A_1585 = arith.index_cast %add3A_1584 : i32 to index
          %get3A_1586 = tpu.vector_load %arg6[%get3A_1585] {strides = array<i32>} : memref<93184xf32, #tpu.memory_space<vmem>>, vector<16xf32>,
          %swap3A_1587 = arith.index_cast %add3A_1389 : i32 to index
          %swap3A_1588 = arith.constant 176 : index
          %swap3A_1589 = tpu.vector_load %arg9[%swap3A_1587, %swap3A_1588] {strides = array<i32>} : memref<32x256xf32, #tpu.memory_space<vmem>>, vector<16xf32>,
          tpu.vector_store %arg9[%swap3A_1587, %swap3A_1588], %get3A_1470 {strides = array<i32>} : memref<32x256xf32, #tpu.memory_space<vmem>>, vector<16xf32>,
          %add3A_1590 = arith.constant 192 : i32
          %add3A_1591 = arith.addi %squeeze3A_152, %add3A_1590 : i32
          %get3A_1592 = arith.index_cast %add3A_1591 : i32 to index
          %get3A_1593 = tpu.vector_load %arg6[%get3A_1592] {strides = array<i32>} : memref<93184xf32, #tpu.memory_space<vmem>>, vector<16xf32>,
          %swap3A_1594 = arith.index_cast %add3A_1389 : i32 to index
          %swap3A_1595 = arith.constant 192 : index
          %swap3A_1596 = tpu.vector_load %arg9[%swap3A_1594, %swap3A_1595] {strides = array<i32>} : memref<32x256xf32, #tpu.memory_space<vmem>>, vector<16xf32>,
          tpu.vector_store %arg9[%swap3A_1594, %swap3A_1595], %get3A_1477 {strides = array<i32>} : memref<32x256xf32, #tpu.memory_space<vmem>>, vector<16xf32>,
          %add3A_1597 = arith.constant 208 : i32
          %add3A_1598 = arith.addi %squeeze3A_152, %add3A_1597 : i32
          %get3A_1599 = arith.index_cast %add3A_1598 : i32 to index
          %get3A_1600 = tpu.vector_load %arg6[%get3A_1599] {strides = array<i32>} : memref<93184xf32, #tpu.memory_space<vmem>>, vector<16xf32>,
          %swap3A_1601 = arith.index_cast %add3A_1389 : i32 to index
          %swap3A_1602 = arith.constant 208 : index
          %swap3A_1603 = tpu.vector_load %arg9[%swap3A_1601, %swap3A_1602] {strides = array<i32>} : memref<32x256xf32, #tpu.memory_space<vmem>>, vector<16xf32>,
          tpu.vector_store %arg9[%swap3A_1601, %swap3A_1602], %get3A_1484 {strides = array<i32>} : memref<32x256xf32, #tpu.memory_space<vmem>>, vector<16xf32>,
          %add3A_1604 = arith.constant 224 : i32
          %add3A_1605 = arith.addi %squeeze3A_152, %add3A_1604 : i32
          %get3A_1606 = arith.index_cast %add3A_1605 : i32 to index
          %get3A_1607 = tpu.vector_load %arg6[%get3A_1606] {strides = array<i32>} : memref<93184xf32, #tpu.memory_space<vmem>>, vector<16xf32>,
          %swap3A_1608 = arith.index_cast %add3A_1389 : i32 to index
          %swap3A_1609 = arith.constant 224 : index
          %swap3A_1610 = tpu.vector_load %arg9[%swap3A_1608, %swap3A_1609] {strides = array<i32>} : memref<32x256xf32, #tpu.memory_space<vmem>>, vector<16xf32>,
          tpu.vector_store %arg9[%swap3A_1608, %swap3A_1609], %get3A_1491 {strides = array<i32>} : memref<32x256xf32, #tpu.memory_space<vmem>>, vector<16xf32>,
          %add3A_1611 = arith.constant 240 : i32
          %add3A_1612 = arith.addi %squeeze3A_152, %add3A_1611 : i32
          %get3A_1613 = arith.index_cast %add3A_1612 : i32 to index
          %get3A_1614 = tpu.vector_load %arg6[%get3A_1613] {strides = array<i32>} : memref<93184xf32, #tpu.memory_space<vmem>>, vector<16xf32>,
          %swap3A_1615 = arith.index_cast %add3A_1389 : i32 to index
          %swap3A_1616 = arith.constant 240 : index
          %swap3A_1617 = tpu.vector_load %arg9[%swap3A_1615, %swap3A_1616] {strides = array<i32>} : memref<32x256xf32, #tpu.memory_space<vmem>>, vector<16xf32>,
          tpu.vector_store %arg9[%swap3A_1615, %swap3A_1616], %get3A_1498 {strides = array<i32>} : memref<32x256xf32, #tpu.memory_space<vmem>>, vector<16xf32>,
          %mul3A_1618 = arith.constant 16 : i32
          %mul3A_1619 = arith.muli %add3A_119, %mul3A_1618 : i32
          %add3A_1620 = arith.constant 13 : i32
          %add3A_1621 = arith.addi %mul3A_1619, %add3A_1620 : i32
          %add3A_1622 = arith.constant 0 : i32
          %add3A_1623 = arith.addi %squeeze3A_154, %add3A_1622 : i32
          %get3A_1624 = arith.index_cast %add3A_1623 : i32 to index
          %get3A_1625 = tpu.vector_load %arg6[%get3A_1624] {strides = array<i32>} : memref<93184xf32, #tpu.memory_space<vmem>>, vector<16xf32>,
          %swap3A_1626 = arith.index_cast %add3A_1505 : i32 to index
          %swap3A_1627 = arith.constant 0 : index
          %swap3A_1628 = tpu.vector_load %arg9[%swap3A_1626, %swap3A_1627] {strides = array<i32>} : memref<32x256xf32, #tpu.memory_space<vmem>>, vector<16xf32>,
          tpu.vector_store %arg9[%swap3A_1626, %swap3A_1627], %get3A_1509 {strides = array<i32>} : memref<32x256xf32, #tpu.memory_space<vmem>>, vector<16xf32>,
          %add3A_1629 = arith.constant 16 : i32
          %add3A_1630 = arith.addi %squeeze3A_154, %add3A_1629 : i32
          %get3A_1631 = arith.index_cast %add3A_1630 : i32 to index
          %get3A_1632 = tpu.vector_load %arg6[%get3A_1631] {strides = array<i32>} : memref<93184xf32, #tpu.memory_space<vmem>>, vector<16xf32>,
          %swap3A_1633 = arith.index_cast %add3A_1505 : i32 to index
          %swap3A_1634 = arith.constant 16 : index
          %swap3A_1635 = tpu.vector_load %arg9[%swap3A_1633, %swap3A_1634] {strides = array<i32>} : memref<32x256xf32, #tpu.memory_space<vmem>>, vector<16xf32>,
          tpu.vector_store %arg9[%swap3A_1633, %swap3A_1634], %get3A_1516 {strides = array<i32>} : memref<32x256xf32, #tpu.memory_space<vmem>>, vector<16xf32>,
          %add3A_1636 = arith.constant 32 : i32
          %add3A_1637 = arith.addi %squeeze3A_154, %add3A_1636 : i32
          %get3A_1638 = arith.index_cast %add3A_1637 : i32 to index
          %get3A_1639 = tpu.vector_load %arg6[%get3A_1638] {strides = array<i32>} : memref<93184xf32, #tpu.memory_space<vmem>>, vector<16xf32>,
          %swap3A_1640 = arith.index_cast %add3A_1505 : i32 to index
          %swap3A_1641 = arith.constant 32 : index
          %swap3A_1642 = tpu.vector_load %arg9[%swap3A_1640, %swap3A_1641] {strides = array<i32>} : memref<32x256xf32, #tpu.memory_space<vmem>>, vector<16xf32>,
          tpu.vector_store %arg9[%swap3A_1640, %swap3A_1641], %get3A_1523 {strides = array<i32>} : memref<32x256xf32, #tpu.memory_space<vmem>>, vector<16xf32>,
          %add3A_1643 = arith.constant 48 : i32
          %add3A_1644 = arith.addi %squeeze3A_154, %add3A_1643 : i32
          %get3A_1645 = arith.index_cast %add3A_1644 : i32 to index
          %get3A_1646 = tpu.vector_load %arg6[%get3A_1645] {strides = array<i32>} : memref<93184xf32, #tpu.memory_space<vmem>>, vector<16xf32>,
          %swap3A_1647 = arith.index_cast %add3A_1505 : i32 to index
          %swap3A_1648 = arith.constant 48 : index
          %swap3A_1649 = tpu.vector_load %arg9[%swap3A_1647, %swap3A_1648] {strides = array<i32>} : memref<32x256xf32, #tpu.memory_space<vmem>>, vector<16xf32>,
          tpu.vector_store %arg9[%swap3A_1647, %swap3A_1648], %get3A_1530 {strides = array<i32>} : memref<32x256xf32, #tpu.memory_space<vmem>>, vector<16xf32>,
          %add3A_1650 = arith.constant 64 : i32
          %add3A_1651 = arith.addi %squeeze3A_154, %add3A_1650 : i32
          %get3A_1652 = arith.index_cast %add3A_1651 : i32 to index
          %get3A_1653 = tpu.vector_load %arg6[%get3A_1652] {strides = array<i32>} : memref<93184xf32, #tpu.memory_space<vmem>>, vector<16xf32>,
          %swap3A_1654 = arith.index_cast %add3A_1505 : i32 to index
          %swap3A_1655 = arith.constant 64 : index
          %swap3A_1656 = tpu.vector_load %arg9[%swap3A_1654, %swap3A_1655] {strides = array<i32>} : memref<32x256xf32, #tpu.memory_space<vmem>>, vector<16xf32>,
          tpu.vector_store %arg9[%swap3A_1654, %swap3A_1655], %get3A_1537 {strides = array<i32>} : memref<32x256xf32, #tpu.memory_space<vmem>>, vector<16xf32>,
          %add3A_1657 = arith.constant 80 : i32
          %add3A_1658 = arith.addi %squeeze3A_154, %add3A_1657 : i32
          %get3A_1659 = arith.index_cast %add3A_1658 : i32 to index
          %get3A_1660 = tpu.vector_load %arg6[%get3A_1659] {strides = array<i32>} : memref<93184xf32, #tpu.memory_space<vmem>>, vector<16xf32>,
          %swap3A_1661 = arith.index_cast %add3A_1505 : i32 to index
          %swap3A_1662 = arith.constant 80 : index
          %swap3A_1663 = tpu.vector_load %arg9[%swap3A_1661, %swap3A_1662] {strides = array<i32>} : memref<32x256xf32, #tpu.memory_space<vmem>>, vector<16xf32>,
          tpu.vector_store %arg9[%swap3A_1661, %swap3A_1662], %get3A_1544 {strides = array<i32>} : memref<32x256xf32, #tpu.memory_space<vmem>>, vector<16xf32>,
          %add3A_1664 = arith.constant 96 : i32
          %add3A_1665 = arith.addi %squeeze3A_154, %add3A_1664 : i32
          %get3A_1666 = arith.index_cast %add3A_1665 : i32 to index
          %get3A_1667 = tpu.vector_load %arg6[%get3A_1666] {strides = array<i32>} : memref<93184xf32, #tpu.memory_space<vmem>>, vector<16xf32>,
          %swap3A_1668 = arith.index_cast %add3A_1505 : i32 to index
          %swap3A_1669 = arith.constant 96 : index
          %swap3A_1670 = tpu.vector_load %arg9[%swap3A_1668, %swap3A_1669] {strides = array<i32>} : memref<32x256xf32, #tpu.memory_space<vmem>>, vector<16xf32>,
          tpu.vector_store %arg9[%swap3A_1668, %swap3A_1669], %get3A_1551 {strides = array<i32>} : memref<32x256xf32, #tpu.memory_space<vmem>>, vector<16xf32>,
          %add3A_1671 = arith.constant 112 : i32
          %add3A_1672 = arith.addi %squeeze3A_154, %add3A_1671 : i32
          %get3A_1673 = arith.index_cast %add3A_1672 : i32 to index
          %get3A_1674 = tpu.vector_load %arg6[%get3A_1673] {strides = array<i32>} : memref<93184xf32, #tpu.memory_space<vmem>>, vector<16xf32>,
          %swap3A_1675 = arith.index_cast %add3A_1505 : i32 to index
          %swap3A_1676 = arith.constant 112 : index
          %swap3A_1677 = tpu.vector_load %arg9[%swap3A_1675, %swap3A_1676] {strides = array<i32>} : memref<32x256xf32, #tpu.memory_space<vmem>>, vector<16xf32>,
          tpu.vector_store %arg9[%swap3A_1675, %swap3A_1676], %get3A_1558 {strides = array<i32>} : memref<32x256xf32, #tpu.memory_space<vmem>>, vector<16xf32>,
          %add3A_1678 = arith.constant 128 : i32
          %add3A_1679 = arith.addi %squeeze3A_154, %add3A_1678 : i32
          %get3A_1680 = arith.index_cast %add3A_1679 : i32 to index
          %get3A_1681 = tpu.vector_load %arg6[%get3A_1680] {strides = array<i32>} : memref<93184xf32, #tpu.memory_space<vmem>>, vector<16xf32>,
          %swap3A_1682 = arith.index_cast %add3A_1505 : i32 to index
          %swap3A_1683 = arith.constant 128 : index
          %swap3A_1684 = tpu.vector_load %arg9[%swap3A_1682, %swap3A_1683] {strides = array<i32>} : memref<32x256xf32, #tpu.memory_space<vmem>>, vector<16xf32>,
          tpu.vector_store %arg9[%swap3A_1682, %swap3A_1683], %get3A_1565 {strides = array<i32>} : memref<32x256xf32, #tpu.memory_space<vmem>>, vector<16xf32>,
          %add3A_1685 = arith.constant 144 : i32
          %add3A_1686 = arith.addi %squeeze3A_154, %add3A_1685 : i32
          %get3A_1687 = arith.index_cast %add3A_1686 : i32 to index
          %get3A_1688 = tpu.vector_load %arg6[%get3A_1687] {strides = array<i32>} : memref<93184xf32, #tpu.memory_space<vmem>>, vector<16xf32>,
          %swap3A_1689 = arith.index_cast %add3A_1505 : i32 to index
          %swap3A_1690 = arith.constant 144 : index
          %swap3A_1691 = tpu.vector_load %arg9[%swap3A_1689, %swap3A_1690] {strides = array<i32>} : memref<32x256xf32, #tpu.memory_space<vmem>>, vector<16xf32>,
          tpu.vector_store %arg9[%swap3A_1689, %swap3A_1690], %get3A_1572 {strides = array<i32>} : memref<32x256xf32, #tpu.memory_space<vmem>>, vector<16xf32>,
          %add3A_1692 = arith.constant 160 : i32
          %add3A_1693 = arith.addi %squeeze3A_154, %add3A_1692 : i32
          %get3A_1694 = arith.index_cast %add3A_1693 : i32 to index
          %get3A_1695 = tpu.vector_load %arg6[%get3A_1694] {strides = array<i32>} : memref<93184xf32, #tpu.memory_space<vmem>>, vector<16xf32>,
          %swap3A_1696 = arith.index_cast %add3A_1505 : i32 to index
          %swap3A_1697 = arith.constant 160 : index
          %swap3A_1698 = tpu.vector_load %arg9[%swap3A_1696, %swap3A_1697] {strides = array<i32>} : memref<32x256xf32, #tpu.memory_space<vmem>>, vector<16xf32>,
          tpu.vector_store %arg9[%swap3A_1696, %swap3A_1697], %get3A_1579 {strides = array<i32>} : memref<32x256xf32, #tpu.memory_space<vmem>>, vector<16xf32>,
          %add3A_1699 = arith.constant 176 : i32
          %add3A_1700 = arith.addi %squeeze3A_154, %add3A_1699 : i32
          %get3A_1701 = arith.index_cast %add3A_1700 : i32 to index
          %get3A_1702 = tpu.vector_load %arg6[%get3A_1701] {strides = array<i32>} : memref<93184xf32, #tpu.memory_space<vmem>>, vector<16xf32>,
          %swap3A_1703 = arith.index_cast %add3A_1505 : i32 to index
          %swap3A_1704 = arith.constant 176 : index
          %swap3A_1705 = tpu.vector_load %arg9[%swap3A_1703, %swap3A_1704] {strides = array<i32>} : memref<32x256xf32, #tpu.memory_space<vmem>>, vector<16xf32>,
          tpu.vector_store %arg9[%swap3A_1703, %swap3A_1704], %get3A_1586 {strides = array<i32>} : memref<32x256xf32, #tpu.memory_space<vmem>>, vector<16xf32>,
          %add3A_1706 = arith.constant 192 : i32
          %add3A_1707 = arith.addi %squeeze3A_154, %add3A_1706 : i32
          %get3A_1708 = arith.index_cast %add3A_1707 : i32 to index
          %get3A_1709 = tpu.vector_load %arg6[%get3A_1708] {strides = array<i32>} : memref<93184xf32, #tpu.memory_space<vmem>>, vector<16xf32>,
          %swap3A_1710 = arith.index_cast %add3A_1505 : i32 to index
          %swap3A_1711 = arith.constant 192 : index
          %swap3A_1712 = tpu.vector_load %arg9[%swap3A_1710, %swap3A_1711] {strides = array<i32>} : memref<32x256xf32, #tpu.memory_space<vmem>>, vector<16xf32>,
          tpu.vector_store %arg9[%swap3A_1710, %swap3A_1711], %get3A_1593 {strides = array<i32>} : memref<32x256xf32, #tpu.memory_space<vmem>>, vector<16xf32>,
          %add3A_1713 = arith.constant 208 : i32
          %add3A_1714 = arith.addi %squeeze3A_154, %add3A_1713 : i32
          %get3A_1715 = arith.index_cast %add3A_1714 : i32 to index
          %get3A_1716 = tpu.vector_load %arg6[%get3A_1715] {strides = array<i32>} : memref<93184xf32, #tpu.memory_space<vmem>>, vector<16xf32>,
          %swap3A_1717 = arith.index_cast %add3A_1505 : i32 to index
          %swap3A_1718 = arith.constant 208 : index
          %swap3A_1719 = tpu.vector_load %arg9[%swap3A_1717, %swap3A_1718] {strides = array<i32>} : memref<32x256xf32, #tpu.memory_space<vmem>>, vector<16xf32>,
          tpu.vector_store %arg9[%swap3A_1717, %swap3A_1718], %get3A_1600 {strides = array<i32>} : memref<32x256xf32, #tpu.memory_space<vmem>>, vector<16xf32>,
          %add3A_1720 = arith.constant 224 : i32
          %add3A_1721 = arith.addi %squeeze3A_154, %add3A_1720 : i32
          %get3A_1722 = arith.index_cast %add3A_1721 : i32 to index
          %get3A_1723 = tpu.vector_load %arg6[%get3A_1722] {strides = array<i32>} : memref<93184xf32, #tpu.memory_space<vmem>>, vector<16xf32>,
          %swap3A_1724 = arith.index_cast %add3A_1505 : i32 to index
          %swap3A_1725 = arith.constant 224 : index
          %swap3A_1726 = tpu.vector_load %arg9[%swap3A_1724, %swap3A_1725] {strides = array<i32>} : memref<32x256xf32, #tpu.memory_space<vmem>>, vector<16xf32>,
          tpu.vector_store %arg9[%swap3A_1724, %swap3A_1725], %get3A_1607 {strides = array<i32>} : memref<32x256xf32, #tpu.memory_space<vmem>>, vector<16xf32>,
          %add3A_1727 = arith.constant 240 : i32
          %add3A_1728 = arith.addi %squeeze3A_154, %add3A_1727 : i32
          %get3A_1729 = arith.index_cast %add3A_1728 : i32 to index
          %get3A_1730 = tpu.vector_load %arg6[%get3A_1729] {strides = array<i32>} : memref<93184xf32, #tpu.memory_space<vmem>>, vector<16xf32>,
          %swap3A_1731 = arith.index_cast %add3A_1505 : i32 to index
          %swap3A_1732 = arith.constant 240 : index
          %swap3A_1733 = tpu.vector_load %arg9[%swap3A_1731, %swap3A_1732] {strides = array<i32>} : memref<32x256xf32, #tpu.memory_space<vmem>>, vector<16xf32>,
          tpu.vector_store %arg9[%swap3A_1731, %swap3A_1732], %get3A_1614 {strides = array<i32>} : memref<32x256xf32, #tpu.memory_space<vmem>>, vector<16xf32>,
          %mul3A_1734 = arith.constant 16 : i32
          %mul3A_1735 = arith.muli %add3A_119, %mul3A_1734 : i32
          %add3A_1736 = arith.constant 14 : i32
          %add3A_1737 = arith.addi %mul3A_1735, %add3A_1736 : i32
          %add3A_1738 = arith.constant 0 : i32
          %add3A_1739 = arith.addi %squeeze3A_156, %add3A_1738 : i32
          %get3A_1740 = arith.index_cast %add3A_1739 : i32 to index
          %get3A_1741 = tpu.vector_load %arg6[%get3A_1740] {strides = array<i32>} : memref<93184xf32, #tpu.memory_space<vmem>>, vector<16xf32>,
          %swap3A_1742 = arith.index_cast %add3A_1621 : i32 to index
          %swap3A_1743 = arith.constant 0 : index
          %swap3A_1744 = tpu.vector_load %arg9[%swap3A_1742, %swap3A_1743] {strides = array<i32>} : memref<32x256xf32, #tpu.memory_space<vmem>>, vector<16xf32>,
          tpu.vector_store %arg9[%swap3A_1742, %swap3A_1743], %get3A_1625 {strides = array<i32>} : memref<32x256xf32, #tpu.memory_space<vmem>>, vector<16xf32>,
          %add3A_1745 = arith.constant 16 : i32
          %add3A_1746 = arith.addi %squeeze3A_156, %add3A_1745 : i32
          %get3A_1747 = arith.index_cast %add3A_1746 : i32 to index
          %get3A_1748 = tpu.vector_load %arg6[%get3A_1747] {strides = array<i32>} : memref<93184xf32, #tpu.memory_space<vmem>>, vector<16xf32>,
          %swap3A_1749 = arith.index_cast %add3A_1621 : i32 to index
          %swap3A_1750 = arith.constant 16 : index
          %swap3A_1751 = tpu.vector_load %arg9[%swap3A_1749, %swap3A_1750] {strides = array<i32>} : memref<32x256xf32, #tpu.memory_space<vmem>>, vector<16xf32>,
          tpu.vector_store %arg9[%swap3A_1749, %swap3A_1750], %get3A_1632 {strides = array<i32>} : memref<32x256xf32, #tpu.memory_space<vmem>>, vector<16xf32>,
          %add3A_1752 = arith.constant 32 : i32
          %add3A_1753 = arith.addi %squeeze3A_156, %add3A_1752 : i32
          %get3A_1754 = arith.index_cast %add3A_1753 : i32 to index
          %get3A_1755 = tpu.vector_load %arg6[%get3A_1754] {strides = array<i32>} : memref<93184xf32, #tpu.memory_space<vmem>>, vector<16xf32>,
          %swap3A_1756 = arith.index_cast %add3A_1621 : i32 to index
          %swap3A_1757 = arith.constant 32 : index
          %swap3A_1758 = tpu.vector_load %arg9[%swap3A_1756, %swap3A_1757] {strides = array<i32>} : memref<32x256xf32, #tpu.memory_space<vmem>>, vector<16xf32>,
          tpu.vector_store %arg9[%swap3A_1756, %swap3A_1757], %get3A_1639 {strides = array<i32>} : memref<32x256xf32, #tpu.memory_space<vmem>>, vector<16xf32>,
          %add3A_1759 = arith.constant 48 : i32
          %add3A_1760 = arith.addi %squeeze3A_156, %add3A_1759 : i32
          %get3A_1761 = arith.index_cast %add3A_1760 : i32 to index
          %get3A_1762 = tpu.vector_load %arg6[%get3A_1761] {strides = array<i32>} : memref<93184xf32, #tpu.memory_space<vmem>>, vector<16xf32>,
          %swap3A_1763 = arith.index_cast %add3A_1621 : i32 to index
          %swap3A_1764 = arith.constant 48 : index
          %swap3A_1765 = tpu.vector_load %arg9[%swap3A_1763, %swap3A_1764] {strides = array<i32>} : memref<32x256xf32, #tpu.memory_space<vmem>>, vector<16xf32>,
          tpu.vector_store %arg9[%swap3A_1763, %swap3A_1764], %get3A_1646 {strides = array<i32>} : memref<32x256xf32, #tpu.memory_space<vmem>>, vector<16xf32>,
          %add3A_1766 = arith.constant 64 : i32
          %add3A_1767 = arith.addi %squeeze3A_156, %add3A_1766 : i32
          %get3A_1768 = arith.index_cast %add3A_1767 : i32 to index
          %get3A_1769 = tpu.vector_load %arg6[%get3A_1768] {strides = array<i32>} : memref<93184xf32, #tpu.memory_space<vmem>>, vector<16xf32>,
          %swap3A_1770 = arith.index_cast %add3A_1621 : i32 to index
          %swap3A_1771 = arith.constant 64 : index
          %swap3A_1772 = tpu.vector_load %arg9[%swap3A_1770, %swap3A_1771] {strides = array<i32>} : memref<32x256xf32, #tpu.memory_space<vmem>>, vector<16xf32>,
          tpu.vector_store %arg9[%swap3A_1770, %swap3A_1771], %get3A_1653 {strides = array<i32>} : memref<32x256xf32, #tpu.memory_space<vmem>>, vector<16xf32>,
          %add3A_1773 = arith.constant 80 : i32
          %add3A_1774 = arith.addi %squeeze3A_156, %add3A_1773 : i32
          %get3A_1775 = arith.index_cast %add3A_1774 : i32 to index
          %get3A_1776 = tpu.vector_load %arg6[%get3A_1775] {strides = array<i32>} : memref<93184xf32, #tpu.memory_space<vmem>>, vector<16xf32>,
          %swap3A_1777 = arith.index_cast %add3A_1621 : i32 to index
          %swap3A_1778 = arith.constant 80 : index
          %swap3A_1779 = tpu.vector_load %arg9[%swap3A_1777, %swap3A_1778] {strides = array<i32>} : memref<32x256xf32, #tpu.memory_space<vmem>>, vector<16xf32>,
          tpu.vector_store %arg9[%swap3A_1777, %swap3A_1778], %get3A_1660 {strides = array<i32>} : memref<32x256xf32, #tpu.memory_space<vmem>>, vector<16xf32>,
          %add3A_1780 = arith.constant 96 : i32
          %add3A_1781 = arith.addi %squeeze3A_156, %add3A_1780 : i32
          %get3A_1782 = arith.index_cast %add3A_1781 : i32 to index
          %get3A_1783 = tpu.vector_load %arg6[%get3A_1782] {strides = array<i32>} : memref<93184xf32, #tpu.memory_space<vmem>>, vector<16xf32>,
          %swap3A_1784 = arith.index_cast %add3A_1621 : i32 to index
          %swap3A_1785 = arith.constant 96 : index
          %swap3A_1786 = tpu.vector_load %arg9[%swap3A_1784, %swap3A_1785] {strides = array<i32>} : memref<32x256xf32, #tpu.memory_space<vmem>>, vector<16xf32>,
          tpu.vector_store %arg9[%swap3A_1784, %swap3A_1785], %get3A_1667 {strides = array<i32>} : memref<32x256xf32, #tpu.memory_space<vmem>>, vector<16xf32>,
          %add3A_1787 = arith.constant 112 : i32
          %add3A_1788 = arith.addi %squeeze3A_156, %add3A_1787 : i32
          %get3A_1789 = arith.index_cast %add3A_1788 : i32 to index
          %get3A_1790 = tpu.vector_load %arg6[%get3A_1789] {strides = array<i32>} : memref<93184xf32, #tpu.memory_space<vmem>>, vector<16xf32>,
          %swap3A_1791 = arith.index_cast %add3A_1621 : i32 to index
          %swap3A_1792 = arith.constant 112 : index
          %swap3A_1793 = tpu.vector_load %arg9[%swap3A_1791, %swap3A_1792] {strides = array<i32>} : memref<32x256xf32, #tpu.memory_space<vmem>>, vector<16xf32>,
          tpu.vector_store %arg9[%swap3A_1791, %swap3A_1792], %get3A_1674 {strides = array<i32>} : memref<32x256xf32, #tpu.memory_space<vmem>>, vector<16xf32>,
          %add3A_1794 = arith.constant 128 : i32
          %add3A_1795 = arith.addi %squeeze3A_156, %add3A_1794 : i32
          %get3A_1796 = arith.index_cast %add3A_1795 : i32 to index
          %get3A_1797 = tpu.vector_load %arg6[%get3A_1796] {strides = array<i32>} : memref<93184xf32, #tpu.memory_space<vmem>>, vector<16xf32>,
          %swap3A_1798 = arith.index_cast %add3A_1621 : i32 to index
          %swap3A_1799 = arith.constant 128 : index
          %swap3A_1800 = tpu.vector_load %arg9[%swap3A_1798, %swap3A_1799] {strides = array<i32>} : memref<32x256xf32, #tpu.memory_space<vmem>>, vector<16xf32>,
          tpu.vector_store %arg9[%swap3A_1798, %swap3A_1799], %get3A_1681 {strides = array<i32>} : memref<32x256xf32, #tpu.memory_space<vmem>>, vector<16xf32>,
          %add3A_1801 = arith.constant 144 : i32
          %add3A_1802 = arith.addi %squeeze3A_156, %add3A_1801 : i32
          %get3A_1803 = arith.index_cast %add3A_1802 : i32 to index
          %get3A_1804 = tpu.vector_load %arg6[%get3A_1803] {strides = array<i32>} : memref<93184xf32, #tpu.memory_space<vmem>>, vector<16xf32>,
          %swap3A_1805 = arith.index_cast %add3A_1621 : i32 to index
          %swap3A_1806 = arith.constant 144 : index
          %swap3A_1807 = tpu.vector_load %arg9[%swap3A_1805, %swap3A_1806] {strides = array<i32>} : memref<32x256xf32, #tpu.memory_space<vmem>>, vector<16xf32>,
          tpu.vector_store %arg9[%swap3A_1805, %swap3A_1806], %get3A_1688 {strides = array<i32>} : memref<32x256xf32, #tpu.memory_space<vmem>>, vector<16xf32>,
          %add3A_1808 = arith.constant 160 : i32
          %add3A_1809 = arith.addi %squeeze3A_156, %add3A_1808 : i32
          %get3A_1810 = arith.index_cast %add3A_1809 : i32 to index
          %get3A_1811 = tpu.vector_load %arg6[%get3A_1810] {strides = array<i32>} : memref<93184xf32, #tpu.memory_space<vmem>>, vector<16xf32>,
          %swap3A_1812 = arith.index_cast %add3A_1621 : i32 to index
          %swap3A_1813 = arith.constant 160 : index
          %swap3A_1814 = tpu.vector_load %arg9[%swap3A_1812, %swap3A_1813] {strides = array<i32>} : memref<32x256xf32, #tpu.memory_space<vmem>>, vector<16xf32>,
          tpu.vector_store %arg9[%swap3A_1812, %swap3A_1813], %get3A_1695 {strides = array<i32>} : memref<32x256xf32, #tpu.memory_space<vmem>>, vector<16xf32>,
          %add3A_1815 = arith.constant 176 : i32
          %add3A_1816 = arith.addi %squeeze3A_156, %add3A_1815 : i32
          %get3A_1817 = arith.index_cast %add3A_1816 : i32 to index
          %get3A_1818 = tpu.vector_load %arg6[%get3A_1817] {strides = array<i32>} : memref<93184xf32, #tpu.memory_space<vmem>>, vector<16xf32>,
          %swap3A_1819 = arith.index_cast %add3A_1621 : i32 to index
          %swap3A_1820 = arith.constant 176 : index
          %swap3A_1821 = tpu.vector_load %arg9[%swap3A_1819, %swap3A_1820] {strides = array<i32>} : memref<32x256xf32, #tpu.memory_space<vmem>>, vector<16xf32>,
          tpu.vector_store %arg9[%swap3A_1819, %swap3A_1820], %get3A_1702 {strides = array<i32>} : memref<32x256xf32, #tpu.memory_space<vmem>>, vector<16xf32>,
          %add3A_1822 = arith.constant 192 : i32
          %add3A_1823 = arith.addi %squeeze3A_156, %add3A_1822 : i32
          %get3A_1824 = arith.index_cast %add3A_1823 : i32 to index
          %get3A_1825 = tpu.vector_load %arg6[%get3A_1824] {strides = array<i32>} : memref<93184xf32, #tpu.memory_space<vmem>>, vector<16xf32>,
          %swap3A_1826 = arith.index_cast %add3A_1621 : i32 to index
          %swap3A_1827 = arith.constant 192 : index
          %swap3A_1828 = tpu.vector_load %arg9[%swap3A_1826, %swap3A_1827] {strides = array<i32>} : memref<32x256xf32, #tpu.memory_space<vmem>>, vector<16xf32>,
          tpu.vector_store %arg9[%swap3A_1826, %swap3A_1827], %get3A_1709 {strides = array<i32>} : memref<32x256xf32, #tpu.memory_space<vmem>>, vector<16xf32>,
          %add3A_1829 = arith.constant 208 : i32
          %add3A_1830 = arith.addi %squeeze3A_156, %add3A_1829 : i32
          %get3A_1831 = arith.index_cast %add3A_1830 : i32 to index
          %get3A_1832 = tpu.vector_load %arg6[%get3A_1831] {strides = array<i32>} : memref<93184xf32, #tpu.memory_space<vmem>>, vector<16xf32>,
          %swap3A_1833 = arith.index_cast %add3A_1621 : i32 to index
          %swap3A_1834 = arith.constant 208 : index
          %swap3A_1835 = tpu.vector_load %arg9[%swap3A_1833, %swap3A_1834] {strides = array<i32>} : memref<32x256xf32, #tpu.memory_space<vmem>>, vector<16xf32>,
          tpu.vector_store %arg9[%swap3A_1833, %swap3A_1834], %get3A_1716 {strides = array<i32>} : memref<32x256xf32, #tpu.memory_space<vmem>>, vector<16xf32>,
          %add3A_1836 = arith.constant 224 : i32
          %add3A_1837 = arith.addi %squeeze3A_156, %add3A_1836 : i32
          %get3A_1838 = arith.index_cast %add3A_1837 : i32 to index
          %get3A_1839 = tpu.vector_load %arg6[%get3A_1838] {strides = array<i32>} : memref<93184xf32, #tpu.memory_space<vmem>>, vector<16xf32>,
          %swap3A_1840 = arith.index_cast %add3A_1621 : i32 to index
          %swap3A_1841 = arith.constant 224 : index
          %swap3A_1842 = tpu.vector_load %arg9[%swap3A_1840, %swap3A_1841] {strides = array<i32>} : memref<32x256xf32, #tpu.memory_space<vmem>>, vector<16xf32>,
          tpu.vector_store %arg9[%swap3A_1840, %swap3A_1841], %get3A_1723 {strides = array<i32>} : memref<32x256xf32, #tpu.memory_space<vmem>>, vector<16xf32>,
          %add3A_1843 = arith.constant 240 : i32
          %add3A_1844 = arith.addi %squeeze3A_156, %add3A_1843 : i32
          %get3A_1845 = arith.index_cast %add3A_1844 : i32 to index
          %get3A_1846 = tpu.vector_load %arg6[%get3A_1845] {strides = array<i32>} : memref<93184xf32, #tpu.memory_space<vmem>>, vector<16xf32>,
          %swap3A_1847 = arith.index_cast %add3A_1621 : i32 to index
          %swap3A_1848 = arith.constant 240 : index
          %swap3A_1849 = tpu.vector_load %arg9[%swap3A_1847, %swap3A_1848] {strides = array<i32>} : memref<32x256xf32, #tpu.memory_space<vmem>>, vector<16xf32>,
          tpu.vector_store %arg9[%swap3A_1847, %swap3A_1848], %get3A_1730 {strides = array<i32>} : memref<32x256xf32, #tpu.memory_space<vmem>>, vector<16xf32>,
          %mul3A_1850 = arith.constant 16 : i32
          %mul3A_1851 = arith.muli %add3A_119, %mul3A_1850 : i32
          %add3A_1852 = arith.constant 15 : i32
          %add3A_1853 = arith.addi %mul3A_1851, %add3A_1852 : i32
          %add3A_1854 = arith.constant 0 : i32
          %add3A_1855 = arith.addi %squeeze3A_158, %add3A_1854 : i32
          %get3A_1856 = arith.index_cast %add3A_1855 : i32 to index
          %get3A_1857 = tpu.vector_load %arg6[%get3A_1856] {strides = array<i32>} : memref<93184xf32, #tpu.memory_space<vmem>>, vector<16xf32>,
          %swap3A_1858 = arith.index_cast %add3A_1737 : i32 to index
          %swap3A_1859 = arith.constant 0 : index
          %swap3A_1860 = tpu.vector_load %arg9[%swap3A_1858, %swap3A_1859] {strides = array<i32>} : memref<32x256xf32, #tpu.memory_space<vmem>>, vector<16xf32>,
          tpu.vector_store %arg9[%swap3A_1858, %swap3A_1859], %get3A_1741 {strides = array<i32>} : memref<32x256xf32, #tpu.memory_space<vmem>>, vector<16xf32>,
          %add3A_1861 = arith.constant 16 : i32
          %add3A_1862 = arith.addi %squeeze3A_158, %add3A_1861 : i32
          %get3A_1863 = arith.index_cast %add3A_1862 : i32 to index
          %get3A_1864 = tpu.vector_load %arg6[%get3A_1863] {strides = array<i32>} : memref<93184xf32, #tpu.memory_space<vmem>>, vector<16xf32>,
          %swap3A_1865 = arith.index_cast %add3A_1737 : i32 to index
          %swap3A_1866 = arith.constant 16 : index
          %swap3A_1867 = tpu.vector_load %arg9[%swap3A_1865, %swap3A_1866] {strides = array<i32>} : memref<32x256xf32, #tpu.memory_space<vmem>>, vector<16xf32>,
          tpu.vector_store %arg9[%swap3A_1865, %swap3A_1866], %get3A_1748 {strides = array<i32>} : memref<32x256xf32, #tpu.memory_space<vmem>>, vector<16xf32>,
          %add3A_1868 = arith.constant 32 : i32
          %add3A_1869 = arith.addi %squeeze3A_158, %add3A_1868 : i32
          %get3A_1870 = arith.index_cast %add3A_1869 : i32 to index
          %get3A_1871 = tpu.vector_load %arg6[%get3A_1870] {strides = array<i32>} : memref<93184xf32, #tpu.memory_space<vmem>>, vector<16xf32>,
          %swap3A_1872 = arith.index_cast %add3A_1737 : i32 to index
          %swap3A_1873 = arith.constant 32 : index
          %swap3A_1874 = tpu.vector_load %arg9[%swap3A_1872, %swap3A_1873] {strides = array<i32>} : memref<32x256xf32, #tpu.memory_space<vmem>>, vector<16xf32>,
          tpu.vector_store %arg9[%swap3A_1872, %swap3A_1873], %get3A_1755 {strides = array<i32>} : memref<32x256xf32, #tpu.memory_space<vmem>>, vector<16xf32>,
          %add3A_1875 = arith.constant 48 : i32
          %add3A_1876 = arith.addi %squeeze3A_158, %add3A_1875 : i32
          %get3A_1877 = arith.index_cast %add3A_1876 : i32 to index
          %get3A_1878 = tpu.vector_load %arg6[%get3A_1877] {strides = array<i32>} : memref<93184xf32, #tpu.memory_space<vmem>>, vector<16xf32>,
          %swap3A_1879 = arith.index_cast %add3A_1737 : i32 to index
          %swap3A_1880 = arith.constant 48 : index
          %swap3A_1881 = tpu.vector_load %arg9[%swap3A_1879, %swap3A_1880] {strides = array<i32>} : memref<32x256xf32, #tpu.memory_space<vmem>>, vector<16xf32>,
          tpu.vector_store %arg9[%swap3A_1879, %swap3A_1880], %get3A_1762 {strides = array<i32>} : memref<32x256xf32, #tpu.memory_space<vmem>>, vector<16xf32>,
          %add3A_1882 = arith.constant 64 : i32
          %add3A_1883 = arith.addi %squeeze3A_158, %add3A_1882 : i32
          %get3A_1884 = arith.index_cast %add3A_1883 : i32 to index
          %get3A_1885 = tpu.vector_load %arg6[%get3A_1884] {strides = array<i32>} : memref<93184xf32, #tpu.memory_space<vmem>>, vector<16xf32>,
          %swap3A_1886 = arith.index_cast %add3A_1737 : i32 to index
          %swap3A_1887 = arith.constant 64 : index
          %swap3A_1888 = tpu.vector_load %arg9[%swap3A_1886, %swap3A_1887] {strides = array<i32>} : memref<32x256xf32, #tpu.memory_space<vmem>>, vector<16xf32>,
          tpu.vector_store %arg9[%swap3A_1886, %swap3A_1887], %get3A_1769 {strides = array<i32>} : memref<32x256xf32, #tpu.memory_space<vmem>>, vector<16xf32>,
          %add3A_1889 = arith.constant 80 : i32
          %add3A_1890 = arith.addi %squeeze3A_158, %add3A_1889 : i32
          %get3A_1891 = arith.index_cast %add3A_1890 : i32 to index
          %get3A_1892 = tpu.vector_load %arg6[%get3A_1891] {strides = array<i32>} : memref<93184xf32, #tpu.memory_space<vmem>>, vector<16xf32>,
          %swap3A_1893 = arith.index_cast %add3A_1737 : i32 to index
          %swap3A_1894 = arith.constant 80 : index
          %swap3A_1895 = tpu.vector_load %arg9[%swap3A_1893, %swap3A_1894] {strides = array<i32>} : memref<32x256xf32, #tpu.memory_space<vmem>>, vector<16xf32>,
          tpu.vector_store %arg9[%swap3A_1893, %swap3A_1894], %get3A_1776 {strides = array<i32>} : memref<32x256xf32, #tpu.memory_space<vmem>>, vector<16xf32>,
          %add3A_1896 = arith.constant 96 : i32
          %add3A_1897 = arith.addi %squeeze3A_158, %add3A_1896 : i32
          %get3A_1898 = arith.index_cast %add3A_1897 : i32 to index
          %get3A_1899 = tpu.vector_load %arg6[%get3A_1898] {strides = array<i32>} : memref<93184xf32, #tpu.memory_space<vmem>>, vector<16xf32>,
          %swap3A_1900 = arith.index_cast %add3A_1737 : i32 to index
          %swap3A_1901 = arith.constant 96 : index
          %swap3A_1902 = tpu.vector_load %arg9[%swap3A_1900, %swap3A_1901] {strides = array<i32>} : memref<32x256xf32, #tpu.memory_space<vmem>>, vector<16xf32>,
          tpu.vector_store %arg9[%swap3A_1900, %swap3A_1901], %get3A_1783 {strides = array<i32>} : memref<32x256xf32, #tpu.memory_space<vmem>>, vector<16xf32>,
          %add3A_1903 = arith.constant 112 : i32
          %add3A_1904 = arith.addi %squeeze3A_158, %add3A_1903 : i32
          %get3A_1905 = arith.index_cast %add3A_1904 : i32 to index
          %get3A_1906 = tpu.vector_load %arg6[%get3A_1905] {strides = array<i32>} : memref<93184xf32, #tpu.memory_space<vmem>>, vector<16xf32>,
          %swap3A_1907 = arith.index_cast %add3A_1737 : i32 to index
          %swap3A_1908 = arith.constant 112 : index
          %swap3A_1909 = tpu.vector_load %arg9[%swap3A_1907, %swap3A_1908] {strides = array<i32>} : memref<32x256xf32, #tpu.memory_space<vmem>>, vector<16xf32>,
          tpu.vector_store %arg9[%swap3A_1907, %swap3A_1908], %get3A_1790 {strides = array<i32>} : memref<32x256xf32, #tpu.memory_space<vmem>>, vector<16xf32>,
          %add3A_1910 = arith.constant 128 : i32
          %add3A_1911 = arith.addi %squeeze3A_158, %add3A_1910 : i32
          %get3A_1912 = arith.index_cast %add3A_1911 : i32 to index
          %get3A_1913 = tpu.vector_load %arg6[%get3A_1912] {strides = array<i32>} : memref<93184xf32, #tpu.memory_space<vmem>>, vector<16xf32>,
          %swap3A_1914 = arith.index_cast %add3A_1737 : i32 to index
          %swap3A_1915 = arith.constant 128 : index
          %swap3A_1916 = tpu.vector_load %arg9[%swap3A_1914, %swap3A_1915] {strides = array<i32>} : memref<32x256xf32, #tpu.memory_space<vmem>>, vector<16xf32>,
          tpu.vector_store %arg9[%swap3A_1914, %swap3A_1915], %get3A_1797 {strides = array<i32>} : memref<32x256xf32, #tpu.memory_space<vmem>>, vector<16xf32>,
          %add3A_1917 = arith.constant 144 : i32
          %add3A_1918 = arith.addi %squeeze3A_158, %add3A_1917 : i32
          %get3A_1919 = arith.index_cast %add3A_1918 : i32 to index
          %get3A_1920 = tpu.vector_load %arg6[%get3A_1919] {strides = array<i32>} : memref<93184xf32, #tpu.memory_space<vmem>>, vector<16xf32>,
          %swap3A_1921 = arith.index_cast %add3A_1737 : i32 to index
          %swap3A_1922 = arith.constant 144 : index
          %swap3A_1923 = tpu.vector_load %arg9[%swap3A_1921, %swap3A_1922] {strides = array<i32>} : memref<32x256xf32, #tpu.memory_space<vmem>>, vector<16xf32>,
          tpu.vector_store %arg9[%swap3A_1921, %swap3A_1922], %get3A_1804 {strides = array<i32>} : memref<32x256xf32, #tpu.memory_space<vmem>>, vector<16xf32>,
          %add3A_1924 = arith.constant 160 : i32
          %add3A_1925 = arith.addi %squeeze3A_158, %add3A_1924 : i32
          %get3A_1926 = arith.index_cast %add3A_1925 : i32 to index
          %get3A_1927 = tpu.vector_load %arg6[%get3A_1926] {strides = array<i32>} : memref<93184xf32, #tpu.memory_space<vmem>>, vector<16xf32>,
          %swap3A_1928 = arith.index_cast %add3A_1737 : i32 to index
          %swap3A_1929 = arith.constant 160 : index
          %swap3A_1930 = tpu.vector_load %arg9[%swap3A_1928, %swap3A_1929] {strides = array<i32>} : memref<32x256xf32, #tpu.memory_space<vmem>>, vector<16xf32>,
          tpu.vector_store %arg9[%swap3A_1928, %swap3A_1929], %get3A_1811 {strides = array<i32>} : memref<32x256xf32, #tpu.memory_space<vmem>>, vector<16xf32>,
          %add3A_1931 = arith.constant 176 : i32
          %add3A_1932 = arith.addi %squeeze3A_158, %add3A_1931 : i32
          %get3A_1933 = arith.index_cast %add3A_1932 : i32 to index
          %get3A_1934 = tpu.vector_load %arg6[%get3A_1933] {strides = array<i32>} : memref<93184xf32, #tpu.memory_space<vmem>>, vector<16xf32>,
          %swap3A_1935 = arith.index_cast %add3A_1737 : i32 to index
          %swap3A_1936 = arith.constant 176 : index
          %swap3A_1937 = tpu.vector_load %arg9[%swap3A_1935, %swap3A_1936] {strides = array<i32>} : memref<32x256xf32, #tpu.memory_space<vmem>>, vector<16xf32>,
          tpu.vector_store %arg9[%swap3A_1935, %swap3A_1936], %get3A_1818 {strides = array<i32>} : memref<32x256xf32, #tpu.memory_space<vmem>>, vector<16xf32>,
          %add3A_1938 = arith.constant 192 : i32
          %add3A_1939 = arith.addi %squeeze3A_158, %add3A_1938 : i32
          %get3A_1940 = arith.index_cast %add3A_1939 : i32 to index
          %get3A_1941 = tpu.vector_load %arg6[%get3A_1940] {strides = array<i32>} : memref<93184xf32, #tpu.memory_space<vmem>>, vector<16xf32>,
          %swap3A_1942 = arith.index_cast %add3A_1737 : i32 to index
          %swap3A_1943 = arith.constant 192 : index
          %swap3A_1944 = tpu.vector_load %arg9[%swap3A_1942, %swap3A_1943] {strides = array<i32>} : memref<32x256xf32, #tpu.memory_space<vmem>>, vector<16xf32>,
          tpu.vector_store %arg9[%swap3A_1942, %swap3A_1943], %get3A_1825 {strides = array<i32>} : memref<32x256xf32, #tpu.memory_space<vmem>>, vector<16xf32>,
          %add3A_1945 = arith.constant 208 : i32
          %add3A_1946 = arith.addi %squeeze3A_158, %add3A_1945 : i32
          %get3A_1947 = arith.index_cast %add3A_1946 : i32 to index
          %get3A_1948 = tpu.vector_load %arg6[%get3A_1947] {strides = array<i32>} : memref<93184xf32, #tpu.memory_space<vmem>>, vector<16xf32>,
          %swap3A_1949 = arith.index_cast %add3A_1737 : i32 to index
          %swap3A_1950 = arith.constant 208 : index
          %swap3A_1951 = tpu.vector_load %arg9[%swap3A_1949, %swap3A_1950] {strides = array<i32>} : memref<32x256xf32, #tpu.memory_space<vmem>>, vector<16xf32>,
          tpu.vector_store %arg9[%swap3A_1949, %swap3A_1950], %get3A_1832 {strides = array<i32>} : memref<32x256xf32, #tpu.memory_space<vmem>>, vector<16xf32>,
          %add3A_1952 = arith.constant 224 : i32
          %add3A_1953 = arith.addi %squeeze3A_158, %add3A_1952 : i32
          %get3A_1954 = arith.index_cast %add3A_1953 : i32 to index
          %get3A_1955 = tpu.vector_load %arg6[%get3A_1954] {strides = array<i32>} : memref<93184xf32, #tpu.memory_space<vmem>>, vector<16xf32>,
          %swap3A_1956 = arith.index_cast %add3A_1737 : i32 to index
          %swap3A_1957 = arith.constant 224 : index
          %swap3A_1958 = tpu.vector_load %arg9[%swap3A_1956, %swap3A_1957] {strides = array<i32>} : memref<32x256xf32, #tpu.memory_space<vmem>>, vector<16xf32>,
          tpu.vector_store %arg9[%swap3A_1956, %swap3A_1957], %get3A_1839 {strides = array<i32>} : memref<32x256xf32, #tpu.memory_space<vmem>>, vector<16xf32>,
          %add3A_1959 = arith.constant 240 : i32
          %add3A_1960 = arith.addi %squeeze3A_158, %add3A_1959 : i32
          %get3A_1961 = arith.index_cast %add3A_1960 : i32 to index
          %get3A_1962 = tpu.vector_load %arg6[%get3A_1961] {strides = array<i32>} : memref<93184xf32, #tpu.memory_space<vmem>>, vector<16xf32>,
          %swap3A_1963 = arith.index_cast %add3A_1737 : i32 to index
          %swap3A_1964 = arith.constant 240 : index
          %swap3A_1965 = tpu.vector_load %arg9[%swap3A_1963, %swap3A_1964] {strides = array<i32>} : memref<32x256xf32, #tpu.memory_space<vmem>>, vector<16xf32>,
          tpu.vector_store %arg9[%swap3A_1963, %swap3A_1964], %get3A_1846 {strides = array<i32>} : memref<32x256xf32, #tpu.memory_space<vmem>>, vector<16xf32>,
          %swap3A_1966 = arith.index_cast %add3A_1853 : i32 to index
          %swap3A_1967 = arith.constant 0 : index
          %swap3A_1968 = tpu.vector_load %arg9[%swap3A_1966, %swap3A_1967] {strides = array<i32>} : memref<32x256xf32, #tpu.memory_space<vmem>>, vector<16xf32>,
          tpu.vector_store %arg9[%swap3A_1966, %swap3A_1967], %get3A_1857 {strides = array<i32>} : memref<32x256xf32, #tpu.memory_space<vmem>>, vector<16xf32>,
          %swap3A_1969 = arith.index_cast %add3A_1853 : i32 to index
          %swap3A_1970 = arith.constant 16 : index
          %swap3A_1971 = tpu.vector_load %arg9[%swap3A_1969, %swap3A_1970] {strides = array<i32>} : memref<32x256xf32, #tpu.memory_space<vmem>>, vector<16xf32>,
          tpu.vector_store %arg9[%swap3A_1969, %swap3A_1970], %get3A_1864 {strides = array<i32>} : memref<32x256xf32, #tpu.memory_space<vmem>>, vector<16xf32>,
          %swap3A_1972 = arith.index_cast %add3A_1853 : i32 to index
          %swap3A_1973 = arith.constant 32 : index
          %swap3A_1974 = tpu.vector_load %arg9[%swap3A_1972, %swap3A_1973] {strides = array<i32>} : memref<32x256xf32, #tpu.memory_space<vmem>>, vector<16xf32>,
          tpu.vector_store %arg9[%swap3A_1972, %swap3A_1973], %get3A_1871 {strides = array<i32>} : memref<32x256xf32, #tpu.memory_space<vmem>>, vector<16xf32>,
          %swap3A_1975 = arith.index_cast %add3A_1853 : i32 to index
          %swap3A_1976 = arith.constant 48 : index
          %swap3A_1977 = tpu.vector_load %arg9[%swap3A_1975, %swap3A_1976] {strides = array<i32>} : memref<32x256xf32, #tpu.memory_space<vmem>>, vector<16xf32>,
          tpu.vector_store %arg9[%swap3A_1975, %swap3A_1976], %get3A_1878 {strides = array<i32>} : memref<32x256xf32, #tpu.memory_space<vmem>>, vector<16xf32>,
          %swap3A_1978 = arith.index_cast %add3A_1853 : i32 to index
          %swap3A_1979 = arith.constant 64 : index
          %swap3A_1980 = tpu.vector_load %arg9[%swap3A_1978, %swap3A_1979] {strides = array<i32>} : memref<32x256xf32, #tpu.memory_space<vmem>>, vector<16xf32>,
          tpu.vector_store %arg9[%swap3A_1978, %swap3A_1979], %get3A_1885 {strides = array<i32>} : memref<32x256xf32, #tpu.memory_space<vmem>>, vector<16xf32>,
          %swap3A_1981 = arith.index_cast %add3A_1853 : i32 to index
          %swap3A_1982 = arith.constant 80 : index
          %swap3A_1983 = tpu.vector_load %arg9[%swap3A_1981, %swap3A_1982] {strides = array<i32>} : memref<32x256xf32, #tpu.memory_space<vmem>>, vector<16xf32>,
          tpu.vector_store %arg9[%swap3A_1981, %swap3A_1982], %get3A_1892 {strides = array<i32>} : memref<32x256xf32, #tpu.memory_space<vmem>>, vector<16xf32>,
          %swap3A_1984 = arith.index_cast %add3A_1853 : i32 to index
          %swap3A_1985 = arith.constant 96 : index
          %swap3A_1986 = tpu.vector_load %arg9[%swap3A_1984, %swap3A_1985] {strides = array<i32>} : memref<32x256xf32, #tpu.memory_space<vmem>>, vector<16xf32>,
          tpu.vector_store %arg9[%swap3A_1984, %swap3A_1985], %get3A_1899 {strides = array<i32>} : memref<32x256xf32, #tpu.memory_space<vmem>>, vector<16xf32>,
          %swap3A_1987 = arith.index_cast %add3A_1853 : i32 to index
          %swap3A_1988 = arith.constant 112 : index
          %swap3A_1989 = tpu.vector_load %arg9[%swap3A_1987, %swap3A_1988] {strides = array<i32>} : memref<32x256xf32, #tpu.memory_space<vmem>>, vector<16xf32>,
          tpu.vector_store %arg9[%swap3A_1987, %swap3A_1988], %get3A_1906 {strides = array<i32>} : memref<32x256xf32, #tpu.memory_space<vmem>>, vector<16xf32>,
          %swap3A_1990 = arith.index_cast %add3A_1853 : i32 to index
          %swap3A_1991 = arith.constant 128 : index
          %swap3A_1992 = tpu.vector_load %arg9[%swap3A_1990, %swap3A_1991] {strides = array<i32>} : memref<32x256xf32, #tpu.memory_space<vmem>>, vector<16xf32>,
          tpu.vector_store %arg9[%swap3A_1990, %swap3A_1991], %get3A_1913 {strides = array<i32>} : memref<32x256xf32, #tpu.memory_space<vmem>>, vector<16xf32>,
          %swap3A_1993 = arith.index_cast %add3A_1853 : i32 to index
          %swap3A_1994 = arith.constant 144 : index
          %swap3A_1995 = tpu.vector_load %arg9[%swap3A_1993, %swap3A_1994] {strides = array<i32>} : memref<32x256xf32, #tpu.memory_space<vmem>>, vector<16xf32>,
          tpu.vector_store %arg9[%swap3A_1993, %swap3A_1994], %get3A_1920 {strides = array<i32>} : memref<32x256xf32, #tpu.memory_space<vmem>>, vector<16xf32>,
          %swap3A_1996 = arith.index_cast %add3A_1853 : i32 to index
          %swap3A_1997 = arith.constant 160 : index
          %swap3A_1998 = tpu.vector_load %arg9[%swap3A_1996, %swap3A_1997] {strides = array<i32>} : memref<32x256xf32, #tpu.memory_space<vmem>>, vector<16xf32>,
          tpu.vector_store %arg9[%swap3A_1996, %swap3A_1997], %get3A_1927 {strides = array<i32>} : memref<32x256xf32, #tpu.memory_space<vmem>>, vector<16xf32>,
          %swap3A_1999 = arith.index_cast %add3A_1853 : i32 to index
          %swap3A_2000 = arith.constant 176 : index
          %swap3A_2001 = tpu.vector_load %arg9[%swap3A_1999, %swap3A_2000] {strides = array<i32>} : memref<32x256xf32, #tpu.memory_space<vmem>>, vector<16xf32>,
          tpu.vector_store %arg9[%swap3A_1999, %swap3A_2000], %get3A_1934 {strides = array<i32>} : memref<32x256xf32, #tpu.memory_space<vmem>>, vector<16xf32>,
          %swap3A_2002 = arith.index_cast %add3A_1853 : i32 to index
          %swap3A_2003 = arith.constant 192 : index
          %swap3A_2004 = tpu.vector_load %arg9[%swap3A_2002, %swap3A_2003] {strides = array<i32>} : memref<32x256xf32, #tpu.memory_space<vmem>>, vector<16xf32>,
          tpu.vector_store %arg9[%swap3A_2002, %swap3A_2003], %get3A_1941 {strides = array<i32>} : memref<32x256xf32, #tpu.memory_space<vmem>>, vector<16xf32>,
          %swap3A_2005 = arith.index_cast %add3A_1853 : i32 to index
          %swap3A_2006 = arith.constant 208 : index
          %swap3A_2007 = tpu.vector_load %arg9[%swap3A_2005, %swap3A_2006] {strides = array<i32>} : memref<32x256xf32, #tpu.memory_space<vmem>>, vector<16xf32>,
          tpu.vector_store %arg9[%swap3A_2005, %swap3A_2006], %get3A_1948 {strides = array<i32>} : memref<32x256xf32, #tpu.memory_space<vmem>>, vector<16xf32>,
          %swap3A_2008 = arith.index_cast %add3A_1853 : i32 to index
          %swap3A_2009 = arith.constant 224 : index
          %swap3A_2010 = tpu.vector_load %arg9[%swap3A_2008, %swap3A_2009] {strides = array<i32>} : memref<32x256xf32, #tpu.memory_space<vmem>>, vector<16xf32>,
          tpu.vector_store %arg9[%swap3A_2008, %swap3A_2009], %get3A_1955 {strides = array<i32>} : memref<32x256xf32, #tpu.memory_space<vmem>>, vector<16xf32>,
          %swap3A_2011 = arith.index_cast %add3A_1853 : i32 to index
          %swap3A_2012 = arith.constant 240 : index
          %swap3A_2013 = tpu.vector_load %arg9[%swap3A_2011, %swap3A_2012] {strides = array<i32>} : memref<32x256xf32, #tpu.memory_space<vmem>>, vector<16xf32>,
          tpu.vector_store %arg9[%swap3A_2011, %swap3A_2012], %get3A_1962 {strides = array<i32>} : memref<32x256xf32, #tpu.memory_space<vmem>>, vector<16xf32>,
        }
        %scan3A_107 = arith.constant 2 : i32
        %mul3A_108 = arith.constant 32 : i32
        %mul3A_109 = arith.muli %add3A_62, %mul3A_108 : i32
        %add3A_110 = arith.addi %mul3A_2, %mul3A_109 : i32
        %dma_start3A_111 = arith.constant 0 : i32
        %dma_start3A_112 = tpu.memref_slice %arg5[%add3A_110, %dma_start3A_111] : memref<204800x256xf32, #tpu.memory_space<hbm>> -> memref<32x256xf32, #tpu.memory_space<hbm>>
        %dma_start3A_113 = arith.constant 0 : i32
        %dma_start3A_114 = tpu.memref_slice %arg5[%add3A_110, %dma_start3A_113] : memref<204800x256xf32, #tpu.memory_space<hbm>> -> memref<32x256xf32, #tpu.memory_space<hbm>>
        tpu.enqueue_dma source(%arg9 : memref<32x256xf32, #tpu.memory_space<vmem>>) target(%dma_start3A_114 : memref<32x256xf32, #tpu.memory_space<hbm>>) target_semaphore(%arg15 : memref<!tpu.dma_semaphore, #tpu.memory_space<semaphore_mem>>)
      } else {
      }
      %dma_wait3A_89 = arith.constant 0 : i32
      %dma_wait3A_90 = tpu.memref_slice %arg7[%dma_wait3A_89] : memref<6400xi32, #tpu.memory_space<vmem>> -> memref<16xi32, #tpu.memory_space<vmem>>
      %dma_wait3A_91 = arith.constant 0 : i32
      %dma_wait3A_92 = arith.constant 0 : i32
      %dma_wait3A_93 = tpu.memref_slice %arg3[%dma_wait3A_91, %dma_wait3A_92] : memref<364x256xf32, #tpu.memory_space<hbm>> -> memref<364x256xf32, #tpu.memory_space<hbm>>
      tpu.wait_indirect_dma semaphore(%arg13 : memref<!tpu.dma_semaphore, #tpu.memory_space<semaphore_mem>>) src(%dma_wait3A_93 : memref<364x256xf32, #tpu.memory_space<hbm>>) dst(%arg11 : memref<16x256xf32, #tpu.memory_space<vmem>>)
      %mul3A_94 = arith.constant 16 : i32
      %mul3A_95 = arith.muli %add3A_62, %mul3A_94 : i32
      %add3A_96 = arith.constant 4256 : i32
      %add3A_97 = arith.addi %add3A_96, %mul3A_95 : i32
      %add3A_98 = arith.addi %mul3A_2, %add3A_97 : i32
      %dma_start3A_99 = arith.constant 0 : i32
      %dma_start3A_100 = tpu.memref_slice %arg5[%add3A_98, %dma_start3A_99] : memref<204800x256xf32, #tpu.memory_space<hbm>> -> memref<16x256xf32, #tpu.memory_space<hbm>>
      %dma_start3A_101 = arith.constant 0 : i32
      %dma_start3A_102 = tpu.memref_slice %arg5[%add3A_98, %dma_start3A_101] : memref<204800x256xf32, #tpu.memory_space<hbm>> -> memref<16x256xf32, #tpu.memory_space<hbm>>
      tpu.enqueue_dma source(%arg11 : memref<16x256xf32, #tpu.memory_space<vmem>>) target(%dma_start3A_102 : memref<16x256xf32, #tpu.memory_space<hbm>>) target_semaphore(%arg17 : memref<!tpu.dma_semaphore, #tpu.memory_space<semaphore_mem>>)
    }
    %scan3A_6 = arith.constant 67 : i32
    %dma_wait3A = arith.constant 0 : i32
    %dma_wait3A_7 = tpu.memref_slice %arg5[%mul3A_2, %dma_wait3A] : memref<204800x256xf32, #tpu.memory_space<hbm>> -> memref<32x256xf32, #tpu.memory_space<hbm>>
    %dma_wait3A_8 = arith.constant 0 : i32
    %dma_wait3A_9 = tpu.memref_slice %arg5[%mul3A_2, %dma_wait3A_8] : memref<204800x256xf32, #tpu.memory_space<hbm>> -> memref<32x256xf32, #tpu.memory_space<hbm>>
    tpu.wait_dma2 semaphore(%arg14 : memref<!tpu.dma_semaphore, #tpu.memory_space<semaphore_mem>>) src(%arg8 : memref<32x256xf32, #tpu.memory_space<vmem>>) dst(%dma_wait3A_9 : memref<32x256xf32, #tpu.memory_space<hbm>>)
    %dma_wait3A_10 = arith.constant 0 : i32
    %dma_wait3A_11 = tpu.memref_slice %arg5[%mul3A_2, %dma_wait3A_10] : memref<204800x256xf32, #tpu.memory_space<hbm>> -> memref<32x256xf32, #tpu.memory_space<hbm>>
    %dma_wait3A_12 = arith.constant 0 : i32
    %dma_wait3A_13 = tpu.memref_slice %arg5[%mul3A_2, %dma_wait3A_12] : memref<204800x256xf32, #tpu.memory_space<hbm>> -> memref<32x256xf32, #tpu.memory_space<hbm>>
    tpu.wait_dma2 semaphore(%arg15 : memref<!tpu.dma_semaphore, #tpu.memory_space<semaphore_mem>>) src(%arg9 : memref<32x256xf32, #tpu.memory_space<vmem>>) dst(%dma_wait3A_13 : memref<32x256xf32, #tpu.memory_space<hbm>>)
    %dma_wait3A_14 = arith.constant 0 : i32
    %dma_wait3A_15 = tpu.memref_slice %arg5[%mul3A_2, %dma_wait3A_14] : memref<204800x256xf32, #tpu.memory_space<hbm>> -> memref<16x256xf32, #tpu.memory_space<hbm>>
    %dma_wait3A_16 = arith.constant 0 : i32
    %dma_wait3A_17 = tpu.memref_slice %arg5[%mul3A_2, %dma_wait3A_16] : memref<204800x256xf32, #tpu.memory_space<hbm>> -> memref<16x256xf32, #tpu.memory_space<hbm>>
    tpu.wait_dma2 semaphore(%arg16 : memref<!tpu.dma_semaphore, #tpu.memory_space<semaphore_mem>>) src(%arg10 : memref<16x256xf32, #tpu.memory_space<vmem>>) dst(%dma_wait3A_17 : memref<16x256xf32, #tpu.memory_space<hbm>>)
    %dma_wait3A_18 = arith.constant 0 : i32
    %dma_wait3A_19 = tpu.memref_slice %arg5[%mul3A_2, %dma_wait3A_18] : memref<204800x256xf32, #tpu.memory_space<hbm>> -> memref<16x256xf32, #tpu.memory_space<hbm>>
    %dma_wait3A_20 = arith.constant 0 : i32
    %dma_wait3A_21 = tpu.memref_slice %arg5[%mul3A_2, %dma_wait3A_20] : memref<204800x256xf32, #tpu.memory_space<hbm>> -> memref<16x256xf32, #tpu.memory_space<hbm>>
    tpu.wait_dma2 semaphore(%arg17 : memref<!tpu.dma_semaphore, #tpu.memory_space<semaphore_mem>>) src(%arg11 : memref<16x256xf32, #tpu.memory_space<vmem>>) dst(%dma_wait3A_21 : memref<16x256xf32, #tpu.memory_space<hbm>>)
    return
  }
}

</mosaic_0001>

<sc_bundles>
// kernel: kernel.3.cloned.1.call-start
scs
__scs_entry_jumppad:
0x0: {  	(pc) =	sbr.rel $0x88, $3  }
0x1: {  	(tag) =	ssettag $0x0;
	lr =	simm.s32 $0x1  }
0x2: {  	[smem:$0x3F9F] =	sst lr;
	_ =	strace $0xD0000000  }
0x3: {  	_ = 	snop  }
0x4: {  	_ = 	snop  }
0x5: {  	_ = 	snop  }
0x6: {  	_ = 	snop  }
0x7: {  	_ = 	snop  }
__scs_overlays_trampoline_lowered:
0x8: {  	[smem:$0x3FAE] =	sst s0  }
0x9: {  	[smem:$0x3FAF] =	sst s1  }
0xa: {  	[smem:$0x3FB0] =	sst s2  }
0xb: {  	[smem:$0x3FB1] =	sst s3  }
0xc: {  	[smem:$0x3FB2] =	sst s4  }
0xd: {  	[smem:$0x3FB3] =	sst s5  }
0xe: {  	[smem:$0x3FB4] =	sst s6  }
0xf: {  	[smem:$0x3FB5] =	sst s7  }
0x10: {  	[smem:$0x3FB6] =	sst s8  }
0x11: {  	[smem:$0x3FB7] =	sst s9;
	s0 =	simm.s32 @!p0 $0x0  }
0x12: {  	s1 =	sld [smem:$0x3F9D];
	s0 =	simm.s32 @p0 $0x1  }
0x13: {  	[smem:$0x3FB8] =	sst s0;
	s0 =	simm.s32 @!p1 $0x0  }
0x14: {  	s2 =	sld [smem:$0x3F9C];
	s0 =	simm.s32 @p1 $0x1  }
0x15: {  	[smem:$0x3FB9] =	sst s0;
	s0 =	simm.s32 @!p2 $0x0  }
0x16: {  	s3 =	sld [smem:$0x3FDB];
	s0 =	simm.s32 @p2 $0x1  }
0x17: {  	s4 =	simm.s32 $0x1BF5;
	[smem:$0x3FBB] =	sst s0  }
0x18: {  	s0 =	sld [smem:$0x3F9E];
	_ =	swait.ge [sflag:s4], $0x0  }
0x19: {  	s7 =	sld [smem:$0x3F9F]  }
0x1a: {  	s8 =	sadd.s32 $0xFFFFE003, lr  }
0x1b: {  	s9 =	sadd.s32 $0xFFFFFEF7, lr;
	s5 =	simm.s32 $0xFFFFFFFF;
	p2 =	slt.u32 s8, $0xFFFFF086  }
0x1c: {  	p1 =	slt.u32 s9, $0xF7A;
	s5 =	simm.s32 @!p2 $0x0  }
0x1d: {  	s5 =	simm.s32 @p1 $0x1;
	p0 =	seq.s32 s7, s2  }
0x1e: {  	s7 =	smul.u32 @!p0 $0xF7A, s2;
	p2 =	seq.s32 @!p0 s5, $0x0  }
0x1f: {  	s9 =	smul.u32 $0xF7A, s1;
	s8 =	simm.s32 @!p0 $0x1BF5;
	p2 =	por !p2, p0  }
0x20: {  	[sflag:s8] =	ssyncset.s32 @!p0 $0xFFFFF086;
	s6 =	sadd.s32 @!p0 s3, s7;
	s7 =	simm.s32 @!p0 $0x108  }
0x21: {  	s3 =	sadd.s32 s3, s9;
	s6 =	sadd.s32 @!p0 $0x88, s6;
	s7 =	simm.s32 @p2 $0x1082  }
0x22: {  	[simem:s7], [sflag:s8] =	dma.local @!p0 [hbm:s6], $0xF7A  }
0x23: {  	s9 =	sor.u32 $0xD0000000, s2;
	s6 =	simm.s32 $0x108;
	_ =	swait.ge @!p0 [sflag:s8], $0x0  }
0x24: {  	s3 =	sadd.s32 $0x88, s3;
	s6 =	simm.s32 @!p1 $0x1082;
	[sflag:s4] =	ssyncset.s32 $0xFFFFF086  }
0x25: {  	[simem:s6], [sflag:s4] =	dma.local [hbm:s3], $0xF7A  }
0x26: {  	[smem:$0x3F9F] =	sst s1;
	(tag) =	ssettag s2;
	_ =	strace s9  }
0x27: {  	s1 =	sld [smem:$0x3FAF]  }
0x28: {  	s2 =	sld [smem:$0x3FB0]  }
0x29: {  	s4 =	sld [smem:$0x3FB2]  }
0x2a: {  	p0 =	seq.s32 s5, $0x0;
	s5 =	sld [smem:$0x3FB3]  }
0x2b: {  	s6 =	sld [smem:$0x3FB4]  }
0x2c: {  	s7 =	sld [smem:$0x3FB5]  }
0x2d: {  	s3 =	simm.s32 $0x108;
	s8 =	sld [smem:$0x3FB6]  }
0x2e: {  	s3 =	simm.s32 @!p0 $0x1082;
	s9 =	sld [smem:$0x3FB7]  }
0x2f: {  	lr =	sadd.s32 s0, s3;
	s0 =	sld [smem:$0x3FAE]  }
0x30: {  	s3 =	sld [smem:$0x3FB1]  }
0x31: {  	[smem:$0x3FBA] =	sst s10  }
0x32: {  	s10 =	sld [smem:$0x3FB8];
	_ =	sdelay $0x3  }
0x33: {  	p0 =	seq.s32 s10, $0x1;
	s10 =	sld [smem:$0x3FBA];
	_ =	sdelay $0x3  }
0x34: {  	[smem:$0x3FBA] =	sst s10  }
0x35: {  	s10 =	sld [smem:$0x3FB9];
	_ =	sdelay $0x3  }
0x36: {  	p1 =	seq.s32 s10, $0x1;
	s10 =	sld [smem:$0x3FBA];
	_ =	sdelay $0x3  }
0x37: {  	[smem:$0x3FBA] =	sst s10  }
0x38: {  	s10 =	sld [smem:$0x3FBB]  }
0x39: {  	_ = 	snop;
	(pc) =	sbr.ind lr, $3  }
0x3a: {  	_ = 	snop  }
0x3b: {  	_ = 	snop  }
0x3c: {  	p2 =	seq.s32 s10, $0x1;
	s10 =	sld [smem:$0x3FBA]  }
0x3d: {  	_ =	shalt  }
0x3e: {  	_ =	shalt  }
0x3f: {  	_ =	shalt  }
0x40: {  	_ =	shalt  }
0x41: {  	_ =	shalt  }
0x42: {  	_ =	shalt  }
0x43: {  	_ =	shalt  }
0x44: {  	_ =	shalt  }
0x45: {  	_ =	shalt  }
0x46: {  	_ =	shalt  }
0x47: {  	_ =	shalt  }
0x48: {  	_ =	shalt  }
0x49: {  	_ =	shalt  }
0x4a: {  	_ =	shalt  }
0x4b: {  	_ =	shalt  }
0x4c: {  	_ =	shalt  }
0x4d: {  	_ =	shalt  }
0x4e: {  	_ =	shalt  }
0x4f: {  	_ =	shalt  }
0x50: {  	_ =	shalt  }
0x51: {  	_ =	shalt  }
0x52: {  	_ =	shalt  }
0x53: {  	_ =	shalt  }
0x54: {  	_ =	shalt  }
0x55: {  	_ =	shalt  }
0x56: {  	_ =	shalt  }
0x57: {  	_ =	shalt  }
0x58: {  	_ =	shalt  }
0x59: {  	_ =	shalt  }
0x5a: {  	_ =	shalt  }
0x5b: {  	_ =	shalt  }
0x5c: {  	_ =	shalt  }
0x5d: {  	_ =	shalt  }
0x5e: {  	_ =	shalt  }
0x5f: {  	_ =	shalt  }
0x60: {  	_ =	shalt  }
0x61: {  	_ =	shalt  }
0x62: {  	_ =	shalt  }
0x63: {  	_ =	shalt  }
0x64: {  	_ =	shalt  }
0x65: {  	_ =	shalt  }
0x66: {  	_ =	shalt  }
0x67: {  	_ =	shalt  }
0x68: {  	_ =	shalt  }
0x69: {  	_ =	shalt  }
0x6a: {  	_ =	shalt  }
0x6b: {  	_ =	shalt  }
0x6c: {  	_ =	shalt  }
0x6d: {  	_ =	shalt  }
0x6e: {  	_ =	shalt  }
0x6f: {  	_ =	shalt  }
0x70: {  	_ =	shalt  }
0x71: {  	_ =	shalt  }
0x72: {  	_ =	shalt  }
0x73: {  	_ =	shalt  }
0x74: {  	_ =	shalt  }
0x75: {  	_ =	shalt  }
0x76: {  	_ =	shalt  }
0x77: {  	_ =	shalt  }
0x78: {  	_ =	shalt  }
0x79: {  	_ =	shalt  }
0x7a: {  	_ =	shalt  }
0x7b: {  	_ =	shalt  }
0x7c: {  	_ =	shalt  }
0x7d: {  	_ =	shalt  }
0x7e: {  	_ =	shalt  }
0x7f: {  	_ =	shalt  }
0x80: {  	_ =	shalt  }
0x81: {  	_ =	shalt  }
0x82: {  	_ =	shalt  }
0x83: {  	_ =	shalt  }
0x84: {  	_ =	shalt  }
0x85: {  	_ =	shalt  }
0x86: {  	_ =	shalt  }
0x87: {  	_ =	shalt  }
.Lfunc_end0:
.L_simem_size_0:
called_computation_lowered:
.L_overlay_start_0:
0x88: {  	s2 =	sld [smem:$0x3FD9]  }
0x89: {  	s3 =	sld [smem:$0x3FFE];
	_ =	sdelay $0x1  }
0x8a: {  	s1 =	srdreg.scid  }
0x8b: {  	s0 =	sand.u32 $0x1, s1  }
0x8c: {  	s17 =	sshll.u32 s0, $0xA;
	s2 =	sadd.s32 s3, s2  }
0x8d: {  	s2 =	sadd.s32 s2, s17  }
0x8e: {  	[smem:$0x3FC6] =	sst s2  }
0x8f: {  	_ = 	snop  }
0x90: {  	s2 =	sld [smem:$0x3FC8]  }
0x91: {  	s18 =	sld [smem:$0x3FD0];
	(tm) =	ssettm $0x1  }
0x92: {  	s4 =	sld [smem:$0x3FFB];
	_ =	sdelay $0x3  }
0x93: {  	_ =	strace s4  }
0x94: {  	s4 =	sld [smem:$0x3FFC];
	_ =	sdelay $0x3  }
0x95: {  	_ =	strace s4  }
0x96: {  	s4 =	sld [smem:$0x3FFD];
	_ =	sdelay $0x3  }
0x97: {  	_ =	strace s4  }
0x98: {  	_ =	strace $0x8FFFFFFF  }
0x99: {  	s19 =	sld [smem:$0x3FDB];
	_ =	sdelay $0x1  }
0x9a: {  	s5 =	simm.s32 $_scs_section_size  }
0x9b: {  	s6 =	simm.s32 $_size__tile_overlayer_lowered;
	s7 =	simm.s32 $_tile_overlayer_lowered  }
0x9c: {  	s22 =	simm.s32 $0x1BFF;
	s21 =	sshll.u32 s7, $0x1;
	s4 =	sadd.s32 s5, s19  }
0x9d: {  	s8 =	simm.s32 $0x0;
	s20 =	sshll.u32 s6, $0x1;
	s6 =	sadd.s32 s21, s4  }
0x9e: {  	[timem:s8], [sflag:s22] =	dma.local [hbm:s6], s20  }
0x9f: {  	_ =	swait.ge [sflag:s22], s20  }
0xa0: {  	s5 =	ssub.s32 $0x0, s20;
	[sflag:s22] =	ssyncset.done $0x0  }
0xa1: {  	[sflag:s22] =	ssyncadd.s32 s5;
	_ =	sdelay $0x1  }
0xa2: {  	s23 =	simm.s32 $0x1B8B  }
0xa3: {  	_ =	swait.ge [sflag:s23], $0x1  }
0xa4: {  	[sflag:s23] =	ssyncset.done $0x0  }
0xa5: {  	s25 =	simm.s32 $0x1B8E;
	s24 =	sld [smem:$0x3FFE];
	[sflag:s23] =	ssyncadd.s32 $0xFFFFFFFF  }
0xa6: {  	s26 =	simm.s32 $execute0_lowered;
	[smem:$0x3FD2] =	sst s25  }
0xa7: {  	s6 =	sshll.u32 s26, $0x1;
	_ =	strace $0x80000046;
	[dreg:$0x1] =	wrdreg $0xFFFFFFFF  }
0xa8: {  	s28 =	simm.s32 $_size_execute0_lowered;
	s4 =	sadd.s32 s4, s6;
	[dreg:$0x0] =	wrdreg $0x0  }
0xa9: {  	s6 =	sshll.u32 s28, $0x1;
	[dreg:$0x2] =	wrdreg s4  }
0xaa: {  	[dreg:$0x3] =	wrdreg s6  }
0xab: {  	[dreg:$0x4] =	wrdreg $0xC0  }
0xac: {  	_ =	task [dreg:s8], $0x5FFFF  }
0xad: {  	[dreg:$0x1] =	wrdreg $0xFFFFFFFF  }
0xae: {  	[dreg:$0x0] =	wrdreg $0x60  }
0xaf: {  	[dreg:$0x2] =	wrdreg s24  }
0xb0: {  	[dreg:$0x3] =	wrdreg s2  }
0xb1: {  	[dreg:$0x4] =	wrdreg s18  }
0xb2: {  	[dreg:$0x5] =	wrdreg $0x9  }
0xb3: {  	_ =	task.clear_ibuf [dreg:s8], $0x6FFFF;
	_ =	strace $0x90000046  }
0xb4: {  	s29 =	simm.s32 $0x9;
	_ =	strace $0x80000048  }
0xb5: {  	_ =	swait.ge [sflag:s29], $0x1  }
0xb6: {  	[sflag:s29] =	ssyncadd.s32 $0xFFFFFFFF  }
0xb7: {  	_ =	strace $0x90000048  }
0xb8: {  	_ =	sfence  }
0xb9: {  	s30 =	sld [smem:$0x0];
	_ =	sdelay $0x2  }
0xba: {  	s31 =	sshll.u32 s1, $0xD;
	s1 =	sshrl.u32 s1, $0x2  }
0xbb: {  	s3 =	sand.u32 $0x4000, s31;
	s1 =	sadd.s32 s1, s30  }
0xbc: {  	s0 =	sor.u32 s3, s0;
	s1 =	sshll.u32 s1, $0x11  }
0xbd: {  	s0 =	sor.u32 s1, s0  }
0xbe: {  	s0 =	sadd.s32 $0x8F2B, s0  }
0xbf: {  	[sflag:s0] =	ssyncadd.remote.s32 $0x1  }
0xc0: {  	_ =	sfence.sel $0xFFFF  }
0xc1: {  	[dreg:$0x0] =	wrdreg $0xFFFFFFFF;
	(pc) =	sbr.abs _section_cstart, $3  }
0xc2: {  	[dreg:$0x1] =	wrdreg $0xFFFFFFFF  }
0xc3: {  	_ =	task.clear_ibuf [dreg:s8], $0x2FFFF;
	_ =	strace $0x9FFFFFFF  }
0xc4: {  	(tm) =	ssettm $0x7FFFFFFF  }
0xc5: {  	_ =	shalt  }
tec
execute0_lowered:
.L_overlay_start_1:
0x0: {  	(tag) =	ssettag $0x1  }
0x1: {  	s0 =	rddreg [dreg:$0x0];
	s1 =	srdreg.scid  }
0x2: {  	s3 =	stileid.u32;
	s2 =	rddreg [dreg:$0x1];
	s12 =	simm.s32 $0x1C500  }
0x3: {  	s15 =	simm.s32 $0x1;
	s1 =	sand.u32 $0x1, s1;
	s4 =	sshll.u32 s3, $0x1  }
0x4: {  	s16 =	simm.s32 $0x1D500;
	s17 =	simm.s32 $0x1DD00;
	s6 =	sor.u32 s1, s4  }
0x5: {  	s3 =	rddreg [dreg:$0x2];
	s4 =	simm.s32 $0x0;
	s5 =	smul.u32 $0x1900, s6  }
0x6: {  	s18 =	simm.s32 $0x4;
	s1 =	ssub.s32 $0x2, s1;
	[smem:$0x7FF] =	sst s4  }
.Ltmp0:
0x7: {  	s8 =	sshrl.u32 s1, $0x1;
	s7 =	sshrl.u32 s5, $0x3;
	(pc) =	sbr.rel .LBB2_1-.Ltmp0, $4  }
0x8: {  	_ =	strace $0x80000047;
	s7 =	sadd.s32 s7, s0;
	s0 =	sadd.s32 $0x400, s0  }
0x9: {  	v2 =	vlaneseq.u32;
	s30 =	ssub.s32 s1, s8;
	[dreg:$0x4] =	wrdreg s0;
	s31 =	sadd.s32 $0x3200, s7  }
0xa: {  	s20 =	simm.s32 $0x2;
	vm0 =	vmmov $0xffff;
	v1 =	vshrl.u32 v2, $0x3;
	s0 =	smax.u32 s30, $0x1;
	[dreg:$0x5] =	wrdreg s31  }
0xb: {  	v0 =	vand.u32 $0x7, v2;
	v2 =	vor.u32 $0x8, v2;
	v1 =	vmul.u32 $0x8, v1;
	s8 =	smul.u32 $0x190000, s6;
	s6 =	simm.s32 $0x0;
	[dreg:$0x6] =	wrdreg s0  }
.LBB2_11:
0xc: {  	s0 =	simm.s32 $0x3  }
0xd: {  	_ =	swait.ge [sflag:s0], $0x2000  }
0xe: {  	[sflag:s0] =	ssyncset.done $0x0  }
0xf: {  	[sflag:s0] =	ssyncadd.s32 $0xFFFFE000  }
0x10: {  	_ =	swait.ge [sflag:s18], $0x2000  }
0x11: {  	[sflag:s18] =	ssyncset.done $0x0  }
0x12: {  	s30 =	simm.s32 $0x5;
	[sflag:s18] =	ssyncadd.s32 $0xFFFFE000  }
0x13: {  	_ =	swait.ge [sflag:s30], $0x1000  }
0x14: {  	[sflag:s30] =	ssyncset.done $0x0  }
0x15: {  	s1 =	simm.s32 $0x6;
	[sflag:s30] =	ssyncadd.s32 $0xFFFFF000  }
0x16: {  	_ =	swait.ge [sflag:s1], $0x1000  }
0x17: {  	s6 =	rddreg [dreg:$0x7]  }
0x18: {  	s31 =	rddreg [dreg:$0x6];
	s6 =	sadd.s32 $0x1, s6  }
0x19: {  	p0 =	sne.s32 s6, s31  }
.Ltmp1:
0x1a: {  	_ = 	snop;
	(pc) =	sbr.rel @!p0 .LBB2_12-.Ltmp1, $3  }
0x1b: {  	_ =	sdelay $0x1  }
0x1c: {  	[sflag:s1] =	ssyncset.done $0x0  }
0x1d: {  	[sflag:s1] =	ssyncadd.s32 $0xFFFFF000  }
.LBB2_1:
0x1e: {  	[dreg:$0x7] =	wrdreg s6  }
0x1f: {  	s0 =	rddreg [dreg:$0x4];
	s1 =	simm.s32 $0x7  }
0x20: {  	[tilespmem:s4], [sflag:$0x7] =	stream.linear.gather [hbm4b:s0+s4], $0x16C00, $0x38;
	[tilespmem:$0x1E500] =	vst v63  }
0x21: {  	_ =	swait.ge [sflag:s1], $0x16C00  }
0x22: {  	s31 =	simm.s32 $0x16C00;
	[sflag:s1] =	ssyncset.done $0x0  }
.Ltmp2:
0x23: {  	s30 =	rddreg [dreg:$0x5];
	[sflag:s1] =	ssyncadd.s32 $0xFFFE9400;
	(pc) =	sbr.rel .LBB2_2-.Ltmp2, $4  }
0x24: {  	[tilespmem:s31], [sflag:$0x7] =	stream.linear.gather [hbm4b:s30+s4], $0x1900, $0x38;
	[tilespmem:$0x1E500] =	vst v63  }
0x25: {  	_ =	swait.ge [sflag:s1], $0x1900  }
0x26: {  	[sflag:s1] =	ssyncset.done $0x0  }
0x27: {  	s25 =	simm.s32 $0x0;
	[sflag:s1] =	ssyncadd.s32 $0xFFFFE700  }
.LBB2_10:
0x28: {  	s25 =	sadd.s32 $0x1, s25  }
0x29: {  	p0 =	sne.s32 s25, $0x43  }
.Ltmp3:
0x2a: {  	s0 =	sadd.s32 $0x10A0, s26;
	(pc) =	sbr.rel @!p0 .LBB2_11-.Ltmp3, $4  }
0x2b: {  	_ =	swait.ge [sflag:s20], $0x1000;
	s0 =	sadd.s32 s5, s0  }
0x2c: {  	[sflag:s20] =	ssyncset.done $0x0;
	s0 =	sshll.u32 s0, $0x5  }
0x2d: {  	[sflag:s20] =	ssyncadd.s32 $0xFFFFF000;
	s0 =	sadd.s32 s3, s0  }
0x2e: {  	[hbm4b:s0+s4] =	stream.linear.scatter [tilespmem:s16], [sflag:$0x6], $0x1000, $0x38;
	[tilespmem:$0x1E500] =	vst v63  }
.LBB2_2:
0x2f: {  	p0 =	seq.s32 s25, $0x0  }
0x30: {  	s0 =	simm.s32 @!p0 $0x5  }
0x31: {  	_ =	swait.ge @!p0 [sflag:s0], $0x1000  }
0x32: {  	[sflag:s0] =	ssyncset.done @!p0 $0x0  }
0x33: {  	s24 =	sshll.u32 s25, $0x5;
	[sflag:s0] =	ssyncadd.s32 @!p0 $0xFFFFF000  }
0x34: {  	v3 =	vld [tilespmem:s24+$0x17CA0];
	_ =	sdelay $0x4  }
0x35: {  	v4 =	vshll.u32 v3, $0x1  }
0x36: {  	v3 =	vand.u32 $0x7, v3;
	v4 =	vand.u32 $0xFFFFFFF0, v4  }
0x37: {  	v3 =	vor.u32 v3, v4  }
0x38: {  	v4 =	vperm.xlane v3, v0;
	_ =	sdelay $0x1  }
0x39: {  	v3 =	vperm.xlane v3, v2;
	v4 =	vadd.s32 v1, v4;
	_ =	sdelay $0x1  }
0x3a: {  	v3 =	vadd.s32 v1, v3  }
0x3b: {  	s26 =	sshll.u32 s25, $0x1  }
0x3c: {  	s6 =	sshll.u32 s25, $0x6;
	s30 =	sadd.s32 $0xFFFFFFFE, s26  }
0x3d: {  	[tilespmem:s12], [sflag:$0x1] =	stream.indirect_vreg.gather [hbm4b:s2+s4], $0x80, v4, vm0, $0xb8;
	[tilespmem:$0x1E500] =	vst v63  }
0x3e: {  	s1 =	simm.s32 $0x1CD00;
	s6 =	sand.u32 $0x3FFFFFC0, s6;
	p1 =	sgt.u32 s30, $0x82  }
0x3f: {  	[tilespmem:s1], [sflag:$0x1] =	stream.indirect_vreg.gather [hbm4b:s2+s4], $0x80, v3, vm0, $0xb8;
	[tilespmem:$0x1E500] =	vst v63  }
0x40: {  	s31 =	sadd.s32 $0x16C00, s6;
	s1 =	simm.s32 @!p1 $0x3  }
0x41: {  	v3 =	vmov s31;
	_ =	swait.ge @!p1 [sflag:s1], $0x2000  }
0x42: {  	s29 =	simm.s32 $0x0;
	[sflag:s1] =	ssyncset.done @!p1 $0x0  }
0x43: {  	s28 =	sadd.s32 $0x10A0, s24;
	[sflag:s1] =	ssyncadd.s32 @!p1 $0xFFFFE000;
	p1 =	por $0x1, $0x1  }
.LBB2_3:
0x44: {  	s0 =	sshll.u32 s29, $0x4  }
0x45: {  	s0 =	sand.u32 $0x3FFFFFF0, s0  }
0x46: {  	v4 =	vld.idx.msk [tilespmem:v3+s0+$0x0 ss:$0x1], $0xffff;
	_ =	sdelay $0x4  }
0x47: {  	v4 =	vshll.u32 v4, $0x8  }
0x48: {  	(v2sf) =	vpush v4, $0x0  }
0x49: {  	(v2sf) =	vpush v4, $0x1  }
0x4a: {  	(v2sf) =	vpush v4, $0x2  }
0x4b: {  	(v2sf) =	vpush v4, $0x3  }
0x4c: {  	(v2sf) =	vpush v4, $0x4  }
0x4d: {  	(v2sf) =	vpush v4, $0x5  }
0x4e: {  	(v2sf) =	vpush v4, $0x6  }
0x4f: {  	(v2sf) =	vpush v4, $0x7  }
0x50: {  	(v2sf) =	vpush v4, $0x8  }
0x51: {  	(v2sf) =	vpush v4, $0x9  }
0x52: {  	(v2sf) =	vpush v4, $0xA  }
0x53: {  	(v2sf) =	vpush v4, $0xB  }
0x54: {  	(v2sf) =	vpush v4, $0xC  }
0x55: {  	(v2sf) =	vpush v4, $0xD  }
0x56: {  	(v2sf) =	vpush v4, $0xE  }
0x57: {  	s14 =	spop (v2sf);
	(v2sf) =	vpush v4, $0xF  }
0x58: {  	s13 =	spop (v2sf)  }
0x59: {  	s19 =	spop (v2sf)  }
0x5a: {  	s24 =	spop (v2sf)  }
0x5b: {  	v4 =	vld [tilespmem:s14+$0x0];
	s10 =	spop (v2sf)  }
0x5c: {  	v5 =	vld [tilespmem:s14+$0x10];
	s23 =	spop (v2sf)  }
0x5d: {  	v6 =	vld [tilespmem:s14+$0x20];
	s22 =	spop (v2sf)  }
0x5e: {  	v7 =	vld [tilespmem:s14+$0x30];
	s21 =	spop (v2sf)  }
0x5f: {  	v8 =	vld [tilespmem:s14+$0x40];
	s9 =	spop (v2sf)  }
0x60: {  	v9 =	vld [tilespmem:s14+$0x50];
	s7 =	spop (v2sf)  }
0x61: {  	v10 =	vld [tilespmem:s14+$0x60];
	s6 =	spop (v2sf)  }
0x62: {  	v11 =	vld [tilespmem:s14+$0x70];
	s11 =	spop (v2sf)  }
0x63: {  	v12 =	vld [tilespmem:s14+$0x80];
	s0 =	spop (v2sf)  }
0x64: {  	v13 =	vld [tilespmem:s14+$0x90];
	s1 =	spop (v2sf)  }
0x65: {  	v14 =	vld [tilespmem:s14+$0xA0];
	s31 =	spop (v2sf)  }
0x66: {  	v15 =	vld [tilespmem:s14+$0xB0];
	s30 =	spop (v2sf)  }
0x67: {  	v16 =	vld [tilespmem:s14+$0xC0]  }
0x68: {  	v17 =	vld [tilespmem:s14+$0xD0]  }
0x69: {  	v18 =	vld [tilespmem:s14+$0xE0]  }
0x6a: {  	v19 =	vld [tilespmem:s14+$0xF0];
	s14 =	sshll.u32 s29, $0xC  }
0x6b: {  	s29 =	sand.u32 $0x3FFFF000, s14  }
0x6c: {  	v20 =	vld [tilespmem:s13+$0x0];
	[tilespmem:s29+$0x18500] =	vst v4  }
0x6d: {  	v4 =	vld [tilespmem:s13+$0x10];
	[tilespmem:s29+$0x18510] =	vst v5  }
0x6e: {  	v5 =	vld [tilespmem:s13+$0x20];
	[tilespmem:s29+$0x18520] =	vst v6  }
0x6f: {  	v6 =	vld [tilespmem:s13+$0x30];
	[tilespmem:s29+$0x18530] =	vst v7  }
0x70: {  	v7 =	vld [tilespmem:s13+$0x40];
	[tilespmem:s29+$0x18540] =	vst v8  }
0x71: {  	v8 =	vld [tilespmem:s13+$0x50];
	[tilespmem:s29+$0x18550] =	vst v9  }
0x72: {  	v9 =	vld [tilespmem:s13+$0x60];
	[tilespmem:s29+$0x18560] =	vst v10  }
0x73: {  	v10 =	vld [tilespmem:s13+$0x70];
	[tilespmem:s29+$0x18570] =	vst v11  }
0x74: {  	v11 =	vld [tilespmem:s13+$0x80];
	[tilespmem:s29+$0x18900] =	vst v12  }
0x75: {  	v12 =	vld [tilespmem:s13+$0x90];
	[tilespmem:s29+$0x18910] =	vst v13  }
0x76: {  	v13 =	vld [tilespmem:s13+$0xA0];
	[tilespmem:s29+$0x18920] =	vst v14  }
0x77: {  	v14 =	vld [tilespmem:s13+$0xB0];
	[tilespmem:s29+$0x18930] =	vst v15  }
0x78: {  	v15 =	vld [tilespmem:s13+$0xC0];
	[tilespmem:s29+$0x18940] =	vst v16  }
0x79: {  	v16 =	vld [tilespmem:s13+$0xD0];
	[tilespmem:s29+$0x18950] =	vst v17  }
0x7a: {  	v17 =	vld [tilespmem:s13+$0xE0];
	[tilespmem:s29+$0x18960] =	vst v18  }
0x7b: {  	v18 =	vld [tilespmem:s13+$0xF0];
	[tilespmem:s29+$0x18970] =	vst v19  }
0x7c: {  	v19 =	vld [tilespmem:s19+$0x0];
	[tilespmem:s29+$0x18580] =	vst v20  }
0x7d: {  	v20 =	vld [tilespmem:s19+$0x10];
	[tilespmem:s29+$0x18590] =	vst v4  }
0x7e: {  	v4 =	vld [tilespmem:s19+$0x20];
	[tilespmem:s29+$0x185A0] =	vst v5  }
0x7f: {  	v5 =	vld [tilespmem:s19+$0x30];
	[tilespmem:s29+$0x185B0] =	vst v6  }
0x80: {  	v6 =	vld [tilespmem:s19+$0x40];
	[tilespmem:s29+$0x185C0] =	vst v7  }
0x81: {  	v7 =	vld [tilespmem:s19+$0x50];
	[tilespmem:s29+$0x185D0] =	vst v8  }
0x82: {  	v8 =	vld [tilespmem:s19+$0x60];
	[tilespmem:s29+$0x185E0] =	vst v9  }
0x83: {  	v9 =	vld [tilespmem:s19+$0x70];
	[tilespmem:s29+$0x185F0] =	vst v10  }
0x84: {  	v10 =	vld [tilespmem:s19+$0x80];
	[tilespmem:s29+$0x18980] =	vst v11  }
0x85: {  	v11 =	vld [tilespmem:s19+$0x90];
	[tilespmem:s29+$0x18990] =	vst v12  }
0x86: {  	v12 =	vld [tilespmem:s19+$0xA0];
	[tilespmem:s29+$0x189A0] =	vst v13  }
0x87: {  	v13 =	vld [tilespmem:s19+$0xB0];
	[tilespmem:s29+$0x189B0] =	vst v14  }
0x88: {  	v14 =	vld [tilespmem:s19+$0xC0];
	[tilespmem:s29+$0x189C0] =	vst v15  }
0x89: {  	v15 =	vld [tilespmem:s19+$0xD0];
	[tilespmem:s29+$0x189D0] =	vst v16  }
0x8a: {  	v16 =	vld [tilespmem:s19+$0xE0];
	[tilespmem:s29+$0x189E0] =	vst v17  }
0x8b: {  	v17 =	vld [tilespmem:s19+$0xF0];
	[tilespmem:s29+$0x189F0] =	vst v18  }
0x8c: {  	v18 =	vld [tilespmem:s24+$0x0];
	[tilespmem:s29+$0x18600] =	vst v19  }
0x8d: {  	v19 =	vld [tilespmem:s24+$0x10];
	[tilespmem:s29+$0x18610] =	vst v20  }
0x8e: {  	v20 =	vld [tilespmem:s24+$0x20];
	[tilespmem:s29+$0x18620] =	vst v4  }
0x8f: {  	v4 =	vld [tilespmem:s24+$0x30];
	[tilespmem:s29+$0x18630] =	vst v5  }
0x90: {  	v5 =	vld [tilespmem:s24+$0x40];
	[tilespmem:s29+$0x18640] =	vst v6  }
0x91: {  	v6 =	vld [tilespmem:s24+$0x50];
	[tilespmem:s29+$0x18650] =	vst v7  }
0x92: {  	v7 =	vld [tilespmem:s24+$0x60];
	[tilespmem:s29+$0x18660] =	vst v8  }
0x93: {  	v8 =	vld [tilespmem:s24+$0x70];
	[tilespmem:s29+$0x18670] =	vst v9  }
0x94: {  	v9 =	vld [tilespmem:s24+$0x80];
	[tilespmem:s29+$0x18A00] =	vst v10  }
0x95: {  	v10 =	vld [tilespmem:s24+$0x90];
	[tilespmem:s29+$0x18A10] =	vst v11  }
0x96: {  	v11 =	vld [tilespmem:s24+$0xA0];
	[tilespmem:s29+$0x18A20] =	vst v12  }
0x97: {  	v12 =	vld [tilespmem:s24+$0xB0];
	[tilespmem:s29+$0x18A30] =	vst v13  }
0x98: {  	v13 =	vld [tilespmem:s24+$0xC0];
	[tilespmem:s29+$0x18A40] =	vst v14  }
0x99: {  	v14 =	vld [tilespmem:s24+$0xD0];
	[tilespmem:s29+$0x18A50] =	vst v15  }
0x9a: {  	v15 =	vld [tilespmem:s24+$0xE0];
	[tilespmem:s29+$0x18A60] =	vst v16  }
0x9b: {  	v16 =	vld [tilespmem:s24+$0xF0];
	[tilespmem:s29+$0x18A70] =	vst v17  }
0x9c: {  	v17 =	vld [tilespmem:s10+$0x0];
	[tilespmem:s29+$0x18680] =	vst v18  }
0x9d: {  	v18 =	vld [tilespmem:s10+$0x10];
	[tilespmem:s29+$0x18690] =	vst v19  }
0x9e: {  	v19 =	vld [tilespmem:s10+$0x20];
	[tilespmem:s29+$0x186A0] =	vst v20  }
0x9f: {  	v20 =	vld [tilespmem:s10+$0x30];
	[tilespmem:s29+$0x186B0] =	vst v4  }
0xa0: {  	v4 =	vld [tilespmem:s10+$0x40];
	[tilespmem:s29+$0x186C0] =	vst v5  }
0xa1: {  	v5 =	vld [tilespmem:s10+$0x50];
	[tilespmem:s29+$0x186D0] =	vst v6  }
0xa2: {  	v6 =	vld [tilespmem:s10+$0x60];
	[tilespmem:s29+$0x186E0] =	vst v7  }
0xa3: {  	v7 =	vld [tilespmem:s10+$0x70];
	[tilespmem:s29+$0x186F0] =	vst v8  }
0xa4: {  	v8 =	vld [tilespmem:s10+$0x80];
	[tilespmem:s29+$0x18A80] =	vst v9  }
0xa5: {  	v9 =	vld [tilespmem:s10+$0x90];
	[tilespmem:s29+$0x18A90] =	vst v10  }
0xa6: {  	v10 =	vld [tilespmem:s10+$0xA0];
	[tilespmem:s29+$0x18AA0] =	vst v11  }
0xa7: {  	v11 =	vld [tilespmem:s10+$0xB0];
	[tilespmem:s29+$0x18AB0] =	vst v12  }
0xa8: {  	v12 =	vld [tilespmem:s10+$0xC0];
	[tilespmem:s29+$0x18AC0] =	vst v13  }
0xa9: {  	v13 =	vld [tilespmem:s10+$0xD0];
	[tilespmem:s29+$0x18AD0] =	vst v14  }
0xaa: {  	v14 =	vld [tilespmem:s10+$0xE0];
	[tilespmem:s29+$0x18AE0] =	vst v15  }
0xab: {  	v15 =	vld [tilespmem:s10+$0xF0];
	[tilespmem:s29+$0x18AF0] =	vst v16  }
0xac: {  	v16 =	vld [tilespmem:s23+$0x0];
	[tilespmem:s29+$0x18700] =	vst v17  }
0xad: {  	v17 =	vld [tilespmem:s23+$0x10];
	[tilespmem:s29+$0x18710] =	vst v18  }
0xae: {  	v18 =	vld [tilespmem:s23+$0x20];
	[tilespmem:s29+$0x18720] =	vst v19  }
0xaf: {  	v19 =	vld [tilespmem:s23+$0x30];
	[tilespmem:s29+$0x18730] =	vst v20  }
0xb0: {  	v20 =	vld [tilespmem:s23+$0x40];
	[tilespmem:s29+$0x18740] =	vst v4  }
0xb1: {  	v4 =	vld [tilespmem:s23+$0x50];
	[tilespmem:s29+$0x18750] =	vst v5  }
0xb2: {  	v5 =	vld [tilespmem:s23+$0x60];
	[tilespmem:s29+$0x18760] =	vst v6  }
0xb3: {  	v6 =	vld [tilespmem:s23+$0x70];
	[tilespmem:s29+$0x18770] =	vst v7  }
0xb4: {  	v7 =	vld [tilespmem:s23+$0x80];
	[tilespmem:s29+$0x18B00] =	vst v8  }
0xb5: {  	v8 =	vld [tilespmem:s23+$0x90];
	[tilespmem:s29+$0x18B10] =	vst v9  }
0xb6: {  	v9 =	vld [tilespmem:s23+$0xA0];
	[tilespmem:s29+$0x18B20] =	vst v10  }
0xb7: {  	v10 =	vld [tilespmem:s23+$0xB0];
	[tilespmem:s29+$0x18B30] =	vst v11  }
0xb8: {  	v11 =	vld [tilespmem:s23+$0xC0];
	[tilespmem:s29+$0x18B40] =	vst v12  }
0xb9: {  	v12 =	vld [tilespmem:s23+$0xD0];
	[tilespmem:s29+$0x18B50] =	vst v13  }
0xba: {  	v13 =	vld [tilespmem:s23+$0xE0];
	[tilespmem:s29+$0x18B60] =	vst v14  }
0xbb: {  	v14 =	vld [tilespmem:s23+$0xF0];
	[tilespmem:s29+$0x18B70] =	vst v15  }
0xbc: {  	v15 =	vld [tilespmem:s22+$0x0];
	[tilespmem:s29+$0x18780] =	vst v16  }
0xbd: {  	v16 =	vld [tilespmem:s22+$0x10];
	[tilespmem:s29+$0x18790] =	vst v17  }
0xbe: {  	v17 =	vld [tilespmem:s22+$0x20];
	[tilespmem:s29+$0x187A0] =	vst v18  }
0xbf: {  	v18 =	vld [tilespmem:s22+$0x30];
	[tilespmem:s29+$0x187B0] =	vst v19  }
0xc0: {  	v19 =	vld [tilespmem:s22+$0x40];
	[tilespmem:s29+$0x187C0] =	vst v20  }
0xc1: {  	v20 =	vld [tilespmem:s22+$0x50];
	[tilespmem:s29+$0x187D0] =	vst v4  }
0xc2: {  	v4 =	vld [tilespmem:s22+$0x60];
	[tilespmem:s29+$0x187E0] =	vst v5  }
0xc3: {  	v5 =	vld [tilespmem:s22+$0x70];
	[tilespmem:s29+$0x187F0] =	vst v6  }
0xc4: {  	v6 =	vld [tilespmem:s22+$0x80];
	[tilespmem:s29+$0x18B80] =	vst v7  }
0xc5: {  	v7 =	vld [tilespmem:s22+$0x90];
	[tilespmem:s29+$0x18B90] =	vst v8  }
0xc6: {  	v8 =	vld [tilespmem:s22+$0xA0];
	[tilespmem:s29+$0x18BA0] =	vst v9  }
0xc7: {  	v9 =	vld [tilespmem:s22+$0xB0];
	[tilespmem:s29+$0x18BB0] =	vst v10  }
0xc8: {  	v10 =	vld [tilespmem:s22+$0xC0];
	[tilespmem:s29+$0x18BC0] =	vst v11  }
0xc9: {  	v11 =	vld [tilespmem:s22+$0xD0];
	[tilespmem:s29+$0x18BD0] =	vst v12  }
0xca: {  	v12 =	vld [tilespmem:s22+$0xE0];
	[tilespmem:s29+$0x18BE0] =	vst v13  }
0xcb: {  	v13 =	vld [tilespmem:s22+$0xF0];
	[tilespmem:s29+$0x18BF0] =	vst v14  }
0xcc: {  	v14 =	vld [tilespmem:s21+$0x0];
	[tilespmem:s29+$0x18800] =	vst v15  }
0xcd: {  	v15 =	vld [tilespmem:s21+$0x10];
	[tilespmem:s29+$0x18810] =	vst v16  }
0xce: {  	v16 =	vld [tilespmem:s21+$0x20];
	[tilespmem:s29+$0x18820] =	vst v17  }
0xcf: {  	v17 =	vld [tilespmem:s21+$0x30];
	[tilespmem:s29+$0x18830] =	vst v18  }
0xd0: {  	v18 =	vld [tilespmem:s21+$0x40];
	[tilespmem:s29+$0x18840] =	vst v19  }
0xd1: {  	v19 =	vld [tilespmem:s21+$0x50];
	[tilespmem:s29+$0x18850] =	vst v20  }
0xd2: {  	v20 =	vld [tilespmem:s21+$0x60];
	[tilespmem:s29+$0x18860] =	vst v4  }
0xd3: {  	v4 =	vld [tilespmem:s21+$0x70];
	[tilespmem:s29+$0x18870] =	vst v5  }
0xd4: {  	v5 =	vld [tilespmem:s21+$0x80];
	[tilespmem:s29+$0x18C00] =	vst v6  }
0xd5: {  	v6 =	vld [tilespmem:s21+$0x90];
	[tilespmem:s29+$0x18C10] =	vst v7  }
0xd6: {  	v7 =	vld [tilespmem:s21+$0xA0];
	[tilespmem:s29+$0x18C20] =	vst v8  }
0xd7: {  	v8 =	vld [tilespmem:s21+$0xB0];
	[tilespmem:s29+$0x18C30] =	vst v9  }
0xd8: {  	v9 =	vld [tilespmem:s21+$0xC0];
	[tilespmem:s29+$0x18C40] =	vst v10  }
0xd9: {  	v10 =	vld [tilespmem:s21+$0xD0];
	[tilespmem:s29+$0x18C50] =	vst v11  }
0xda: {  	v11 =	vld [tilespmem:s21+$0xE0];
	[tilespmem:s29+$0x18C60] =	vst v12  }
0xdb: {  	v12 =	vld [tilespmem:s21+$0xF0];
	[tilespmem:s29+$0x18C70] =	vst v13  }
0xdc: {  	v13 =	vld [tilespmem:s9+$0x0];
	[tilespmem:s29+$0x18880] =	vst v14  }
0xdd: {  	v14 =	vld [tilespmem:s9+$0x10];
	[tilespmem:s29+$0x18890] =	vst v15  }
0xde: {  	v15 =	vld [tilespmem:s9+$0x20];
	[tilespmem:s29+$0x188A0] =	vst v16  }
0xdf: {  	v16 =	vld [tilespmem:s9+$0x30];
	[tilespmem:s29+$0x188B0] =	vst v17  }
0xe0: {  	v17 =	vld [tilespmem:s9+$0x40];
	[tilespmem:s29+$0x188C0] =	vst v18  }
0xe1: {  	v18 =	vld [tilespmem:s9+$0x50];
	[tilespmem:s29+$0x188D0] =	vst v19  }
0xe2: {  	v19 =	vld [tilespmem:s9+$0x60];
	[tilespmem:s29+$0x188E0] =	vst v20  }
0xe3: {  	v20 =	vld [tilespmem:s9+$0x70];
	[tilespmem:s29+$0x188F0] =	vst v4  }
0xe4: {  	v4 =	vld [tilespmem:s9+$0x80];
	[tilespmem:s29+$0x18C80] =	vst v5  }
0xe5: {  	v5 =	vld [tilespmem:s9+$0x90];
	[tilespmem:s29+$0x18C90] =	vst v6  }
0xe6: {  	v6 =	vld [tilespmem:s9+$0xA0];
	[tilespmem:s29+$0x18CA0] =	vst v7  }
0xe7: {  	v7 =	vld [tilespmem:s9+$0xB0];
	[tilespmem:s29+$0x18CB0] =	vst v8  }
0xe8: {  	v8 =	vld [tilespmem:s9+$0xC0];
	[tilespmem:s29+$0x18CC0] =	vst v9  }
0xe9: {  	v9 =	vld [tilespmem:s9+$0xD0];
	[tilespmem:s29+$0x18CD0] =	vst v10  }
0xea: {  	v10 =	vld [tilespmem:s9+$0xE0];
	[tilespmem:s29+$0x18CE0] =	vst v11  }
0xeb: {  	v11 =	vld [tilespmem:s9+$0xF0];
	[tilespmem:s29+$0x18CF0] =	vst v12  }
0xec: {  	v12 =	vld [tilespmem:s7+$0x0];
	[tilespmem:s29+$0x18D00] =	vst v13  }
0xed: {  	v13 =	vld [tilespmem:s7+$0x10];
	[tilespmem:s29+$0x18D10] =	vst v14  }
0xee: {  	v14 =	vld [tilespmem:s7+$0x20];
	[tilespmem:s29+$0x18D20] =	vst v15  }
0xef: {  	v15 =	vld [tilespmem:s7+$0x30];
	[tilespmem:s29+$0x18D30] =	vst v16  }
0xf0: {  	v16 =	vld [tilespmem:s7+$0x40];
	[tilespmem:s29+$0x18D40] =	vst v17  }
0xf1: {  	v17 =	vld [tilespmem:s7+$0x50];
	[tilespmem:s29+$0x18D50] =	vst v18  }
0xf2: {  	v18 =	vld [tilespmem:s7+$0x60];
	[tilespmem:s29+$0x18D60] =	vst v19  }
0xf3: {  	v19 =	vld [tilespmem:s7+$0x70];
	[tilespmem:s29+$0x18D70] =	vst v20  }
0xf4: {  	v20 =	vld [tilespmem:s7+$0x80];
	[tilespmem:s29+$0x19100] =	vst v4  }
0xf5: {  	v4 =	vld [tilespmem:s7+$0x90];
	[tilespmem:s29+$0x19110] =	vst v5  }
0xf6: {  	v5 =	vld [tilespmem:s7+$0xA0];
	[tilespmem:s29+$0x19120] =	vst v6  }
0xf7: {  	v6 =	vld [tilespmem:s7+$0xB0];
	[tilespmem:s29+$0x19130] =	vst v7  }
0xf8: {  	v7 =	vld [tilespmem:s7+$0xC0];
	[tilespmem:s29+$0x19140] =	vst v8  }
0xf9: {  	v8 =	vld [tilespmem:s7+$0xD0];
	[tilespmem:s29+$0x19150] =	vst v9  }
0xfa: {  	v9 =	vld [tilespmem:s7+$0xE0];
	[tilespmem:s29+$0x19160] =	vst v10  }
0xfb: {  	v10 =	vld [tilespmem:s7+$0xF0];
	[tilespmem:s29+$0x19170] =	vst v11  }
0xfc: {  	v11 =	vld [tilespmem:s6+$0x0];
	[tilespmem:s29+$0x18D80] =	vst v12  }
0xfd: {  	v12 =	vld [tilespmem:s6+$0x10];
	[tilespmem:s29+$0x18D90] =	vst v13  }
0xfe: {  	v13 =	vld [tilespmem:s6+$0x20];
	[tilespmem:s29+$0x18DA0] =	vst v14  }
0xff: {  	v14 =	vld [tilespmem:s6+$0x30];
	[tilespmem:s29+$0x18DB0] =	vst v15  }
0x100: {  	v15 =	vld [tilespmem:s6+$0x40];
	[tilespmem:s29+$0x18DC0] =	vst v16  }
0x101: {  	v16 =	vld [tilespmem:s6+$0x50];
	[tilespmem:s29+$0x18DD0] =	vst v17  }
0x102: {  	v17 =	vld [tilespmem:s6+$0x60];
	[tilespmem:s29+$0x18DE0] =	vst v18  }
0x103: {  	v18 =	vld [tilespmem:s6+$0x70];
	[tilespmem:s29+$0x18DF0] =	vst v19  }
0x104: {  	v19 =	vld [tilespmem:s6+$0x80];
	[tilespmem:s29+$0x19180] =	vst v20  }
0x105: {  	v20 =	vld [tilespmem:s6+$0x90];
	[tilespmem:s29+$0x19190] =	vst v4  }
0x106: {  	v4 =	vld [tilespmem:s6+$0xA0];
	[tilespmem:s29+$0x191A0] =	vst v5  }
0x107: {  	v5 =	vld [tilespmem:s6+$0xB0];
	[tilespmem:s29+$0x191B0] =	vst v6  }
0x108: {  	v6 =	vld [tilespmem:s6+$0xC0];
	[tilespmem:s29+$0x191C0] =	vst v7  }
0x109: {  	v7 =	vld [tilespmem:s6+$0xD0];
	[tilespmem:s29+$0x191D0] =	vst v8  }
0x10a: {  	v8 =	vld [tilespmem:s6+$0xE0];
	[tilespmem:s29+$0x191E0] =	vst v9  }
0x10b: {  	v9 =	vld [tilespmem:s6+$0xF0];
	[tilespmem:s29+$0x191F0] =	vst v10  }
0x10c: {  	v10 =	vld [tilespmem:s11+$0x0];
	[tilespmem:s29+$0x18E00] =	vst v11  }
0x10d: {  	v11 =	vld [tilespmem:s11+$0x10];
	[tilespmem:s29+$0x18E10] =	vst v12  }
0x10e: {  	v12 =	vld [tilespmem:s11+$0x20];
	[tilespmem:s29+$0x18E20] =	vst v13  }
0x10f: {  	v13 =	vld [tilespmem:s11+$0x30];
	[tilespmem:s29+$0x18E30] =	vst v14  }
0x110: {  	v14 =	vld [tilespmem:s11+$0x40];
	[tilespmem:s29+$0x18E40] =	vst v15  }
0x111: {  	v15 =	vld [tilespmem:s11+$0x50];
	[tilespmem:s29+$0x18E50] =	vst v16  }
0x112: {  	v16 =	vld [tilespmem:s11+$0x60];
	[tilespmem:s29+$0x18E60] =	vst v17  }
0x113: {  	v17 =	vld [tilespmem:s11+$0x70];
	[tilespmem:s29+$0x18E70] =	vst v18  }
0x114: {  	v18 =	vld [tilespmem:s11+$0x80];
	[tilespmem:s29+$0x19200] =	vst v19  }
0x115: {  	v19 =	vld [tilespmem:s11+$0x90];
	[tilespmem:s29+$0x19210] =	vst v20  }
0x116: {  	v20 =	vld [tilespmem:s11+$0xA0];
	[tilespmem:s29+$0x19220] =	vst v4  }
0x117: {  	v4 =	vld [tilespmem:s11+$0xB0];
	[tilespmem:s29+$0x19230] =	vst v5  }
0x118: {  	v5 =	vld [tilespmem:s11+$0xC0];
	[tilespmem:s29+$0x19240] =	vst v6  }
0x119: {  	v6 =	vld [tilespmem:s11+$0xD0];
	[tilespmem:s29+$0x19250] =	vst v7  }
0x11a: {  	v7 =	vld [tilespmem:s11+$0xE0];
	[tilespmem:s29+$0x19260] =	vst v8  }
0x11b: {  	v8 =	vld [tilespmem:s11+$0xF0];
	[tilespmem:s29+$0x19270] =	vst v9  }
0x11c: {  	v9 =	vld [tilespmem:s0+$0x0];
	[tilespmem:s29+$0x18E80] =	vst v10  }
0x11d: {  	v10 =	vld [tilespmem:s0+$0x10];
	[tilespmem:s29+$0x18E90] =	vst v11  }
0x11e: {  	v11 =	vld [tilespmem:s0+$0x20];
	[tilespmem:s29+$0x18EA0] =	vst v12  }
0x11f: {  	v12 =	vld [tilespmem:s0+$0x30];
	[tilespmem:s29+$0x18EB0] =	vst v13  }
0x120: {  	v13 =	vld [tilespmem:s0+$0x40];
	[tilespmem:s29+$0x18EC0] =	vst v14  }
0x121: {  	v14 =	vld [tilespmem:s0+$0x50];
	[tilespmem:s29+$0x18ED0] =	vst v15  }
0x122: {  	v15 =	vld [tilespmem:s0+$0x60];
	[tilespmem:s29+$0x18EE0] =	vst v16  }
0x123: {  	v16 =	vld [tilespmem:s0+$0x70];
	[tilespmem:s29+$0x18EF0] =	vst v17  }
0x124: {  	v17 =	vld [tilespmem:s0+$0x80];
	[tilespmem:s29+$0x19280] =	vst v18  }
0x125: {  	v18 =	vld [tilespmem:s0+$0x90];
	[tilespmem:s29+$0x19290] =	vst v19  }
0x126: {  	v19 =	vld [tilespmem:s0+$0xA0];
	[tilespmem:s29+$0x192A0] =	vst v20  }
0x127: {  	v20 =	vld [tilespmem:s0+$0xB0];
	[tilespmem:s29+$0x192B0] =	vst v4  }
0x128: {  	v4 =	vld [tilespmem:s0+$0xC0];
	[tilespmem:s29+$0x192C0] =	vst v5  }
0x129: {  	v5 =	vld [tilespmem:s0+$0xD0];
	[tilespmem:s29+$0x192D0] =	vst v6  }
0x12a: {  	v6 =	vld [tilespmem:s0+$0xE0];
	[tilespmem:s29+$0x192E0] =	vst v7  }
0x12b: {  	v7 =	vld [tilespmem:s0+$0xF0];
	[tilespmem:s29+$0x192F0] =	vst v8  }
0x12c: {  	v8 =	vld [tilespmem:s1+$0x0];
	[tilespmem:s29+$0x18F00] =	vst v9  }
0x12d: {  	v9 =	vld [tilespmem:s1+$0x10];
	[tilespmem:s29+$0x18F10] =	vst v10  }
0x12e: {  	v10 =	vld [tilespmem:s1+$0x20];
	[tilespmem:s29+$0x18F20] =	vst v11  }
0x12f: {  	v11 =	vld [tilespmem:s1+$0x30];
	[tilespmem:s29+$0x18F30] =	vst v12  }
0x130: {  	v12 =	vld [tilespmem:s1+$0x40];
	[tilespmem:s29+$0x18F40] =	vst v13  }
0x131: {  	v13 =	vld [tilespmem:s1+$0x50];
	[tilespmem:s29+$0x18F50] =	vst v14  }
0x132: {  	v14 =	vld [tilespmem:s1+$0x60];
	[tilespmem:s29+$0x18F60] =	vst v15  }
0x133: {  	v15 =	vld [tilespmem:s1+$0x70];
	[tilespmem:s29+$0x18F70] =	vst v16  }
0x134: {  	v16 =	vld [tilespmem:s1+$0x80];
	[tilespmem:s29+$0x19300] =	vst v17  }
0x135: {  	v17 =	vld [tilespmem:s1+$0x90];
	[tilespmem:s29+$0x19310] =	vst v18  }
0x136: {  	v18 =	vld [tilespmem:s1+$0xA0];
	[tilespmem:s29+$0x19320] =	vst v19  }
0x137: {  	v19 =	vld [tilespmem:s1+$0xB0];
	[tilespmem:s29+$0x19330] =	vst v20  }
0x138: {  	v20 =	vld [tilespmem:s1+$0xC0];
	[tilespmem:s29+$0x19340] =	vst v4  }
0x139: {  	v4 =	vld [tilespmem:s1+$0xD0];
	[tilespmem:s29+$0x19350] =	vst v5  }
0x13a: {  	v5 =	vld [tilespmem:s1+$0xE0];
	[tilespmem:s29+$0x19360] =	vst v6  }
0x13b: {  	v6 =	vld [tilespmem:s1+$0xF0];
	[tilespmem:s29+$0x19370] =	vst v7  }
0x13c: {  	v7 =	vld [tilespmem:s31+$0x0];
	[tilespmem:s29+$0x18F80] =	vst v8  }
0x13d: {  	v8 =	vld [tilespmem:s31+$0x10];
	[tilespmem:s29+$0x18F90] =	vst v9  }
0x13e: {  	v9 =	vld [tilespmem:s31+$0x20];
	[tilespmem:s29+$0x18FA0] =	vst v10  }
0x13f: {  	v10 =	vld [tilespmem:s31+$0x30];
	[tilespmem:s29+$0x18FB0] =	vst v11  }
0x140: {  	v11 =	vld [tilespmem:s31+$0x40];
	[tilespmem:s29+$0x18FC0] =	vst v12  }
0x141: {  	v12 =	vld [tilespmem:s31+$0x50];
	[tilespmem:s29+$0x18FD0] =	vst v13  }
0x142: {  	v13 =	vld [tilespmem:s31+$0x60];
	[tilespmem:s29+$0x18FE0] =	vst v14  }
0x143: {  	v14 =	vld [tilespmem:s31+$0x70];
	[tilespmem:s29+$0x18FF0] =	vst v15  }
0x144: {  	v15 =	vld [tilespmem:s31+$0x80];
	[tilespmem:s29+$0x19380] =	vst v16  }
0x145: {  	v16 =	vld [tilespmem:s31+$0x90];
	[tilespmem:s29+$0x19390] =	vst v17  }
0x146: {  	v17 =	vld [tilespmem:s31+$0xA0];
	[tilespmem:s29+$0x193A0] =	vst v18  }
0x147: {  	v18 =	vld [tilespmem:s31+$0xB0];
	[tilespmem:s29+$0x193B0] =	vst v19  }
0x148: {  	v19 =	vld [tilespmem:s31+$0xC0];
	[tilespmem:s29+$0x193C0] =	vst v20  }
0x149: {  	v20 =	vld [tilespmem:s31+$0xD0];
	[tilespmem:s29+$0x193D0] =	vst v4  }
0x14a: {  	v4 =	vld [tilespmem:s31+$0xE0];
	[tilespmem:s29+$0x193E0] =	vst v5  }
0x14b: {  	v5 =	vld [tilespmem:s31+$0xF0];
	[tilespmem:s29+$0x193F0] =	vst v6  }
0x14c: {  	v6 =	vld [tilespmem:s30+$0x0];
	[tilespmem:s29+$0x19000] =	vst v7  }
0x14d: {  	v7 =	vld [tilespmem:s30+$0x10];
	[tilespmem:s29+$0x19010] =	vst v8  }
0x14e: {  	v8 =	vld [tilespmem:s30+$0x20];
	[tilespmem:s29+$0x19020] =	vst v9  }
0x14f: {  	v9 =	vld [tilespmem:s30+$0x30];
	[tilespmem:s29+$0x19030] =	vst v10  }
0x150: {  	v10 =	vld [tilespmem:s30+$0x40];
	[tilespmem:s29+$0x19040] =	vst v11  }
0x151: {  	v11 =	vld [tilespmem:s30+$0x50];
	[tilespmem:s29+$0x19050] =	vst v12  }
0x152: {  	v12 =	vld [tilespmem:s30+$0x60];
	[tilespmem:s29+$0x19060] =	vst v13  }
0x153: {  	v13 =	vld [tilespmem:s30+$0x70];
	[tilespmem:s29+$0x19070] =	vst v14  }
0x154: {  	v14 =	vld [tilespmem:s30+$0x80];
	[tilespmem:s29+$0x19400] =	vst v15  }
0x155: {  	v15 =	vld [tilespmem:s30+$0x90];
	[tilespmem:s29+$0x19410] =	vst v16  }
0x156: {  	v16 =	vld [tilespmem:s30+$0xA0];
	[tilespmem:s29+$0x19420] =	vst v17  }
0x157: {  	v17 =	vld [tilespmem:s30+$0xB0];
	[tilespmem:s29+$0x19430] =	vst v18  }
0x158: {  	v18 =	vld [tilespmem:s30+$0xC0];
	[tilespmem:s29+$0x19440] =	vst v19  }
0x159: {  	v19 =	vld [tilespmem:s30+$0xD0];
	[tilespmem:s29+$0x19450] =	vst v20  }
0x15a: {  	v20 =	vld [tilespmem:s30+$0xE0];
	[tilespmem:s29+$0x19460] =	vst v4  }
0x15b: {  	v4 =	vld [tilespmem:s30+$0xF0];
	[tilespmem:s29+$0x19470] =	vst v5  }
0x15c: {  	[tilespmem:s29+$0x19080] =	vst v6  }
0x15d: {  	[tilespmem:s29+$0x19090] =	vst v7  }
0x15e: {  	[tilespmem:s29+$0x190A0] =	vst v8  }
0x15f: {  	[tilespmem:s29+$0x190B0] =	vst v9  }
0x160: {  	[tilespmem:s29+$0x190C0] =	vst v10  }
0x161: {  	[tilespmem:s29+$0x190D0] =	vst v11  }
0x162: {  	[tilespmem:s29+$0x190E0] =	vst v12  }
0x163: {  	[tilespmem:s29+$0x190F0] =	vst v13  }
0x164: {  	[tilespmem:s29+$0x19480] =	vst v14  }
0x165: {  	[tilespmem:s29+$0x19490] =	vst v15  }
0x166: {  	p2 =	por p1, p1;
	[tilespmem:s29+$0x194A0] =	vst v16  }
.Ltmp4:
0x167: {  	[tilespmem:s29+$0x194B0] =	vst v17;
	(pc) =	sbr.rel @p2 .LBB2_3-.Ltmp4, $4  }
0x168: {  	[tilespmem:s29+$0x194C0] =	vst v18  }
0x169: {  	[tilespmem:s29+$0x194D0] =	vst v19  }
0x16a: {  	[tilespmem:s29+$0x194E0] =	vst v20  }
0x16b: {  	p1 =	por $0x0, $0x0;
	[tilespmem:s29+$0x194F0] =	vst v4;
	s29 =	simm.s32 $0x1  }
0x16c: {  	s0 =	sshll.u32 s25, $0xE  }
0x16d: {  	s0 =	sadd.s32 s8, s0  }
0x16e: {  	s0 =	sshrl.u32 s0, $0x3  }
0x16f: {  	s1 =	simm.s32 $0x18500;
	s0 =	sadd.s32 s3, s0  }
0x170: {  	[hbm4b:s0+s4] =	stream.linear.scatter [tilespmem:s1], [sflag:$0x3], $0x2000, $0x38;
	[tilespmem:$0x1E500] =	vst v63  }
0x171: {  	s31 =	sadd.s32 s5, s28;
	_ =	swait.ge [sflag:s15], $0x1000  }
0x172: {  	s0 =	sshll.u32 s31, $0x5;
	[sflag:s15] =	ssyncset.done $0x0  }
0x173: {  	s0 =	sadd.s32 s3, s0;
	[sflag:s15] =	ssyncadd.s32 $0xFFFFF000  }
0x174: {  	[hbm4b:s0+s4] =	stream.linear.scatter [tilespmem:s12], [sflag:$0x5], $0x1000, $0x38;
	[tilespmem:$0x1E500] =	vst v63  }
0x175: {  	s0 =	simm.s32 @!p0 $0x6  }
0x176: {  	_ =	swait.ge @!p0 [sflag:s0], $0x1000  }
0x177: {  	s28 =	sor.u32 $0x1, s26;
	[sflag:s0] =	ssyncset.done @!p0 $0x0  }
0x178: {  	s26 =	sshll.u32 s28, $0x4;
	[sflag:s0] =	ssyncadd.s32 @!p0 $0xFFFFF000  }
0x179: {  	v3 =	vld [tilespmem:s26+$0x17CA0];
	_ =	sdelay $0x4  }
0x17a: {  	v4 =	vshll.u32 v3, $0x1  }
0x17b: {  	v3 =	vand.u32 $0x7, v3;
	v4 =	vand.u32 $0xFFFFFFF0, v4  }
0x17c: {  	v3 =	vor.u32 v3, v4  }
0x17d: {  	v4 =	vperm.xlane v3, v0;
	_ =	sdelay $0x1  }
0x17e: {  	v3 =	vperm.xlane v3, v2;
	v4 =	vadd.s32 v1, v4  }
0x17f: {  	p1 =	sgt.u32 @!p0 s28, $0x84  }
0x180: {  	p0 =	por p0, p1;
	v3 =	vadd.s32 v1, v3  }
.Ltmp5:
0x181: {  	_ = 	snop;
	(pc) =	sbr.rel @p0 .LBB2_6-.Ltmp5, $4  }
0x182: {  	_ = 	snop  }
0x183: {  	[tilespmem:s16], [sflag:$0x2] =	stream.indirect_vreg.gather [hbm4b:s2+s4], $0x80, v4, vm0, $0xb8;
	[tilespmem:$0x1E500] =	vst v63  }
0x184: {  	_ = 	snop  }
0x185: {  	[tilespmem:s17], [sflag:$0x2] =	stream.indirect_vreg.gather [hbm4b:s2+s4], $0x80, v3, vm0, $0xb8;
	[tilespmem:$0x1E500] =	vst v63  }
0x186: {  	_ =	swait.ge [sflag:s18], $0x2000  }
0x187: {  	[sflag:s18] =	ssyncset.done $0x0  }
0x188: {  	[sflag:s18] =	ssyncadd.s32 $0xFFFFE000  }
.LBB2_7:
0x189: {  	s0 =	sshll.u32 s28, $0x5  }
0x18a: {  	s0 =	sand.u32 $0x3FFFFFE0, s0  }
0x18b: {  	s0 =	sadd.s32 $0x16C00, s0  }
0x18c: {  	v3 =	vmov s0;
	_ =	sdelay $0x1  }
0x18d: {  	s29 =	simm.s32 $0x0;
	p0 =	por $0x1, $0x1  }
.LBB2_8:
0x18e: {  	s0 =	sshll.u32 s29, $0x4  }
0x18f: {  	s0 =	sand.u32 $0x3FFFFFF0, s0  }
0x190: {  	v4 =	vld.idx.msk [tilespmem:v3+s0+$0x0 ss:$0x1], $0xffff;
	_ =	sdelay $0x4  }
0x191: {  	v4 =	vshll.u32 v4, $0x8  }
0x192: {  	(v2sf) =	vpush v4, $0x0  }
0x193: {  	(v2sf) =	vpush v4, $0x1  }
0x194: {  	(v2sf) =	vpush v4, $0x2  }
0x195: {  	(v2sf) =	vpush v4, $0x3  }
0x196: {  	(v2sf) =	vpush v4, $0x4  }
0x197: {  	(v2sf) =	vpush v4, $0x5  }
0x198: {  	(v2sf) =	vpush v4, $0x6  }
0x199: {  	(v2sf) =	vpush v4, $0x7  }
0x19a: {  	(v2sf) =	vpush v4, $0x8  }
0x19b: {  	(v2sf) =	vpush v4, $0x9  }
0x19c: {  	(v2sf) =	vpush v4, $0xA  }
0x19d: {  	(v2sf) =	vpush v4, $0xB  }
0x19e: {  	(v2sf) =	vpush v4, $0xC  }
0x19f: {  	(v2sf) =	vpush v4, $0xD  }
0x1a0: {  	(v2sf) =	vpush v4, $0xE  }
0x1a1: {  	s14 =	spop (v2sf);
	(v2sf) =	vpush v4, $0xF  }
0x1a2: {  	s13 =	spop (v2sf)  }
0x1a3: {  	s19 =	spop (v2sf)  }
0x1a4: {  	s24 =	spop (v2sf)  }
0x1a5: {  	v4 =	vld [tilespmem:s14+$0x0];
	s10 =	spop (v2sf)  }
0x1a6: {  	v5 =	vld [tilespmem:s14+$0x10];
	s23 =	spop (v2sf)  }
0x1a7: {  	v6 =	vld [tilespmem:s14+$0x20];
	s22 =	spop (v2sf)  }
0x1a8: {  	v7 =	vld [tilespmem:s14+$0x30];
	s21 =	spop (v2sf)  }
0x1a9: {  	v8 =	vld [tilespmem:s14+$0x40];
	s9 =	spop (v2sf)  }
0x1aa: {  	v9 =	vld [tilespmem:s14+$0x50];
	s7 =	spop (v2sf)  }
0x1ab: {  	v10 =	vld [tilespmem:s14+$0x60];
	s6 =	spop (v2sf)  }
0x1ac: {  	v11 =	vld [tilespmem:s14+$0x70];
	s11 =	spop (v2sf)  }
0x1ad: {  	v12 =	vld [tilespmem:s14+$0x80];
	s0 =	spop (v2sf)  }
0x1ae: {  	v13 =	vld [tilespmem:s14+$0x90];
	s1 =	spop (v2sf)  }
0x1af: {  	v14 =	vld [tilespmem:s14+$0xA0];
	s31 =	spop (v2sf)  }
0x1b0: {  	v15 =	vld [tilespmem:s14+$0xB0];
	s30 =	spop (v2sf)  }
0x1b1: {  	v16 =	vld [tilespmem:s14+$0xC0]  }
0x1b2: {  	v17 =	vld [tilespmem:s14+$0xD0]  }
0x1b3: {  	v18 =	vld [tilespmem:s14+$0xE0]  }
0x1b4: {  	v19 =	vld [tilespmem:s14+$0xF0];
	s14 =	sshll.u32 s29, $0xC  }
0x1b5: {  	s29 =	sand.u32 $0x3FFFF000, s14  }
0x1b6: {  	v20 =	vld [tilespmem:s13+$0x0];
	[tilespmem:s29+$0x1A500] =	vst v4  }
0x1b7: {  	v4 =	vld [tilespmem:s13+$0x10];
	[tilespmem:s29+$0x1A510] =	vst v5  }
0x1b8: {  	v5 =	vld [tilespmem:s13+$0x20];
	[tilespmem:s29+$0x1A520] =	vst v6  }
0x1b9: {  	v6 =	vld [tilespmem:s13+$0x30];
	[tilespmem:s29+$0x1A530] =	vst v7  }
0x1ba: {  	v7 =	vld [tilespmem:s13+$0x40];
	[tilespmem:s29+$0x1A540] =	vst v8  }
0x1bb: {  	v8 =	vld [tilespmem:s13+$0x50];
	[tilespmem:s29+$0x1A550] =	vst v9  }
0x1bc: {  	v9 =	vld [tilespmem:s13+$0x60];
	[tilespmem:s29+$0x1A560] =	vst v10  }
0x1bd: {  	v10 =	vld [tilespmem:s13+$0x70];
	[tilespmem:s29+$0x1A570] =	vst v11  }
0x1be: {  	v11 =	vld [tilespmem:s13+$0x80];
	[tilespmem:s29+$0x1A900] =	vst v12  }
0x1bf: {  	v12 =	vld [tilespmem:s13+$0x90];
	[tilespmem:s29+$0x1A910] =	vst v13  }
0x1c0: {  	v13 =	vld [tilespmem:s13+$0xA0];
	[tilespmem:s29+$0x1A920] =	vst v14  }
0x1c1: {  	v14 =	vld [tilespmem:s13+$0xB0];
	[tilespmem:s29+$0x1A930] =	vst v15  }
0x1c2: {  	v15 =	vld [tilespmem:s13+$0xC0];
	[tilespmem:s29+$0x1A940] =	vst v16  }
0x1c3: {  	v16 =	vld [tilespmem:s13+$0xD0];
	[tilespmem:s29+$0x1A950] =	vst v17  }
0x1c4: {  	v17 =	vld [tilespmem:s13+$0xE0];
	[tilespmem:s29+$0x1A960] =	vst v18  }
0x1c5: {  	v18 =	vld [tilespmem:s13+$0xF0];
	[tilespmem:s29+$0x1A970] =	vst v19  }
0x1c6: {  	v19 =	vld [tilespmem:s19+$0x0];
	[tilespmem:s29+$0x1A580] =	vst v20  }
0x1c7: {  	v20 =	vld [tilespmem:s19+$0x10];
	[tilespmem:s29+$0x1A590] =	vst v4  }
0x1c8: {  	v4 =	vld [tilespmem:s19+$0x20];
	[tilespmem:s29+$0x1A5A0] =	vst v5  }
0x1c9: {  	v5 =	vld [tilespmem:s19+$0x30];
	[tilespmem:s29+$0x1A5B0] =	vst v6  }
0x1ca: {  	v6 =	vld [tilespmem:s19+$0x40];
	[tilespmem:s29+$0x1A5C0] =	vst v7  }
0x1cb: {  	v7 =	vld [tilespmem:s19+$0x50];
	[tilespmem:s29+$0x1A5D0] =	vst v8  }
0x1cc: {  	v8 =	vld [tilespmem:s19+$0x60];
	[tilespmem:s29+$0x1A5E0] =	vst v9  }
0x1cd: {  	v9 =	vld [tilespmem:s19+$0x70];
	[tilespmem:s29+$0x1A5F0] =	vst v10  }
0x1ce: {  	v10 =	vld [tilespmem:s19+$0x80];
	[tilespmem:s29+$0x1A980] =	vst v11  }
0x1cf: {  	v11 =	vld [tilespmem:s19+$0x90];
	[tilespmem:s29+$0x1A990] =	vst v12  }
0x1d0: {  	v12 =	vld [tilespmem:s19+$0xA0];
	[tilespmem:s29+$0x1A9A0] =	vst v13  }
0x1d1: {  	v13 =	vld [tilespmem:s19+$0xB0];
	[tilespmem:s29+$0x1A9B0] =	vst v14  }
0x1d2: {  	v14 =	vld [tilespmem:s19+$0xC0];
	[tilespmem:s29+$0x1A9C0] =	vst v15  }
0x1d3: {  	v15 =	vld [tilespmem:s19+$0xD0];
	[tilespmem:s29+$0x1A9D0] =	vst v16  }
0x1d4: {  	v16 =	vld [tilespmem:s19+$0xE0];
	[tilespmem:s29+$0x1A9E0] =	vst v17  }
0x1d5: {  	v17 =	vld [tilespmem:s19+$0xF0];
	[tilespmem:s29+$0x1A9F0] =	vst v18  }
0x1d6: {  	v18 =	vld [tilespmem:s24+$0x0];
	[tilespmem:s29+$0x1A600] =	vst v19  }
0x1d7: {  	v19 =	vld [tilespmem:s24+$0x10];
	[tilespmem:s29+$0x1A610] =	vst v20  }
0x1d8: {  	v20 =	vld [tilespmem:s24+$0x20];
	[tilespmem:s29+$0x1A620] =	vst v4  }
0x1d9: {  	v4 =	vld [tilespmem:s24+$0x30];
	[tilespmem:s29+$0x1A630] =	vst v5  }
0x1da: {  	v5 =	vld [tilespmem:s24+$0x40];
	[tilespmem:s29+$0x1A640] =	vst v6  }
0x1db: {  	v6 =	vld [tilespmem:s24+$0x50];
	[tilespmem:s29+$0x1A650] =	vst v7  }
0x1dc: {  	v7 =	vld [tilespmem:s24+$0x60];
	[tilespmem:s29+$0x1A660] =	vst v8  }
0x1dd: {  	v8 =	vld [tilespmem:s24+$0x70];
	[tilespmem:s29+$0x1A670] =	vst v9  }
0x1de: {  	v9 =	vld [tilespmem:s24+$0x80];
	[tilespmem:s29+$0x1AA00] =	vst v10  }
0x1df: {  	v10 =	vld [tilespmem:s24+$0x90];
	[tilespmem:s29+$0x1AA10] =	vst v11  }
0x1e0: {  	v11 =	vld [tilespmem:s24+$0xA0];
	[tilespmem:s29+$0x1AA20] =	vst v12  }
0x1e1: {  	v12 =	vld [tilespmem:s24+$0xB0];
	[tilespmem:s29+$0x1AA30] =	vst v13  }
0x1e2: {  	v13 =	vld [tilespmem:s24+$0xC0];
	[tilespmem:s29+$0x1AA40] =	vst v14  }
0x1e3: {  	v14 =	vld [tilespmem:s24+$0xD0];
	[tilespmem:s29+$0x1AA50] =	vst v15  }
0x1e4: {  	v15 =	vld [tilespmem:s24+$0xE0];
	[tilespmem:s29+$0x1AA60] =	vst v16  }
0x1e5: {  	v16 =	vld [tilespmem:s24+$0xF0];
	[tilespmem:s29+$0x1AA70] =	vst v17  }
0x1e6: {  	v17 =	vld [tilespmem:s10+$0x0];
	[tilespmem:s29+$0x1A680] =	vst v18  }
0x1e7: {  	v18 =	vld [tilespmem:s10+$0x10];
	[tilespmem:s29+$0x1A690] =	vst v19  }
0x1e8: {  	v19 =	vld [tilespmem:s10+$0x20];
	[tilespmem:s29+$0x1A6A0] =	vst v20  }
0x1e9: {  	v20 =	vld [tilespmem:s10+$0x30];
	[tilespmem:s29+$0x1A6B0] =	vst v4  }
0x1ea: {  	v4 =	vld [tilespmem:s10+$0x40];
	[tilespmem:s29+$0x1A6C0] =	vst v5  }
0x1eb: {  	v5 =	vld [tilespmem:s10+$0x50];
	[tilespmem:s29+$0x1A6D0] =	vst v6  }
0x1ec: {  	v6 =	vld [tilespmem:s10+$0x60];
	[tilespmem:s29+$0x1A6E0] =	vst v7  }
0x1ed: {  	v7 =	vld [tilespmem:s10+$0x70];
	[tilespmem:s29+$0x1A6F0] =	vst v8  }
0x1ee: {  	v8 =	vld [tilespmem:s10+$0x80];
	[tilespmem:s29+$0x1AA80] =	vst v9  }
0x1ef: {  	v9 =	vld [tilespmem:s10+$0x90];
	[tilespmem:s29+$0x1AA90] =	vst v10  }
0x1f0: {  	v10 =	vld [tilespmem:s10+$0xA0];
	[tilespmem:s29+$0x1AAA0] =	vst v11  }
0x1f1: {  	v11 =	vld [tilespmem:s10+$0xB0];
	[tilespmem:s29+$0x1AAB0] =	vst v12  }
0x1f2: {  	v12 =	vld [tilespmem:s10+$0xC0];
	[tilespmem:s29+$0x1AAC0] =	vst v13  }
0x1f3: {  	v13 =	vld [tilespmem:s10+$0xD0];
	[tilespmem:s29+$0x1AAD0] =	vst v14  }
0x1f4: {  	v14 =	vld [tilespmem:s10+$0xE0];
	[tilespmem:s29+$0x1AAE0] =	vst v15  }
0x1f5: {  	v15 =	vld [tilespmem:s10+$0xF0];
	[tilespmem:s29+$0x1AAF0] =	vst v16  }
0x1f6: {  	v16 =	vld [tilespmem:s23+$0x0];
	[tilespmem:s29+$0x1A700] =	vst v17  }
0x1f7: {  	v17 =	vld [tilespmem:s23+$0x10];
	[tilespmem:s29+$0x1A710] =	vst v18  }
0x1f8: {  	v18 =	vld [tilespmem:s23+$0x20];
	[tilespmem:s29+$0x1A720] =	vst v19  }
0x1f9: {  	v19 =	vld [tilespmem:s23+$0x30];
	[tilespmem:s29+$0x1A730] =	vst v20  }
0x1fa: {  	v20 =	vld [tilespmem:s23+$0x40];
	[tilespmem:s29+$0x1A740] =	vst v4  }
0x1fb: {  	v4 =	vld [tilespmem:s23+$0x50];
	[tilespmem:s29+$0x1A750] =	vst v5  }
0x1fc: {  	v5 =	vld [tilespmem:s23+$0x60];
	[tilespmem:s29+$0x1A760] =	vst v6  }
0x1fd: {  	v6 =	vld [tilespmem:s23+$0x70];
	[tilespmem:s29+$0x1A770] =	vst v7  }
0x1fe: {  	v7 =	vld [tilespmem:s23+$0x80];
	[tilespmem:s29+$0x1AB00] =	vst v8  }
0x1ff: {  	v8 =	vld [tilespmem:s23+$0x90];
	[tilespmem:s29+$0x1AB10] =	vst v9  }
0x200: {  	v9 =	vld [tilespmem:s23+$0xA0];
	[tilespmem:s29+$0x1AB20] =	vst v10  }
0x201: {  	v10 =	vld [tilespmem:s23+$0xB0];
	[tilespmem:s29+$0x1AB30] =	vst v11  }
0x202: {  	v11 =	vld [tilespmem:s23+$0xC0];
	[tilespmem:s29+$0x1AB40] =	vst v12  }
0x203: {  	v12 =	vld [tilespmem:s23+$0xD0];
	[tilespmem:s29+$0x1AB50] =	vst v13  }
0x204: {  	v13 =	vld [tilespmem:s23+$0xE0];
	[tilespmem:s29+$0x1AB60] =	vst v14  }
0x205: {  	v14 =	vld [tilespmem:s23+$0xF0];
	[tilespmem:s29+$0x1AB70] =	vst v15  }
0x206: {  	v15 =	vld [tilespmem:s22+$0x0];
	[tilespmem:s29+$0x1A780] =	vst v16  }
0x207: {  	v16 =	vld [tilespmem:s22+$0x10];
	[tilespmem:s29+$0x1A790] =	vst v17  }
0x208: {  	v17 =	vld [tilespmem:s22+$0x20];
	[tilespmem:s29+$0x1A7A0] =	vst v18  }
0x209: {  	v18 =	vld [tilespmem:s22+$0x30];
	[tilespmem:s29+$0x1A7B0] =	vst v19  }
0x20a: {  	v19 =	vld [tilespmem:s22+$0x40];
	[tilespmem:s29+$0x1A7C0] =	vst v20  }
0x20b: {  	v20 =	vld [tilespmem:s22+$0x50];
	[tilespmem:s29+$0x1A7D0] =	vst v4  }
0x20c: {  	v4 =	vld [tilespmem:s22+$0x60];
	[tilespmem:s29+$0x1A7E0] =	vst v5  }
0x20d: {  	v5 =	vld [tilespmem:s22+$0x70];
	[tilespmem:s29+$0x1A7F0] =	vst v6  }
0x20e: {  	v6 =	vld [tilespmem:s22+$0x80];
	[tilespmem:s29+$0x1AB80] =	vst v7  }
0x20f: {  	v7 =	vld [tilespmem:s22+$0x90];
	[tilespmem:s29+$0x1AB90] =	vst v8  }
0x210: {  	v8 =	vld [tilespmem:s22+$0xA0];
	[tilespmem:s29+$0x1ABA0] =	vst v9  }
0x211: {  	v9 =	vld [tilespmem:s22+$0xB0];
	[tilespmem:s29+$0x1ABB0] =	vst v10  }
0x212: {  	v10 =	vld [tilespmem:s22+$0xC0];
	[tilespmem:s29+$0x1ABC0] =	vst v11  }
0x213: {  	v11 =	vld [tilespmem:s22+$0xD0];
	[tilespmem:s29+$0x1ABD0] =	vst v12  }
0x214: {  	v12 =	vld [tilespmem:s22+$0xE0];
	[tilespmem:s29+$0x1ABE0] =	vst v13  }
0x215: {  	v13 =	vld [tilespmem:s22+$0xF0];
	[tilespmem:s29+$0x1ABF0] =	vst v14  }
0x216: {  	v14 =	vld [tilespmem:s21+$0x0];
	[tilespmem:s29+$0x1A800] =	vst v15  }
0x217: {  	v15 =	vld [tilespmem:s21+$0x10];
	[tilespmem:s29+$0x1A810] =	vst v16  }
0x218: {  	v16 =	vld [tilespmem:s21+$0x20];
	[tilespmem:s29+$0x1A820] =	vst v17  }
0x219: {  	v17 =	vld [tilespmem:s21+$0x30];
	[tilespmem:s29+$0x1A830] =	vst v18  }
0x21a: {  	v18 =	vld [tilespmem:s21+$0x40];
	[tilespmem:s29+$0x1A840] =	vst v19  }
0x21b: {  	v19 =	vld [tilespmem:s21+$0x50];
	[tilespmem:s29+$0x1A850] =	vst v20  }
0x21c: {  	v20 =	vld [tilespmem:s21+$0x60];
	[tilespmem:s29+$0x1A860] =	vst v4  }
0x21d: {  	v4 =	vld [tilespmem:s21+$0x70];
	[tilespmem:s29+$0x1A870] =	vst v5  }
0x21e: {  	v5 =	vld [tilespmem:s21+$0x80];
	[tilespmem:s29+$0x1AC00] =	vst v6  }
0x21f: {  	v6 =	vld [tilespmem:s21+$0x90];
	[tilespmem:s29+$0x1AC10] =	vst v7  }
0x220: {  	v7 =	vld [tilespmem:s21+$0xA0];
	[tilespmem:s29+$0x1AC20] =	vst v8  }
0x221: {  	v8 =	vld [tilespmem:s21+$0xB0];
	[tilespmem:s29+$0x1AC30] =	vst v9  }
0x222: {  	v9 =	vld [tilespmem:s21+$0xC0];
	[tilespmem:s29+$0x1AC40] =	vst v10  }
0x223: {  	v10 =	vld [tilespmem:s21+$0xD0];
	[tilespmem:s29+$0x1AC50] =	vst v11  }
0x224: {  	v11 =	vld [tilespmem:s21+$0xE0];
	[tilespmem:s29+$0x1AC60] =	vst v12  }
0x225: {  	v12 =	vld [tilespmem:s21+$0xF0];
	[tilespmem:s29+$0x1AC70] =	vst v13  }
0x226: {  	v13 =	vld [tilespmem:s9+$0x0];
	[tilespmem:s29+$0x1A880] =	vst v14  }
0x227: {  	v14 =	vld [tilespmem:s9+$0x10];
	[tilespmem:s29+$0x1A890] =	vst v15  }
0x228: {  	v15 =	vld [tilespmem:s9+$0x20];
	[tilespmem:s29+$0x1A8A0] =	vst v16  }
0x229: {  	v16 =	vld [tilespmem:s9+$0x30];
	[tilespmem:s29+$0x1A8B0] =	vst v17  }
0x22a: {  	v17 =	vld [tilespmem:s9+$0x40];
	[tilespmem:s29+$0x1A8C0] =	vst v18  }
0x22b: {  	v18 =	vld [tilespmem:s9+$0x50];
	[tilespmem:s29+$0x1A8D0] =	vst v19  }
0x22c: {  	v19 =	vld [tilespmem:s9+$0x60];
	[tilespmem:s29+$0x1A8E0] =	vst v20  }
0x22d: {  	v20 =	vld [tilespmem:s9+$0x70];
	[tilespmem:s29+$0x1A8F0] =	vst v4  }
0x22e: {  	v4 =	vld [tilespmem:s9+$0x80];
	[tilespmem:s29+$0x1AC80] =	vst v5  }
0x22f: {  	v5 =	vld [tilespmem:s9+$0x90];
	[tilespmem:s29+$0x1AC90] =	vst v6  }
0x230: {  	v6 =	vld [tilespmem:s9+$0xA0];
	[tilespmem:s29+$0x1ACA0] =	vst v7  }
0x231: {  	v7 =	vld [tilespmem:s9+$0xB0];
	[tilespmem:s29+$0x1ACB0] =	vst v8  }
0x232: {  	v8 =	vld [tilespmem:s9+$0xC0];
	[tilespmem:s29+$0x1ACC0] =	vst v9  }
0x233: {  	v9 =	vld [tilespmem:s9+$0xD0];
	[tilespmem:s29+$0x1ACD0] =	vst v10  }
0x234: {  	v10 =	vld [tilespmem:s9+$0xE0];
	[tilespmem:s29+$0x1ACE0] =	vst v11  }
0x235: {  	v11 =	vld [tilespmem:s9+$0xF0];
	[tilespmem:s29+$0x1ACF0] =	vst v12  }
0x236: {  	v12 =	vld [tilespmem:s7+$0x0];
	[tilespmem:s29+$0x1AD00] =	vst v13  }
0x237: {  	v13 =	vld [tilespmem:s7+$0x10];
	[tilespmem:s29+$0x1AD10] =	vst v14  }
0x238: {  	v14 =	vld [tilespmem:s7+$0x20];
	[tilespmem:s29+$0x1AD20] =	vst v15  }
0x239: {  	v15 =	vld [tilespmem:s7+$0x30];
	[tilespmem:s29+$0x1AD30] =	vst v16  }
0x23a: {  	v16 =	vld [tilespmem:s7+$0x40];
	[tilespmem:s29+$0x1AD40] =	vst v17  }
0x23b: {  	v17 =	vld [tilespmem:s7+$0x50];
	[tilespmem:s29+$0x1AD50] =	vst v18  }
0x23c: {  	v18 =	vld [tilespmem:s7+$0x60];
	[tilespmem:s29+$0x1AD60] =	vst v19  }
0x23d: {  	v19 =	vld [tilespmem:s7+$0x70];
	[tilespmem:s29+$0x1AD70] =	vst v20  }
0x23e: {  	v20 =	vld [tilespmem:s7+$0x80];
	[tilespmem:s29+$0x1B100] =	vst v4  }
0x23f: {  	v4 =	vld [tilespmem:s7+$0x90];
	[tilespmem:s29+$0x1B110] =	vst v5  }
0x240: {  	v5 =	vld [tilespmem:s7+$0xA0];
	[tilespmem:s29+$0x1B120] =	vst v6  }
0x241: {  	v6 =	vld [tilespmem:s7+$0xB0];
	[tilespmem:s29+$0x1B130] =	vst v7  }
0x242: {  	v7 =	vld [tilespmem:s7+$0xC0];
	[tilespmem:s29+$0x1B140] =	vst v8  }
0x243: {  	v8 =	vld [tilespmem:s7+$0xD0];
	[tilespmem:s29+$0x1B150] =	vst v9  }
0x244: {  	v9 =	vld [tilespmem:s7+$0xE0];
	[tilespmem:s29+$0x1B160] =	vst v10  }
0x245: {  	v10 =	vld [tilespmem:s7+$0xF0];
	[tilespmem:s29+$0x1B170] =	vst v11  }
0x246: {  	v11 =	vld [tilespmem:s6+$0x0];
	[tilespmem:s29+$0x1AD80] =	vst v12  }
0x247: {  	v12 =	vld [tilespmem:s6+$0x10];
	[tilespmem:s29+$0x1AD90] =	vst v13  }
0x248: {  	v13 =	vld [tilespmem:s6+$0x20];
	[tilespmem:s29+$0x1ADA0] =	vst v14  }
0x249: {  	v14 =	vld [tilespmem:s6+$0x30];
	[tilespmem:s29+$0x1ADB0] =	vst v15  }
0x24a: {  	v15 =	vld [tilespmem:s6+$0x40];
	[tilespmem:s29+$0x1ADC0] =	vst v16  }
0x24b: {  	v16 =	vld [tilespmem:s6+$0x50];
	[tilespmem:s29+$0x1ADD0] =	vst v17  }
0x24c: {  	v17 =	vld [tilespmem:s6+$0x60];
	[tilespmem:s29+$0x1ADE0] =	vst v18  }
0x24d: {  	v18 =	vld [tilespmem:s6+$0x70];
	[tilespmem:s29+$0x1ADF0] =	vst v19  }
0x24e: {  	v19 =	vld [tilespmem:s6+$0x80];
	[tilespmem:s29+$0x1B180] =	vst v20  }
0x24f: {  	v20 =	vld [tilespmem:s6+$0x90];
	[tilespmem:s29+$0x1B190] =	vst v4  }
0x250: {  	v4 =	vld [tilespmem:s6+$0xA0];
	[tilespmem:s29+$0x1B1A0] =	vst v5  }
0x251: {  	v5 =	vld [tilespmem:s6+$0xB0];
	[tilespmem:s29+$0x1B1B0] =	vst v6  }
0x252: {  	v6 =	vld [tilespmem:s6+$0xC0];
	[tilespmem:s29+$0x1B1C0] =	vst v7  }
0x253: {  	v7 =	vld [tilespmem:s6+$0xD0];
	[tilespmem:s29+$0x1B1D0] =	vst v8  }
0x254: {  	v8 =	vld [tilespmem:s6+$0xE0];
	[tilespmem:s29+$0x1B1E0] =	vst v9  }
0x255: {  	v9 =	vld [tilespmem:s6+$0xF0];
	[tilespmem:s29+$0x1B1F0] =	vst v10  }
0x256: {  	v10 =	vld [tilespmem:s11+$0x0];
	[tilespmem:s29+$0x1AE00] =	vst v11  }
0x257: {  	v11 =	vld [tilespmem:s11+$0x10];
	[tilespmem:s29+$0x1AE10] =	vst v12  }
0x258: {  	v12 =	vld [tilespmem:s11+$0x20];
	[tilespmem:s29+$0x1AE20] =	vst v13  }
0x259: {  	v13 =	vld [tilespmem:s11+$0x30];
	[tilespmem:s29+$0x1AE30] =	vst v14  }
0x25a: {  	v14 =	vld [tilespmem:s11+$0x40];
	[tilespmem:s29+$0x1AE40] =	vst v15  }
0x25b: {  	v15 =	vld [tilespmem:s11+$0x50];
	[tilespmem:s29+$0x1AE50] =	vst v16  }
0x25c: {  	v16 =	vld [tilespmem:s11+$0x60];
	[tilespmem:s29+$0x1AE60] =	vst v17  }
0x25d: {  	v17 =	vld [tilespmem:s11+$0x70];
	[tilespmem:s29+$0x1AE70] =	vst v18  }
0x25e: {  	v18 =	vld [tilespmem:s11+$0x80];
	[tilespmem:s29+$0x1B200] =	vst v19  }
0x25f: {  	v19 =	vld [tilespmem:s11+$0x90];
	[tilespmem:s29+$0x1B210] =	vst v20  }
0x260: {  	v20 =	vld [tilespmem:s11+$0xA0];
	[tilespmem:s29+$0x1B220] =	vst v4  }
0x261: {  	v4 =	vld [tilespmem:s11+$0xB0];
	[tilespmem:s29+$0x1B230] =	vst v5  }
0x262: {  	v5 =	vld [tilespmem:s11+$0xC0];
	[tilespmem:s29+$0x1B240] =	vst v6  }
0x263: {  	v6 =	vld [tilespmem:s11+$0xD0];
	[tilespmem:s29+$0x1B250] =	vst v7  }
0x264: {  	v7 =	vld [tilespmem:s11+$0xE0];
	[tilespmem:s29+$0x1B260] =	vst v8  }
0x265: {  	v8 =	vld [tilespmem:s11+$0xF0];
	[tilespmem:s29+$0x1B270] =	vst v9  }
0x266: {  	v9 =	vld [tilespmem:s0+$0x0];
	[tilespmem:s29+$0x1AE80] =	vst v10  }
0x267: {  	v10 =	vld [tilespmem:s0+$0x10];
	[tilespmem:s29+$0x1AE90] =	vst v11  }
0x268: {  	v11 =	vld [tilespmem:s0+$0x20];
	[tilespmem:s29+$0x1AEA0] =	vst v12  }
0x269: {  	v12 =	vld [tilespmem:s0+$0x30];
	[tilespmem:s29+$0x1AEB0] =	vst v13  }
0x26a: {  	v13 =	vld [tilespmem:s0+$0x40];
	[tilespmem:s29+$0x1AEC0] =	vst v14  }
0x26b: {  	v14 =	vld [tilespmem:s0+$0x50];
	[tilespmem:s29+$0x1AED0] =	vst v15  }
0x26c: {  	v15 =	vld [tilespmem:s0+$0x60];
	[tilespmem:s29+$0x1AEE0] =	vst v16  }
0x26d: {  	v16 =	vld [tilespmem:s0+$0x70];
	[tilespmem:s29+$0x1AEF0] =	vst v17  }
0x26e: {  	v17 =	vld [tilespmem:s0+$0x80];
	[tilespmem:s29+$0x1B280] =	vst v18  }
0x26f: {  	v18 =	vld [tilespmem:s0+$0x90];
	[tilespmem:s29+$0x1B290] =	vst v19  }
0x270: {  	v19 =	vld [tilespmem:s0+$0xA0];
	[tilespmem:s29+$0x1B2A0] =	vst v20  }
0x271: {  	v20 =	vld [tilespmem:s0+$0xB0];
	[tilespmem:s29+$0x1B2B0] =	vst v4  }
0x272: {  	v4 =	vld [tilespmem:s0+$0xC0];
	[tilespmem:s29+$0x1B2C0] =	vst v5  }
0x273: {  	v5 =	vld [tilespmem:s0+$0xD0];
	[tilespmem:s29+$0x1B2D0] =	vst v6  }
0x274: {  	v6 =	vld [tilespmem:s0+$0xE0];
	[tilespmem:s29+$0x1B2E0] =	vst v7  }
0x275: {  	v7 =	vld [tilespmem:s0+$0xF0];
	[tilespmem:s29+$0x1B2F0] =	vst v8  }
0x276: {  	v8 =	vld [tilespmem:s1+$0x0];
	[tilespmem:s29+$0x1AF00] =	vst v9  }
0x277: {  	v9 =	vld [tilespmem:s1+$0x10];
	[tilespmem:s29+$0x1AF10] =	vst v10  }
0x278: {  	v10 =	vld [tilespmem:s1+$0x20];
	[tilespmem:s29+$0x1AF20] =	vst v11  }
0x279: {  	v11 =	vld [tilespmem:s1+$0x30];
	[tilespmem:s29+$0x1AF30] =	vst v12  }
0x27a: {  	v12 =	vld [tilespmem:s1+$0x40];
	[tilespmem:s29+$0x1AF40] =	vst v13  }
0x27b: {  	v13 =	vld [tilespmem:s1+$0x50];
	[tilespmem:s29+$0x1AF50] =	vst v14  }
0x27c: {  	v14 =	vld [tilespmem:s1+$0x60];
	[tilespmem:s29+$0x1AF60] =	vst v15  }
0x27d: {  	v15 =	vld [tilespmem:s1+$0x70];
	[tilespmem:s29+$0x1AF70] =	vst v16  }
0x27e: {  	v16 =	vld [tilespmem:s1+$0x80];
	[tilespmem:s29+$0x1B300] =	vst v17  }
0x27f: {  	v17 =	vld [tilespmem:s1+$0x90];
	[tilespmem:s29+$0x1B310] =	vst v18  }
0x280: {  	v18 =	vld [tilespmem:s1+$0xA0];
	[tilespmem:s29+$0x1B320] =	vst v19  }
0x281: {  	v19 =	vld [tilespmem:s1+$0xB0];
	[tilespmem:s29+$0x1B330] =	vst v20  }
0x282: {  	v20 =	vld [tilespmem:s1+$0xC0];
	[tilespmem:s29+$0x1B340] =	vst v4  }
0x283: {  	v4 =	vld [tilespmem:s1+$0xD0];
	[tilespmem:s29+$0x1B350] =	vst v5  }
0x284: {  	v5 =	vld [tilespmem:s1+$0xE0];
	[tilespmem:s29+$0x1B360] =	vst v6  }
0x285: {  	v6 =	vld [tilespmem:s1+$0xF0];
	[tilespmem:s29+$0x1B370] =	vst v7  }
0x286: {  	v7 =	vld [tilespmem:s31+$0x0];
	[tilespmem:s29+$0x1AF80] =	vst v8  }
0x287: {  	v8 =	vld [tilespmem:s31+$0x10];
	[tilespmem:s29+$0x1AF90] =	vst v9  }
0x288: {  	v9 =	vld [tilespmem:s31+$0x20];
	[tilespmem:s29+$0x1AFA0] =	vst v10  }
0x289: {  	v10 =	vld [tilespmem:s31+$0x30];
	[tilespmem:s29+$0x1AFB0] =	vst v11  }
0x28a: {  	v11 =	vld [tilespmem:s31+$0x40];
	[tilespmem:s29+$0x1AFC0] =	vst v12  }
0x28b: {  	v12 =	vld [tilespmem:s31+$0x50];
	[tilespmem:s29+$0x1AFD0] =	vst v13  }
0x28c: {  	v13 =	vld [tilespmem:s31+$0x60];
	[tilespmem:s29+$0x1AFE0] =	vst v14  }
0x28d: {  	v14 =	vld [tilespmem:s31+$0x70];
	[tilespmem:s29+$0x1AFF0] =	vst v15  }
0x28e: {  	v15 =	vld [tilespmem:s31+$0x80];
	[tilespmem:s29+$0x1B380] =	vst v16  }
0x28f: {  	v16 =	vld [tilespmem:s31+$0x90];
	[tilespmem:s29+$0x1B390] =	vst v17  }
0x290: {  	v17 =	vld [tilespmem:s31+$0xA0];
	[tilespmem:s29+$0x1B3A0] =	vst v18  }
0x291: {  	v18 =	vld [tilespmem:s31+$0xB0];
	[tilespmem:s29+$0x1B3B0] =	vst v19  }
0x292: {  	v19 =	vld [tilespmem:s31+$0xC0];
	[tilespmem:s29+$0x1B3C0] =	vst v20  }
0x293: {  	v20 =	vld [tilespmem:s31+$0xD0];
	[tilespmem:s29+$0x1B3D0] =	vst v4  }
0x294: {  	v4 =	vld [tilespmem:s31+$0xE0];
	[tilespmem:s29+$0x1B3E0] =	vst v5  }
0x295: {  	v5 =	vld [tilespmem:s31+$0xF0];
	[tilespmem:s29+$0x1B3F0] =	vst v6  }
0x296: {  	v6 =	vld [tilespmem:s30+$0x0];
	[tilespmem:s29+$0x1B000] =	vst v7  }
0x297: {  	v7 =	vld [tilespmem:s30+$0x10];
	[tilespmem:s29+$0x1B010] =	vst v8  }
0x298: {  	v8 =	vld [tilespmem:s30+$0x20];
	[tilespmem:s29+$0x1B020] =	vst v9  }
0x299: {  	v9 =	vld [tilespmem:s30+$0x30];
	[tilespmem:s29+$0x1B030] =	vst v10  }
0x29a: {  	v10 =	vld [tilespmem:s30+$0x40];
	[tilespmem:s29+$0x1B040] =	vst v11  }
0x29b: {  	v11 =	vld [tilespmem:s30+$0x50];
	[tilespmem:s29+$0x1B050] =	vst v12  }
0x29c: {  	v12 =	vld [tilespmem:s30+$0x60];
	[tilespmem:s29+$0x1B060] =	vst v13  }
0x29d: {  	v13 =	vld [tilespmem:s30+$0x70];
	[tilespmem:s29+$0x1B070] =	vst v14  }
0x29e: {  	v14 =	vld [tilespmem:s30+$0x80];
	[tilespmem:s29+$0x1B400] =	vst v15  }
0x29f: {  	v15 =	vld [tilespmem:s30+$0x90];
	[tilespmem:s29+$0x1B410] =	vst v16  }
0x2a0: {  	v16 =	vld [tilespmem:s30+$0xA0];
	[tilespmem:s29+$0x1B420] =	vst v17  }
0x2a1: {  	v17 =	vld [tilespmem:s30+$0xB0];
	[tilespmem:s29+$0x1B430] =	vst v18  }
0x2a2: {  	v18 =	vld [tilespmem:s30+$0xC0];
	[tilespmem:s29+$0x1B440] =	vst v19  }
0x2a3: {  	v19 =	vld [tilespmem:s30+$0xD0];
	[tilespmem:s29+$0x1B450] =	vst v20  }
0x2a4: {  	v20 =	vld [tilespmem:s30+$0xE0];
	[tilespmem:s29+$0x1B460] =	vst v4  }
0x2a5: {  	v4 =	vld [tilespmem:s30+$0xF0];
	[tilespmem:s29+$0x1B470] =	vst v5  }
0x2a6: {  	[tilespmem:s29+$0x1B080] =	vst v6  }
0x2a7: {  	[tilespmem:s29+$0x1B090] =	vst v7  }
0x2a8: {  	[tilespmem:s29+$0x1B0A0] =	vst v8  }
0x2a9: {  	[tilespmem:s29+$0x1B0B0] =	vst v9  }
0x2aa: {  	[tilespmem:s29+$0x1B0C0] =	vst v10  }
0x2ab: {  	[tilespmem:s29+$0x1B0D0] =	vst v11  }
0x2ac: {  	[tilespmem:s29+$0x1B0E0] =	vst v12  }
0x2ad: {  	[tilespmem:s29+$0x1B0F0] =	vst v13  }
0x2ae: {  	[tilespmem:s29+$0x1B480] =	vst v14  }
0x2af: {  	[tilespmem:s29+$0x1B490] =	vst v15  }
0x2b0: {  	p1 =	por p0, p0;
	[tilespmem:s29+$0x1B4A0] =	vst v16  }
.Ltmp6:
0x2b1: {  	[tilespmem:s29+$0x1B4B0] =	vst v17;
	(pc) =	sbr.rel @p1 .LBB2_8-.Ltmp6, $4  }
0x2b2: {  	[tilespmem:s29+$0x1B4C0] =	vst v18  }
0x2b3: {  	[tilespmem:s29+$0x1B4D0] =	vst v19  }
0x2b4: {  	[tilespmem:s29+$0x1B4E0] =	vst v20  }
0x2b5: {  	p0 =	por $0x0, $0x0;
	[tilespmem:s29+$0x1B4F0] =	vst v4;
	s29 =	simm.s32 $0x1  }
.Ltmp7:
0x2b6: {  	s0 =	sshll.u32 s28, $0xD;
	(pc) =	sbr.rel .LBB2_10-.Ltmp7, $4  }
0x2b7: {  	s0 =	sadd.s32 s8, s0  }
0x2b8: {  	s0 =	sshrl.u32 s0, $0x3  }
0x2b9: {  	s1 =	simm.s32 $0x1A500;
	s0 =	sadd.s32 s3, s0  }
0x2ba: {  	[hbm4b:s0+s4] =	stream.linear.scatter [tilespmem:s1], [sflag:$0x4], $0x2000, $0x38;
	[tilespmem:$0x1E500] =	vst v63  }
.LBB2_6:
0x2bb: {  	p0 =	sgt.u32 s28, $0x84  }
.Ltmp8:
0x2bc: {  	_ = 	snop;
	(pc) =	sbr.rel @p0 .LBB2_10-.Ltmp8, $4  }
.Ltmp9:
0x2bd: {  	_ = 	snop;
	(pc) =	sbr.rel @!p0 .LBB2_7-.Ltmp9, $4  }
0x2be: {  	_ = 	snop  }
0x2bf: {  	_ = 	snop  }
0x2c0: {  	_ = 	snop  }
0x2c1: {  	_ = 	snop  }
.LBB2_12:
0x2c2: {  	_ =	sfence.sel $0x180000  }
0x2c3: {  	[bflag:$0x0] =	sbarrier.arrive $0xFFFF  }
0x2c4: {  	_ =	strace $0x90000047  }
0x2c5: {  	s0 =	stileid.u32;
	[bflag:$0x2] =	sbarrier.arrive $0xFFFF  }
0x2c6: {  	p0 =	sne.s32 s0, $0x0;
	s0 =	rddreg [dreg:$0x3]  }
0x2c7: {  	s0 =	sadd.s32 @!p0 $0x100000, s0  }
0x2c8: {  	[sflag:s0] =	ssyncadd.tile.s32 @!p0 $0x1;
	_ =	shalt  }
.Lfunc_end2:
_tile_overlayer_lowered:
.L_overlay_start_2:
0x2c9: {  	(tag) =	ssettag $0x2  }
0x2ca: {  	s0 =	rddreg [dreg:$0x0];
	s2 =	stileid.u32  }
0x2cb: {  	s1 =	rddreg [dreg:$0x1];
	p0 =	sne.s32 s2, $0x0  }
0x2cc: {  	s3 =	rddreg [dreg:$0x2];
	[bflag:$0x3] =	sbarrier.arrive $0xFFFF;
	s2 =	simm.s32 @!p0 $0x1C07  }
0x2cd: {  	[timem:s3], [sflag:s2] =	dma.local @!p0 [hbm:s0], s1  }
0x2ce: {  	s0 =	simm.s32 @!p0 $0x7  }
0x2cf: {  	_ =	swait.ge @!p0 [sflag:s0], s1  }
0x2d0: {  	s1 =	ssub.s32 @!p0 $0x0, s1;
	[sflag:s0] =	ssyncset.done @!p0 $0x0  }
0x2d1: {  	[sflag:s0] =	ssyncadd.s32 @!p0 s1  }
0x2d2: {  	[bflag:$0x3] =	sbarrier.arrive $0xFFFF  }
0x2d3: {  	_ =	shalt  }

</sc_bundles>
